<compile_context>
chip_gen: v7x
topology: tpu7x:2x2x1
jax: 0.10.2.dev20260603
libtpu: 0.0.44.dev20260713+nightly
codegen_flags: <defaults>
</compile_context>

<pallas_src>
import functools

import jax
import jax.numpy as jnp
from jax import lax
from jax.experimental import pallas as pl
from jax.experimental.pallas import tpu as pltpu
from jax.experimental.pallas import tpu_sc as plsc

B = 4096
L = 200
E = 64
EPS = 1e-5

NC = 2
NS = 16
NW = NC * NS
BPW = B // NW
CH = 100
NCH = BPW * 2
NBUF = 4

_LANES = 16
_Q = E // _LANES


def _bcast(x):
    return jnp.broadcast_to(x, (_LANES,))


def _newton_rsqrt(v):
    i = lax.bitcast_convert_type(v, jnp.int32)
    i = jnp.int32(0x5F3759DF) - (i >> 1)
    y = lax.bitcast_convert_type(i, jnp.float32)
    half = v * 0.5
    for _ in range(2):
        y = y * (1.5 - half * y * y)
    return y


def _body(seq_hbm, mkts_hbm, tok_hbm, mkt_tbl_hbm, gamma_hbm, beta_hbm,
          out_hbm, idx_v, mkt_idx_v, gsem, wsem, msem):
    pl.run_scoped(
        functools.partial(
            _scoped_body, seq_hbm, mkts_hbm, tok_hbm, mkt_tbl_hbm, gamma_hbm,
            beta_hbm, out_hbm, idx_v, mkt_idx_v, gsem, wsem, msem),
        pltpu.VMEM((BPW, E), jnp.float32),
        pltpu.VMEM((E,), jnp.float32),
        pltpu.VMEM((E,), jnp.float32),
        pltpu.VMEM((NBUF, CH, E), jnp.float32),
        pltpu.VMEM((NBUF, CH, E), jnp.float32),
    )


def _scoped_body(seq_hbm, mkts_hbm, tok_hbm, mkt_tbl_hbm, gamma_hbm, beta_hbm,
                 out_hbm, idx_v, mkt_idx_v, gsem, wsem, msem,
                 mkt_rows_v, g_v, b_v, rows_v, outs_v):
    wid = lax.axis_index("s") * NC + lax.axis_index("c")
    b0 = wid * BPW

    pltpu.sync_copy(seq_hbm.at[wid], idx_v)
    pltpu.sync_copy(mkts_hbm.at[wid], mkt_idx_v)
    pltpu.sync_copy(gamma_hbm, g_v)
    pltpu.sync_copy(beta_hbm, b_v)
    pltpu.async_copy(mkt_tbl_hbm.at[mkt_idx_v], mkt_rows_v, msem).wait()

    lane = lax.iota(jnp.int32, _LANES)
    lq = [lane + q * _LANES for q in range(_Q)]
    gq = [plsc.load_gather(g_v, [lq[q]]) for q in range(_Q)]
    bq = [plsc.load_gather(b_v, [lq[q]]) for q in range(_Q)]

    def _idx_row(c):
        half = c - 2 * (c // 2)
        return idx_v.at[c // 2, half]

    def _out_slice(c):
        half = c - 2 * (c // 2)
        return out_hbm.at[b0 + c // 2, pl.ds(half * CH, CH)]

    for k in range(NBUF):
        pltpu.async_copy(tok_hbm.at[_idx_row(k)], rows_v.at[k], gsem.at[k])

    @pl.loop(0, NCH // NBUF)
    def _chunks(i):
        for k in range(NBUF):
            c = i * NBUF + k

            @pl.when(i > 0)
            def _():
                pltpu.make_async_copy(
                    outs_v.at[k], _out_slice(c - NBUF), wsem.at[k]
                ).wait()

            pltpu.make_async_copy(
                tok_hbm.at[_idx_row(c)], rows_v.at[k], gsem.at[k]
            ).wait()

            b_vec = _bcast(c // 2).astype(jnp.int32)
            mq = [plsc.load_gather(mkt_rows_v, [b_vec, lq[q]])
                  for q in range(_Q)]
            k_vec = jnp.full((_LANES,), k, jnp.int32)

            @pl.loop(0, CH, unroll=4)
            def _rows(r):
                r_vec = _bcast(r).astype(jnp.int32)
                x = [plsc.load_gather(rows_v, [k_vec, r_vec, lq[q]]) + mq[q]
                     for q in range(_Q)]
                s = (x[0] + x[1]) + (x[2] + x[3])
                s2 = (x[0] * x[0] + x[1] * x[1]) + (x[2] * x[2] + x[3] * x[3])
                mean = _bcast(jnp.sum(s)) * (1.0 / E)
                ex2 = _bcast(jnp.sum(s2)) * (1.0 / E)
                var = ex2 - mean * mean
                r_ = _newton_rsqrt(var + EPS)
                for q in range(_Q):
                    a = gq[q] * r_
                    plsc.store_scatter(outs_v, [k_vec, r_vec, lq[q]],
                                       (x[q] - mean) * a + bq[q])

            pltpu.async_copy(outs_v.at[k], _out_slice(c), wsem.at[k])

            @pl.when(c + NBUF < NCH)
            def _():
                pltpu.async_copy(
                    tok_hbm.at[_idx_row(c + NBUF)], rows_v.at[k], gsem.at[k])

    for k in range(NBUF):
        pltpu.make_async_copy(
            outs_v.at[k], _out_slice(NCH - NBUF + k), wsem.at[k]
        ).wait()


_sc_call = pl.kernel(
    _body,
    out_type=jax.ShapeDtypeStruct((B, L, E), jnp.float32),
    mesh=plsc.VectorSubcoreMesh(core_axis_name="c", subcore_axis_name="s"),
    compiler_params=pltpu.CompilerParams(
        needs_layout_passes=False, use_tc_tiling_on_sc=False),
    scratch_types=[
        pltpu.VMEM((BPW, 2, CH), jnp.int32),
        pltpu.VMEM((BPW,), jnp.int32),
        pltpu.SemaphoreType.DMA((NBUF,)),
        pltpu.SemaphoreType.DMA((NBUF,)),
        pltpu.SemaphoreType.DMA,
    ],
)


@jax.jit
def kernel(sequence, mkts, token_table, market_table, gamma, beta):
    seq_r = sequence.astype(jnp.int32).reshape(NW, BPW, 2, CH)
    mkts_r = mkts.astype(jnp.int32).reshape(NW, BPW)
    return _sc_call(seq_r, mkts_r, token_table, market_table, gamma, beta)

# --- scband reference (transcript-rebuilt; emitter-appended) ---
"""Pipeline reference for scband-bertembedding-37735582663428 (READ-ONLY COPY).

The authoritative reference and input builder live on the scoring server;
editing this copy changes nothing except your own understanding.
"""

import jax, jax.numpy as jnp
import numpy as np

VOCAB = 1000000
EMBED = 64
NUM_MARKETS = 100
EPS = 1e-05

def setup_inputs(seed: int = 0) -> dict:
    key = jax.random.key(seed)
    k_seq, k_mkt, k_tok, k_me = (jax.random.fold_in(key, i) for i in range(4))
    sequence = jax.random.randint(k_seq, (4096, 200), 0, VOCAB, dtype=jnp.int64) if jax.config.jax_enable_x64 else jax.random.randint(k_seq, (4096, 200), 0, VOCAB, dtype=jnp.int32)
    mkts = jax.random.randint(k_mkt, (4096, 1), 0, NUM_MARKETS + 1, dtype=jnp.int32)
    token_table = jax.random.normal(k_tok, (VOCAB, EMBED), dtype=jnp.float32)
    token_table = token_table.at[0].set(0.0)  # padding_idx=0
    market_table = jax.random.normal(k_me, (NUM_MARKETS + 1, EMBED), dtype=jnp.float32)
    gamma = jnp.ones((EMBED,), dtype=jnp.float32)
    beta = jnp.zeros((EMBED,), dtype=jnp.float32)
    return {"sequence": sequence, "mkts": mkts, "token_table": token_table,
            "market_table": market_table, "gamma": gamma, "beta": beta}

def reference(sequence, mkts, token_table, market_table, gamma, beta):
    # token embedding lookup (padding_idx=0 row is zero)
    tok = jnp.take(token_table, sequence, axis=0)          # [B, L, E]
    mkt = jnp.take(market_table, mkts, axis=0)             # [B, 1, E] -> broadcasts
    x = tok + mkt
    # LayerNorm over last dim, eps=1e-5 (population variance, like torch)
    mean = jnp.mean(x, axis=-1, keepdims=True)
    var = jnp.mean(jnp.square(x - mean), axis=-1, keepdims=True)
    xhat = (x - mean) / jnp.sqrt(var + EPS)
    out = xhat * gamma + beta
    # dropout is identity in eval mode
    return out

if __name__ == "__main__":
    import jax
    _d = setup_inputs()
    print(jax.jit(kernel)(*tuple(_d.values())))

</pallas_src>

<mosaic_0001>
#map = affine_map<(d0, d1) -> (0, 0, 0, 0)>
#map1 = affine_map<(d0, d1) -> (0, 0)>
#map2 = affine_map<(d0, d1) -> (0)>
#map3 = affine_map<(d0, d1) -> (0, 0, 0)>
module attributes {stable_mosaic.version = 14 : i64} {
  func.func @_body(%arg0: i32, %arg1: i32, %arg2: memref<32x128x2x100xi32, #tpu.memory_space<hbm>>, %arg3: memref<32x128xi32, #tpu.memory_space<hbm>>, %arg4: memref<1000000x64xf32, #tpu.memory_space<hbm>>, %arg5: memref<101x64xf32, #tpu.memory_space<hbm>>, %arg6: memref<64xf32, #tpu.memory_space<hbm>>, %arg7: memref<64xf32, #tpu.memory_space<hbm>>, %arg8: memref<4096x200x64xf32, #tpu.memory_space<hbm>>, %arg9: memref<128x2x100xi32, #tpu.memory_space<vmem>>, %arg10: memref<128xi32, #tpu.memory_space<vmem>>, %arg11: memref<4x!tpu.dma_semaphore, #tpu.memory_space<semaphore_mem>>, %arg12: memref<4x!tpu.dma_semaphore, #tpu.memory_space<semaphore_mem>>, %arg13: memref<!tpu.dma_semaphore, #tpu.memory_space<semaphore_mem>>) attributes {dimension_semantics = [#tpu.dimension_semantics<core_parallel>, #tpu.dimension_semantics<subcore_parallel>], iteration_bounds = array<i64: 2, 16>, scalar_prefetch = 0 : i64, scratch_operands = 5 : i64, tpu.core_type = #tpu.core_type<sc_vector_subcore>, window_params = [{transform_indices = #map}, {transform_indices = #map1}, {transform_indices = #map1}, {transform_indices = #map1}, {transform_indices = #map2}, {transform_indices = #map2}, {transform_indices = #map3}]} {
    "tpu.region"() ({
      %run_scoped3A = memref.alloca() : memref<128x64xf32, #tpu.memory_space<vmem>>
      %run_scoped3A_0 = memref.alloca() : memref<64xf32, #tpu.memory_space<vmem>>
      %run_scoped3A_1 = memref.alloca() : memref<64xf32, #tpu.memory_space<vmem>>
      %run_scoped3A_2 = memref.alloca() : memref<4x100x64xf32, #tpu.memory_space<vmem>>
      %run_scoped3A_3 = memref.alloca() : memref<4x100x64xf32, #tpu.memory_space<vmem>>
      %mul3A = arith.constant 2 : i32
      %mul3A_4 = arith.muli %arg1, %mul3A : i32
      %add3A = arith.addi %mul3A_4, %arg0 : i32
      %mul3A_5 = arith.constant 128 : i32
      %mul3A_6 = arith.muli %add3A, %mul3A_5 : i32
      "tpu.region"() ({
        %run_scoped3A_186 = tpu.sem_alloc : memref<!tpu.dma_semaphore, #tpu.memory_space<semaphore_mem>>
        %dma_start3A_187 = arith.constant 0 : i32
        %dma_start3A_188 = arith.constant 0 : i32
        %dma_start3A_189 = arith.constant 0 : i32
        %dma_start3A_190 = tpu.memref_slice %arg2[%add3A, %dma_start3A_187, %dma_start3A_188, %dma_start3A_189] : memref<32x128x2x100xi32, #tpu.memory_space<hbm>> -> memref<1x128x2x100xi32, #tpu.memory_space<hbm>>
        %dma_start3A_191 = tpu.memref_squeeze %dma_start3A_190 : memref<1x128x2x100xi32, #tpu.memory_space<hbm>> -> memref<128x2x100xi32, #tpu.memory_space<hbm>>
        %dma_start3A_192 = arith.constant 0 : i32
        %dma_start3A_193 = arith.constant 0 : i32
        %dma_start3A_194 = arith.constant 0 : i32
        %dma_start3A_195 = tpu.memref_slice %arg2[%add3A, %dma_start3A_192, %dma_start3A_193, %dma_start3A_194] : memref<32x128x2x100xi32, #tpu.memory_space<hbm>> -> memref<1x128x2x100xi32, #tpu.memory_space<hbm>>
        %dma_start3A_196 = tpu.memref_squeeze %dma_start3A_195 : memref<1x128x2x100xi32, #tpu.memory_space<hbm>> -> memref<128x2x100xi32, #tpu.memory_space<hbm>>
        tpu.enqueue_dma source(%dma_start3A_196 : memref<128x2x100xi32, #tpu.memory_space<hbm>>) target(%arg9 : memref<128x2x100xi32, #tpu.memory_space<vmem>>) target_semaphore(%run_scoped3A_186 : memref<!tpu.dma_semaphore, #tpu.memory_space<semaphore_mem>>)
        %dma_wait3A_197 = arith.constant 0 : i32
        %dma_wait3A_198 = arith.constant 0 : i32
        %dma_wait3A_199 = arith.constant 0 : i32
        %dma_wait3A_200 = tpu.memref_slice %arg2[%add3A, %dma_wait3A_197, %dma_wait3A_198, %dma_wait3A_199] : memref<32x128x2x100xi32, #tpu.memory_space<hbm>> -> memref<1x128x2x100xi32, #tpu.memory_space<hbm>>
        %dma_wait3A_201 = tpu.memref_squeeze %dma_wait3A_200 : memref<1x128x2x100xi32, #tpu.memory_space<hbm>> -> memref<128x2x100xi32, #tpu.memory_space<hbm>>
        %dma_wait3A_202 = arith.constant 0 : i32
        %dma_wait3A_203 = arith.constant 0 : i32
        %dma_wait3A_204 = arith.constant 0 : i32
        %dma_wait3A_205 = tpu.memref_slice %arg2[%add3A, %dma_wait3A_202, %dma_wait3A_203, %dma_wait3A_204] : memref<32x128x2x100xi32, #tpu.memory_space<hbm>> -> memref<1x128x2x100xi32, #tpu.memory_space<hbm>>
        %dma_wait3A_206 = tpu.memref_squeeze %dma_wait3A_205 : memref<1x128x2x100xi32, #tpu.memory_space<hbm>> -> memref<128x2x100xi32, #tpu.memory_space<hbm>>
        tpu.wait_dma2 semaphore(%run_scoped3A_186 : memref<!tpu.dma_semaphore, #tpu.memory_space<semaphore_mem>>) src(%dma_wait3A_206 : memref<128x2x100xi32, #tpu.memory_space<hbm>>) dst(%arg9 : memref<128x2x100xi32, #tpu.memory_space<vmem>>)
        tpu.yield
      }) : () -> ()
      "tpu.region"() ({
        %run_scoped3A_186 = tpu.sem_alloc : memref<!tpu.dma_semaphore, #tpu.memory_space<semaphore_mem>>
        %dma_start3A_187 = arith.constant 0 : i32
        %dma_start3A_188 = tpu.memref_slice %arg3[%add3A, %dma_start3A_187] : memref<32x128xi32, #tpu.memory_space<hbm>> -> memref<1x128xi32, #tpu.memory_space<hbm>>
        %dma_start3A_189 = tpu.memref_squeeze %dma_start3A_188 : memref<1x128xi32, #tpu.memory_space<hbm>> -> memref<128xi32, #tpu.memory_space<hbm>>
        %dma_start3A_190 = arith.constant 0 : i32
        %dma_start3A_191 = tpu.memref_slice %arg3[%add3A, %dma_start3A_190] : memref<32x128xi32, #tpu.memory_space<hbm>> -> memref<1x128xi32, #tpu.memory_space<hbm>>
        %dma_start3A_192 = tpu.memref_squeeze %dma_start3A_191 : memref<1x128xi32, #tpu.memory_space<hbm>> -> memref<128xi32, #tpu.memory_space<hbm>>
        tpu.enqueue_dma source(%dma_start3A_192 : memref<128xi32, #tpu.memory_space<hbm>>) target(%arg10 : memref<128xi32, #tpu.memory_space<vmem>>) target_semaphore(%run_scoped3A_186 : memref<!tpu.dma_semaphore, #tpu.memory_space<semaphore_mem>>)
        %dma_wait3A_193 = arith.constant 0 : i32
        %dma_wait3A_194 = tpu.memref_slice %arg3[%add3A, %dma_wait3A_193] : memref<32x128xi32, #tpu.memory_space<hbm>> -> memref<1x128xi32, #tpu.memory_space<hbm>>
        %dma_wait3A_195 = tpu.memref_squeeze %dma_wait3A_194 : memref<1x128xi32, #tpu.memory_space<hbm>> -> memref<128xi32, #tpu.memory_space<hbm>>
        %dma_wait3A_196 = arith.constant 0 : i32
        %dma_wait3A_197 = tpu.memref_slice %arg3[%add3A, %dma_wait3A_196] : memref<32x128xi32, #tpu.memory_space<hbm>> -> memref<1x128xi32, #tpu.memory_space<hbm>>
        %dma_wait3A_198 = tpu.memref_squeeze %dma_wait3A_197 : memref<1x128xi32, #tpu.memory_space<hbm>> -> memref<128xi32, #tpu.memory_space<hbm>>
        tpu.wait_dma2 semaphore(%run_scoped3A_186 : memref<!tpu.dma_semaphore, #tpu.memory_space<semaphore_mem>>) src(%dma_wait3A_198 : memref<128xi32, #tpu.memory_space<hbm>>) dst(%arg10 : memref<128xi32, #tpu.memory_space<vmem>>)
        tpu.yield
      }) : () -> ()
      "tpu.region"() ({
        %run_scoped3A_186 = tpu.sem_alloc : memref<!tpu.dma_semaphore, #tpu.memory_space<semaphore_mem>>
        tpu.enqueue_dma source(%arg6 : memref<64xf32, #tpu.memory_space<hbm>>) target(%run_scoped3A_0 : memref<64xf32, #tpu.memory_space<vmem>>) target_semaphore(%run_scoped3A_186 : memref<!tpu.dma_semaphore, #tpu.memory_space<semaphore_mem>>)
        tpu.wait_dma2 semaphore(%run_scoped3A_186 : memref<!tpu.dma_semaphore, #tpu.memory_space<semaphore_mem>>) src(%arg6 : memref<64xf32, #tpu.memory_space<hbm>>) dst(%run_scoped3A_0 : memref<64xf32, #tpu.memory_space<vmem>>)
        tpu.yield
      }) : () -> ()
      "tpu.region"() ({
        %run_scoped3A_186 = tpu.sem_alloc : memref<!tpu.dma_semaphore, #tpu.memory_space<semaphore_mem>>
        tpu.enqueue_dma source(%arg7 : memref<64xf32, #tpu.memory_space<hbm>>) target(%run_scoped3A_1 : memref<64xf32, #tpu.memory_space<vmem>>) target_semaphore(%run_scoped3A_186 : memref<!tpu.dma_semaphore, #tpu.memory_space<semaphore_mem>>)
        tpu.wait_dma2 semaphore(%run_scoped3A_186 : memref<!tpu.dma_semaphore, #tpu.memory_space<semaphore_mem>>) src(%arg7 : memref<64xf32, #tpu.memory_space<hbm>>) dst(%run_scoped3A_1 : memref<64xf32, #tpu.memory_space<vmem>>)
        tpu.yield
      }) : () -> ()
      %dma_start3A = arith.constant 0 : i32
      %dma_start3A_7 = arith.constant 0 : i32
      %dma_start3A_8 = tpu.memref_slice %arg5[%dma_start3A, %dma_start3A_7] : memref<101x64xf32, #tpu.memory_space<hbm>> -> memref<101x64xf32, #tpu.memory_space<hbm>>
      tpu.enqueue_indirect_dma source(%dma_start3A_8 : memref<101x64xf32, #tpu.memory_space<hbm>>) target(%run_scoped3A : memref<128x64xf32, #tpu.memory_space<vmem>>) offsets(%arg10 : memref<128xi32, #tpu.memory_space<vmem>>) semaphore(%arg13 : memref<!tpu.dma_semaphore, #tpu.memory_space<semaphore_mem>>)
      %dma_wait3A = arith.constant 0 : i32
      %dma_wait3A_9 = arith.constant 0 : i32
      %dma_wait3A_10 = tpu.memref_slice %arg5[%dma_wait3A, %dma_wait3A_9] : memref<101x64xf32, #tpu.memory_space<hbm>> -> memref<101x64xf32, #tpu.memory_space<hbm>>
      tpu.wait_indirect_dma semaphore(%arg13 : memref<!tpu.dma_semaphore, #tpu.memory_space<semaphore_mem>>) src(%dma_wait3A_10 : memref<101x64xf32, #tpu.memory_space<hbm>>) dst(%run_scoped3A : memref<128x64xf32, #tpu.memory_space<vmem>>)
      %iota3A = tpu.iota {dimensions = array<i32: 0>} : vector<16xi32>
      %add3A_11 = arith.constant 0 : i32
      %add3A_12 = vector.broadcast %add3A_11 : i32 to vector<16xi32>
      %add3A_13 = arith.addi %iota3A, %add3A_12 : vector<16xi32>
      %add3A_14 = arith.constant 16 : i32
      %add3A_15 = vector.broadcast %add3A_14 : i32 to vector<16xi32>
      %add3A_16 = arith.addi %iota3A, %add3A_15 : vector<16xi32>
      %add3A_17 = arith.constant 32 : i32
      %add3A_18 = vector.broadcast %add3A_17 : i32 to vector<16xi32>
      %add3A_19 = arith.addi %iota3A, %add3A_18 : vector<16xi32>
      %add3A_20 = arith.constant 48 : i32
      %add3A_21 = vector.broadcast %add3A_20 : i32 to vector<16xi32>
      %add3A_22 = arith.addi %iota3A, %add3A_21 : vector<16xi32>
      %gather3A = tpu.vector_load_idx %run_scoped3A_0[%add3A_13] : memref<64xf32, #tpu.memory_space<vmem>>[vector<16xi32>], vector<16xf32>,
      %gather3A_23 = tpu.vector_load_idx %run_scoped3A_0[%add3A_16] : memref<64xf32, #tpu.memory_space<vmem>>[vector<16xi32>], vector<16xf32>,
      %gather3A_24 = tpu.vector_load_idx %run_scoped3A_0[%add3A_19] : memref<64xf32, #tpu.memory_space<vmem>>[vector<16xi32>], vector<16xf32>,
      %gather3A_25 = tpu.vector_load_idx %run_scoped3A_0[%add3A_22] : memref<64xf32, #tpu.memory_space<vmem>>[vector<16xi32>], vector<16xf32>,
      %gather3A_26 = tpu.vector_load_idx %run_scoped3A_1[%add3A_13] : memref<64xf32, #tpu.memory_space<vmem>>[vector<16xi32>], vector<16xf32>,
      %gather3A_27 = tpu.vector_load_idx %run_scoped3A_1[%add3A_16] : memref<64xf32, #tpu.memory_space<vmem>>[vector<16xi32>], vector<16xf32>,
      %gather3A_28 = tpu.vector_load_idx %run_scoped3A_1[%add3A_19] : memref<64xf32, #tpu.memory_space<vmem>>[vector<16xi32>], vector<16xf32>,
      %gather3A_29 = tpu.vector_load_idx %run_scoped3A_1[%add3A_22] : memref<64xf32, #tpu.memory_space<vmem>>[vector<16xi32>], vector<16xf32>,
      %dma_start3A_30 = arith.constant 0 : i32
      %dma_start3A_31 = arith.constant 0 : i32
      %dma_start3A_32 = arith.constant 0 : i32
      %dma_start3A_33 = arith.constant 0 : i32
      %dma_start3A_34 = arith.constant 0 : i32
      %dma_start3A_35 = arith.constant 0 : i32
      %dma_start3A_36 = tpu.memref_slice %run_scoped3A_2[%dma_start3A_32, %dma_start3A_34, %dma_start3A_35] : memref<4x100x64xf32, #tpu.memory_space<vmem>> -> memref<1x100x64xf32, #tpu.memory_space<vmem>>
      %dma_start3A_37 = tpu.memref_squeeze %dma_start3A_36 : memref<1x100x64xf32, #tpu.memory_space<vmem>> -> memref<100x64xf32, #tpu.memory_space<vmem>>
      %dma_start3A_38 = arith.constant 0 : i32
      %dma_start3A_39 = tpu.memref_slice %arg9[%dma_start3A_30, %dma_start3A_31, %dma_start3A_38] : memref<128x2x100xi32, #tpu.memory_space<vmem>> -> memref<1x1x100xi32, #tpu.memory_space<vmem>>
      %dma_start3A_40 = tpu.memref_squeeze %dma_start3A_39 : memref<1x1x100xi32, #tpu.memory_space<vmem>> -> memref<100xi32, #tpu.memory_space<vmem>>
      %dma_start3A_41 = arith.constant 0 : i32
      %dma_start3A_42 = arith.constant 0 : i32
      %dma_start3A_43 = tpu.memref_slice %arg4[%dma_start3A_41, %dma_start3A_42] : memref<1000000x64xf32, #tpu.memory_space<hbm>> -> memref<1000000x64xf32, #tpu.memory_space<hbm>>
      %dma_start3A_44 = tpu.memref_slice %arg11[%dma_start3A_33] : memref<4x!tpu.dma_semaphore, #tpu.memory_space<semaphore_mem>> -> memref<1x!tpu.dma_semaphore, #tpu.memory_space<semaphore_mem>>
      %dma_start3A_45 = tpu.memref_squeeze %dma_start3A_44 : memref<1x!tpu.dma_semaphore, #tpu.memory_space<semaphore_mem>> -> memref<!tpu.dma_semaphore, #tpu.memory_space<semaphore_mem>>
      tpu.enqueue_indirect_dma source(%dma_start3A_43 : memref<1000000x64xf32, #tpu.memory_space<hbm>>) target(%dma_start3A_37 : memref<100x64xf32, #tpu.memory_space<vmem>>) offsets(%dma_start3A_40 : memref<100xi32, #tpu.memory_space<vmem>>) semaphore(%dma_start3A_45 : memref<!tpu.dma_semaphore, #tpu.memory_space<semaphore_mem>>)
      %dma_start3A_46 = arith.constant 0 : i32
      %dma_start3A_47 = arith.constant 1 : i32
      %dma_start3A_48 = arith.constant 1 : i32
      %dma_start3A_49 = arith.constant 1 : i32
      %dma_start3A_50 = arith.constant 0 : i32
      %dma_start3A_51 = arith.constant 0 : i32
      %dma_start3A_52 = tpu.memref_slice %run_scoped3A_2[%dma_start3A_48, %dma_start3A_50, %dma_start3A_51] : memref<4x100x64xf32, #tpu.memory_space<vmem>> -> memref<1x100x64xf32, #tpu.memory_space<vmem>>
      %dma_start3A_53 = tpu.memref_squeeze %dma_start3A_52 : memref<1x100x64xf32, #tpu.memory_space<vmem>> -> memref<100x64xf32, #tpu.memory_space<vmem>>
      %dma_start3A_54 = arith.constant 0 : i32
      %dma_start3A_55 = tpu.memref_slice %arg9[%dma_start3A_46, %dma_start3A_47, %dma_start3A_54] : memref<128x2x100xi32, #tpu.memory_space<vmem>> -> memref<1x1x100xi32, #tpu.memory_space<vmem>>
      %dma_start3A_56 = tpu.memref_squeeze %dma_start3A_55 : memref<1x1x100xi32, #tpu.memory_space<vmem>> -> memref<100xi32, #tpu.memory_space<vmem>>
      %dma_start3A_57 = arith.constant 0 : i32
      %dma_start3A_58 = arith.constant 0 : i32
      %dma_start3A_59 = tpu.memref_slice %arg4[%dma_start3A_57, %dma_start3A_58] : memref<1000000x64xf32, #tpu.memory_space<hbm>> -> memref<1000000x64xf32, #tpu.memory_space<hbm>>
      %dma_start3A_60 = tpu.memref_slice %arg11[%dma_start3A_49] : memref<4x!tpu.dma_semaphore, #tpu.memory_space<semaphore_mem>> -> memref<1x!tpu.dma_semaphore, #tpu.memory_space<semaphore_mem>>
      %dma_start3A_61 = tpu.memref_squeeze %dma_start3A_60 : memref<1x!tpu.dma_semaphore, #tpu.memory_space<semaphore_mem>> -> memref<!tpu.dma_semaphore, #tpu.memory_space<semaphore_mem>>
      tpu.enqueue_indirect_dma source(%dma_start3A_59 : memref<1000000x64xf32, #tpu.memory_space<hbm>>) target(%dma_start3A_53 : memref<100x64xf32, #tpu.memory_space<vmem>>) offsets(%dma_start3A_56 : memref<100xi32, #tpu.memory_space<vmem>>) semaphore(%dma_start3A_61 : memref<!tpu.dma_semaphore, #tpu.memory_space<semaphore_mem>>)
      %dma_start3A_62 = arith.constant 1 : i32
      %dma_start3A_63 = arith.constant 0 : i32
      %dma_start3A_64 = arith.constant 2 : i32
      %dma_start3A_65 = arith.constant 2 : i32
      %dma_start3A_66 = arith.constant 0 : i32
      %dma_start3A_67 = arith.constant 0 : i32
      %dma_start3A_68 = tpu.memref_slice %run_scoped3A_2[%dma_start3A_64, %dma_start3A_66, %dma_start3A_67] : memref<4x100x64xf32, #tpu.memory_space<vmem>> -> memref<1x100x64xf32, #tpu.memory_space<vmem>>
      %dma_start3A_69 = tpu.memref_squeeze %dma_start3A_68 : memref<1x100x64xf32, #tpu.memory_space<vmem>> -> memref<100x64xf32, #tpu.memory_space<vmem>>
      %dma_start3A_70 = arith.constant 0 : i32
      %dma_start3A_71 = tpu.memref_slice %arg9[%dma_start3A_62, %dma_start3A_63, %dma_start3A_70] : memref<128x2x100xi32, #tpu.memory_space<vmem>> -> memref<1x1x100xi32, #tpu.memory_space<vmem>>
      %dma_start3A_72 = tpu.memref_squeeze %dma_start3A_71 : memref<1x1x100xi32, #tpu.memory_space<vmem>> -> memref<100xi32, #tpu.memory_space<vmem>>
      %dma_start3A_73 = arith.constant 0 : i32
      %dma_start3A_74 = arith.constant 0 : i32
      %dma_start3A_75 = tpu.memref_slice %arg4[%dma_start3A_73, %dma_start3A_74] : memref<1000000x64xf32, #tpu.memory_space<hbm>> -> memref<1000000x64xf32, #tpu.memory_space<hbm>>
      %dma_start3A_76 = tpu.memref_slice %arg11[%dma_start3A_65] : memref<4x!tpu.dma_semaphore, #tpu.memory_space<semaphore_mem>> -> memref<1x!tpu.dma_semaphore, #tpu.memory_space<semaphore_mem>>
      %dma_start3A_77 = tpu.memref_squeeze %dma_start3A_76 : memref<1x!tpu.dma_semaphore, #tpu.memory_space<semaphore_mem>> -> memref<!tpu.dma_semaphore, #tpu.memory_space<semaphore_mem>>
      tpu.enqueue_indirect_dma source(%dma_start3A_75 : memref<1000000x64xf32, #tpu.memory_space<hbm>>) target(%dma_start3A_69 : memref<100x64xf32, #tpu.memory_space<vmem>>) offsets(%dma_start3A_72 : memref<100xi32, #tpu.memory_space<vmem>>) semaphore(%dma_start3A_77 : memref<!tpu.dma_semaphore, #tpu.memory_space<semaphore_mem>>)
      %dma_start3A_78 = arith.constant 1 : i32
      %dma_start3A_79 = arith.constant 1 : i32
      %dma_start3A_80 = arith.constant 3 : i32
      %dma_start3A_81 = arith.constant 3 : i32
      %dma_start3A_82 = arith.constant 0 : i32
      %dma_start3A_83 = arith.constant 0 : i32
      %dma_start3A_84 = tpu.memref_slice %run_scoped3A_2[%dma_start3A_80, %dma_start3A_82, %dma_start3A_83] : memref<4x100x64xf32, #tpu.memory_space<vmem>> -> memref<1x100x64xf32, #tpu.memory_space<vmem>>
      %dma_start3A_85 = tpu.memref_squeeze %dma_start3A_84 : memref<1x100x64xf32, #tpu.memory_space<vmem>> -> memref<100x64xf32, #tpu.memory_space<vmem>>
      %dma_start3A_86 = arith.constant 0 : i32
      %dma_start3A_87 = tpu.memref_slice %arg9[%dma_start3A_78, %dma_start3A_79, %dma_start3A_86] : memref<128x2x100xi32, #tpu.memory_space<vmem>> -> memref<1x1x100xi32, #tpu.memory_space<vmem>>
      %dma_start3A_88 = tpu.memref_squeeze %dma_start3A_87 : memref<1x1x100xi32, #tpu.memory_space<vmem>> -> memref<100xi32, #tpu.memory_space<vmem>>
      %dma_start3A_89 = arith.constant 0 : i32
      %dma_start3A_90 = arith.constant 0 : i32
      %dma_start3A_91 = tpu.memref_slice %arg4[%dma_start3A_89, %dma_start3A_90] : memref<1000000x64xf32, #tpu.memory_space<hbm>> -> memref<1000000x64xf32, #tpu.memory_space<hbm>>
      %dma_start3A_92 = tpu.memref_slice %arg11[%dma_start3A_81] : memref<4x!tpu.dma_semaphore, #tpu.memory_space<semaphore_mem>> -> memref<1x!tpu.dma_semaphore, #tpu.memory_space<semaphore_mem>>
      %dma_start3A_93 = tpu.memref_squeeze %dma_start3A_92 : memref<1x!tpu.dma_semaphore, #tpu.memory_space<semaphore_mem>> -> memref<!tpu.dma_semaphore, #tpu.memory_space<semaphore_mem>>
      tpu.enqueue_indirect_dma source(%dma_start3A_91 : memref<1000000x64xf32, #tpu.memory_space<hbm>>) target(%dma_start3A_85 : memref<100x64xf32, #tpu.memory_space<vmem>>) offsets(%dma_start3A_88 : memref<100xi32, #tpu.memory_space<vmem>>) semaphore(%dma_start3A_93 : memref<!tpu.dma_semaphore, #tpu.memory_space<semaphore_mem>>)
      %scan3A = arith.constant 0 : i32
      %scan3A_94 = arith.constant 64 : i32
      %scan3A_95 = arith.addi %scan3A, %scan3A_94 : i32
      %scan3A_96 = arith.constant 1 : i32
      scf.for %scan3A_186 = %scan3A to %scan3A_95 step %scan3A_96  : i32 {
        %mul3A_187 = arith.constant 1 : i32
        %mul3A_188 = arith.muli %scan3A_186, %mul3A_187 : i32
        %add3A_189 = arith.constant 0 : i32
        %add3A_190 = arith.addi %add3A_189, %mul3A_188 : i32
        %mul3A_191 = arith.constant 4 : i32
        %mul3A_192 = arith.muli %add3A_190, %mul3A_191 : i32
        %add3A_193 = arith.constant 0 : i32
        %add3A_194 = arith.addi %mul3A_192, %add3A_193 : i32
        %gt3A = arith.constant 0 : i32
        %gt3A_195 = arith.cmpi sgt, %add3A_190, %gt3A : i32
        %convert_element_type3A = arith.extui %gt3A_195 : i1 to i32
        %cond3A = arith.constant 0 : i32
        %cond3A_196 = arith.cmpi ne, %convert_element_type3A, %cond3A : i32
        scf.if %cond3A_196 {
          %sub3A_934 = arith.constant 4 : i32
          %sub3A_935 = arith.subi %add3A_194, %sub3A_934 : i32
          %jit3A_936 = arith.constant 2 : i32
          %div3A_937 = arith.divsi %sub3A_935, %jit3A_936 : i32
          %sign3A_938 = arith.constant 0 : i32
          %sign3A_939 = arith.cmpi sgt, %sub3A_935, %sign3A_938 : i32
          %sign3A_940 = arith.extui %sign3A_939 : i1 to i32
          %sign3A_941 = arith.constant 0 : i32
          %sign3A_942 = arith.cmpi slt, %sub3A_935, %sign3A_941 : i32
          %sign3A_943 = arith.extui %sign3A_942 : i1 to i32
          %sign3A_944 = arith.subi %sign3A_940, %sign3A_943 : i32
          %sign3A_945 = arith.constant 0 : i32
          %sign3A_946 = arith.cmpi sgt, %jit3A_936, %sign3A_945 : i32
          %sign3A_947 = arith.extui %sign3A_946 : i1 to i32
          %sign3A_948 = arith.constant 0 : i32
          %sign3A_949 = arith.cmpi slt, %jit3A_936, %sign3A_948 : i32
          %sign3A_950 = arith.extui %sign3A_949 : i1 to i32
          %sign3A_951 = arith.subi %sign3A_947, %sign3A_950 : i32
          %ne3A_952 = arith.cmpi ne, %sign3A_944, %sign3A_951 : i32
          %rem3A_953 = arith.remsi %sub3A_935, %jit3A_936 : i32
          %ne3A_954 = arith.constant 0 : i32
          %ne3A_955 = arith.cmpi ne, %rem3A_953, %ne3A_954 : i32
          %and3A_956 = arith.andi %ne3A_952, %ne3A_955 : i1
          %sub3A_957 = arith.constant 1 : i32
          %sub3A_958 = arith.subi %div3A_937, %sub3A_957 : i32
          %select_n3A_959 = arith.select %and3A_956, %sub3A_958, %div3A_937 : i32
          %mul3A_960 = arith.constant 2 : i32
          %mul3A_961 = arith.muli %mul3A_960, %select_n3A_959 : i32
          %sub3A_962 = arith.subi %sub3A_935, %mul3A_961 : i32
          %jit3A_963 = arith.constant 2 : i32
          %div3A_964 = arith.divsi %sub3A_935, %jit3A_963 : i32
          %sign3A_965 = arith.constant 0 : i32
          %sign3A_966 = arith.cmpi sgt, %sub3A_935, %sign3A_965 : i32
          %sign3A_967 = arith.extui %sign3A_966 : i1 to i32
          %sign3A_968 = arith.constant 0 : i32
          %sign3A_969 = arith.cmpi slt, %sub3A_935, %sign3A_968 : i32
          %sign3A_970 = arith.extui %sign3A_969 : i1 to i32
          %sign3A_971 = arith.subi %sign3A_967, %sign3A_970 : i32
          %sign3A_972 = arith.constant 0 : i32
          %sign3A_973 = arith.cmpi sgt, %jit3A_963, %sign3A_972 : i32
          %sign3A_974 = arith.extui %sign3A_973 : i1 to i32
          %sign3A_975 = arith.constant 0 : i32
          %sign3A_976 = arith.cmpi slt, %jit3A_963, %sign3A_975 : i32
          %sign3A_977 = arith.extui %sign3A_976 : i1 to i32
          %sign3A_978 = arith.subi %sign3A_974, %sign3A_977 : i32
          %ne3A_979 = arith.cmpi ne, %sign3A_971, %sign3A_978 : i32
          %rem3A_980 = arith.remsi %sub3A_935, %jit3A_963 : i32
          %ne3A_981 = arith.constant 0 : i32
          %ne3A_982 = arith.cmpi ne, %rem3A_980, %ne3A_981 : i32
          %and3A_983 = arith.andi %ne3A_979, %ne3A_982 : i1
          %sub3A_984 = arith.constant 1 : i32
          %sub3A_985 = arith.subi %div3A_964, %sub3A_984 : i32
          %select_n3A_986 = arith.select %and3A_983, %sub3A_985, %div3A_964 : i32
          %add3A_987 = arith.addi %mul3A_6, %select_n3A_986 : i32
          %mul3A_988 = arith.constant 100 : i32
          %mul3A_989 = arith.muli %sub3A_962, %mul3A_988 : i32
          %dma_wait3A_990 = arith.constant 0 : i32
          %dma_wait3A_991 = arith.constant 0 : i32
          %dma_wait3A_992 = arith.constant 0 : i32
          %dma_wait3A_993 = arith.constant 0 : i32
          %dma_wait3A_994 = tpu.memref_slice %run_scoped3A_3[%dma_wait3A_990, %dma_wait3A_992, %dma_wait3A_993] : memref<4x100x64xf32, #tpu.memory_space<vmem>> -> memref<1x100x64xf32, #tpu.memory_space<vmem>>
          %dma_wait3A_995 = tpu.memref_squeeze %dma_wait3A_994 : memref<1x100x64xf32, #tpu.memory_space<vmem>> -> memref<100x64xf32, #tpu.memory_space<vmem>>
          %dma_wait3A_996 = arith.constant 0 : i32
          %dma_wait3A_997 = tpu.memref_slice %arg8[%add3A_987, %mul3A_989, %dma_wait3A_996] : memref<4096x200x64xf32, #tpu.memory_space<hbm>> -> memref<1x100x64xf32, #tpu.memory_space<hbm>>
          %dma_wait3A_998 = tpu.memref_squeeze %dma_wait3A_997 : memref<1x100x64xf32, #tpu.memory_space<hbm>> -> memref<100x64xf32, #tpu.memory_space<hbm>>
          %dma_wait3A_999 = tpu.memref_slice %arg12[%dma_wait3A_991] : memref<4x!tpu.dma_semaphore, #tpu.memory_space<semaphore_mem>> -> memref<1x!tpu.dma_semaphore, #tpu.memory_space<semaphore_mem>>
          %dma_wait3A_1000 = tpu.memref_squeeze %dma_wait3A_999 : memref<1x!tpu.dma_semaphore, #tpu.memory_space<semaphore_mem>> -> memref<!tpu.dma_semaphore, #tpu.memory_space<semaphore_mem>>
          %dma_wait3A_1001 = arith.constant 0 : i32
          %dma_wait3A_1002 = tpu.memref_slice %arg8[%add3A_987, %mul3A_989, %dma_wait3A_1001] : memref<4096x200x64xf32, #tpu.memory_space<hbm>> -> memref<1x100x64xf32, #tpu.memory_space<hbm>>
          %dma_wait3A_1003 = tpu.memref_squeeze %dma_wait3A_1002 : memref<1x100x64xf32, #tpu.memory_space<hbm>> -> memref<100x64xf32, #tpu.memory_space<hbm>>
          %dma_wait3A_1004 = arith.constant 0 : i32
          %dma_wait3A_1005 = arith.constant 0 : i32
          %dma_wait3A_1006 = tpu.memref_slice %run_scoped3A_3[%dma_wait3A_990, %dma_wait3A_1004, %dma_wait3A_1005] : memref<4x100x64xf32, #tpu.memory_space<vmem>> -> memref<1x100x64xf32, #tpu.memory_space<vmem>>
          %dma_wait3A_1007 = tpu.memref_squeeze %dma_wait3A_1006 : memref<1x100x64xf32, #tpu.memory_space<vmem>> -> memref<100x64xf32, #tpu.memory_space<vmem>>
          tpu.wait_dma2 semaphore(%dma_wait3A_1000 : memref<!tpu.dma_semaphore, #tpu.memory_space<semaphore_mem>>) src(%dma_wait3A_1007 : memref<100x64xf32, #tpu.memory_space<vmem>>) dst(%dma_wait3A_1003 : memref<100x64xf32, #tpu.memory_space<hbm>>)
        } else {
        }
        %jit3A = arith.constant 2 : i32
        %div3A = arith.divsi %add3A_194, %jit3A : i32
        %sign3A = arith.constant 0 : i32
        %sign3A_197 = arith.cmpi sgt, %add3A_194, %sign3A : i32
        %sign3A_198 = arith.extui %sign3A_197 : i1 to i32
        %sign3A_199 = arith.constant 0 : i32
        %sign3A_200 = arith.cmpi slt, %add3A_194, %sign3A_199 : i32
        %sign3A_201 = arith.extui %sign3A_200 : i1 to i32
        %sign3A_202 = arith.subi %sign3A_198, %sign3A_201 : i32
        %sign3A_203 = arith.constant 0 : i32
        %sign3A_204 = arith.cmpi sgt, %jit3A, %sign3A_203 : i32
        %sign3A_205 = arith.extui %sign3A_204 : i1 to i32
        %sign3A_206 = arith.constant 0 : i32
        %sign3A_207 = arith.cmpi slt, %jit3A, %sign3A_206 : i32
        %sign3A_208 = arith.extui %sign3A_207 : i1 to i32
        %sign3A_209 = arith.subi %sign3A_205, %sign3A_208 : i32
        %ne3A = arith.cmpi ne, %sign3A_202, %sign3A_209 : i32
        %rem3A = arith.remsi %add3A_194, %jit3A : i32
        %ne3A_210 = arith.constant 0 : i32
        %ne3A_211 = arith.cmpi ne, %rem3A, %ne3A_210 : i32
        %and3A = arith.andi %ne3A, %ne3A_211 : i1
        %sub3A = arith.constant 1 : i32
        %sub3A_212 = arith.subi %div3A, %sub3A : i32
        %select_n3A = arith.select %and3A, %sub3A_212, %div3A : i32
        %mul3A_213 = arith.constant 2 : i32
        %mul3A_214 = arith.muli %mul3A_213, %select_n3A : i32
        %sub3A_215 = arith.subi %add3A_194, %mul3A_214 : i32
        %jit3A_216 = arith.constant 2 : i32
        %div3A_217 = arith.divsi %add3A_194, %jit3A_216 : i32
        %sign3A_218 = arith.constant 0 : i32
        %sign3A_219 = arith.cmpi sgt, %add3A_194, %sign3A_218 : i32
        %sign3A_220 = arith.extui %sign3A_219 : i1 to i32
        %sign3A_221 = arith.constant 0 : i32
        %sign3A_222 = arith.cmpi slt, %add3A_194, %sign3A_221 : i32
        %sign3A_223 = arith.extui %sign3A_222 : i1 to i32
        %sign3A_224 = arith.subi %sign3A_220, %sign3A_223 : i32
        %sign3A_225 = arith.constant 0 : i32
        %sign3A_226 = arith.cmpi sgt, %jit3A_216, %sign3A_225 : i32
        %sign3A_227 = arith.extui %sign3A_226 : i1 to i32
        %sign3A_228 = arith.constant 0 : i32
        %sign3A_229 = arith.cmpi slt, %jit3A_216, %sign3A_228 : i32
        %sign3A_230 = arith.extui %sign3A_229 : i1 to i32
        %sign3A_231 = arith.subi %sign3A_227, %sign3A_230 : i32
        %ne3A_232 = arith.cmpi ne, %sign3A_224, %sign3A_231 : i32
        %rem3A_233 = arith.remsi %add3A_194, %jit3A_216 : i32
        %ne3A_234 = arith.constant 0 : i32
        %ne3A_235 = arith.cmpi ne, %rem3A_233, %ne3A_234 : i32
        %and3A_236 = arith.andi %ne3A_232, %ne3A_235 : i1
        %sub3A_237 = arith.constant 1 : i32
        %sub3A_238 = arith.subi %div3A_217, %sub3A_237 : i32
        %select_n3A_239 = arith.select %and3A_236, %sub3A_238, %div3A_217 : i32
        %dma_wait3A_240 = arith.constant 0 : i32
        %dma_wait3A_241 = arith.constant 0 : i32
        %dma_wait3A_242 = arith.constant 0 : i32
        %dma_wait3A_243 = arith.constant 0 : i32
        %dma_wait3A_244 = tpu.memref_slice %run_scoped3A_2[%dma_wait3A_240, %dma_wait3A_242, %dma_wait3A_243] : memref<4x100x64xf32, #tpu.memory_space<vmem>> -> memref<1x100x64xf32, #tpu.memory_space<vmem>>
        %dma_wait3A_245 = tpu.memref_squeeze %dma_wait3A_244 : memref<1x100x64xf32, #tpu.memory_space<vmem>> -> memref<100x64xf32, #tpu.memory_space<vmem>>
        %dma_wait3A_246 = arith.constant 0 : i32
        %dma_wait3A_247 = tpu.memref_slice %arg9[%select_n3A_239, %sub3A_215, %dma_wait3A_246] : memref<128x2x100xi32, #tpu.memory_space<vmem>> -> memref<1x1x100xi32, #tpu.memory_space<vmem>>
        %dma_wait3A_248 = tpu.memref_squeeze %dma_wait3A_247 : memref<1x1x100xi32, #tpu.memory_space<vmem>> -> memref<100xi32, #tpu.memory_space<vmem>>
        %dma_wait3A_249 = arith.constant 0 : i32
        %dma_wait3A_250 = arith.constant 0 : i32
        %dma_wait3A_251 = tpu.memref_slice %arg4[%dma_wait3A_249, %dma_wait3A_250] : memref<1000000x64xf32, #tpu.memory_space<hbm>> -> memref<1000000x64xf32, #tpu.memory_space<hbm>>
        %dma_wait3A_252 = tpu.memref_slice %arg11[%dma_wait3A_241] : memref<4x!tpu.dma_semaphore, #tpu.memory_space<semaphore_mem>> -> memref<1x!tpu.dma_semaphore, #tpu.memory_space<semaphore_mem>>
        %dma_wait3A_253 = tpu.memref_squeeze %dma_wait3A_252 : memref<1x!tpu.dma_semaphore, #tpu.memory_space<semaphore_mem>> -> memref<!tpu.dma_semaphore, #tpu.memory_space<semaphore_mem>>
        tpu.wait_indirect_dma semaphore(%dma_wait3A_253 : memref<!tpu.dma_semaphore, #tpu.memory_space<semaphore_mem>>) src(%dma_wait3A_251 : memref<1000000x64xf32, #tpu.memory_space<hbm>>) dst(%dma_wait3A_245 : memref<100x64xf32, #tpu.memory_space<vmem>>)
        %jit3A_254 = arith.constant 2 : i32
        %div3A_255 = arith.divsi %add3A_194, %jit3A_254 : i32
        %sign3A_256 = arith.constant 0 : i32
        %sign3A_257 = arith.cmpi sgt, %add3A_194, %sign3A_256 : i32
        %sign3A_258 = arith.extui %sign3A_257 : i1 to i32
        %sign3A_259 = arith.constant 0 : i32
        %sign3A_260 = arith.cmpi slt, %add3A_194, %sign3A_259 : i32
        %sign3A_261 = arith.extui %sign3A_260 : i1 to i32
        %sign3A_262 = arith.subi %sign3A_258, %sign3A_261 : i32
        %sign3A_263 = arith.constant 0 : i32
        %sign3A_264 = arith.cmpi sgt, %jit3A_254, %sign3A_263 : i32
        %sign3A_265 = arith.extui %sign3A_264 : i1 to i32
        %sign3A_266 = arith.constant 0 : i32
        %sign3A_267 = arith.cmpi slt, %jit3A_254, %sign3A_266 : i32
        %sign3A_268 = arith.extui %sign3A_267 : i1 to i32
        %sign3A_269 = arith.subi %sign3A_265, %sign3A_268 : i32
        %ne3A_270 = arith.cmpi ne, %sign3A_262, %sign3A_269 : i32
        %rem3A_271 = arith.remsi %add3A_194, %jit3A_254 : i32
        %ne3A_272 = arith.constant 0 : i32
        %ne3A_273 = arith.cmpi ne, %rem3A_271, %ne3A_272 : i32
        %and3A_274 = arith.andi %ne3A_270, %ne3A_273 : i1
        %sub3A_275 = arith.constant 1 : i32
        %sub3A_276 = arith.subi %div3A_255, %sub3A_275 : i32
        %select_n3A_277 = arith.select %and3A_274, %sub3A_276, %div3A_255 : i32
        %broadcast_in_dim3A = vector.broadcast %select_n3A_277 : i32 to vector<16xi32>
        %gather3A_278 = tpu.vector_load_idx %run_scoped3A[%broadcast_in_dim3A, %add3A_13] : memref<128x64xf32, #tpu.memory_space<vmem>>[vector<16xi32>, vector<16xi32>], vector<16xf32>,
        %gather3A_279 = tpu.vector_load_idx %run_scoped3A[%broadcast_in_dim3A, %add3A_16] : memref<128x64xf32, #tpu.memory_space<vmem>>[vector<16xi32>, vector<16xi32>], vector<16xf32>,
        %gather3A_280 = tpu.vector_load_idx %run_scoped3A[%broadcast_in_dim3A, %add3A_19] : memref<128x64xf32, #tpu.memory_space<vmem>>[vector<16xi32>, vector<16xi32>], vector<16xf32>,
        %gather3A_281 = tpu.vector_load_idx %run_scoped3A[%broadcast_in_dim3A, %add3A_22] : memref<128x64xf32, #tpu.memory_space<vmem>>[vector<16xi32>, vector<16xi32>], vector<16xf32>,
        %broadcast_in_dim3A_282 = arith.constant 0 : i32
        %broadcast_in_dim3A_283 = vector.broadcast %broadcast_in_dim3A_282 : i32 to vector<16xi32>
        %scan3A_284 = arith.constant 0 : i32
        %scan3A_285 = arith.constant 100 : i32
        %scan3A_286 = arith.addi %scan3A_284, %scan3A_285 : i32
        %scan3A_287 = arith.constant 4 : i32
        scf.for %scan3A_934 = %scan3A_284 to %scan3A_286 step %scan3A_287  : i32 {
          %mul3A_935 = arith.constant 1 : i32
          %mul3A_936 = arith.muli %scan3A_934, %mul3A_935 : i32
          %add3A_937 = arith.constant 0 : i32
          %add3A_938 = arith.addi %add3A_937, %mul3A_936 : i32
          %broadcast_in_dim3A_939 = vector.broadcast %add3A_938 : i32 to vector<16xi32>
          %gather3A_940 = tpu.vector_load_idx %run_scoped3A_2[%broadcast_in_dim3A_283, %broadcast_in_dim3A_939, %add3A_13] : memref<4x100x64xf32, #tpu.memory_space<vmem>>[vector<16xi32>, vector<16xi32>, vector<16xi32>], vector<16xf32>,
          %add3A_941 = arith.addf %gather3A_940, %gather3A_278 : vector<16xf32>
          %gather3A_942 = tpu.vector_load_idx %run_scoped3A_2[%broadcast_in_dim3A_283, %broadcast_in_dim3A_939, %add3A_16] : memref<4x100x64xf32, #tpu.memory_space<vmem>>[vector<16xi32>, vector<16xi32>, vector<16xi32>], vector<16xf32>,
          %add3A_943 = arith.addf %gather3A_942, %gather3A_279 : vector<16xf32>
          %gather3A_944 = tpu.vector_load_idx %run_scoped3A_2[%broadcast_in_dim3A_283, %broadcast_in_dim3A_939, %add3A_19] : memref<4x100x64xf32, #tpu.memory_space<vmem>>[vector<16xi32>, vector<16xi32>, vector<16xi32>], vector<16xf32>,
          %add3A_945 = arith.addf %gather3A_944, %gather3A_280 : vector<16xf32>
          %gather3A_946 = tpu.vector_load_idx %run_scoped3A_2[%broadcast_in_dim3A_283, %broadcast_in_dim3A_939, %add3A_22] : memref<4x100x64xf32, #tpu.memory_space<vmem>>[vector<16xi32>, vector<16xi32>, vector<16xi32>], vector<16xf32>,
          %add3A_947 = arith.addf %gather3A_946, %gather3A_281 : vector<16xf32>
          %add3A_948 = arith.addf %add3A_941, %add3A_943 : vector<16xf32>
          %add3A_949 = arith.addf %add3A_945, %add3A_947 : vector<16xf32>
          %add3A_950 = arith.addf %add3A_948, %add3A_949 : vector<16xf32>
          %mul3A_951 = arith.mulf %add3A_941, %add3A_941 : vector<16xf32>
          %mul3A_952 = arith.mulf %add3A_943, %add3A_943 : vector<16xf32>
          %add3A_953 = arith.addf %mul3A_951, %mul3A_952 : vector<16xf32>
          %mul3A_954 = arith.mulf %add3A_945, %add3A_945 : vector<16xf32>
          %mul3A_955 = arith.mulf %add3A_947, %add3A_947 : vector<16xf32>
          %add3A_956 = arith.addf %mul3A_954, %mul3A_955 : vector<16xf32>
          %add3A_957 = arith.addf %add3A_953, %add3A_956 : vector<16xf32>
          %reduce_sum3A = arith.constant true
          %reduce_sum3A_958 = vector.broadcast %reduce_sum3A : i1 to vector<16xi1>
          %reduce_sum3A_959 = tpu.scan <sum>, %add3A_950 masked %reduce_sum3A_958 : vector<16xf32>, vector<16xi1> -> vector<16xf32>
          %reduce_sum3A_960 = vector.extract %reduce_sum3A_959[15] : f32 from vector<16xf32>
          %broadcast_in_dim3A_961 = vector.broadcast %reduce_sum3A_960 : f32 to vector<16xf32>
          %mul3A_962 = arith.constant 1.562500e-02 : f32
          %mul3A_963 = vector.broadcast %mul3A_962 : f32 to vector<16xf32>
          %mul3A_964 = arith.mulf %broadcast_in_dim3A_961, %mul3A_963 : vector<16xf32>
          %reduce_sum3A_965 = arith.constant true
          %reduce_sum3A_966 = vector.broadcast %reduce_sum3A_965 : i1 to vector<16xi1>
          %reduce_sum3A_967 = tpu.scan <sum>, %add3A_957 masked %reduce_sum3A_966 : vector<16xf32>, vector<16xi1> -> vector<16xf32>
          %reduce_sum3A_968 = vector.extract %reduce_sum3A_967[15] : f32 from vector<16xf32>
          %broadcast_in_dim3A_969 = vector.broadcast %reduce_sum3A_968 : f32 to vector<16xf32>
          %mul3A_970 = arith.constant 1.562500e-02 : f32
          %mul3A_971 = vector.broadcast %mul3A_970 : f32 to vector<16xf32>
          %mul3A_972 = arith.mulf %broadcast_in_dim3A_969, %mul3A_971 : vector<16xf32>
          %mul3A_973 = arith.mulf %mul3A_964, %mul3A_964 : vector<16xf32>
          %sub3A_974 = arith.subf %mul3A_972, %mul3A_973 : vector<16xf32>
          %add3A_975 = arith.constant 9.99999974E-6 : f32
          %add3A_976 = vector.broadcast %add3A_975 : f32 to vector<16xf32>
          %add3A_977 = arith.addf %sub3A_974, %add3A_976 : vector<16xf32>
          %bitcast_convert_type3A = tpu.bitcast %add3A_977 : vector<16xf32> -> vector<16xi32>
          %shift_right_arithmetic3A = arith.constant 1 : i32
          %shift_right_arithmetic3A_978 = vector.broadcast %shift_right_arithmetic3A : i32 to vector<16xi32>
          %shift_right_arithmetic3A_979 = arith.shrsi %bitcast_convert_type3A, %shift_right_arithmetic3A_978 : vector<16xi32>
          %sub3A_980 = arith.constant 1597463007 : i32
          %sub3A_981 = vector.broadcast %sub3A_980 : i32 to vector<16xi32>
          %sub3A_982 = arith.subi %sub3A_981, %shift_right_arithmetic3A_979 : vector<16xi32>
          %bitcast_convert_type3A_983 = tpu.bitcast %sub3A_982 : vector<16xi32> -> vector<16xf32>
          %mul3A_984 = arith.constant 5.000000e-01 : f32
          %mul3A_985 = vector.broadcast %mul3A_984 : f32 to vector<16xf32>
          %mul3A_986 = arith.mulf %add3A_977, %mul3A_985 : vector<16xf32>
          %mul3A_987 = arith.mulf %mul3A_986, %bitcast_convert_type3A_983 : vector<16xf32>
          %mul3A_988 = arith.mulf %mul3A_987, %bitcast_convert_type3A_983 : vector<16xf32>
          %sub3A_989 = arith.constant 1.500000e+00 : f32
          %sub3A_990 = vector.broadcast %sub3A_989 : f32 to vector<16xf32>
          %sub3A_991 = arith.subf %sub3A_990, %mul3A_988 : vector<16xf32>
          %mul3A_992 = arith.mulf %bitcast_convert_type3A_983, %sub3A_991 : vector<16xf32>
          %mul3A_993 = arith.mulf %mul3A_986, %mul3A_992 : vector<16xf32>
          %mul3A_994 = arith.mulf %mul3A_993, %mul3A_992 : vector<16xf32>
          %sub3A_995 = arith.constant 1.500000e+00 : f32
          %sub3A_996 = vector.broadcast %sub3A_995 : f32 to vector<16xf32>
          %sub3A_997 = arith.subf %sub3A_996, %mul3A_994 : vector<16xf32>
          %mul3A_998 = arith.mulf %mul3A_992, %sub3A_997 : vector<16xf32>
          %mul3A_999 = arith.mulf %gather3A, %mul3A_998 : vector<16xf32>
          %sub3A_1000 = arith.subf %add3A_941, %mul3A_964 : vector<16xf32>
          %mul3A_1001 = arith.mulf %sub3A_1000, %mul3A_999 : vector<16xf32>
          %add3A_1002 = arith.addf %mul3A_1001, %gather3A_26 : vector<16xf32>
          tpu.vector_store_idx %run_scoped3A_3[%broadcast_in_dim3A_283, %broadcast_in_dim3A_939, %add3A_13], %add3A_1002 : memref<4x100x64xf32, #tpu.memory_space<vmem>>[vector<16xi32>, vector<16xi32>, vector<16xi32>], vector<16xf32>,
          %mul3A_1003 = arith.mulf %gather3A_23, %mul3A_998 : vector<16xf32>
          %sub3A_1004 = arith.subf %add3A_943, %mul3A_964 : vector<16xf32>
          %mul3A_1005 = arith.mulf %sub3A_1004, %mul3A_1003 : vector<16xf32>
          %add3A_1006 = arith.addf %mul3A_1005, %gather3A_27 : vector<16xf32>
          tpu.vector_store_idx %run_scoped3A_3[%broadcast_in_dim3A_283, %broadcast_in_dim3A_939, %add3A_16], %add3A_1006 : memref<4x100x64xf32, #tpu.memory_space<vmem>>[vector<16xi32>, vector<16xi32>, vector<16xi32>], vector<16xf32>,
          %mul3A_1007 = arith.mulf %gather3A_24, %mul3A_998 : vector<16xf32>
          %sub3A_1008 = arith.subf %add3A_945, %mul3A_964 : vector<16xf32>
          %mul3A_1009 = arith.mulf %sub3A_1008, %mul3A_1007 : vector<16xf32>
          %add3A_1010 = arith.addf %mul3A_1009, %gather3A_28 : vector<16xf32>
          tpu.vector_store_idx %run_scoped3A_3[%broadcast_in_dim3A_283, %broadcast_in_dim3A_939, %add3A_19], %add3A_1010 : memref<4x100x64xf32, #tpu.memory_space<vmem>>[vector<16xi32>, vector<16xi32>, vector<16xi32>], vector<16xf32>,
          %mul3A_1011 = arith.mulf %gather3A_25, %mul3A_998 : vector<16xf32>
          %sub3A_1012 = arith.subf %add3A_947, %mul3A_964 : vector<16xf32>
          %mul3A_1013 = arith.mulf %sub3A_1012, %mul3A_1011 : vector<16xf32>
          %add3A_1014 = arith.addf %mul3A_1013, %gather3A_29 : vector<16xf32>
          tpu.vector_store_idx %run_scoped3A_3[%broadcast_in_dim3A_283, %broadcast_in_dim3A_939, %add3A_22], %add3A_1014 : memref<4x100x64xf32, #tpu.memory_space<vmem>>[vector<16xi32>, vector<16xi32>, vector<16xi32>], vector<16xf32>,
          %scan3A_1015 = arith.constant 1 : i32
          %scan3A_1016 = arith.addi %scan3A_934, %scan3A_1015 : i32
          %mul3A_1017 = arith.constant 1 : i32
          %mul3A_1018 = arith.muli %scan3A_1016, %mul3A_1017 : i32
          %add3A_1019 = arith.constant 0 : i32
          %add3A_1020 = arith.addi %add3A_1019, %mul3A_1018 : i32
          %broadcast_in_dim3A_1021 = vector.broadcast %add3A_1020 : i32 to vector<16xi32>
          %gather3A_1022 = tpu.vector_load_idx %run_scoped3A_2[%broadcast_in_dim3A_283, %broadcast_in_dim3A_1021, %add3A_13] : memref<4x100x64xf32, #tpu.memory_space<vmem>>[vector<16xi32>, vector<16xi32>, vector<16xi32>], vector<16xf32>,
          %add3A_1023 = arith.addf %gather3A_1022, %gather3A_278 : vector<16xf32>
          %gather3A_1024 = tpu.vector_load_idx %run_scoped3A_2[%broadcast_in_dim3A_283, %broadcast_in_dim3A_1021, %add3A_16] : memref<4x100x64xf32, #tpu.memory_space<vmem>>[vector<16xi32>, vector<16xi32>, vector<16xi32>], vector<16xf32>,
          %add3A_1025 = arith.addf %gather3A_1024, %gather3A_279 : vector<16xf32>
          %gather3A_1026 = tpu.vector_load_idx %run_scoped3A_2[%broadcast_in_dim3A_283, %broadcast_in_dim3A_1021, %add3A_19] : memref<4x100x64xf32, #tpu.memory_space<vmem>>[vector<16xi32>, vector<16xi32>, vector<16xi32>], vector<16xf32>,
          %add3A_1027 = arith.addf %gather3A_1026, %gather3A_280 : vector<16xf32>
          %gather3A_1028 = tpu.vector_load_idx %run_scoped3A_2[%broadcast_in_dim3A_283, %broadcast_in_dim3A_1021, %add3A_22] : memref<4x100x64xf32, #tpu.memory_space<vmem>>[vector<16xi32>, vector<16xi32>, vector<16xi32>], vector<16xf32>,
          %add3A_1029 = arith.addf %gather3A_1028, %gather3A_281 : vector<16xf32>
          %add3A_1030 = arith.addf %add3A_1023, %add3A_1025 : vector<16xf32>
          %add3A_1031 = arith.addf %add3A_1027, %add3A_1029 : vector<16xf32>
          %add3A_1032 = arith.addf %add3A_1030, %add3A_1031 : vector<16xf32>
          %mul3A_1033 = arith.mulf %add3A_1023, %add3A_1023 : vector<16xf32>
          %mul3A_1034 = arith.mulf %add3A_1025, %add3A_1025 : vector<16xf32>
          %add3A_1035 = arith.addf %mul3A_1033, %mul3A_1034 : vector<16xf32>
          %mul3A_1036 = arith.mulf %add3A_1027, %add3A_1027 : vector<16xf32>
          %mul3A_1037 = arith.mulf %add3A_1029, %add3A_1029 : vector<16xf32>
          %add3A_1038 = arith.addf %mul3A_1036, %mul3A_1037 : vector<16xf32>
          %add3A_1039 = arith.addf %add3A_1035, %add3A_1038 : vector<16xf32>
          %reduce_sum3A_1040 = arith.constant true
          %reduce_sum3A_1041 = vector.broadcast %reduce_sum3A_1040 : i1 to vector<16xi1>
          %reduce_sum3A_1042 = tpu.scan <sum>, %add3A_1032 masked %reduce_sum3A_1041 : vector<16xf32>, vector<16xi1> -> vector<16xf32>
          %reduce_sum3A_1043 = vector.extract %reduce_sum3A_1042[15] : f32 from vector<16xf32>
          %broadcast_in_dim3A_1044 = vector.broadcast %reduce_sum3A_1043 : f32 to vector<16xf32>
          %mul3A_1045 = arith.constant 1.562500e-02 : f32
          %mul3A_1046 = vector.broadcast %mul3A_1045 : f32 to vector<16xf32>
          %mul3A_1047 = arith.mulf %broadcast_in_dim3A_1044, %mul3A_1046 : vector<16xf32>
          %reduce_sum3A_1048 = arith.constant true
          %reduce_sum3A_1049 = vector.broadcast %reduce_sum3A_1048 : i1 to vector<16xi1>
          %reduce_sum3A_1050 = tpu.scan <sum>, %add3A_1039 masked %reduce_sum3A_1049 : vector<16xf32>, vector<16xi1> -> vector<16xf32>
          %reduce_sum3A_1051 = vector.extract %reduce_sum3A_1050[15] : f32 from vector<16xf32>
          %broadcast_in_dim3A_1052 = vector.broadcast %reduce_sum3A_1051 : f32 to vector<16xf32>
          %mul3A_1053 = arith.constant 1.562500e-02 : f32
          %mul3A_1054 = vector.broadcast %mul3A_1053 : f32 to vector<16xf32>
          %mul3A_1055 = arith.mulf %broadcast_in_dim3A_1052, %mul3A_1054 : vector<16xf32>
          %mul3A_1056 = arith.mulf %mul3A_1047, %mul3A_1047 : vector<16xf32>
          %sub3A_1057 = arith.subf %mul3A_1055, %mul3A_1056 : vector<16xf32>
          %add3A_1058 = arith.constant 9.99999974E-6 : f32
          %add3A_1059 = vector.broadcast %add3A_1058 : f32 to vector<16xf32>
          %add3A_1060 = arith.addf %sub3A_1057, %add3A_1059 : vector<16xf32>
          %bitcast_convert_type3A_1061 = tpu.bitcast %add3A_1060 : vector<16xf32> -> vector<16xi32>
          %shift_right_arithmetic3A_1062 = arith.constant 1 : i32
          %shift_right_arithmetic3A_1063 = vector.broadcast %shift_right_arithmetic3A_1062 : i32 to vector<16xi32>
          %shift_right_arithmetic3A_1064 = arith.shrsi %bitcast_convert_type3A_1061, %shift_right_arithmetic3A_1063 : vector<16xi32>
          %sub3A_1065 = arith.constant 1597463007 : i32
          %sub3A_1066 = vector.broadcast %sub3A_1065 : i32 to vector<16xi32>
          %sub3A_1067 = arith.subi %sub3A_1066, %shift_right_arithmetic3A_1064 : vector<16xi32>
          %bitcast_convert_type3A_1068 = tpu.bitcast %sub3A_1067 : vector<16xi32> -> vector<16xf32>
          %mul3A_1069 = arith.constant 5.000000e-01 : f32
          %mul3A_1070 = vector.broadcast %mul3A_1069 : f32 to vector<16xf32>
          %mul3A_1071 = arith.mulf %add3A_1060, %mul3A_1070 : vector<16xf32>
          %mul3A_1072 = arith.mulf %mul3A_1071, %bitcast_convert_type3A_1068 : vector<16xf32>
          %mul3A_1073 = arith.mulf %mul3A_1072, %bitcast_convert_type3A_1068 : vector<16xf32>
          %sub3A_1074 = arith.constant 1.500000e+00 : f32
          %sub3A_1075 = vector.broadcast %sub3A_1074 : f32 to vector<16xf32>
          %sub3A_1076 = arith.subf %sub3A_1075, %mul3A_1073 : vector<16xf32>
          %mul3A_1077 = arith.mulf %bitcast_convert_type3A_1068, %sub3A_1076 : vector<16xf32>
          %mul3A_1078 = arith.mulf %mul3A_1071, %mul3A_1077 : vector<16xf32>
          %mul3A_1079 = arith.mulf %mul3A_1078, %mul3A_1077 : vector<16xf32>
          %sub3A_1080 = arith.constant 1.500000e+00 : f32
          %sub3A_1081 = vector.broadcast %sub3A_1080 : f32 to vector<16xf32>
          %sub3A_1082 = arith.subf %sub3A_1081, %mul3A_1079 : vector<16xf32>
          %mul3A_1083 = arith.mulf %mul3A_1077, %sub3A_1082 : vector<16xf32>
          %mul3A_1084 = arith.mulf %gather3A, %mul3A_1083 : vector<16xf32>
          %sub3A_1085 = arith.subf %add3A_1023, %mul3A_1047 : vector<16xf32>
          %mul3A_1086 = arith.mulf %sub3A_1085, %mul3A_1084 : vector<16xf32>
          %add3A_1087 = arith.addf %mul3A_1086, %gather3A_26 : vector<16xf32>
          tpu.vector_store_idx %run_scoped3A_3[%broadcast_in_dim3A_283, %broadcast_in_dim3A_1021, %add3A_13], %add3A_1087 : memref<4x100x64xf32, #tpu.memory_space<vmem>>[vector<16xi32>, vector<16xi32>, vector<16xi32>], vector<16xf32>,
          %mul3A_1088 = arith.mulf %gather3A_23, %mul3A_1083 : vector<16xf32>
          %sub3A_1089 = arith.subf %add3A_1025, %mul3A_1047 : vector<16xf32>
          %mul3A_1090 = arith.mulf %sub3A_1089, %mul3A_1088 : vector<16xf32>
          %add3A_1091 = arith.addf %mul3A_1090, %gather3A_27 : vector<16xf32>
          tpu.vector_store_idx %run_scoped3A_3[%broadcast_in_dim3A_283, %broadcast_in_dim3A_1021, %add3A_16], %add3A_1091 : memref<4x100x64xf32, #tpu.memory_space<vmem>>[vector<16xi32>, vector<16xi32>, vector<16xi32>], vector<16xf32>,
          %mul3A_1092 = arith.mulf %gather3A_24, %mul3A_1083 : vector<16xf32>
          %sub3A_1093 = arith.subf %add3A_1027, %mul3A_1047 : vector<16xf32>
          %mul3A_1094 = arith.mulf %sub3A_1093, %mul3A_1092 : vector<16xf32>
          %add3A_1095 = arith.addf %mul3A_1094, %gather3A_28 : vector<16xf32>
          tpu.vector_store_idx %run_scoped3A_3[%broadcast_in_dim3A_283, %broadcast_in_dim3A_1021, %add3A_19], %add3A_1095 : memref<4x100x64xf32, #tpu.memory_space<vmem>>[vector<16xi32>, vector<16xi32>, vector<16xi32>], vector<16xf32>,
          %mul3A_1096 = arith.mulf %gather3A_25, %mul3A_1083 : vector<16xf32>
          %sub3A_1097 = arith.subf %add3A_1029, %mul3A_1047 : vector<16xf32>
          %mul3A_1098 = arith.mulf %sub3A_1097, %mul3A_1096 : vector<16xf32>
          %add3A_1099 = arith.addf %mul3A_1098, %gather3A_29 : vector<16xf32>
          tpu.vector_store_idx %run_scoped3A_3[%broadcast_in_dim3A_283, %broadcast_in_dim3A_1021, %add3A_22], %add3A_1099 : memref<4x100x64xf32, #tpu.memory_space<vmem>>[vector<16xi32>, vector<16xi32>, vector<16xi32>], vector<16xf32>,
          %scan3A_1100 = arith.constant 2 : i32
          %scan3A_1101 = arith.addi %scan3A_934, %scan3A_1100 : i32
          %mul3A_1102 = arith.constant 1 : i32
          %mul3A_1103 = arith.muli %scan3A_1101, %mul3A_1102 : i32
          %add3A_1104 = arith.constant 0 : i32
          %add3A_1105 = arith.addi %add3A_1104, %mul3A_1103 : i32
          %broadcast_in_dim3A_1106 = vector.broadcast %add3A_1105 : i32 to vector<16xi32>
          %gather3A_1107 = tpu.vector_load_idx %run_scoped3A_2[%broadcast_in_dim3A_283, %broadcast_in_dim3A_1106, %add3A_13] : memref<4x100x64xf32, #tpu.memory_space<vmem>>[vector<16xi32>, vector<16xi32>, vector<16xi32>], vector<16xf32>,
          %add3A_1108 = arith.addf %gather3A_1107, %gather3A_278 : vector<16xf32>
          %gather3A_1109 = tpu.vector_load_idx %run_scoped3A_2[%broadcast_in_dim3A_283, %broadcast_in_dim3A_1106, %add3A_16] : memref<4x100x64xf32, #tpu.memory_space<vmem>>[vector<16xi32>, vector<16xi32>, vector<16xi32>], vector<16xf32>,
          %add3A_1110 = arith.addf %gather3A_1109, %gather3A_279 : vector<16xf32>
          %gather3A_1111 = tpu.vector_load_idx %run_scoped3A_2[%broadcast_in_dim3A_283, %broadcast_in_dim3A_1106, %add3A_19] : memref<4x100x64xf32, #tpu.memory_space<vmem>>[vector<16xi32>, vector<16xi32>, vector<16xi32>], vector<16xf32>,
          %add3A_1112 = arith.addf %gather3A_1111, %gather3A_280 : vector<16xf32>
          %gather3A_1113 = tpu.vector_load_idx %run_scoped3A_2[%broadcast_in_dim3A_283, %broadcast_in_dim3A_1106, %add3A_22] : memref<4x100x64xf32, #tpu.memory_space<vmem>>[vector<16xi32>, vector<16xi32>, vector<16xi32>], vector<16xf32>,
          %add3A_1114 = arith.addf %gather3A_1113, %gather3A_281 : vector<16xf32>
          %add3A_1115 = arith.addf %add3A_1108, %add3A_1110 : vector<16xf32>
          %add3A_1116 = arith.addf %add3A_1112, %add3A_1114 : vector<16xf32>
          %add3A_1117 = arith.addf %add3A_1115, %add3A_1116 : vector<16xf32>
          %mul3A_1118 = arith.mulf %add3A_1108, %add3A_1108 : vector<16xf32>
          %mul3A_1119 = arith.mulf %add3A_1110, %add3A_1110 : vector<16xf32>
          %add3A_1120 = arith.addf %mul3A_1118, %mul3A_1119 : vector<16xf32>
          %mul3A_1121 = arith.mulf %add3A_1112, %add3A_1112 : vector<16xf32>
          %mul3A_1122 = arith.mulf %add3A_1114, %add3A_1114 : vector<16xf32>
          %add3A_1123 = arith.addf %mul3A_1121, %mul3A_1122 : vector<16xf32>
          %add3A_1124 = arith.addf %add3A_1120, %add3A_1123 : vector<16xf32>
          %reduce_sum3A_1125 = arith.constant true
          %reduce_sum3A_1126 = vector.broadcast %reduce_sum3A_1125 : i1 to vector<16xi1>
          %reduce_sum3A_1127 = tpu.scan <sum>, %add3A_1117 masked %reduce_sum3A_1126 : vector<16xf32>, vector<16xi1> -> vector<16xf32>
          %reduce_sum3A_1128 = vector.extract %reduce_sum3A_1127[15] : f32 from vector<16xf32>
          %broadcast_in_dim3A_1129 = vector.broadcast %reduce_sum3A_1128 : f32 to vector<16xf32>
          %mul3A_1130 = arith.constant 1.562500e-02 : f32
          %mul3A_1131 = vector.broadcast %mul3A_1130 : f32 to vector<16xf32>
          %mul3A_1132 = arith.mulf %broadcast_in_dim3A_1129, %mul3A_1131 : vector<16xf32>
          %reduce_sum3A_1133 = arith.constant true
          %reduce_sum3A_1134 = vector.broadcast %reduce_sum3A_1133 : i1 to vector<16xi1>
          %reduce_sum3A_1135 = tpu.scan <sum>, %add3A_1124 masked %reduce_sum3A_1134 : vector<16xf32>, vector<16xi1> -> vector<16xf32>
          %reduce_sum3A_1136 = vector.extract %reduce_sum3A_1135[15] : f32 from vector<16xf32>
          %broadcast_in_dim3A_1137 = vector.broadcast %reduce_sum3A_1136 : f32 to vector<16xf32>
          %mul3A_1138 = arith.constant 1.562500e-02 : f32
          %mul3A_1139 = vector.broadcast %mul3A_1138 : f32 to vector<16xf32>
          %mul3A_1140 = arith.mulf %broadcast_in_dim3A_1137, %mul3A_1139 : vector<16xf32>
          %mul3A_1141 = arith.mulf %mul3A_1132, %mul3A_1132 : vector<16xf32>
          %sub3A_1142 = arith.subf %mul3A_1140, %mul3A_1141 : vector<16xf32>
          %add3A_1143 = arith.constant 9.99999974E-6 : f32
          %add3A_1144 = vector.broadcast %add3A_1143 : f32 to vector<16xf32>
          %add3A_1145 = arith.addf %sub3A_1142, %add3A_1144 : vector<16xf32>
          %bitcast_convert_type3A_1146 = tpu.bitcast %add3A_1145 : vector<16xf32> -> vector<16xi32>
          %shift_right_arithmetic3A_1147 = arith.constant 1 : i32
          %shift_right_arithmetic3A_1148 = vector.broadcast %shift_right_arithmetic3A_1147 : i32 to vector<16xi32>
          %shift_right_arithmetic3A_1149 = arith.shrsi %bitcast_convert_type3A_1146, %shift_right_arithmetic3A_1148 : vector<16xi32>
          %sub3A_1150 = arith.constant 1597463007 : i32
          %sub3A_1151 = vector.broadcast %sub3A_1150 : i32 to vector<16xi32>
          %sub3A_1152 = arith.subi %sub3A_1151, %shift_right_arithmetic3A_1149 : vector<16xi32>
          %bitcast_convert_type3A_1153 = tpu.bitcast %sub3A_1152 : vector<16xi32> -> vector<16xf32>
          %mul3A_1154 = arith.constant 5.000000e-01 : f32
          %mul3A_1155 = vector.broadcast %mul3A_1154 : f32 to vector<16xf32>
          %mul3A_1156 = arith.mulf %add3A_1145, %mul3A_1155 : vector<16xf32>
          %mul3A_1157 = arith.mulf %mul3A_1156, %bitcast_convert_type3A_1153 : vector<16xf32>
          %mul3A_1158 = arith.mulf %mul3A_1157, %bitcast_convert_type3A_1153 : vector<16xf32>
          %sub3A_1159 = arith.constant 1.500000e+00 : f32
          %sub3A_1160 = vector.broadcast %sub3A_1159 : f32 to vector<16xf32>
          %sub3A_1161 = arith.subf %sub3A_1160, %mul3A_1158 : vector<16xf32>
          %mul3A_1162 = arith.mulf %bitcast_convert_type3A_1153, %sub3A_1161 : vector<16xf32>
          %mul3A_1163 = arith.mulf %mul3A_1156, %mul3A_1162 : vector<16xf32>
          %mul3A_1164 = arith.mulf %mul3A_1163, %mul3A_1162 : vector<16xf32>
          %sub3A_1165 = arith.constant 1.500000e+00 : f32
          %sub3A_1166 = vector.broadcast %sub3A_1165 : f32 to vector<16xf32>
          %sub3A_1167 = arith.subf %sub3A_1166, %mul3A_1164 : vector<16xf32>
          %mul3A_1168 = arith.mulf %mul3A_1162, %sub3A_1167 : vector<16xf32>
          %mul3A_1169 = arith.mulf %gather3A, %mul3A_1168 : vector<16xf32>
          %sub3A_1170 = arith.subf %add3A_1108, %mul3A_1132 : vector<16xf32>
          %mul3A_1171 = arith.mulf %sub3A_1170, %mul3A_1169 : vector<16xf32>
          %add3A_1172 = arith.addf %mul3A_1171, %gather3A_26 : vector<16xf32>
          tpu.vector_store_idx %run_scoped3A_3[%broadcast_in_dim3A_283, %broadcast_in_dim3A_1106, %add3A_13], %add3A_1172 : memref<4x100x64xf32, #tpu.memory_space<vmem>>[vector<16xi32>, vector<16xi32>, vector<16xi32>], vector<16xf32>,
          %mul3A_1173 = arith.mulf %gather3A_23, %mul3A_1168 : vector<16xf32>
          %sub3A_1174 = arith.subf %add3A_1110, %mul3A_1132 : vector<16xf32>
          %mul3A_1175 = arith.mulf %sub3A_1174, %mul3A_1173 : vector<16xf32>
          %add3A_1176 = arith.addf %mul3A_1175, %gather3A_27 : vector<16xf32>
          tpu.vector_store_idx %run_scoped3A_3[%broadcast_in_dim3A_283, %broadcast_in_dim3A_1106, %add3A_16], %add3A_1176 : memref<4x100x64xf32, #tpu.memory_space<vmem>>[vector<16xi32>, vector<16xi32>, vector<16xi32>], vector<16xf32>,
          %mul3A_1177 = arith.mulf %gather3A_24, %mul3A_1168 : vector<16xf32>
          %sub3A_1178 = arith.subf %add3A_1112, %mul3A_1132 : vector<16xf32>
          %mul3A_1179 = arith.mulf %sub3A_1178, %mul3A_1177 : vector<16xf32>
          %add3A_1180 = arith.addf %mul3A_1179, %gather3A_28 : vector<16xf32>
          tpu.vector_store_idx %run_scoped3A_3[%broadcast_in_dim3A_283, %broadcast_in_dim3A_1106, %add3A_19], %add3A_1180 : memref<4x100x64xf32, #tpu.memory_space<vmem>>[vector<16xi32>, vector<16xi32>, vector<16xi32>], vector<16xf32>,
          %mul3A_1181 = arith.mulf %gather3A_25, %mul3A_1168 : vector<16xf32>
          %sub3A_1182 = arith.subf %add3A_1114, %mul3A_1132 : vector<16xf32>
          %mul3A_1183 = arith.mulf %sub3A_1182, %mul3A_1181 : vector<16xf32>
          %add3A_1184 = arith.addf %mul3A_1183, %gather3A_29 : vector<16xf32>
          tpu.vector_store_idx %run_scoped3A_3[%broadcast_in_dim3A_283, %broadcast_in_dim3A_1106, %add3A_22], %add3A_1184 : memref<4x100x64xf32, #tpu.memory_space<vmem>>[vector<16xi32>, vector<16xi32>, vector<16xi32>], vector<16xf32>,
          %scan3A_1185 = arith.constant 3 : i32
          %scan3A_1186 = arith.addi %scan3A_934, %scan3A_1185 : i32
          %mul3A_1187 = arith.constant 1 : i32
          %mul3A_1188 = arith.muli %scan3A_1186, %mul3A_1187 : i32
          %add3A_1189 = arith.constant 0 : i32
          %add3A_1190 = arith.addi %add3A_1189, %mul3A_1188 : i32
          %broadcast_in_dim3A_1191 = vector.broadcast %add3A_1190 : i32 to vector<16xi32>
          %gather3A_1192 = tpu.vector_load_idx %run_scoped3A_2[%broadcast_in_dim3A_283, %broadcast_in_dim3A_1191, %add3A_13] : memref<4x100x64xf32, #tpu.memory_space<vmem>>[vector<16xi32>, vector<16xi32>, vector<16xi32>], vector<16xf32>,
          %add3A_1193 = arith.addf %gather3A_1192, %gather3A_278 : vector<16xf32>
          %gather3A_1194 = tpu.vector_load_idx %run_scoped3A_2[%broadcast_in_dim3A_283, %broadcast_in_dim3A_1191, %add3A_16] : memref<4x100x64xf32, #tpu.memory_space<vmem>>[vector<16xi32>, vector<16xi32>, vector<16xi32>], vector<16xf32>,
          %add3A_1195 = arith.addf %gather3A_1194, %gather3A_279 : vector<16xf32>
          %gather3A_1196 = tpu.vector_load_idx %run_scoped3A_2[%broadcast_in_dim3A_283, %broadcast_in_dim3A_1191, %add3A_19] : memref<4x100x64xf32, #tpu.memory_space<vmem>>[vector<16xi32>, vector<16xi32>, vector<16xi32>], vector<16xf32>,
          %add3A_1197 = arith.addf %gather3A_1196, %gather3A_280 : vector<16xf32>
          %gather3A_1198 = tpu.vector_load_idx %run_scoped3A_2[%broadcast_in_dim3A_283, %broadcast_in_dim3A_1191, %add3A_22] : memref<4x100x64xf32, #tpu.memory_space<vmem>>[vector<16xi32>, vector<16xi32>, vector<16xi32>], vector<16xf32>,
          %add3A_1199 = arith.addf %gather3A_1198, %gather3A_281 : vector<16xf32>
          %add3A_1200 = arith.addf %add3A_1193, %add3A_1195 : vector<16xf32>
          %add3A_1201 = arith.addf %add3A_1197, %add3A_1199 : vector<16xf32>
          %add3A_1202 = arith.addf %add3A_1200, %add3A_1201 : vector<16xf32>
          %mul3A_1203 = arith.mulf %add3A_1193, %add3A_1193 : vector<16xf32>
          %mul3A_1204 = arith.mulf %add3A_1195, %add3A_1195 : vector<16xf32>
          %add3A_1205 = arith.addf %mul3A_1203, %mul3A_1204 : vector<16xf32>
          %mul3A_1206 = arith.mulf %add3A_1197, %add3A_1197 : vector<16xf32>
          %mul3A_1207 = arith.mulf %add3A_1199, %add3A_1199 : vector<16xf32>
          %add3A_1208 = arith.addf %mul3A_1206, %mul3A_1207 : vector<16xf32>
          %add3A_1209 = arith.addf %add3A_1205, %add3A_1208 : vector<16xf32>
          %reduce_sum3A_1210 = arith.constant true
          %reduce_sum3A_1211 = vector.broadcast %reduce_sum3A_1210 : i1 to vector<16xi1>
          %reduce_sum3A_1212 = tpu.scan <sum>, %add3A_1202 masked %reduce_sum3A_1211 : vector<16xf32>, vector<16xi1> -> vector<16xf32>
          %reduce_sum3A_1213 = vector.extract %reduce_sum3A_1212[15] : f32 from vector<16xf32>
          %broadcast_in_dim3A_1214 = vector.broadcast %reduce_sum3A_1213 : f32 to vector<16xf32>
          %mul3A_1215 = arith.constant 1.562500e-02 : f32
          %mul3A_1216 = vector.broadcast %mul3A_1215 : f32 to vector<16xf32>
          %mul3A_1217 = arith.mulf %broadcast_in_dim3A_1214, %mul3A_1216 : vector<16xf32>
          %reduce_sum3A_1218 = arith.constant true
          %reduce_sum3A_1219 = vector.broadcast %reduce_sum3A_1218 : i1 to vector<16xi1>
          %reduce_sum3A_1220 = tpu.scan <sum>, %add3A_1209 masked %reduce_sum3A_1219 : vector<16xf32>, vector<16xi1> -> vector<16xf32>
          %reduce_sum3A_1221 = vector.extract %reduce_sum3A_1220[15] : f32 from vector<16xf32>
          %broadcast_in_dim3A_1222 = vector.broadcast %reduce_sum3A_1221 : f32 to vector<16xf32>
          %mul3A_1223 = arith.constant 1.562500e-02 : f32
          %mul3A_1224 = vector.broadcast %mul3A_1223 : f32 to vector<16xf32>
          %mul3A_1225 = arith.mulf %broadcast_in_dim3A_1222, %mul3A_1224 : vector<16xf32>
          %mul3A_1226 = arith.mulf %mul3A_1217, %mul3A_1217 : vector<16xf32>
          %sub3A_1227 = arith.subf %mul3A_1225, %mul3A_1226 : vector<16xf32>
          %add3A_1228 = arith.constant 9.99999974E-6 : f32
          %add3A_1229 = vector.broadcast %add3A_1228 : f32 to vector<16xf32>
          %add3A_1230 = arith.addf %sub3A_1227, %add3A_1229 : vector<16xf32>
          %bitcast_convert_type3A_1231 = tpu.bitcast %add3A_1230 : vector<16xf32> -> vector<16xi32>
          %shift_right_arithmetic3A_1232 = arith.constant 1 : i32
          %shift_right_arithmetic3A_1233 = vector.broadcast %shift_right_arithmetic3A_1232 : i32 to vector<16xi32>
          %shift_right_arithmetic3A_1234 = arith.shrsi %bitcast_convert_type3A_1231, %shift_right_arithmetic3A_1233 : vector<16xi32>
          %sub3A_1235 = arith.constant 1597463007 : i32
          %sub3A_1236 = vector.broadcast %sub3A_1235 : i32 to vector<16xi32>
          %sub3A_1237 = arith.subi %sub3A_1236, %shift_right_arithmetic3A_1234 : vector<16xi32>
          %bitcast_convert_type3A_1238 = tpu.bitcast %sub3A_1237 : vector<16xi32> -> vector<16xf32>
          %mul3A_1239 = arith.constant 5.000000e-01 : f32
          %mul3A_1240 = vector.broadcast %mul3A_1239 : f32 to vector<16xf32>
          %mul3A_1241 = arith.mulf %add3A_1230, %mul3A_1240 : vector<16xf32>
          %mul3A_1242 = arith.mulf %mul3A_1241, %bitcast_convert_type3A_1238 : vector<16xf32>
          %mul3A_1243 = arith.mulf %mul3A_1242, %bitcast_convert_type3A_1238 : vector<16xf32>
          %sub3A_1244 = arith.constant 1.500000e+00 : f32
          %sub3A_1245 = vector.broadcast %sub3A_1244 : f32 to vector<16xf32>
          %sub3A_1246 = arith.subf %sub3A_1245, %mul3A_1243 : vector<16xf32>
          %mul3A_1247 = arith.mulf %bitcast_convert_type3A_1238, %sub3A_1246 : vector<16xf32>
          %mul3A_1248 = arith.mulf %mul3A_1241, %mul3A_1247 : vector<16xf32>
          %mul3A_1249 = arith.mulf %mul3A_1248, %mul3A_1247 : vector<16xf32>
          %sub3A_1250 = arith.constant 1.500000e+00 : f32
          %sub3A_1251 = vector.broadcast %sub3A_1250 : f32 to vector<16xf32>
          %sub3A_1252 = arith.subf %sub3A_1251, %mul3A_1249 : vector<16xf32>
          %mul3A_1253 = arith.mulf %mul3A_1247, %sub3A_1252 : vector<16xf32>
          %mul3A_1254 = arith.mulf %gather3A, %mul3A_1253 : vector<16xf32>
          %sub3A_1255 = arith.subf %add3A_1193, %mul3A_1217 : vector<16xf32>
          %mul3A_1256 = arith.mulf %sub3A_1255, %mul3A_1254 : vector<16xf32>
          %add3A_1257 = arith.addf %mul3A_1256, %gather3A_26 : vector<16xf32>
          tpu.vector_store_idx %run_scoped3A_3[%broadcast_in_dim3A_283, %broadcast_in_dim3A_1191, %add3A_13], %add3A_1257 : memref<4x100x64xf32, #tpu.memory_space<vmem>>[vector<16xi32>, vector<16xi32>, vector<16xi32>], vector<16xf32>,
          %mul3A_1258 = arith.mulf %gather3A_23, %mul3A_1253 : vector<16xf32>
          %sub3A_1259 = arith.subf %add3A_1195, %mul3A_1217 : vector<16xf32>
          %mul3A_1260 = arith.mulf %sub3A_1259, %mul3A_1258 : vector<16xf32>
          %add3A_1261 = arith.addf %mul3A_1260, %gather3A_27 : vector<16xf32>
          tpu.vector_store_idx %run_scoped3A_3[%broadcast_in_dim3A_283, %broadcast_in_dim3A_1191, %add3A_16], %add3A_1261 : memref<4x100x64xf32, #tpu.memory_space<vmem>>[vector<16xi32>, vector<16xi32>, vector<16xi32>], vector<16xf32>,
          %mul3A_1262 = arith.mulf %gather3A_24, %mul3A_1253 : vector<16xf32>
          %sub3A_1263 = arith.subf %add3A_1197, %mul3A_1217 : vector<16xf32>
          %mul3A_1264 = arith.mulf %sub3A_1263, %mul3A_1262 : vector<16xf32>
          %add3A_1265 = arith.addf %mul3A_1264, %gather3A_28 : vector<16xf32>
          tpu.vector_store_idx %run_scoped3A_3[%broadcast_in_dim3A_283, %broadcast_in_dim3A_1191, %add3A_19], %add3A_1265 : memref<4x100x64xf32, #tpu.memory_space<vmem>>[vector<16xi32>, vector<16xi32>, vector<16xi32>], vector<16xf32>,
          %mul3A_1266 = arith.mulf %gather3A_25, %mul3A_1253 : vector<16xf32>
          %sub3A_1267 = arith.subf %add3A_1199, %mul3A_1217 : vector<16xf32>
          %mul3A_1268 = arith.mulf %sub3A_1267, %mul3A_1266 : vector<16xf32>
          %add3A_1269 = arith.addf %mul3A_1268, %gather3A_29 : vector<16xf32>
          tpu.vector_store_idx %run_scoped3A_3[%broadcast_in_dim3A_283, %broadcast_in_dim3A_1191, %add3A_22], %add3A_1269 : memref<4x100x64xf32, #tpu.memory_space<vmem>>[vector<16xi32>, vector<16xi32>, vector<16xi32>], vector<16xf32>,
        }
        %scan3A_288 = arith.constant 100 : i32
        %jit3A_289 = arith.constant 2 : i32
        %div3A_290 = arith.divsi %add3A_194, %jit3A_289 : i32
        %sign3A_291 = arith.constant 0 : i32
        %sign3A_292 = arith.cmpi sgt, %add3A_194, %sign3A_291 : i32
        %sign3A_293 = arith.extui %sign3A_292 : i1 to i32
        %sign3A_294 = arith.constant 0 : i32
        %sign3A_295 = arith.cmpi slt, %add3A_194, %sign3A_294 : i32
        %sign3A_296 = arith.extui %sign3A_295 : i1 to i32
        %sign3A_297 = arith.subi %sign3A_293, %sign3A_296 : i32
        %sign3A_298 = arith.constant 0 : i32
        %sign3A_299 = arith.cmpi sgt, %jit3A_289, %sign3A_298 : i32
        %sign3A_300 = arith.extui %sign3A_299 : i1 to i32
        %sign3A_301 = arith.constant 0 : i32
        %sign3A_302 = arith.cmpi slt, %jit3A_289, %sign3A_301 : i32
        %sign3A_303 = arith.extui %sign3A_302 : i1 to i32
        %sign3A_304 = arith.subi %sign3A_300, %sign3A_303 : i32
        %ne3A_305 = arith.cmpi ne, %sign3A_297, %sign3A_304 : i32
        %rem3A_306 = arith.remsi %add3A_194, %jit3A_289 : i32
        %ne3A_307 = arith.constant 0 : i32
        %ne3A_308 = arith.cmpi ne, %rem3A_306, %ne3A_307 : i32
        %and3A_309 = arith.andi %ne3A_305, %ne3A_308 : i1
        %sub3A_310 = arith.constant 1 : i32
        %sub3A_311 = arith.subi %div3A_290, %sub3A_310 : i32
        %select_n3A_312 = arith.select %and3A_309, %sub3A_311, %div3A_290 : i32
        %mul3A_313 = arith.constant 2 : i32
        %mul3A_314 = arith.muli %mul3A_313, %select_n3A_312 : i32
        %sub3A_315 = arith.subi %add3A_194, %mul3A_314 : i32
        %jit3A_316 = arith.constant 2 : i32
        %div3A_317 = arith.divsi %add3A_194, %jit3A_316 : i32
        %sign3A_318 = arith.constant 0 : i32
        %sign3A_319 = arith.cmpi sgt, %add3A_194, %sign3A_318 : i32
        %sign3A_320 = arith.extui %sign3A_319 : i1 to i32
        %sign3A_321 = arith.constant 0 : i32
        %sign3A_322 = arith.cmpi slt, %add3A_194, %sign3A_321 : i32
        %sign3A_323 = arith.extui %sign3A_322 : i1 to i32
        %sign3A_324 = arith.subi %sign3A_320, %sign3A_323 : i32
        %sign3A_325 = arith.constant 0 : i32
        %sign3A_326 = arith.cmpi sgt, %jit3A_316, %sign3A_325 : i32
        %sign3A_327 = arith.extui %sign3A_326 : i1 to i32
        %sign3A_328 = arith.constant 0 : i32
        %sign3A_329 = arith.cmpi slt, %jit3A_316, %sign3A_328 : i32
        %sign3A_330 = arith.extui %sign3A_329 : i1 to i32
        %sign3A_331 = arith.subi %sign3A_327, %sign3A_330 : i32
        %ne3A_332 = arith.cmpi ne, %sign3A_324, %sign3A_331 : i32
        %rem3A_333 = arith.remsi %add3A_194, %jit3A_316 : i32
        %ne3A_334 = arith.constant 0 : i32
        %ne3A_335 = arith.cmpi ne, %rem3A_333, %ne3A_334 : i32
        %and3A_336 = arith.andi %ne3A_332, %ne3A_335 : i1
        %sub3A_337 = arith.constant 1 : i32
        %sub3A_338 = arith.subi %div3A_317, %sub3A_337 : i32
        %select_n3A_339 = arith.select %and3A_336, %sub3A_338, %div3A_317 : i32
        %add3A_340 = arith.addi %mul3A_6, %select_n3A_339 : i32
        %mul3A_341 = arith.constant 100 : i32
        %mul3A_342 = arith.muli %sub3A_315, %mul3A_341 : i32
        %dma_start3A_343 = arith.constant 0 : i32
        %dma_start3A_344 = arith.constant 0 : i32
        %dma_start3A_345 = arith.constant 0 : i32
        %dma_start3A_346 = arith.constant 0 : i32
        %dma_start3A_347 = tpu.memref_slice %run_scoped3A_3[%dma_start3A_343, %dma_start3A_345, %dma_start3A_346] : memref<4x100x64xf32, #tpu.memory_space<vmem>> -> memref<1x100x64xf32, #tpu.memory_space<vmem>>
        %dma_start3A_348 = tpu.memref_squeeze %dma_start3A_347 : memref<1x100x64xf32, #tpu.memory_space<vmem>> -> memref<100x64xf32, #tpu.memory_space<vmem>>
        %dma_start3A_349 = arith.constant 0 : i32
        %dma_start3A_350 = tpu.memref_slice %arg8[%add3A_340, %mul3A_342, %dma_start3A_349] : memref<4096x200x64xf32, #tpu.memory_space<hbm>> -> memref<1x100x64xf32, #tpu.memory_space<hbm>>
        %dma_start3A_351 = tpu.memref_squeeze %dma_start3A_350 : memref<1x100x64xf32, #tpu.memory_space<hbm>> -> memref<100x64xf32, #tpu.memory_space<hbm>>
        %dma_start3A_352 = tpu.memref_slice %arg12[%dma_start3A_344] : memref<4x!tpu.dma_semaphore, #tpu.memory_space<semaphore_mem>> -> memref<1x!tpu.dma_semaphore, #tpu.memory_space<semaphore_mem>>
        %dma_start3A_353 = tpu.memref_squeeze %dma_start3A_352 : memref<1x!tpu.dma_semaphore, #tpu.memory_space<semaphore_mem>> -> memref<!tpu.dma_semaphore, #tpu.memory_space<semaphore_mem>>
        %dma_start3A_354 = arith.constant 0 : i32
        %dma_start3A_355 = tpu.memref_slice %arg8[%add3A_340, %mul3A_342, %dma_start3A_354] : memref<4096x200x64xf32, #tpu.memory_space<hbm>> -> memref<1x100x64xf32, #tpu.memory_space<hbm>>
        %dma_start3A_356 = tpu.memref_squeeze %dma_start3A_355 : memref<1x100x64xf32, #tpu.memory_space<hbm>> -> memref<100x64xf32, #tpu.memory_space<hbm>>
        %dma_start3A_357 = arith.constant 0 : i32
        %dma_start3A_358 = arith.constant 0 : i32
        %dma_start3A_359 = tpu.memref_slice %run_scoped3A_3[%dma_start3A_343, %dma_start3A_357, %dma_start3A_358] : memref<4x100x64xf32, #tpu.memory_space<vmem>> -> memref<1x100x64xf32, #tpu.memory_space<vmem>>
        %dma_start3A_360 = tpu.memref_squeeze %dma_start3A_359 : memref<1x100x64xf32, #tpu.memory_space<vmem>> -> memref<100x64xf32, #tpu.memory_space<vmem>>
        tpu.enqueue_dma source(%dma_start3A_360 : memref<100x64xf32, #tpu.memory_space<vmem>>) target(%dma_start3A_356 : memref<100x64xf32, #tpu.memory_space<hbm>>) target_semaphore(%dma_start3A_353 : memref<!tpu.dma_semaphore, #tpu.memory_space<semaphore_mem>>)
        %add3A_361 = arith.constant 4 : i32
        %add3A_362 = arith.addi %add3A_194, %add3A_361 : i32
        %lt3A = arith.constant 256 : i32
        %lt3A_363 = arith.cmpi slt, %add3A_362, %lt3A : i32
        %convert_element_type3A_364 = arith.extui %lt3A_363 : i1 to i32
        %cond3A_365 = arith.constant 0 : i32
        %cond3A_366 = arith.cmpi ne, %convert_element_type3A_364, %cond3A_365 : i32
        scf.if %cond3A_366 {
          %add3A_934 = arith.constant 4 : i32
          %add3A_935 = arith.addi %add3A_194, %add3A_934 : i32
          %jit3A_936 = arith.constant 2 : i32
          %div3A_937 = arith.divsi %add3A_935, %jit3A_936 : i32
          %sign3A_938 = arith.constant 0 : i32
          %sign3A_939 = arith.cmpi sgt, %add3A_935, %sign3A_938 : i32
          %sign3A_940 = arith.extui %sign3A_939 : i1 to i32
          %sign3A_941 = arith.constant 0 : i32
          %sign3A_942 = arith.cmpi slt, %add3A_935, %sign3A_941 : i32
          %sign3A_943 = arith.extui %sign3A_942 : i1 to i32
          %sign3A_944 = arith.subi %sign3A_940, %sign3A_943 : i32
          %sign3A_945 = arith.constant 0 : i32
          %sign3A_946 = arith.cmpi sgt, %jit3A_936, %sign3A_945 : i32
          %sign3A_947 = arith.extui %sign3A_946 : i1 to i32
          %sign3A_948 = arith.constant 0 : i32
          %sign3A_949 = arith.cmpi slt, %jit3A_936, %sign3A_948 : i32
          %sign3A_950 = arith.extui %sign3A_949 : i1 to i32
          %sign3A_951 = arith.subi %sign3A_947, %sign3A_950 : i32
          %ne3A_952 = arith.cmpi ne, %sign3A_944, %sign3A_951 : i32
          %rem3A_953 = arith.remsi %add3A_935, %jit3A_936 : i32
          %ne3A_954 = arith.constant 0 : i32
          %ne3A_955 = arith.cmpi ne, %rem3A_953, %ne3A_954 : i32
          %and3A_956 = arith.andi %ne3A_952, %ne3A_955 : i1
          %sub3A_957 = arith.constant 1 : i32
          %sub3A_958 = arith.subi %div3A_937, %sub3A_957 : i32
          %select_n3A_959 = arith.select %and3A_956, %sub3A_958, %div3A_937 : i32
          %mul3A_960 = arith.constant 2 : i32
          %mul3A_961 = arith.muli %mul3A_960, %select_n3A_959 : i32
          %sub3A_962 = arith.subi %add3A_935, %mul3A_961 : i32
          %jit3A_963 = arith.constant 2 : i32
          %div3A_964 = arith.divsi %add3A_935, %jit3A_963 : i32
          %sign3A_965 = arith.constant 0 : i32
          %sign3A_966 = arith.cmpi sgt, %add3A_935, %sign3A_965 : i32
          %sign3A_967 = arith.extui %sign3A_966 : i1 to i32
          %sign3A_968 = arith.constant 0 : i32
          %sign3A_969 = arith.cmpi slt, %add3A_935, %sign3A_968 : i32
          %sign3A_970 = arith.extui %sign3A_969 : i1 to i32
          %sign3A_971 = arith.subi %sign3A_967, %sign3A_970 : i32
          %sign3A_972 = arith.constant 0 : i32
          %sign3A_973 = arith.cmpi sgt, %jit3A_963, %sign3A_972 : i32
          %sign3A_974 = arith.extui %sign3A_973 : i1 to i32
          %sign3A_975 = arith.constant 0 : i32
          %sign3A_976 = arith.cmpi slt, %jit3A_963, %sign3A_975 : i32
          %sign3A_977 = arith.extui %sign3A_976 : i1 to i32
          %sign3A_978 = arith.subi %sign3A_974, %sign3A_977 : i32
          %ne3A_979 = arith.cmpi ne, %sign3A_971, %sign3A_978 : i32
          %rem3A_980 = arith.remsi %add3A_935, %jit3A_963 : i32
          %ne3A_981 = arith.constant 0 : i32
          %ne3A_982 = arith.cmpi ne, %rem3A_980, %ne3A_981 : i32
          %and3A_983 = arith.andi %ne3A_979, %ne3A_982 : i1
          %sub3A_984 = arith.constant 1 : i32
          %sub3A_985 = arith.subi %div3A_964, %sub3A_984 : i32
          %select_n3A_986 = arith.select %and3A_983, %sub3A_985, %div3A_964 : i32
          %dma_start3A_987 = arith.constant 0 : i32
          %dma_start3A_988 = arith.constant 0 : i32
          %dma_start3A_989 = arith.constant 0 : i32
          %dma_start3A_990 = arith.constant 0 : i32
          %dma_start3A_991 = tpu.memref_slice %run_scoped3A_2[%dma_start3A_987, %dma_start3A_989, %dma_start3A_990] : memref<4x100x64xf32, #tpu.memory_space<vmem>> -> memref<1x100x64xf32, #tpu.memory_space<vmem>>
          %dma_start3A_992 = tpu.memref_squeeze %dma_start3A_991 : memref<1x100x64xf32, #tpu.memory_space<vmem>> -> memref<100x64xf32, #tpu.memory_space<vmem>>
          %dma_start3A_993 = arith.constant 0 : i32
          %dma_start3A_994 = tpu.memref_slice %arg9[%select_n3A_986, %sub3A_962, %dma_start3A_993] : memref<128x2x100xi32, #tpu.memory_space<vmem>> -> memref<1x1x100xi32, #tpu.memory_space<vmem>>
          %dma_start3A_995 = tpu.memref_squeeze %dma_start3A_994 : memref<1x1x100xi32, #tpu.memory_space<vmem>> -> memref<100xi32, #tpu.memory_space<vmem>>
          %dma_start3A_996 = arith.constant 0 : i32
          %dma_start3A_997 = arith.constant 0 : i32
          %dma_start3A_998 = tpu.memref_slice %arg4[%dma_start3A_996, %dma_start3A_997] : memref<1000000x64xf32, #tpu.memory_space<hbm>> -> memref<1000000x64xf32, #tpu.memory_space<hbm>>
          %dma_start3A_999 = tpu.memref_slice %arg11[%dma_start3A_988] : memref<4x!tpu.dma_semaphore, #tpu.memory_space<semaphore_mem>> -> memref<1x!tpu.dma_semaphore, #tpu.memory_space<semaphore_mem>>
          %dma_start3A_1000 = tpu.memref_squeeze %dma_start3A_999 : memref<1x!tpu.dma_semaphore, #tpu.memory_space<semaphore_mem>> -> memref<!tpu.dma_semaphore, #tpu.memory_space<semaphore_mem>>
          tpu.enqueue_indirect_dma source(%dma_start3A_998 : memref<1000000x64xf32, #tpu.memory_space<hbm>>) target(%dma_start3A_992 : memref<100x64xf32, #tpu.memory_space<vmem>>) offsets(%dma_start3A_995 : memref<100xi32, #tpu.memory_space<vmem>>) semaphore(%dma_start3A_1000 : memref<!tpu.dma_semaphore, #tpu.memory_space<semaphore_mem>>)
        } else {
        }
        %mul3A_367 = arith.constant 4 : i32
        %mul3A_368 = arith.muli %add3A_190, %mul3A_367 : i32
        %add3A_369 = arith.constant 1 : i32
        %add3A_370 = arith.addi %mul3A_368, %add3A_369 : i32
        %gt3A_371 = arith.constant 0 : i32
        %gt3A_372 = arith.cmpi sgt, %add3A_190, %gt3A_371 : i32
        %convert_element_type3A_373 = arith.extui %gt3A_372 : i1 to i32
        %cond3A_374 = arith.constant 0 : i32
        %cond3A_375 = arith.cmpi ne, %convert_element_type3A_373, %cond3A_374 : i32
        scf.if %cond3A_375 {
          %sub3A_934 = arith.constant 4 : i32
          %sub3A_935 = arith.subi %add3A_370, %sub3A_934 : i32
          %jit3A_936 = arith.constant 2 : i32
          %div3A_937 = arith.divsi %sub3A_935, %jit3A_936 : i32
          %sign3A_938 = arith.constant 0 : i32
          %sign3A_939 = arith.cmpi sgt, %sub3A_935, %sign3A_938 : i32
          %sign3A_940 = arith.extui %sign3A_939 : i1 to i32
          %sign3A_941 = arith.constant 0 : i32
          %sign3A_942 = arith.cmpi slt, %sub3A_935, %sign3A_941 : i32
          %sign3A_943 = arith.extui %sign3A_942 : i1 to i32
          %sign3A_944 = arith.subi %sign3A_940, %sign3A_943 : i32
          %sign3A_945 = arith.constant 0 : i32
          %sign3A_946 = arith.cmpi sgt, %jit3A_936, %sign3A_945 : i32
          %sign3A_947 = arith.extui %sign3A_946 : i1 to i32
          %sign3A_948 = arith.constant 0 : i32
          %sign3A_949 = arith.cmpi slt, %jit3A_936, %sign3A_948 : i32
          %sign3A_950 = arith.extui %sign3A_949 : i1 to i32
          %sign3A_951 = arith.subi %sign3A_947, %sign3A_950 : i32
          %ne3A_952 = arith.cmpi ne, %sign3A_944, %sign3A_951 : i32
          %rem3A_953 = arith.remsi %sub3A_935, %jit3A_936 : i32
          %ne3A_954 = arith.constant 0 : i32
          %ne3A_955 = arith.cmpi ne, %rem3A_953, %ne3A_954 : i32
          %and3A_956 = arith.andi %ne3A_952, %ne3A_955 : i1
          %sub3A_957 = arith.constant 1 : i32
          %sub3A_958 = arith.subi %div3A_937, %sub3A_957 : i32
          %select_n3A_959 = arith.select %and3A_956, %sub3A_958, %div3A_937 : i32
          %mul3A_960 = arith.constant 2 : i32
          %mul3A_961 = arith.muli %mul3A_960, %select_n3A_959 : i32
          %sub3A_962 = arith.subi %sub3A_935, %mul3A_961 : i32
          %jit3A_963 = arith.constant 2 : i32
          %div3A_964 = arith.divsi %sub3A_935, %jit3A_963 : i32
          %sign3A_965 = arith.constant 0 : i32
          %sign3A_966 = arith.cmpi sgt, %sub3A_935, %sign3A_965 : i32
          %sign3A_967 = arith.extui %sign3A_966 : i1 to i32
          %sign3A_968 = arith.constant 0 : i32
          %sign3A_969 = arith.cmpi slt, %sub3A_935, %sign3A_968 : i32
          %sign3A_970 = arith.extui %sign3A_969 : i1 to i32
          %sign3A_971 = arith.subi %sign3A_967, %sign3A_970 : i32
          %sign3A_972 = arith.constant 0 : i32
          %sign3A_973 = arith.cmpi sgt, %jit3A_963, %sign3A_972 : i32
          %sign3A_974 = arith.extui %sign3A_973 : i1 to i32
          %sign3A_975 = arith.constant 0 : i32
          %sign3A_976 = arith.cmpi slt, %jit3A_963, %sign3A_975 : i32
          %sign3A_977 = arith.extui %sign3A_976 : i1 to i32
          %sign3A_978 = arith.subi %sign3A_974, %sign3A_977 : i32
          %ne3A_979 = arith.cmpi ne, %sign3A_971, %sign3A_978 : i32
          %rem3A_980 = arith.remsi %sub3A_935, %jit3A_963 : i32
          %ne3A_981 = arith.constant 0 : i32
          %ne3A_982 = arith.cmpi ne, %rem3A_980, %ne3A_981 : i32
          %and3A_983 = arith.andi %ne3A_979, %ne3A_982 : i1
          %sub3A_984 = arith.constant 1 : i32
          %sub3A_985 = arith.subi %div3A_964, %sub3A_984 : i32
          %select_n3A_986 = arith.select %and3A_983, %sub3A_985, %div3A_964 : i32
          %add3A_987 = arith.addi %mul3A_6, %select_n3A_986 : i32
          %mul3A_988 = arith.constant 100 : i32
          %mul3A_989 = arith.muli %sub3A_962, %mul3A_988 : i32
          %dma_wait3A_990 = arith.constant 1 : i32
          %dma_wait3A_991 = arith.constant 1 : i32
          %dma_wait3A_992 = arith.constant 0 : i32
          %dma_wait3A_993 = arith.constant 0 : i32
          %dma_wait3A_994 = tpu.memref_slice %run_scoped3A_3[%dma_wait3A_990, %dma_wait3A_992, %dma_wait3A_993] : memref<4x100x64xf32, #tpu.memory_space<vmem>> -> memref<1x100x64xf32, #tpu.memory_space<vmem>>
          %dma_wait3A_995 = tpu.memref_squeeze %dma_wait3A_994 : memref<1x100x64xf32, #tpu.memory_space<vmem>> -> memref<100x64xf32, #tpu.memory_space<vmem>>
          %dma_wait3A_996 = arith.constant 0 : i32
          %dma_wait3A_997 = tpu.memref_slice %arg8[%add3A_987, %mul3A_989, %dma_wait3A_996] : memref<4096x200x64xf32, #tpu.memory_space<hbm>> -> memref<1x100x64xf32, #tpu.memory_space<hbm>>
          %dma_wait3A_998 = tpu.memref_squeeze %dma_wait3A_997 : memref<1x100x64xf32, #tpu.memory_space<hbm>> -> memref<100x64xf32, #tpu.memory_space<hbm>>
          %dma_wait3A_999 = tpu.memref_slice %arg12[%dma_wait3A_991] : memref<4x!tpu.dma_semaphore, #tpu.memory_space<semaphore_mem>> -> memref<1x!tpu.dma_semaphore, #tpu.memory_space<semaphore_mem>>
          %dma_wait3A_1000 = tpu.memref_squeeze %dma_wait3A_999 : memref<1x!tpu.dma_semaphore, #tpu.memory_space<semaphore_mem>> -> memref<!tpu.dma_semaphore, #tpu.memory_space<semaphore_mem>>
          %dma_wait3A_1001 = arith.constant 0 : i32
          %dma_wait3A_1002 = tpu.memref_slice %arg8[%add3A_987, %mul3A_989, %dma_wait3A_1001] : memref<4096x200x64xf32, #tpu.memory_space<hbm>> -> memref<1x100x64xf32, #tpu.memory_space<hbm>>
          %dma_wait3A_1003 = tpu.memref_squeeze %dma_wait3A_1002 : memref<1x100x64xf32, #tpu.memory_space<hbm>> -> memref<100x64xf32, #tpu.memory_space<hbm>>
          %dma_wait3A_1004 = arith.constant 0 : i32
          %dma_wait3A_1005 = arith.constant 0 : i32
          %dma_wait3A_1006 = tpu.memref_slice %run_scoped3A_3[%dma_wait3A_990, %dma_wait3A_1004, %dma_wait3A_1005] : memref<4x100x64xf32, #tpu.memory_space<vmem>> -> memref<1x100x64xf32, #tpu.memory_space<vmem>>
          %dma_wait3A_1007 = tpu.memref_squeeze %dma_wait3A_1006 : memref<1x100x64xf32, #tpu.memory_space<vmem>> -> memref<100x64xf32, #tpu.memory_space<vmem>>
          tpu.wait_dma2 semaphore(%dma_wait3A_1000 : memref<!tpu.dma_semaphore, #tpu.memory_space<semaphore_mem>>) src(%dma_wait3A_1007 : memref<100x64xf32, #tpu.memory_space<vmem>>) dst(%dma_wait3A_1003 : memref<100x64xf32, #tpu.memory_space<hbm>>)
        } else {
        }
        %jit3A_376 = arith.constant 2 : i32
        %div3A_377 = arith.divsi %add3A_370, %jit3A_376 : i32
        %sign3A_378 = arith.constant 0 : i32
        %sign3A_379 = arith.cmpi sgt, %add3A_370, %sign3A_378 : i32
        %sign3A_380 = arith.extui %sign3A_379 : i1 to i32
        %sign3A_381 = arith.constant 0 : i32
        %sign3A_382 = arith.cmpi slt, %add3A_370, %sign3A_381 : i32
        %sign3A_383 = arith.extui %sign3A_382 : i1 to i32
        %sign3A_384 = arith.subi %sign3A_380, %sign3A_383 : i32
        %sign3A_385 = arith.constant 0 : i32
        %sign3A_386 = arith.cmpi sgt, %jit3A_376, %sign3A_385 : i32
        %sign3A_387 = arith.extui %sign3A_386 : i1 to i32
        %sign3A_388 = arith.constant 0 : i32
        %sign3A_389 = arith.cmpi slt, %jit3A_376, %sign3A_388 : i32
        %sign3A_390 = arith.extui %sign3A_389 : i1 to i32
        %sign3A_391 = arith.subi %sign3A_387, %sign3A_390 : i32
        %ne3A_392 = arith.cmpi ne, %sign3A_384, %sign3A_391 : i32
        %rem3A_393 = arith.remsi %add3A_370, %jit3A_376 : i32
        %ne3A_394 = arith.constant 0 : i32
        %ne3A_395 = arith.cmpi ne, %rem3A_393, %ne3A_394 : i32
        %and3A_396 = arith.andi %ne3A_392, %ne3A_395 : i1
        %sub3A_397 = arith.constant 1 : i32
        %sub3A_398 = arith.subi %div3A_377, %sub3A_397 : i32
        %select_n3A_399 = arith.select %and3A_396, %sub3A_398, %div3A_377 : i32
        %mul3A_400 = arith.constant 2 : i32
        %mul3A_401 = arith.muli %mul3A_400, %select_n3A_399 : i32
        %sub3A_402 = arith.subi %add3A_370, %mul3A_401 : i32
        %jit3A_403 = arith.constant 2 : i32
        %div3A_404 = arith.divsi %add3A_370, %jit3A_403 : i32
        %sign3A_405 = arith.constant 0 : i32
        %sign3A_406 = arith.cmpi sgt, %add3A_370, %sign3A_405 : i32
        %sign3A_407 = arith.extui %sign3A_406 : i1 to i32
        %sign3A_408 = arith.constant 0 : i32
        %sign3A_409 = arith.cmpi slt, %add3A_370, %sign3A_408 : i32
        %sign3A_410 = arith.extui %sign3A_409 : i1 to i32
        %sign3A_411 = arith.subi %sign3A_407, %sign3A_410 : i32
        %sign3A_412 = arith.constant 0 : i32
        %sign3A_413 = arith.cmpi sgt, %jit3A_403, %sign3A_412 : i32
        %sign3A_414 = arith.extui %sign3A_413 : i1 to i32
        %sign3A_415 = arith.constant 0 : i32
        %sign3A_416 = arith.cmpi slt, %jit3A_403, %sign3A_415 : i32
        %sign3A_417 = arith.extui %sign3A_416 : i1 to i32
        %sign3A_418 = arith.subi %sign3A_414, %sign3A_417 : i32
        %ne3A_419 = arith.cmpi ne, %sign3A_411, %sign3A_418 : i32
        %rem3A_420 = arith.remsi %add3A_370, %jit3A_403 : i32
        %ne3A_421 = arith.constant 0 : i32
        %ne3A_422 = arith.cmpi ne, %rem3A_420, %ne3A_421 : i32
        %and3A_423 = arith.andi %ne3A_419, %ne3A_422 : i1
        %sub3A_424 = arith.constant 1 : i32
        %sub3A_425 = arith.subi %div3A_404, %sub3A_424 : i32
        %select_n3A_426 = arith.select %and3A_423, %sub3A_425, %div3A_404 : i32
        %dma_wait3A_427 = arith.constant 1 : i32
        %dma_wait3A_428 = arith.constant 1 : i32
        %dma_wait3A_429 = arith.constant 0 : i32
        %dma_wait3A_430 = arith.constant 0 : i32
        %dma_wait3A_431 = tpu.memref_slice %run_scoped3A_2[%dma_wait3A_427, %dma_wait3A_429, %dma_wait3A_430] : memref<4x100x64xf32, #tpu.memory_space<vmem>> -> memref<1x100x64xf32, #tpu.memory_space<vmem>>
        %dma_wait3A_432 = tpu.memref_squeeze %dma_wait3A_431 : memref<1x100x64xf32, #tpu.memory_space<vmem>> -> memref<100x64xf32, #tpu.memory_space<vmem>>
        %dma_wait3A_433 = arith.constant 0 : i32
        %dma_wait3A_434 = tpu.memref_slice %arg9[%select_n3A_426, %sub3A_402, %dma_wait3A_433] : memref<128x2x100xi32, #tpu.memory_space<vmem>> -> memref<1x1x100xi32, #tpu.memory_space<vmem>>
        %dma_wait3A_435 = tpu.memref_squeeze %dma_wait3A_434 : memref<1x1x100xi32, #tpu.memory_space<vmem>> -> memref<100xi32, #tpu.memory_space<vmem>>
        %dma_wait3A_436 = arith.constant 0 : i32
        %dma_wait3A_437 = arith.constant 0 : i32
        %dma_wait3A_438 = tpu.memref_slice %arg4[%dma_wait3A_436, %dma_wait3A_437] : memref<1000000x64xf32, #tpu.memory_space<hbm>> -> memref<1000000x64xf32, #tpu.memory_space<hbm>>
        %dma_wait3A_439 = tpu.memref_slice %arg11[%dma_wait3A_428] : memref<4x!tpu.dma_semaphore, #tpu.memory_space<semaphore_mem>> -> memref<1x!tpu.dma_semaphore, #tpu.memory_space<semaphore_mem>>
        %dma_wait3A_440 = tpu.memref_squeeze %dma_wait3A_439 : memref<1x!tpu.dma_semaphore, #tpu.memory_space<semaphore_mem>> -> memref<!tpu.dma_semaphore, #tpu.memory_space<semaphore_mem>>
        tpu.wait_indirect_dma semaphore(%dma_wait3A_440 : memref<!tpu.dma_semaphore, #tpu.memory_space<semaphore_mem>>) src(%dma_wait3A_438 : memref<1000000x64xf32, #tpu.memory_space<hbm>>) dst(%dma_wait3A_432 : memref<100x64xf32, #tpu.memory_space<vmem>>)
        %jit3A_441 = arith.constant 2 : i32
        %div3A_442 = arith.divsi %add3A_370, %jit3A_441 : i32
        %sign3A_443 = arith.constant 0 : i32
        %sign3A_444 = arith.cmpi sgt, %add3A_370, %sign3A_443 : i32
        %sign3A_445 = arith.extui %sign3A_444 : i1 to i32
        %sign3A_446 = arith.constant 0 : i32
        %sign3A_447 = arith.cmpi slt, %add3A_370, %sign3A_446 : i32
        %sign3A_448 = arith.extui %sign3A_447 : i1 to i32
        %sign3A_449 = arith.subi %sign3A_445, %sign3A_448 : i32
        %sign3A_450 = arith.constant 0 : i32
        %sign3A_451 = arith.cmpi sgt, %jit3A_441, %sign3A_450 : i32
        %sign3A_452 = arith.extui %sign3A_451 : i1 to i32
        %sign3A_453 = arith.constant 0 : i32
        %sign3A_454 = arith.cmpi slt, %jit3A_441, %sign3A_453 : i32
        %sign3A_455 = arith.extui %sign3A_454 : i1 to i32
        %sign3A_456 = arith.subi %sign3A_452, %sign3A_455 : i32
        %ne3A_457 = arith.cmpi ne, %sign3A_449, %sign3A_456 : i32
        %rem3A_458 = arith.remsi %add3A_370, %jit3A_441 : i32
        %ne3A_459 = arith.constant 0 : i32
        %ne3A_460 = arith.cmpi ne, %rem3A_458, %ne3A_459 : i32
        %and3A_461 = arith.andi %ne3A_457, %ne3A_460 : i1
        %sub3A_462 = arith.constant 1 : i32
        %sub3A_463 = arith.subi %div3A_442, %sub3A_462 : i32
        %select_n3A_464 = arith.select %and3A_461, %sub3A_463, %div3A_442 : i32
        %broadcast_in_dim3A_465 = vector.broadcast %select_n3A_464 : i32 to vector<16xi32>
        %gather3A_466 = tpu.vector_load_idx %run_scoped3A[%broadcast_in_dim3A_465, %add3A_13] : memref<128x64xf32, #tpu.memory_space<vmem>>[vector<16xi32>, vector<16xi32>], vector<16xf32>,
        %gather3A_467 = tpu.vector_load_idx %run_scoped3A[%broadcast_in_dim3A_465, %add3A_16] : memref<128x64xf32, #tpu.memory_space<vmem>>[vector<16xi32>, vector<16xi32>], vector<16xf32>,
        %gather3A_468 = tpu.vector_load_idx %run_scoped3A[%broadcast_in_dim3A_465, %add3A_19] : memref<128x64xf32, #tpu.memory_space<vmem>>[vector<16xi32>, vector<16xi32>], vector<16xf32>,
        %gather3A_469 = tpu.vector_load_idx %run_scoped3A[%broadcast_in_dim3A_465, %add3A_22] : memref<128x64xf32, #tpu.memory_space<vmem>>[vector<16xi32>, vector<16xi32>], vector<16xf32>,
        %broadcast_in_dim3A_470 = arith.constant 1 : i32
        %broadcast_in_dim3A_471 = vector.broadcast %broadcast_in_dim3A_470 : i32 to vector<16xi32>
        %scan3A_472 = arith.constant 0 : i32
        %scan3A_473 = arith.constant 100 : i32
        %scan3A_474 = arith.addi %scan3A_472, %scan3A_473 : i32
        %scan3A_475 = arith.constant 4 : i32
        scf.for %scan3A_934 = %scan3A_472 to %scan3A_474 step %scan3A_475  : i32 {
          %mul3A_935 = arith.constant 1 : i32
          %mul3A_936 = arith.muli %scan3A_934, %mul3A_935 : i32
          %add3A_937 = arith.constant 0 : i32
          %add3A_938 = arith.addi %add3A_937, %mul3A_936 : i32
          %broadcast_in_dim3A_939 = vector.broadcast %add3A_938 : i32 to vector<16xi32>
          %gather3A_940 = tpu.vector_load_idx %run_scoped3A_2[%broadcast_in_dim3A_471, %broadcast_in_dim3A_939, %add3A_13] : memref<4x100x64xf32, #tpu.memory_space<vmem>>[vector<16xi32>, vector<16xi32>, vector<16xi32>], vector<16xf32>,
          %add3A_941 = arith.addf %gather3A_940, %gather3A_466 : vector<16xf32>
          %gather3A_942 = tpu.vector_load_idx %run_scoped3A_2[%broadcast_in_dim3A_471, %broadcast_in_dim3A_939, %add3A_16] : memref<4x100x64xf32, #tpu.memory_space<vmem>>[vector<16xi32>, vector<16xi32>, vector<16xi32>], vector<16xf32>,
          %add3A_943 = arith.addf %gather3A_942, %gather3A_467 : vector<16xf32>
          %gather3A_944 = tpu.vector_load_idx %run_scoped3A_2[%broadcast_in_dim3A_471, %broadcast_in_dim3A_939, %add3A_19] : memref<4x100x64xf32, #tpu.memory_space<vmem>>[vector<16xi32>, vector<16xi32>, vector<16xi32>], vector<16xf32>,
          %add3A_945 = arith.addf %gather3A_944, %gather3A_468 : vector<16xf32>
          %gather3A_946 = tpu.vector_load_idx %run_scoped3A_2[%broadcast_in_dim3A_471, %broadcast_in_dim3A_939, %add3A_22] : memref<4x100x64xf32, #tpu.memory_space<vmem>>[vector<16xi32>, vector<16xi32>, vector<16xi32>], vector<16xf32>,
          %add3A_947 = arith.addf %gather3A_946, %gather3A_469 : vector<16xf32>
          %add3A_948 = arith.addf %add3A_941, %add3A_943 : vector<16xf32>
          %add3A_949 = arith.addf %add3A_945, %add3A_947 : vector<16xf32>
          %add3A_950 = arith.addf %add3A_948, %add3A_949 : vector<16xf32>
          %mul3A_951 = arith.mulf %add3A_941, %add3A_941 : vector<16xf32>
          %mul3A_952 = arith.mulf %add3A_943, %add3A_943 : vector<16xf32>
          %add3A_953 = arith.addf %mul3A_951, %mul3A_952 : vector<16xf32>
          %mul3A_954 = arith.mulf %add3A_945, %add3A_945 : vector<16xf32>
          %mul3A_955 = arith.mulf %add3A_947, %add3A_947 : vector<16xf32>
          %add3A_956 = arith.addf %mul3A_954, %mul3A_955 : vector<16xf32>
          %add3A_957 = arith.addf %add3A_953, %add3A_956 : vector<16xf32>
          %reduce_sum3A = arith.constant true
          %reduce_sum3A_958 = vector.broadcast %reduce_sum3A : i1 to vector<16xi1>
          %reduce_sum3A_959 = tpu.scan <sum>, %add3A_950 masked %reduce_sum3A_958 : vector<16xf32>, vector<16xi1> -> vector<16xf32>
          %reduce_sum3A_960 = vector.extract %reduce_sum3A_959[15] : f32 from vector<16xf32>
          %broadcast_in_dim3A_961 = vector.broadcast %reduce_sum3A_960 : f32 to vector<16xf32>
          %mul3A_962 = arith.constant 1.562500e-02 : f32
          %mul3A_963 = vector.broadcast %mul3A_962 : f32 to vector<16xf32>
          %mul3A_964 = arith.mulf %broadcast_in_dim3A_961, %mul3A_963 : vector<16xf32>
          %reduce_sum3A_965 = arith.constant true
          %reduce_sum3A_966 = vector.broadcast %reduce_sum3A_965 : i1 to vector<16xi1>
          %reduce_sum3A_967 = tpu.scan <sum>, %add3A_957 masked %reduce_sum3A_966 : vector<16xf32>, vector<16xi1> -> vector<16xf32>
          %reduce_sum3A_968 = vector.extract %reduce_sum3A_967[15] : f32 from vector<16xf32>
          %broadcast_in_dim3A_969 = vector.broadcast %reduce_sum3A_968 : f32 to vector<16xf32>
          %mul3A_970 = arith.constant 1.562500e-02 : f32
          %mul3A_971 = vector.broadcast %mul3A_970 : f32 to vector<16xf32>
          %mul3A_972 = arith.mulf %broadcast_in_dim3A_969, %mul3A_971 : vector<16xf32>
          %mul3A_973 = arith.mulf %mul3A_964, %mul3A_964 : vector<16xf32>
          %sub3A_974 = arith.subf %mul3A_972, %mul3A_973 : vector<16xf32>
          %add3A_975 = arith.constant 9.99999974E-6 : f32
          %add3A_976 = vector.broadcast %add3A_975 : f32 to vector<16xf32>
          %add3A_977 = arith.addf %sub3A_974, %add3A_976 : vector<16xf32>
          %bitcast_convert_type3A = tpu.bitcast %add3A_977 : vector<16xf32> -> vector<16xi32>
          %shift_right_arithmetic3A = arith.constant 1 : i32
          %shift_right_arithmetic3A_978 = vector.broadcast %shift_right_arithmetic3A : i32 to vector<16xi32>
          %shift_right_arithmetic3A_979 = arith.shrsi %bitcast_convert_type3A, %shift_right_arithmetic3A_978 : vector<16xi32>
          %sub3A_980 = arith.constant 1597463007 : i32
          %sub3A_981 = vector.broadcast %sub3A_980 : i32 to vector<16xi32>
          %sub3A_982 = arith.subi %sub3A_981, %shift_right_arithmetic3A_979 : vector<16xi32>
          %bitcast_convert_type3A_983 = tpu.bitcast %sub3A_982 : vector<16xi32> -> vector<16xf32>
          %mul3A_984 = arith.constant 5.000000e-01 : f32
          %mul3A_985 = vector.broadcast %mul3A_984 : f32 to vector<16xf32>
          %mul3A_986 = arith.mulf %add3A_977, %mul3A_985 : vector<16xf32>
          %mul3A_987 = arith.mulf %mul3A_986, %bitcast_convert_type3A_983 : vector<16xf32>
          %mul3A_988 = arith.mulf %mul3A_987, %bitcast_convert_type3A_983 : vector<16xf32>
          %sub3A_989 = arith.constant 1.500000e+00 : f32
          %sub3A_990 = vector.broadcast %sub3A_989 : f32 to vector<16xf32>
          %sub3A_991 = arith.subf %sub3A_990, %mul3A_988 : vector<16xf32>
          %mul3A_992 = arith.mulf %bitcast_convert_type3A_983, %sub3A_991 : vector<16xf32>
          %mul3A_993 = arith.mulf %mul3A_986, %mul3A_992 : vector<16xf32>
          %mul3A_994 = arith.mulf %mul3A_993, %mul3A_992 : vector<16xf32>
          %sub3A_995 = arith.constant 1.500000e+00 : f32
          %sub3A_996 = vector.broadcast %sub3A_995 : f32 to vector<16xf32>
          %sub3A_997 = arith.subf %sub3A_996, %mul3A_994 : vector<16xf32>
          %mul3A_998 = arith.mulf %mul3A_992, %sub3A_997 : vector<16xf32>
          %mul3A_999 = arith.mulf %gather3A, %mul3A_998 : vector<16xf32>
          %sub3A_1000 = arith.subf %add3A_941, %mul3A_964 : vector<16xf32>
          %mul3A_1001 = arith.mulf %sub3A_1000, %mul3A_999 : vector<16xf32>
          %add3A_1002 = arith.addf %mul3A_1001, %gather3A_26 : vector<16xf32>
          tpu.vector_store_idx %run_scoped3A_3[%broadcast_in_dim3A_471, %broadcast_in_dim3A_939, %add3A_13], %add3A_1002 : memref<4x100x64xf32, #tpu.memory_space<vmem>>[vector<16xi32>, vector<16xi32>, vector<16xi32>], vector<16xf32>,
          %mul3A_1003 = arith.mulf %gather3A_23, %mul3A_998 : vector<16xf32>
          %sub3A_1004 = arith.subf %add3A_943, %mul3A_964 : vector<16xf32>
          %mul3A_1005 = arith.mulf %sub3A_1004, %mul3A_1003 : vector<16xf32>
          %add3A_1006 = arith.addf %mul3A_1005, %gather3A_27 : vector<16xf32>
          tpu.vector_store_idx %run_scoped3A_3[%broadcast_in_dim3A_471, %broadcast_in_dim3A_939, %add3A_16], %add3A_1006 : memref<4x100x64xf32, #tpu.memory_space<vmem>>[vector<16xi32>, vector<16xi32>, vector<16xi32>], vector<16xf32>,
          %mul3A_1007 = arith.mulf %gather3A_24, %mul3A_998 : vector<16xf32>
          %sub3A_1008 = arith.subf %add3A_945, %mul3A_964 : vector<16xf32>
          %mul3A_1009 = arith.mulf %sub3A_1008, %mul3A_1007 : vector<16xf32>
          %add3A_1010 = arith.addf %mul3A_1009, %gather3A_28 : vector<16xf32>
          tpu.vector_store_idx %run_scoped3A_3[%broadcast_in_dim3A_471, %broadcast_in_dim3A_939, %add3A_19], %add3A_1010 : memref<4x100x64xf32, #tpu.memory_space<vmem>>[vector<16xi32>, vector<16xi32>, vector<16xi32>], vector<16xf32>,
          %mul3A_1011 = arith.mulf %gather3A_25, %mul3A_998 : vector<16xf32>
          %sub3A_1012 = arith.subf %add3A_947, %mul3A_964 : vector<16xf32>
          %mul3A_1013 = arith.mulf %sub3A_1012, %mul3A_1011 : vector<16xf32>
          %add3A_1014 = arith.addf %mul3A_1013, %gather3A_29 : vector<16xf32>
          tpu.vector_store_idx %run_scoped3A_3[%broadcast_in_dim3A_471, %broadcast_in_dim3A_939, %add3A_22], %add3A_1014 : memref<4x100x64xf32, #tpu.memory_space<vmem>>[vector<16xi32>, vector<16xi32>, vector<16xi32>], vector<16xf32>,
          %scan3A_1015 = arith.constant 1 : i32
          %scan3A_1016 = arith.addi %scan3A_934, %scan3A_1015 : i32
          %mul3A_1017 = arith.constant 1 : i32
          %mul3A_1018 = arith.muli %scan3A_1016, %mul3A_1017 : i32
          %add3A_1019 = arith.constant 0 : i32
          %add3A_1020 = arith.addi %add3A_1019, %mul3A_1018 : i32
          %broadcast_in_dim3A_1021 = vector.broadcast %add3A_1020 : i32 to vector<16xi32>
          %gather3A_1022 = tpu.vector_load_idx %run_scoped3A_2[%broadcast_in_dim3A_471, %broadcast_in_dim3A_1021, %add3A_13] : memref<4x100x64xf32, #tpu.memory_space<vmem>>[vector<16xi32>, vector<16xi32>, vector<16xi32>], vector<16xf32>,
          %add3A_1023 = arith.addf %gather3A_1022, %gather3A_466 : vector<16xf32>
          %gather3A_1024 = tpu.vector_load_idx %run_scoped3A_2[%broadcast_in_dim3A_471, %broadcast_in_dim3A_1021, %add3A_16] : memref<4x100x64xf32, #tpu.memory_space<vmem>>[vector<16xi32>, vector<16xi32>, vector<16xi32>], vector<16xf32>,
          %add3A_1025 = arith.addf %gather3A_1024, %gather3A_467 : vector<16xf32>
          %gather3A_1026 = tpu.vector_load_idx %run_scoped3A_2[%broadcast_in_dim3A_471, %broadcast_in_dim3A_1021, %add3A_19] : memref<4x100x64xf32, #tpu.memory_space<vmem>>[vector<16xi32>, vector<16xi32>, vector<16xi32>], vector<16xf32>,
          %add3A_1027 = arith.addf %gather3A_1026, %gather3A_468 : vector<16xf32>
          %gather3A_1028 = tpu.vector_load_idx %run_scoped3A_2[%broadcast_in_dim3A_471, %broadcast_in_dim3A_1021, %add3A_22] : memref<4x100x64xf32, #tpu.memory_space<vmem>>[vector<16xi32>, vector<16xi32>, vector<16xi32>], vector<16xf32>,
          %add3A_1029 = arith.addf %gather3A_1028, %gather3A_469 : vector<16xf32>
          %add3A_1030 = arith.addf %add3A_1023, %add3A_1025 : vector<16xf32>
          %add3A_1031 = arith.addf %add3A_1027, %add3A_1029 : vector<16xf32>
          %add3A_1032 = arith.addf %add3A_1030, %add3A_1031 : vector<16xf32>
          %mul3A_1033 = arith.mulf %add3A_1023, %add3A_1023 : vector<16xf32>
          %mul3A_1034 = arith.mulf %add3A_1025, %add3A_1025 : vector<16xf32>
          %add3A_1035 = arith.addf %mul3A_1033, %mul3A_1034 : vector<16xf32>
          %mul3A_1036 = arith.mulf %add3A_1027, %add3A_1027 : vector<16xf32>
          %mul3A_1037 = arith.mulf %add3A_1029, %add3A_1029 : vector<16xf32>
          %add3A_1038 = arith.addf %mul3A_1036, %mul3A_1037 : vector<16xf32>
          %add3A_1039 = arith.addf %add3A_1035, %add3A_1038 : vector<16xf32>
          %reduce_sum3A_1040 = arith.constant true
          %reduce_sum3A_1041 = vector.broadcast %reduce_sum3A_1040 : i1 to vector<16xi1>
          %reduce_sum3A_1042 = tpu.scan <sum>, %add3A_1032 masked %reduce_sum3A_1041 : vector<16xf32>, vector<16xi1> -> vector<16xf32>
          %reduce_sum3A_1043 = vector.extract %reduce_sum3A_1042[15] : f32 from vector<16xf32>
          %broadcast_in_dim3A_1044 = vector.broadcast %reduce_sum3A_1043 : f32 to vector<16xf32>
          %mul3A_1045 = arith.constant 1.562500e-02 : f32
          %mul3A_1046 = vector.broadcast %mul3A_1045 : f32 to vector<16xf32>
          %mul3A_1047 = arith.mulf %broadcast_in_dim3A_1044, %mul3A_1046 : vector<16xf32>
          %reduce_sum3A_1048 = arith.constant true
          %reduce_sum3A_1049 = vector.broadcast %reduce_sum3A_1048 : i1 to vector<16xi1>
          %reduce_sum3A_1050 = tpu.scan <sum>, %add3A_1039 masked %reduce_sum3A_1049 : vector<16xf32>, vector<16xi1> -> vector<16xf32>
          %reduce_sum3A_1051 = vector.extract %reduce_sum3A_1050[15] : f32 from vector<16xf32>
          %broadcast_in_dim3A_1052 = vector.broadcast %reduce_sum3A_1051 : f32 to vector<16xf32>
          %mul3A_1053 = arith.constant 1.562500e-02 : f32
          %mul3A_1054 = vector.broadcast %mul3A_1053 : f32 to vector<16xf32>
          %mul3A_1055 = arith.mulf %broadcast_in_dim3A_1052, %mul3A_1054 : vector<16xf32>
          %mul3A_1056 = arith.mulf %mul3A_1047, %mul3A_1047 : vector<16xf32>
          %sub3A_1057 = arith.subf %mul3A_1055, %mul3A_1056 : vector<16xf32>
          %add3A_1058 = arith.constant 9.99999974E-6 : f32
          %add3A_1059 = vector.broadcast %add3A_1058 : f32 to vector<16xf32>
          %add3A_1060 = arith.addf %sub3A_1057, %add3A_1059 : vector<16xf32>
          %bitcast_convert_type3A_1061 = tpu.bitcast %add3A_1060 : vector<16xf32> -> vector<16xi32>
          %shift_right_arithmetic3A_1062 = arith.constant 1 : i32
          %shift_right_arithmetic3A_1063 = vector.broadcast %shift_right_arithmetic3A_1062 : i32 to vector<16xi32>
          %shift_right_arithmetic3A_1064 = arith.shrsi %bitcast_convert_type3A_1061, %shift_right_arithmetic3A_1063 : vector<16xi32>
          %sub3A_1065 = arith.constant 1597463007 : i32
          %sub3A_1066 = vector.broadcast %sub3A_1065 : i32 to vector<16xi32>
          %sub3A_1067 = arith.subi %sub3A_1066, %shift_right_arithmetic3A_1064 : vector<16xi32>
          %bitcast_convert_type3A_1068 = tpu.bitcast %sub3A_1067 : vector<16xi32> -> vector<16xf32>
          %mul3A_1069 = arith.constant 5.000000e-01 : f32
          %mul3A_1070 = vector.broadcast %mul3A_1069 : f32 to vector<16xf32>
          %mul3A_1071 = arith.mulf %add3A_1060, %mul3A_1070 : vector<16xf32>
          %mul3A_1072 = arith.mulf %mul3A_1071, %bitcast_convert_type3A_1068 : vector<16xf32>
          %mul3A_1073 = arith.mulf %mul3A_1072, %bitcast_convert_type3A_1068 : vector<16xf32>
          %sub3A_1074 = arith.constant 1.500000e+00 : f32
          %sub3A_1075 = vector.broadcast %sub3A_1074 : f32 to vector<16xf32>
          %sub3A_1076 = arith.subf %sub3A_1075, %mul3A_1073 : vector<16xf32>
          %mul3A_1077 = arith.mulf %bitcast_convert_type3A_1068, %sub3A_1076 : vector<16xf32>
          %mul3A_1078 = arith.mulf %mul3A_1071, %mul3A_1077 : vector<16xf32>
          %mul3A_1079 = arith.mulf %mul3A_1078, %mul3A_1077 : vector<16xf32>
          %sub3A_1080 = arith.constant 1.500000e+00 : f32
          %sub3A_1081 = vector.broadcast %sub3A_1080 : f32 to vector<16xf32>
          %sub3A_1082 = arith.subf %sub3A_1081, %mul3A_1079 : vector<16xf32>
          %mul3A_1083 = arith.mulf %mul3A_1077, %sub3A_1082 : vector<16xf32>
          %mul3A_1084 = arith.mulf %gather3A, %mul3A_1083 : vector<16xf32>
          %sub3A_1085 = arith.subf %add3A_1023, %mul3A_1047 : vector<16xf32>
          %mul3A_1086 = arith.mulf %sub3A_1085, %mul3A_1084 : vector<16xf32>
          %add3A_1087 = arith.addf %mul3A_1086, %gather3A_26 : vector<16xf32>
          tpu.vector_store_idx %run_scoped3A_3[%broadcast_in_dim3A_471, %broadcast_in_dim3A_1021, %add3A_13], %add3A_1087 : memref<4x100x64xf32, #tpu.memory_space<vmem>>[vector<16xi32>, vector<16xi32>, vector<16xi32>], vector<16xf32>,
          %mul3A_1088 = arith.mulf %gather3A_23, %mul3A_1083 : vector<16xf32>
          %sub3A_1089 = arith.subf %add3A_1025, %mul3A_1047 : vector<16xf32>
          %mul3A_1090 = arith.mulf %sub3A_1089, %mul3A_1088 : vector<16xf32>
          %add3A_1091 = arith.addf %mul3A_1090, %gather3A_27 : vector<16xf32>
          tpu.vector_store_idx %run_scoped3A_3[%broadcast_in_dim3A_471, %broadcast_in_dim3A_1021, %add3A_16], %add3A_1091 : memref<4x100x64xf32, #tpu.memory_space<vmem>>[vector<16xi32>, vector<16xi32>, vector<16xi32>], vector<16xf32>,
          %mul3A_1092 = arith.mulf %gather3A_24, %mul3A_1083 : vector<16xf32>
          %sub3A_1093 = arith.subf %add3A_1027, %mul3A_1047 : vector<16xf32>
          %mul3A_1094 = arith.mulf %sub3A_1093, %mul3A_1092 : vector<16xf32>
          %add3A_1095 = arith.addf %mul3A_1094, %gather3A_28 : vector<16xf32>
          tpu.vector_store_idx %run_scoped3A_3[%broadcast_in_dim3A_471, %broadcast_in_dim3A_1021, %add3A_19], %add3A_1095 : memref<4x100x64xf32, #tpu.memory_space<vmem>>[vector<16xi32>, vector<16xi32>, vector<16xi32>], vector<16xf32>,
          %mul3A_1096 = arith.mulf %gather3A_25, %mul3A_1083 : vector<16xf32>
          %sub3A_1097 = arith.subf %add3A_1029, %mul3A_1047 : vector<16xf32>
          %mul3A_1098 = arith.mulf %sub3A_1097, %mul3A_1096 : vector<16xf32>
          %add3A_1099 = arith.addf %mul3A_1098, %gather3A_29 : vector<16xf32>
          tpu.vector_store_idx %run_scoped3A_3[%broadcast_in_dim3A_471, %broadcast_in_dim3A_1021, %add3A_22], %add3A_1099 : memref<4x100x64xf32, #tpu.memory_space<vmem>>[vector<16xi32>, vector<16xi32>, vector<16xi32>], vector<16xf32>,
          %scan3A_1100 = arith.constant 2 : i32
          %scan3A_1101 = arith.addi %scan3A_934, %scan3A_1100 : i32
          %mul3A_1102 = arith.constant 1 : i32
          %mul3A_1103 = arith.muli %scan3A_1101, %mul3A_1102 : i32
          %add3A_1104 = arith.constant 0 : i32
          %add3A_1105 = arith.addi %add3A_1104, %mul3A_1103 : i32
          %broadcast_in_dim3A_1106 = vector.broadcast %add3A_1105 : i32 to vector<16xi32>
          %gather3A_1107 = tpu.vector_load_idx %run_scoped3A_2[%broadcast_in_dim3A_471, %broadcast_in_dim3A_1106, %add3A_13] : memref<4x100x64xf32, #tpu.memory_space<vmem>>[vector<16xi32>, vector<16xi32>, vector<16xi32>], vector<16xf32>,
          %add3A_1108 = arith.addf %gather3A_1107, %gather3A_466 : vector<16xf32>
          %gather3A_1109 = tpu.vector_load_idx %run_scoped3A_2[%broadcast_in_dim3A_471, %broadcast_in_dim3A_1106, %add3A_16] : memref<4x100x64xf32, #tpu.memory_space<vmem>>[vector<16xi32>, vector<16xi32>, vector<16xi32>], vector<16xf32>,
          %add3A_1110 = arith.addf %gather3A_1109, %gather3A_467 : vector<16xf32>
          %gather3A_1111 = tpu.vector_load_idx %run_scoped3A_2[%broadcast_in_dim3A_471, %broadcast_in_dim3A_1106, %add3A_19] : memref<4x100x64xf32, #tpu.memory_space<vmem>>[vector<16xi32>, vector<16xi32>, vector<16xi32>], vector<16xf32>,
          %add3A_1112 = arith.addf %gather3A_1111, %gather3A_468 : vector<16xf32>
          %gather3A_1113 = tpu.vector_load_idx %run_scoped3A_2[%broadcast_in_dim3A_471, %broadcast_in_dim3A_1106, %add3A_22] : memref<4x100x64xf32, #tpu.memory_space<vmem>>[vector<16xi32>, vector<16xi32>, vector<16xi32>], vector<16xf32>,
          %add3A_1114 = arith.addf %gather3A_1113, %gather3A_469 : vector<16xf32>
          %add3A_1115 = arith.addf %add3A_1108, %add3A_1110 : vector<16xf32>
          %add3A_1116 = arith.addf %add3A_1112, %add3A_1114 : vector<16xf32>
          %add3A_1117 = arith.addf %add3A_1115, %add3A_1116 : vector<16xf32>
          %mul3A_1118 = arith.mulf %add3A_1108, %add3A_1108 : vector<16xf32>
          %mul3A_1119 = arith.mulf %add3A_1110, %add3A_1110 : vector<16xf32>
          %add3A_1120 = arith.addf %mul3A_1118, %mul3A_1119 : vector<16xf32>
          %mul3A_1121 = arith.mulf %add3A_1112, %add3A_1112 : vector<16xf32>
          %mul3A_1122 = arith.mulf %add3A_1114, %add3A_1114 : vector<16xf32>
          %add3A_1123 = arith.addf %mul3A_1121, %mul3A_1122 : vector<16xf32>
          %add3A_1124 = arith.addf %add3A_1120, %add3A_1123 : vector<16xf32>
          %reduce_sum3A_1125 = arith.constant true
          %reduce_sum3A_1126 = vector.broadcast %reduce_sum3A_1125 : i1 to vector<16xi1>
          %reduce_sum3A_1127 = tpu.scan <sum>, %add3A_1117 masked %reduce_sum3A_1126 : vector<16xf32>, vector<16xi1> -> vector<16xf32>
          %reduce_sum3A_1128 = vector.extract %reduce_sum3A_1127[15] : f32 from vector<16xf32>
          %broadcast_in_dim3A_1129 = vector.broadcast %reduce_sum3A_1128 : f32 to vector<16xf32>
          %mul3A_1130 = arith.constant 1.562500e-02 : f32
          %mul3A_1131 = vector.broadcast %mul3A_1130 : f32 to vector<16xf32>
          %mul3A_1132 = arith.mulf %broadcast_in_dim3A_1129, %mul3A_1131 : vector<16xf32>
          %reduce_sum3A_1133 = arith.constant true
          %reduce_sum3A_1134 = vector.broadcast %reduce_sum3A_1133 : i1 to vector<16xi1>
          %reduce_sum3A_1135 = tpu.scan <sum>, %add3A_1124 masked %reduce_sum3A_1134 : vector<16xf32>, vector<16xi1> -> vector<16xf32>
          %reduce_sum3A_1136 = vector.extract %reduce_sum3A_1135[15] : f32 from vector<16xf32>
          %broadcast_in_dim3A_1137 = vector.broadcast %reduce_sum3A_1136 : f32 to vector<16xf32>
          %mul3A_1138 = arith.constant 1.562500e-02 : f32
          %mul3A_1139 = vector.broadcast %mul3A_1138 : f32 to vector<16xf32>
          %mul3A_1140 = arith.mulf %broadcast_in_dim3A_1137, %mul3A_1139 : vector<16xf32>
          %mul3A_1141 = arith.mulf %mul3A_1132, %mul3A_1132 : vector<16xf32>
          %sub3A_1142 = arith.subf %mul3A_1140, %mul3A_1141 : vector<16xf32>
          %add3A_1143 = arith.constant 9.99999974E-6 : f32
          %add3A_1144 = vector.broadcast %add3A_1143 : f32 to vector<16xf32>
          %add3A_1145 = arith.addf %sub3A_1142, %add3A_1144 : vector<16xf32>
          %bitcast_convert_type3A_1146 = tpu.bitcast %add3A_1145 : vector<16xf32> -> vector<16xi32>
          %shift_right_arithmetic3A_1147 = arith.constant 1 : i32
          %shift_right_arithmetic3A_1148 = vector.broadcast %shift_right_arithmetic3A_1147 : i32 to vector<16xi32>
          %shift_right_arithmetic3A_1149 = arith.shrsi %bitcast_convert_type3A_1146, %shift_right_arithmetic3A_1148 : vector<16xi32>
          %sub3A_1150 = arith.constant 1597463007 : i32
          %sub3A_1151 = vector.broadcast %sub3A_1150 : i32 to vector<16xi32>
          %sub3A_1152 = arith.subi %sub3A_1151, %shift_right_arithmetic3A_1149 : vector<16xi32>
          %bitcast_convert_type3A_1153 = tpu.bitcast %sub3A_1152 : vector<16xi32> -> vector<16xf32>
          %mul3A_1154 = arith.constant 5.000000e-01 : f32
          %mul3A_1155 = vector.broadcast %mul3A_1154 : f32 to vector<16xf32>
          %mul3A_1156 = arith.mulf %add3A_1145, %mul3A_1155 : vector<16xf32>
          %mul3A_1157 = arith.mulf %mul3A_1156, %bitcast_convert_type3A_1153 : vector<16xf32>
          %mul3A_1158 = arith.mulf %mul3A_1157, %bitcast_convert_type3A_1153 : vector<16xf32>
          %sub3A_1159 = arith.constant 1.500000e+00 : f32
          %sub3A_1160 = vector.broadcast %sub3A_1159 : f32 to vector<16xf32>
          %sub3A_1161 = arith.subf %sub3A_1160, %mul3A_1158 : vector<16xf32>
          %mul3A_1162 = arith.mulf %bitcast_convert_type3A_1153, %sub3A_1161 : vector<16xf32>
          %mul3A_1163 = arith.mulf %mul3A_1156, %mul3A_1162 : vector<16xf32>
          %mul3A_1164 = arith.mulf %mul3A_1163, %mul3A_1162 : vector<16xf32>
          %sub3A_1165 = arith.constant 1.500000e+00 : f32
          %sub3A_1166 = vector.broadcast %sub3A_1165 : f32 to vector<16xf32>
          %sub3A_1167 = arith.subf %sub3A_1166, %mul3A_1164 : vector<16xf32>
          %mul3A_1168 = arith.mulf %mul3A_1162, %sub3A_1167 : vector<16xf32>
          %mul3A_1169 = arith.mulf %gather3A, %mul3A_1168 : vector<16xf32>
          %sub3A_1170 = arith.subf %add3A_1108, %mul3A_1132 : vector<16xf32>
          %mul3A_1171 = arith.mulf %sub3A_1170, %mul3A_1169 : vector<16xf32>
          %add3A_1172 = arith.addf %mul3A_1171, %gather3A_26 : vector<16xf32>
          tpu.vector_store_idx %run_scoped3A_3[%broadcast_in_dim3A_471, %broadcast_in_dim3A_1106, %add3A_13], %add3A_1172 : memref<4x100x64xf32, #tpu.memory_space<vmem>>[vector<16xi32>, vector<16xi32>, vector<16xi32>], vector<16xf32>,
          %mul3A_1173 = arith.mulf %gather3A_23, %mul3A_1168 : vector<16xf32>
          %sub3A_1174 = arith.subf %add3A_1110, %mul3A_1132 : vector<16xf32>
          %mul3A_1175 = arith.mulf %sub3A_1174, %mul3A_1173 : vector<16xf32>
          %add3A_1176 = arith.addf %mul3A_1175, %gather3A_27 : vector<16xf32>
          tpu.vector_store_idx %run_scoped3A_3[%broadcast_in_dim3A_471, %broadcast_in_dim3A_1106, %add3A_16], %add3A_1176 : memref<4x100x64xf32, #tpu.memory_space<vmem>>[vector<16xi32>, vector<16xi32>, vector<16xi32>], vector<16xf32>,
          %mul3A_1177 = arith.mulf %gather3A_24, %mul3A_1168 : vector<16xf32>
          %sub3A_1178 = arith.subf %add3A_1112, %mul3A_1132 : vector<16xf32>
          %mul3A_1179 = arith.mulf %sub3A_1178, %mul3A_1177 : vector<16xf32>
          %add3A_1180 = arith.addf %mul3A_1179, %gather3A_28 : vector<16xf32>
          tpu.vector_store_idx %run_scoped3A_3[%broadcast_in_dim3A_471, %broadcast_in_dim3A_1106, %add3A_19], %add3A_1180 : memref<4x100x64xf32, #tpu.memory_space<vmem>>[vector<16xi32>, vector<16xi32>, vector<16xi32>], vector<16xf32>,
          %mul3A_1181 = arith.mulf %gather3A_25, %mul3A_1168 : vector<16xf32>
          %sub3A_1182 = arith.subf %add3A_1114, %mul3A_1132 : vector<16xf32>
          %mul3A_1183 = arith.mulf %sub3A_1182, %mul3A_1181 : vector<16xf32>
          %add3A_1184 = arith.addf %mul3A_1183, %gather3A_29 : vector<16xf32>
          tpu.vector_store_idx %run_scoped3A_3[%broadcast_in_dim3A_471, %broadcast_in_dim3A_1106, %add3A_22], %add3A_1184 : memref<4x100x64xf32, #tpu.memory_space<vmem>>[vector<16xi32>, vector<16xi32>, vector<16xi32>], vector<16xf32>,
          %scan3A_1185 = arith.constant 3 : i32
          %scan3A_1186 = arith.addi %scan3A_934, %scan3A_1185 : i32
          %mul3A_1187 = arith.constant 1 : i32
          %mul3A_1188 = arith.muli %scan3A_1186, %mul3A_1187 : i32
          %add3A_1189 = arith.constant 0 : i32
          %add3A_1190 = arith.addi %add3A_1189, %mul3A_1188 : i32
          %broadcast_in_dim3A_1191 = vector.broadcast %add3A_1190 : i32 to vector<16xi32>
          %gather3A_1192 = tpu.vector_load_idx %run_scoped3A_2[%broadcast_in_dim3A_471, %broadcast_in_dim3A_1191, %add3A_13] : memref<4x100x64xf32, #tpu.memory_space<vmem>>[vector<16xi32>, vector<16xi32>, vector<16xi32>], vector<16xf32>,
          %add3A_1193 = arith.addf %gather3A_1192, %gather3A_466 : vector<16xf32>
          %gather3A_1194 = tpu.vector_load_idx %run_scoped3A_2[%broadcast_in_dim3A_471, %broadcast_in_dim3A_1191, %add3A_16] : memref<4x100x64xf32, #tpu.memory_space<vmem>>[vector<16xi32>, vector<16xi32>, vector<16xi32>], vector<16xf32>,
          %add3A_1195 = arith.addf %gather3A_1194, %gather3A_467 : vector<16xf32>
          %gather3A_1196 = tpu.vector_load_idx %run_scoped3A_2[%broadcast_in_dim3A_471, %broadcast_in_dim3A_1191, %add3A_19] : memref<4x100x64xf32, #tpu.memory_space<vmem>>[vector<16xi32>, vector<16xi32>, vector<16xi32>], vector<16xf32>,
          %add3A_1197 = arith.addf %gather3A_1196, %gather3A_468 : vector<16xf32>
          %gather3A_1198 = tpu.vector_load_idx %run_scoped3A_2[%broadcast_in_dim3A_471, %broadcast_in_dim3A_1191, %add3A_22] : memref<4x100x64xf32, #tpu.memory_space<vmem>>[vector<16xi32>, vector<16xi32>, vector<16xi32>], vector<16xf32>,
          %add3A_1199 = arith.addf %gather3A_1198, %gather3A_469 : vector<16xf32>
          %add3A_1200 = arith.addf %add3A_1193, %add3A_1195 : vector<16xf32>
          %add3A_1201 = arith.addf %add3A_1197, %add3A_1199 : vector<16xf32>
          %add3A_1202 = arith.addf %add3A_1200, %add3A_1201 : vector<16xf32>
          %mul3A_1203 = arith.mulf %add3A_1193, %add3A_1193 : vector<16xf32>
          %mul3A_1204 = arith.mulf %add3A_1195, %add3A_1195 : vector<16xf32>
          %add3A_1205 = arith.addf %mul3A_1203, %mul3A_1204 : vector<16xf32>
          %mul3A_1206 = arith.mulf %add3A_1197, %add3A_1197 : vector<16xf32>
          %mul3A_1207 = arith.mulf %add3A_1199, %add3A_1199 : vector<16xf32>
          %add3A_1208 = arith.addf %mul3A_1206, %mul3A_1207 : vector<16xf32>
          %add3A_1209 = arith.addf %add3A_1205, %add3A_1208 : vector<16xf32>
          %reduce_sum3A_1210 = arith.constant true
          %reduce_sum3A_1211 = vector.broadcast %reduce_sum3A_1210 : i1 to vector<16xi1>
          %reduce_sum3A_1212 = tpu.scan <sum>, %add3A_1202 masked %reduce_sum3A_1211 : vector<16xf32>, vector<16xi1> -> vector<16xf32>
          %reduce_sum3A_1213 = vector.extract %reduce_sum3A_1212[15] : f32 from vector<16xf32>
          %broadcast_in_dim3A_1214 = vector.broadcast %reduce_sum3A_1213 : f32 to vector<16xf32>
          %mul3A_1215 = arith.constant 1.562500e-02 : f32
          %mul3A_1216 = vector.broadcast %mul3A_1215 : f32 to vector<16xf32>
          %mul3A_1217 = arith.mulf %broadcast_in_dim3A_1214, %mul3A_1216 : vector<16xf32>
          %reduce_sum3A_1218 = arith.constant true
          %reduce_sum3A_1219 = vector.broadcast %reduce_sum3A_1218 : i1 to vector<16xi1>
          %reduce_sum3A_1220 = tpu.scan <sum>, %add3A_1209 masked %reduce_sum3A_1219 : vector<16xf32>, vector<16xi1> -> vector<16xf32>
          %reduce_sum3A_1221 = vector.extract %reduce_sum3A_1220[15] : f32 from vector<16xf32>
          %broadcast_in_dim3A_1222 = vector.broadcast %reduce_sum3A_1221 : f32 to vector<16xf32>
          %mul3A_1223 = arith.constant 1.562500e-02 : f32
          %mul3A_1224 = vector.broadcast %mul3A_1223 : f32 to vector<16xf32>
          %mul3A_1225 = arith.mulf %broadcast_in_dim3A_1222, %mul3A_1224 : vector<16xf32>
          %mul3A_1226 = arith.mulf %mul3A_1217, %mul3A_1217 : vector<16xf32>
          %sub3A_1227 = arith.subf %mul3A_1225, %mul3A_1226 : vector<16xf32>
          %add3A_1228 = arith.constant 9.99999974E-6 : f32
          %add3A_1229 = vector.broadcast %add3A_1228 : f32 to vector<16xf32>
          %add3A_1230 = arith.addf %sub3A_1227, %add3A_1229 : vector<16xf32>
          %bitcast_convert_type3A_1231 = tpu.bitcast %add3A_1230 : vector<16xf32> -> vector<16xi32>
          %shift_right_arithmetic3A_1232 = arith.constant 1 : i32
          %shift_right_arithmetic3A_1233 = vector.broadcast %shift_right_arithmetic3A_1232 : i32 to vector<16xi32>
          %shift_right_arithmetic3A_1234 = arith.shrsi %bitcast_convert_type3A_1231, %shift_right_arithmetic3A_1233 : vector<16xi32>
          %sub3A_1235 = arith.constant 1597463007 : i32
          %sub3A_1236 = vector.broadcast %sub3A_1235 : i32 to vector<16xi32>
          %sub3A_1237 = arith.subi %sub3A_1236, %shift_right_arithmetic3A_1234 : vector<16xi32>
          %bitcast_convert_type3A_1238 = tpu.bitcast %sub3A_1237 : vector<16xi32> -> vector<16xf32>
          %mul3A_1239 = arith.constant 5.000000e-01 : f32
          %mul3A_1240 = vector.broadcast %mul3A_1239 : f32 to vector<16xf32>
          %mul3A_1241 = arith.mulf %add3A_1230, %mul3A_1240 : vector<16xf32>
          %mul3A_1242 = arith.mulf %mul3A_1241, %bitcast_convert_type3A_1238 : vector<16xf32>
          %mul3A_1243 = arith.mulf %mul3A_1242, %bitcast_convert_type3A_1238 : vector<16xf32>
          %sub3A_1244 = arith.constant 1.500000e+00 : f32
          %sub3A_1245 = vector.broadcast %sub3A_1244 : f32 to vector<16xf32>
          %sub3A_1246 = arith.subf %sub3A_1245, %mul3A_1243 : vector<16xf32>
          %mul3A_1247 = arith.mulf %bitcast_convert_type3A_1238, %sub3A_1246 : vector<16xf32>
          %mul3A_1248 = arith.mulf %mul3A_1241, %mul3A_1247 : vector<16xf32>
          %mul3A_1249 = arith.mulf %mul3A_1248, %mul3A_1247 : vector<16xf32>
          %sub3A_1250 = arith.constant 1.500000e+00 : f32
          %sub3A_1251 = vector.broadcast %sub3A_1250 : f32 to vector<16xf32>
          %sub3A_1252 = arith.subf %sub3A_1251, %mul3A_1249 : vector<16xf32>
          %mul3A_1253 = arith.mulf %mul3A_1247, %sub3A_1252 : vector<16xf32>
          %mul3A_1254 = arith.mulf %gather3A, %mul3A_1253 : vector<16xf32>
          %sub3A_1255 = arith.subf %add3A_1193, %mul3A_1217 : vector<16xf32>
          %mul3A_1256 = arith.mulf %sub3A_1255, %mul3A_1254 : vector<16xf32>
          %add3A_1257 = arith.addf %mul3A_1256, %gather3A_26 : vector<16xf32>
          tpu.vector_store_idx %run_scoped3A_3[%broadcast_in_dim3A_471, %broadcast_in_dim3A_1191, %add3A_13], %add3A_1257 : memref<4x100x64xf32, #tpu.memory_space<vmem>>[vector<16xi32>, vector<16xi32>, vector<16xi32>], vector<16xf32>,
          %mul3A_1258 = arith.mulf %gather3A_23, %mul3A_1253 : vector<16xf32>
          %sub3A_1259 = arith.subf %add3A_1195, %mul3A_1217 : vector<16xf32>
          %mul3A_1260 = arith.mulf %sub3A_1259, %mul3A_1258 : vector<16xf32>
          %add3A_1261 = arith.addf %mul3A_1260, %gather3A_27 : vector<16xf32>
          tpu.vector_store_idx %run_scoped3A_3[%broadcast_in_dim3A_471, %broadcast_in_dim3A_1191, %add3A_16], %add3A_1261 : memref<4x100x64xf32, #tpu.memory_space<vmem>>[vector<16xi32>, vector<16xi32>, vector<16xi32>], vector<16xf32>,
          %mul3A_1262 = arith.mulf %gather3A_24, %mul3A_1253 : vector<16xf32>
          %sub3A_1263 = arith.subf %add3A_1197, %mul3A_1217 : vector<16xf32>
          %mul3A_1264 = arith.mulf %sub3A_1263, %mul3A_1262 : vector<16xf32>
          %add3A_1265 = arith.addf %mul3A_1264, %gather3A_28 : vector<16xf32>
          tpu.vector_store_idx %run_scoped3A_3[%broadcast_in_dim3A_471, %broadcast_in_dim3A_1191, %add3A_19], %add3A_1265 : memref<4x100x64xf32, #tpu.memory_space<vmem>>[vector<16xi32>, vector<16xi32>, vector<16xi32>], vector<16xf32>,
          %mul3A_1266 = arith.mulf %gather3A_25, %mul3A_1253 : vector<16xf32>
          %sub3A_1267 = arith.subf %add3A_1199, %mul3A_1217 : vector<16xf32>
          %mul3A_1268 = arith.mulf %sub3A_1267, %mul3A_1266 : vector<16xf32>
          %add3A_1269 = arith.addf %mul3A_1268, %gather3A_29 : vector<16xf32>
          tpu.vector_store_idx %run_scoped3A_3[%broadcast_in_dim3A_471, %broadcast_in_dim3A_1191, %add3A_22], %add3A_1269 : memref<4x100x64xf32, #tpu.memory_space<vmem>>[vector<16xi32>, vector<16xi32>, vector<16xi32>], vector<16xf32>,
        }
        %scan3A_476 = arith.constant 100 : i32
        %jit3A_477 = arith.constant 2 : i32
        %div3A_478 = arith.divsi %add3A_370, %jit3A_477 : i32
        %sign3A_479 = arith.constant 0 : i32
        %sign3A_480 = arith.cmpi sgt, %add3A_370, %sign3A_479 : i32
        %sign3A_481 = arith.extui %sign3A_480 : i1 to i32
        %sign3A_482 = arith.constant 0 : i32
        %sign3A_483 = arith.cmpi slt, %add3A_370, %sign3A_482 : i32
        %sign3A_484 = arith.extui %sign3A_483 : i1 to i32
        %sign3A_485 = arith.subi %sign3A_481, %sign3A_484 : i32
        %sign3A_486 = arith.constant 0 : i32
        %sign3A_487 = arith.cmpi sgt, %jit3A_477, %sign3A_486 : i32
        %sign3A_488 = arith.extui %sign3A_487 : i1 to i32
        %sign3A_489 = arith.constant 0 : i32
        %sign3A_490 = arith.cmpi slt, %jit3A_477, %sign3A_489 : i32
        %sign3A_491 = arith.extui %sign3A_490 : i1 to i32
        %sign3A_492 = arith.subi %sign3A_488, %sign3A_491 : i32
        %ne3A_493 = arith.cmpi ne, %sign3A_485, %sign3A_492 : i32
        %rem3A_494 = arith.remsi %add3A_370, %jit3A_477 : i32
        %ne3A_495 = arith.constant 0 : i32
        %ne3A_496 = arith.cmpi ne, %rem3A_494, %ne3A_495 : i32
        %and3A_497 = arith.andi %ne3A_493, %ne3A_496 : i1
        %sub3A_498 = arith.constant 1 : i32
        %sub3A_499 = arith.subi %div3A_478, %sub3A_498 : i32
        %select_n3A_500 = arith.select %and3A_497, %sub3A_499, %div3A_478 : i32
        %mul3A_501 = arith.constant 2 : i32
        %mul3A_502 = arith.muli %mul3A_501, %select_n3A_500 : i32
        %sub3A_503 = arith.subi %add3A_370, %mul3A_502 : i32
        %jit3A_504 = arith.constant 2 : i32
        %div3A_505 = arith.divsi %add3A_370, %jit3A_504 : i32
        %sign3A_506 = arith.constant 0 : i32
        %sign3A_507 = arith.cmpi sgt, %add3A_370, %sign3A_506 : i32
        %sign3A_508 = arith.extui %sign3A_507 : i1 to i32
        %sign3A_509 = arith.constant 0 : i32
        %sign3A_510 = arith.cmpi slt, %add3A_370, %sign3A_509 : i32
        %sign3A_511 = arith.extui %sign3A_510 : i1 to i32
        %sign3A_512 = arith.subi %sign3A_508, %sign3A_511 : i32
        %sign3A_513 = arith.constant 0 : i32
        %sign3A_514 = arith.cmpi sgt, %jit3A_504, %sign3A_513 : i32
        %sign3A_515 = arith.extui %sign3A_514 : i1 to i32
        %sign3A_516 = arith.constant 0 : i32
        %sign3A_517 = arith.cmpi slt, %jit3A_504, %sign3A_516 : i32
        %sign3A_518 = arith.extui %sign3A_517 : i1 to i32
        %sign3A_519 = arith.subi %sign3A_515, %sign3A_518 : i32
        %ne3A_520 = arith.cmpi ne, %sign3A_512, %sign3A_519 : i32
        %rem3A_521 = arith.remsi %add3A_370, %jit3A_504 : i32
        %ne3A_522 = arith.constant 0 : i32
        %ne3A_523 = arith.cmpi ne, %rem3A_521, %ne3A_522 : i32
        %and3A_524 = arith.andi %ne3A_520, %ne3A_523 : i1
        %sub3A_525 = arith.constant 1 : i32
        %sub3A_526 = arith.subi %div3A_505, %sub3A_525 : i32
        %select_n3A_527 = arith.select %and3A_524, %sub3A_526, %div3A_505 : i32
        %add3A_528 = arith.addi %mul3A_6, %select_n3A_527 : i32
        %mul3A_529 = arith.constant 100 : i32
        %mul3A_530 = arith.muli %sub3A_503, %mul3A_529 : i32
        %dma_start3A_531 = arith.constant 1 : i32
        %dma_start3A_532 = arith.constant 1 : i32
        %dma_start3A_533 = arith.constant 0 : i32
        %dma_start3A_534 = arith.constant 0 : i32
        %dma_start3A_535 = tpu.memref_slice %run_scoped3A_3[%dma_start3A_531, %dma_start3A_533, %dma_start3A_534] : memref<4x100x64xf32, #tpu.memory_space<vmem>> -> memref<1x100x64xf32, #tpu.memory_space<vmem>>
        %dma_start3A_536 = tpu.memref_squeeze %dma_start3A_535 : memref<1x100x64xf32, #tpu.memory_space<vmem>> -> memref<100x64xf32, #tpu.memory_space<vmem>>
        %dma_start3A_537 = arith.constant 0 : i32
        %dma_start3A_538 = tpu.memref_slice %arg8[%add3A_528, %mul3A_530, %dma_start3A_537] : memref<4096x200x64xf32, #tpu.memory_space<hbm>> -> memref<1x100x64xf32, #tpu.memory_space<hbm>>
        %dma_start3A_539 = tpu.memref_squeeze %dma_start3A_538 : memref<1x100x64xf32, #tpu.memory_space<hbm>> -> memref<100x64xf32, #tpu.memory_space<hbm>>
        %dma_start3A_540 = tpu.memref_slice %arg12[%dma_start3A_532] : memref<4x!tpu.dma_semaphore, #tpu.memory_space<semaphore_mem>> -> memref<1x!tpu.dma_semaphore, #tpu.memory_space<semaphore_mem>>
        %dma_start3A_541 = tpu.memref_squeeze %dma_start3A_540 : memref<1x!tpu.dma_semaphore, #tpu.memory_space<semaphore_mem>> -> memref<!tpu.dma_semaphore, #tpu.memory_space<semaphore_mem>>
        %dma_start3A_542 = arith.constant 0 : i32
        %dma_start3A_543 = tpu.memref_slice %arg8[%add3A_528, %mul3A_530, %dma_start3A_542] : memref<4096x200x64xf32, #tpu.memory_space<hbm>> -> memref<1x100x64xf32, #tpu.memory_space<hbm>>
        %dma_start3A_544 = tpu.memref_squeeze %dma_start3A_543 : memref<1x100x64xf32, #tpu.memory_space<hbm>> -> memref<100x64xf32, #tpu.memory_space<hbm>>
        %dma_start3A_545 = arith.constant 0 : i32
        %dma_start3A_546 = arith.constant 0 : i32
        %dma_start3A_547 = tpu.memref_slice %run_scoped3A_3[%dma_start3A_531, %dma_start3A_545, %dma_start3A_546] : memref<4x100x64xf32, #tpu.memory_space<vmem>> -> memref<1x100x64xf32, #tpu.memory_space<vmem>>
        %dma_start3A_548 = tpu.memref_squeeze %dma_start3A_547 : memref<1x100x64xf32, #tpu.memory_space<vmem>> -> memref<100x64xf32, #tpu.memory_space<vmem>>
        tpu.enqueue_dma source(%dma_start3A_548 : memref<100x64xf32, #tpu.memory_space<vmem>>) target(%dma_start3A_544 : memref<100x64xf32, #tpu.memory_space<hbm>>) target_semaphore(%dma_start3A_541 : memref<!tpu.dma_semaphore, #tpu.memory_space<semaphore_mem>>)
        %add3A_549 = arith.constant 4 : i32
        %add3A_550 = arith.addi %add3A_370, %add3A_549 : i32
        %lt3A_551 = arith.constant 256 : i32
        %lt3A_552 = arith.cmpi slt, %add3A_550, %lt3A_551 : i32
        %convert_element_type3A_553 = arith.extui %lt3A_552 : i1 to i32
        %cond3A_554 = arith.constant 0 : i32
        %cond3A_555 = arith.cmpi ne, %convert_element_type3A_553, %cond3A_554 : i32
        scf.if %cond3A_555 {
          %add3A_934 = arith.constant 4 : i32
          %add3A_935 = arith.addi %add3A_370, %add3A_934 : i32
          %jit3A_936 = arith.constant 2 : i32
          %div3A_937 = arith.divsi %add3A_935, %jit3A_936 : i32
          %sign3A_938 = arith.constant 0 : i32
          %sign3A_939 = arith.cmpi sgt, %add3A_935, %sign3A_938 : i32
          %sign3A_940 = arith.extui %sign3A_939 : i1 to i32
          %sign3A_941 = arith.constant 0 : i32
          %sign3A_942 = arith.cmpi slt, %add3A_935, %sign3A_941 : i32
          %sign3A_943 = arith.extui %sign3A_942 : i1 to i32
          %sign3A_944 = arith.subi %sign3A_940, %sign3A_943 : i32
          %sign3A_945 = arith.constant 0 : i32
          %sign3A_946 = arith.cmpi sgt, %jit3A_936, %sign3A_945 : i32
          %sign3A_947 = arith.extui %sign3A_946 : i1 to i32
          %sign3A_948 = arith.constant 0 : i32
          %sign3A_949 = arith.cmpi slt, %jit3A_936, %sign3A_948 : i32
          %sign3A_950 = arith.extui %sign3A_949 : i1 to i32
          %sign3A_951 = arith.subi %sign3A_947, %sign3A_950 : i32
          %ne3A_952 = arith.cmpi ne, %sign3A_944, %sign3A_951 : i32
          %rem3A_953 = arith.remsi %add3A_935, %jit3A_936 : i32
          %ne3A_954 = arith.constant 0 : i32
          %ne3A_955 = arith.cmpi ne, %rem3A_953, %ne3A_954 : i32
          %and3A_956 = arith.andi %ne3A_952, %ne3A_955 : i1
          %sub3A_957 = arith.constant 1 : i32
          %sub3A_958 = arith.subi %div3A_937, %sub3A_957 : i32
          %select_n3A_959 = arith.select %and3A_956, %sub3A_958, %div3A_937 : i32
          %mul3A_960 = arith.constant 2 : i32
          %mul3A_961 = arith.muli %mul3A_960, %select_n3A_959 : i32
          %sub3A_962 = arith.subi %add3A_935, %mul3A_961 : i32
          %jit3A_963 = arith.constant 2 : i32
          %div3A_964 = arith.divsi %add3A_935, %jit3A_963 : i32
          %sign3A_965 = arith.constant 0 : i32
          %sign3A_966 = arith.cmpi sgt, %add3A_935, %sign3A_965 : i32
          %sign3A_967 = arith.extui %sign3A_966 : i1 to i32
          %sign3A_968 = arith.constant 0 : i32
          %sign3A_969 = arith.cmpi slt, %add3A_935, %sign3A_968 : i32
          %sign3A_970 = arith.extui %sign3A_969 : i1 to i32
          %sign3A_971 = arith.subi %sign3A_967, %sign3A_970 : i32
          %sign3A_972 = arith.constant 0 : i32
          %sign3A_973 = arith.cmpi sgt, %jit3A_963, %sign3A_972 : i32
          %sign3A_974 = arith.extui %sign3A_973 : i1 to i32
          %sign3A_975 = arith.constant 0 : i32
          %sign3A_976 = arith.cmpi slt, %jit3A_963, %sign3A_975 : i32
          %sign3A_977 = arith.extui %sign3A_976 : i1 to i32
          %sign3A_978 = arith.subi %sign3A_974, %sign3A_977 : i32
          %ne3A_979 = arith.cmpi ne, %sign3A_971, %sign3A_978 : i32
          %rem3A_980 = arith.remsi %add3A_935, %jit3A_963 : i32
          %ne3A_981 = arith.constant 0 : i32
          %ne3A_982 = arith.cmpi ne, %rem3A_980, %ne3A_981 : i32
          %and3A_983 = arith.andi %ne3A_979, %ne3A_982 : i1
          %sub3A_984 = arith.constant 1 : i32
          %sub3A_985 = arith.subi %div3A_964, %sub3A_984 : i32
          %select_n3A_986 = arith.select %and3A_983, %sub3A_985, %div3A_964 : i32
          %dma_start3A_987 = arith.constant 1 : i32
          %dma_start3A_988 = arith.constant 1 : i32
          %dma_start3A_989 = arith.constant 0 : i32
          %dma_start3A_990 = arith.constant 0 : i32
          %dma_start3A_991 = tpu.memref_slice %run_scoped3A_2[%dma_start3A_987, %dma_start3A_989, %dma_start3A_990] : memref<4x100x64xf32, #tpu.memory_space<vmem>> -> memref<1x100x64xf32, #tpu.memory_space<vmem>>
          %dma_start3A_992 = tpu.memref_squeeze %dma_start3A_991 : memref<1x100x64xf32, #tpu.memory_space<vmem>> -> memref<100x64xf32, #tpu.memory_space<vmem>>
          %dma_start3A_993 = arith.constant 0 : i32
          %dma_start3A_994 = tpu.memref_slice %arg9[%select_n3A_986, %sub3A_962, %dma_start3A_993] : memref<128x2x100xi32, #tpu.memory_space<vmem>> -> memref<1x1x100xi32, #tpu.memory_space<vmem>>
          %dma_start3A_995 = tpu.memref_squeeze %dma_start3A_994 : memref<1x1x100xi32, #tpu.memory_space<vmem>> -> memref<100xi32, #tpu.memory_space<vmem>>
          %dma_start3A_996 = arith.constant 0 : i32
          %dma_start3A_997 = arith.constant 0 : i32
          %dma_start3A_998 = tpu.memref_slice %arg4[%dma_start3A_996, %dma_start3A_997] : memref<1000000x64xf32, #tpu.memory_space<hbm>> -> memref<1000000x64xf32, #tpu.memory_space<hbm>>
          %dma_start3A_999 = tpu.memref_slice %arg11[%dma_start3A_988] : memref<4x!tpu.dma_semaphore, #tpu.memory_space<semaphore_mem>> -> memref<1x!tpu.dma_semaphore, #tpu.memory_space<semaphore_mem>>
          %dma_start3A_1000 = tpu.memref_squeeze %dma_start3A_999 : memref<1x!tpu.dma_semaphore, #tpu.memory_space<semaphore_mem>> -> memref<!tpu.dma_semaphore, #tpu.memory_space<semaphore_mem>>
          tpu.enqueue_indirect_dma source(%dma_start3A_998 : memref<1000000x64xf32, #tpu.memory_space<hbm>>) target(%dma_start3A_992 : memref<100x64xf32, #tpu.memory_space<vmem>>) offsets(%dma_start3A_995 : memref<100xi32, #tpu.memory_space<vmem>>) semaphore(%dma_start3A_1000 : memref<!tpu.dma_semaphore, #tpu.memory_space<semaphore_mem>>)
        } else {
        }
        %mul3A_556 = arith.constant 4 : i32
        %mul3A_557 = arith.muli %add3A_190, %mul3A_556 : i32
        %add3A_558 = arith.constant 2 : i32
        %add3A_559 = arith.addi %mul3A_557, %add3A_558 : i32
        %gt3A_560 = arith.constant 0 : i32
        %gt3A_561 = arith.cmpi sgt, %add3A_190, %gt3A_560 : i32
        %convert_element_type3A_562 = arith.extui %gt3A_561 : i1 to i32
        %cond3A_563 = arith.constant 0 : i32
        %cond3A_564 = arith.cmpi ne, %convert_element_type3A_562, %cond3A_563 : i32
        scf.if %cond3A_564 {
          %sub3A_934 = arith.constant 4 : i32
          %sub3A_935 = arith.subi %add3A_559, %sub3A_934 : i32
          %jit3A_936 = arith.constant 2 : i32
          %div3A_937 = arith.divsi %sub3A_935, %jit3A_936 : i32
          %sign3A_938 = arith.constant 0 : i32
          %sign3A_939 = arith.cmpi sgt, %sub3A_935, %sign3A_938 : i32
          %sign3A_940 = arith.extui %sign3A_939 : i1 to i32
          %sign3A_941 = arith.constant 0 : i32
          %sign3A_942 = arith.cmpi slt, %sub3A_935, %sign3A_941 : i32
          %sign3A_943 = arith.extui %sign3A_942 : i1 to i32
          %sign3A_944 = arith.subi %sign3A_940, %sign3A_943 : i32
          %sign3A_945 = arith.constant 0 : i32
          %sign3A_946 = arith.cmpi sgt, %jit3A_936, %sign3A_945 : i32
          %sign3A_947 = arith.extui %sign3A_946 : i1 to i32
          %sign3A_948 = arith.constant 0 : i32
          %sign3A_949 = arith.cmpi slt, %jit3A_936, %sign3A_948 : i32
          %sign3A_950 = arith.extui %sign3A_949 : i1 to i32
          %sign3A_951 = arith.subi %sign3A_947, %sign3A_950 : i32
          %ne3A_952 = arith.cmpi ne, %sign3A_944, %sign3A_951 : i32
          %rem3A_953 = arith.remsi %sub3A_935, %jit3A_936 : i32
          %ne3A_954 = arith.constant 0 : i32
          %ne3A_955 = arith.cmpi ne, %rem3A_953, %ne3A_954 : i32
          %and3A_956 = arith.andi %ne3A_952, %ne3A_955 : i1
          %sub3A_957 = arith.constant 1 : i32
          %sub3A_958 = arith.subi %div3A_937, %sub3A_957 : i32
          %select_n3A_959 = arith.select %and3A_956, %sub3A_958, %div3A_937 : i32
          %mul3A_960 = arith.constant 2 : i32
          %mul3A_961 = arith.muli %mul3A_960, %select_n3A_959 : i32
          %sub3A_962 = arith.subi %sub3A_935, %mul3A_961 : i32
          %jit3A_963 = arith.constant 2 : i32
          %div3A_964 = arith.divsi %sub3A_935, %jit3A_963 : i32
          %sign3A_965 = arith.constant 0 : i32
          %sign3A_966 = arith.cmpi sgt, %sub3A_935, %sign3A_965 : i32
          %sign3A_967 = arith.extui %sign3A_966 : i1 to i32
          %sign3A_968 = arith.constant 0 : i32
          %sign3A_969 = arith.cmpi slt, %sub3A_935, %sign3A_968 : i32
          %sign3A_970 = arith.extui %sign3A_969 : i1 to i32
          %sign3A_971 = arith.subi %sign3A_967, %sign3A_970 : i32
          %sign3A_972 = arith.constant 0 : i32
          %sign3A_973 = arith.cmpi sgt, %jit3A_963, %sign3A_972 : i32
          %sign3A_974 = arith.extui %sign3A_973 : i1 to i32
          %sign3A_975 = arith.constant 0 : i32
          %sign3A_976 = arith.cmpi slt, %jit3A_963, %sign3A_975 : i32
          %sign3A_977 = arith.extui %sign3A_976 : i1 to i32
          %sign3A_978 = arith.subi %sign3A_974, %sign3A_977 : i32
          %ne3A_979 = arith.cmpi ne, %sign3A_971, %sign3A_978 : i32
          %rem3A_980 = arith.remsi %sub3A_935, %jit3A_963 : i32
          %ne3A_981 = arith.constant 0 : i32
          %ne3A_982 = arith.cmpi ne, %rem3A_980, %ne3A_981 : i32
          %and3A_983 = arith.andi %ne3A_979, %ne3A_982 : i1
          %sub3A_984 = arith.constant 1 : i32
          %sub3A_985 = arith.subi %div3A_964, %sub3A_984 : i32
          %select_n3A_986 = arith.select %and3A_983, %sub3A_985, %div3A_964 : i32
          %add3A_987 = arith.addi %mul3A_6, %select_n3A_986 : i32
          %mul3A_988 = arith.constant 100 : i32
          %mul3A_989 = arith.muli %sub3A_962, %mul3A_988 : i32
          %dma_wait3A_990 = arith.constant 2 : i32
          %dma_wait3A_991 = arith.constant 2 : i32
          %dma_wait3A_992 = arith.constant 0 : i32
          %dma_wait3A_993 = arith.constant 0 : i32
          %dma_wait3A_994 = tpu.memref_slice %run_scoped3A_3[%dma_wait3A_990, %dma_wait3A_992, %dma_wait3A_993] : memref<4x100x64xf32, #tpu.memory_space<vmem>> -> memref<1x100x64xf32, #tpu.memory_space<vmem>>
          %dma_wait3A_995 = tpu.memref_squeeze %dma_wait3A_994 : memref<1x100x64xf32, #tpu.memory_space<vmem>> -> memref<100x64xf32, #tpu.memory_space<vmem>>
          %dma_wait3A_996 = arith.constant 0 : i32
          %dma_wait3A_997 = tpu.memref_slice %arg8[%add3A_987, %mul3A_989, %dma_wait3A_996] : memref<4096x200x64xf32, #tpu.memory_space<hbm>> -> memref<1x100x64xf32, #tpu.memory_space<hbm>>
          %dma_wait3A_998 = tpu.memref_squeeze %dma_wait3A_997 : memref<1x100x64xf32, #tpu.memory_space<hbm>> -> memref<100x64xf32, #tpu.memory_space<hbm>>
          %dma_wait3A_999 = tpu.memref_slice %arg12[%dma_wait3A_991] : memref<4x!tpu.dma_semaphore, #tpu.memory_space<semaphore_mem>> -> memref<1x!tpu.dma_semaphore, #tpu.memory_space<semaphore_mem>>
          %dma_wait3A_1000 = tpu.memref_squeeze %dma_wait3A_999 : memref<1x!tpu.dma_semaphore, #tpu.memory_space<semaphore_mem>> -> memref<!tpu.dma_semaphore, #tpu.memory_space<semaphore_mem>>
          %dma_wait3A_1001 = arith.constant 0 : i32
          %dma_wait3A_1002 = tpu.memref_slice %arg8[%add3A_987, %mul3A_989, %dma_wait3A_1001] : memref<4096x200x64xf32, #tpu.memory_space<hbm>> -> memref<1x100x64xf32, #tpu.memory_space<hbm>>
          %dma_wait3A_1003 = tpu.memref_squeeze %dma_wait3A_1002 : memref<1x100x64xf32, #tpu.memory_space<hbm>> -> memref<100x64xf32, #tpu.memory_space<hbm>>
          %dma_wait3A_1004 = arith.constant 0 : i32
          %dma_wait3A_1005 = arith.constant 0 : i32
          %dma_wait3A_1006 = tpu.memref_slice %run_scoped3A_3[%dma_wait3A_990, %dma_wait3A_1004, %dma_wait3A_1005] : memref<4x100x64xf32, #tpu.memory_space<vmem>> -> memref<1x100x64xf32, #tpu.memory_space<vmem>>
          %dma_wait3A_1007 = tpu.memref_squeeze %dma_wait3A_1006 : memref<1x100x64xf32, #tpu.memory_space<vmem>> -> memref<100x64xf32, #tpu.memory_space<vmem>>
          tpu.wait_dma2 semaphore(%dma_wait3A_1000 : memref<!tpu.dma_semaphore, #tpu.memory_space<semaphore_mem>>) src(%dma_wait3A_1007 : memref<100x64xf32, #tpu.memory_space<vmem>>) dst(%dma_wait3A_1003 : memref<100x64xf32, #tpu.memory_space<hbm>>)
        } else {
        }
        %jit3A_565 = arith.constant 2 : i32
        %div3A_566 = arith.divsi %add3A_559, %jit3A_565 : i32
        %sign3A_567 = arith.constant 0 : i32
        %sign3A_568 = arith.cmpi sgt, %add3A_559, %sign3A_567 : i32
        %sign3A_569 = arith.extui %sign3A_568 : i1 to i32
        %sign3A_570 = arith.constant 0 : i32
        %sign3A_571 = arith.cmpi slt, %add3A_559, %sign3A_570 : i32
        %sign3A_572 = arith.extui %sign3A_571 : i1 to i32
        %sign3A_573 = arith.subi %sign3A_569, %sign3A_572 : i32
        %sign3A_574 = arith.constant 0 : i32
        %sign3A_575 = arith.cmpi sgt, %jit3A_565, %sign3A_574 : i32
        %sign3A_576 = arith.extui %sign3A_575 : i1 to i32
        %sign3A_577 = arith.constant 0 : i32
        %sign3A_578 = arith.cmpi slt, %jit3A_565, %sign3A_577 : i32
        %sign3A_579 = arith.extui %sign3A_578 : i1 to i32
        %sign3A_580 = arith.subi %sign3A_576, %sign3A_579 : i32
        %ne3A_581 = arith.cmpi ne, %sign3A_573, %sign3A_580 : i32
        %rem3A_582 = arith.remsi %add3A_559, %jit3A_565 : i32
        %ne3A_583 = arith.constant 0 : i32
        %ne3A_584 = arith.cmpi ne, %rem3A_582, %ne3A_583 : i32
        %and3A_585 = arith.andi %ne3A_581, %ne3A_584 : i1
        %sub3A_586 = arith.constant 1 : i32
        %sub3A_587 = arith.subi %div3A_566, %sub3A_586 : i32
        %select_n3A_588 = arith.select %and3A_585, %sub3A_587, %div3A_566 : i32
        %mul3A_589 = arith.constant 2 : i32
        %mul3A_590 = arith.muli %mul3A_589, %select_n3A_588 : i32
        %sub3A_591 = arith.subi %add3A_559, %mul3A_590 : i32
        %jit3A_592 = arith.constant 2 : i32
        %div3A_593 = arith.divsi %add3A_559, %jit3A_592 : i32
        %sign3A_594 = arith.constant 0 : i32
        %sign3A_595 = arith.cmpi sgt, %add3A_559, %sign3A_594 : i32
        %sign3A_596 = arith.extui %sign3A_595 : i1 to i32
        %sign3A_597 = arith.constant 0 : i32
        %sign3A_598 = arith.cmpi slt, %add3A_559, %sign3A_597 : i32
        %sign3A_599 = arith.extui %sign3A_598 : i1 to i32
        %sign3A_600 = arith.subi %sign3A_596, %sign3A_599 : i32
        %sign3A_601 = arith.constant 0 : i32
        %sign3A_602 = arith.cmpi sgt, %jit3A_592, %sign3A_601 : i32
        %sign3A_603 = arith.extui %sign3A_602 : i1 to i32
        %sign3A_604 = arith.constant 0 : i32
        %sign3A_605 = arith.cmpi slt, %jit3A_592, %sign3A_604 : i32
        %sign3A_606 = arith.extui %sign3A_605 : i1 to i32
        %sign3A_607 = arith.subi %sign3A_603, %sign3A_606 : i32
        %ne3A_608 = arith.cmpi ne, %sign3A_600, %sign3A_607 : i32
        %rem3A_609 = arith.remsi %add3A_559, %jit3A_592 : i32
        %ne3A_610 = arith.constant 0 : i32
        %ne3A_611 = arith.cmpi ne, %rem3A_609, %ne3A_610 : i32
        %and3A_612 = arith.andi %ne3A_608, %ne3A_611 : i1
        %sub3A_613 = arith.constant 1 : i32
        %sub3A_614 = arith.subi %div3A_593, %sub3A_613 : i32
        %select_n3A_615 = arith.select %and3A_612, %sub3A_614, %div3A_593 : i32
        %dma_wait3A_616 = arith.constant 2 : i32
        %dma_wait3A_617 = arith.constant 2 : i32
        %dma_wait3A_618 = arith.constant 0 : i32
        %dma_wait3A_619 = arith.constant 0 : i32
        %dma_wait3A_620 = tpu.memref_slice %run_scoped3A_2[%dma_wait3A_616, %dma_wait3A_618, %dma_wait3A_619] : memref<4x100x64xf32, #tpu.memory_space<vmem>> -> memref<1x100x64xf32, #tpu.memory_space<vmem>>
        %dma_wait3A_621 = tpu.memref_squeeze %dma_wait3A_620 : memref<1x100x64xf32, #tpu.memory_space<vmem>> -> memref<100x64xf32, #tpu.memory_space<vmem>>
        %dma_wait3A_622 = arith.constant 0 : i32
        %dma_wait3A_623 = tpu.memref_slice %arg9[%select_n3A_615, %sub3A_591, %dma_wait3A_622] : memref<128x2x100xi32, #tpu.memory_space<vmem>> -> memref<1x1x100xi32, #tpu.memory_space<vmem>>
        %dma_wait3A_624 = tpu.memref_squeeze %dma_wait3A_623 : memref<1x1x100xi32, #tpu.memory_space<vmem>> -> memref<100xi32, #tpu.memory_space<vmem>>
        %dma_wait3A_625 = arith.constant 0 : i32
        %dma_wait3A_626 = arith.constant 0 : i32
        %dma_wait3A_627 = tpu.memref_slice %arg4[%dma_wait3A_625, %dma_wait3A_626] : memref<1000000x64xf32, #tpu.memory_space<hbm>> -> memref<1000000x64xf32, #tpu.memory_space<hbm>>
        %dma_wait3A_628 = tpu.memref_slice %arg11[%dma_wait3A_617] : memref<4x!tpu.dma_semaphore, #tpu.memory_space<semaphore_mem>> -> memref<1x!tpu.dma_semaphore, #tpu.memory_space<semaphore_mem>>
        %dma_wait3A_629 = tpu.memref_squeeze %dma_wait3A_628 : memref<1x!tpu.dma_semaphore, #tpu.memory_space<semaphore_mem>> -> memref<!tpu.dma_semaphore, #tpu.memory_space<semaphore_mem>>
        tpu.wait_indirect_dma semaphore(%dma_wait3A_629 : memref<!tpu.dma_semaphore, #tpu.memory_space<semaphore_mem>>) src(%dma_wait3A_627 : memref<1000000x64xf32, #tpu.memory_space<hbm>>) dst(%dma_wait3A_621 : memref<100x64xf32, #tpu.memory_space<vmem>>)
        %jit3A_630 = arith.constant 2 : i32
        %div3A_631 = arith.divsi %add3A_559, %jit3A_630 : i32
        %sign3A_632 = arith.constant 0 : i32
        %sign3A_633 = arith.cmpi sgt, %add3A_559, %sign3A_632 : i32
        %sign3A_634 = arith.extui %sign3A_633 : i1 to i32
        %sign3A_635 = arith.constant 0 : i32
        %sign3A_636 = arith.cmpi slt, %add3A_559, %sign3A_635 : i32
        %sign3A_637 = arith.extui %sign3A_636 : i1 to i32
        %sign3A_638 = arith.subi %sign3A_634, %sign3A_637 : i32
        %sign3A_639 = arith.constant 0 : i32
        %sign3A_640 = arith.cmpi sgt, %jit3A_630, %sign3A_639 : i32
        %sign3A_641 = arith.extui %sign3A_640 : i1 to i32
        %sign3A_642 = arith.constant 0 : i32
        %sign3A_643 = arith.cmpi slt, %jit3A_630, %sign3A_642 : i32
        %sign3A_644 = arith.extui %sign3A_643 : i1 to i32
        %sign3A_645 = arith.subi %sign3A_641, %sign3A_644 : i32
        %ne3A_646 = arith.cmpi ne, %sign3A_638, %sign3A_645 : i32
        %rem3A_647 = arith.remsi %add3A_559, %jit3A_630 : i32
        %ne3A_648 = arith.constant 0 : i32
        %ne3A_649 = arith.cmpi ne, %rem3A_647, %ne3A_648 : i32
        %and3A_650 = arith.andi %ne3A_646, %ne3A_649 : i1
        %sub3A_651 = arith.constant 1 : i32
        %sub3A_652 = arith.subi %div3A_631, %sub3A_651 : i32
        %select_n3A_653 = arith.select %and3A_650, %sub3A_652, %div3A_631 : i32
        %broadcast_in_dim3A_654 = vector.broadcast %select_n3A_653 : i32 to vector<16xi32>
        %gather3A_655 = tpu.vector_load_idx %run_scoped3A[%broadcast_in_dim3A_654, %add3A_13] : memref<128x64xf32, #tpu.memory_space<vmem>>[vector<16xi32>, vector<16xi32>], vector<16xf32>,
        %gather3A_656 = tpu.vector_load_idx %run_scoped3A[%broadcast_in_dim3A_654, %add3A_16] : memref<128x64xf32, #tpu.memory_space<vmem>>[vector<16xi32>, vector<16xi32>], vector<16xf32>,
        %gather3A_657 = tpu.vector_load_idx %run_scoped3A[%broadcast_in_dim3A_654, %add3A_19] : memref<128x64xf32, #tpu.memory_space<vmem>>[vector<16xi32>, vector<16xi32>], vector<16xf32>,
        %gather3A_658 = tpu.vector_load_idx %run_scoped3A[%broadcast_in_dim3A_654, %add3A_22] : memref<128x64xf32, #tpu.memory_space<vmem>>[vector<16xi32>, vector<16xi32>], vector<16xf32>,
        %broadcast_in_dim3A_659 = arith.constant 2 : i32
        %broadcast_in_dim3A_660 = vector.broadcast %broadcast_in_dim3A_659 : i32 to vector<16xi32>
        %scan3A_661 = arith.constant 0 : i32
        %scan3A_662 = arith.constant 100 : i32
        %scan3A_663 = arith.addi %scan3A_661, %scan3A_662 : i32
        %scan3A_664 = arith.constant 4 : i32
        scf.for %scan3A_934 = %scan3A_661 to %scan3A_663 step %scan3A_664  : i32 {
          %mul3A_935 = arith.constant 1 : i32
          %mul3A_936 = arith.muli %scan3A_934, %mul3A_935 : i32
          %add3A_937 = arith.constant 0 : i32
          %add3A_938 = arith.addi %add3A_937, %mul3A_936 : i32
          %broadcast_in_dim3A_939 = vector.broadcast %add3A_938 : i32 to vector<16xi32>
          %gather3A_940 = tpu.vector_load_idx %run_scoped3A_2[%broadcast_in_dim3A_660, %broadcast_in_dim3A_939, %add3A_13] : memref<4x100x64xf32, #tpu.memory_space<vmem>>[vector<16xi32>, vector<16xi32>, vector<16xi32>], vector<16xf32>,
          %add3A_941 = arith.addf %gather3A_940, %gather3A_655 : vector<16xf32>
          %gather3A_942 = tpu.vector_load_idx %run_scoped3A_2[%broadcast_in_dim3A_660, %broadcast_in_dim3A_939, %add3A_16] : memref<4x100x64xf32, #tpu.memory_space<vmem>>[vector<16xi32>, vector<16xi32>, vector<16xi32>], vector<16xf32>,
          %add3A_943 = arith.addf %gather3A_942, %gather3A_656 : vector<16xf32>
          %gather3A_944 = tpu.vector_load_idx %run_scoped3A_2[%broadcast_in_dim3A_660, %broadcast_in_dim3A_939, %add3A_19] : memref<4x100x64xf32, #tpu.memory_space<vmem>>[vector<16xi32>, vector<16xi32>, vector<16xi32>], vector<16xf32>,
          %add3A_945 = arith.addf %gather3A_944, %gather3A_657 : vector<16xf32>
          %gather3A_946 = tpu.vector_load_idx %run_scoped3A_2[%broadcast_in_dim3A_660, %broadcast_in_dim3A_939, %add3A_22] : memref<4x100x64xf32, #tpu.memory_space<vmem>>[vector<16xi32>, vector<16xi32>, vector<16xi32>], vector<16xf32>,
          %add3A_947 = arith.addf %gather3A_946, %gather3A_658 : vector<16xf32>
          %add3A_948 = arith.addf %add3A_941, %add3A_943 : vector<16xf32>
          %add3A_949 = arith.addf %add3A_945, %add3A_947 : vector<16xf32>
          %add3A_950 = arith.addf %add3A_948, %add3A_949 : vector<16xf32>
          %mul3A_951 = arith.mulf %add3A_941, %add3A_941 : vector<16xf32>
          %mul3A_952 = arith.mulf %add3A_943, %add3A_943 : vector<16xf32>
          %add3A_953 = arith.addf %mul3A_951, %mul3A_952 : vector<16xf32>
          %mul3A_954 = arith.mulf %add3A_945, %add3A_945 : vector<16xf32>
          %mul3A_955 = arith.mulf %add3A_947, %add3A_947 : vector<16xf32>
          %add3A_956 = arith.addf %mul3A_954, %mul3A_955 : vector<16xf32>
          %add3A_957 = arith.addf %add3A_953, %add3A_956 : vector<16xf32>
          %reduce_sum3A = arith.constant true
          %reduce_sum3A_958 = vector.broadcast %reduce_sum3A : i1 to vector<16xi1>
          %reduce_sum3A_959 = tpu.scan <sum>, %add3A_950 masked %reduce_sum3A_958 : vector<16xf32>, vector<16xi1> -> vector<16xf32>
          %reduce_sum3A_960 = vector.extract %reduce_sum3A_959[15] : f32 from vector<16xf32>
          %broadcast_in_dim3A_961 = vector.broadcast %reduce_sum3A_960 : f32 to vector<16xf32>
          %mul3A_962 = arith.constant 1.562500e-02 : f32
          %mul3A_963 = vector.broadcast %mul3A_962 : f32 to vector<16xf32>
          %mul3A_964 = arith.mulf %broadcast_in_dim3A_961, %mul3A_963 : vector<16xf32>
          %reduce_sum3A_965 = arith.constant true
          %reduce_sum3A_966 = vector.broadcast %reduce_sum3A_965 : i1 to vector<16xi1>
          %reduce_sum3A_967 = tpu.scan <sum>, %add3A_957 masked %reduce_sum3A_966 : vector<16xf32>, vector<16xi1> -> vector<16xf32>
          %reduce_sum3A_968 = vector.extract %reduce_sum3A_967[15] : f32 from vector<16xf32>
          %broadcast_in_dim3A_969 = vector.broadcast %reduce_sum3A_968 : f32 to vector<16xf32>
          %mul3A_970 = arith.constant 1.562500e-02 : f32
          %mul3A_971 = vector.broadcast %mul3A_970 : f32 to vector<16xf32>
          %mul3A_972 = arith.mulf %broadcast_in_dim3A_969, %mul3A_971 : vector<16xf32>
          %mul3A_973 = arith.mulf %mul3A_964, %mul3A_964 : vector<16xf32>
          %sub3A_974 = arith.subf %mul3A_972, %mul3A_973 : vector<16xf32>
          %add3A_975 = arith.constant 9.99999974E-6 : f32
          %add3A_976 = vector.broadcast %add3A_975 : f32 to vector<16xf32>
          %add3A_977 = arith.addf %sub3A_974, %add3A_976 : vector<16xf32>
          %bitcast_convert_type3A = tpu.bitcast %add3A_977 : vector<16xf32> -> vector<16xi32>
          %shift_right_arithmetic3A = arith.constant 1 : i32
          %shift_right_arithmetic3A_978 = vector.broadcast %shift_right_arithmetic3A : i32 to vector<16xi32>
          %shift_right_arithmetic3A_979 = arith.shrsi %bitcast_convert_type3A, %shift_right_arithmetic3A_978 : vector<16xi32>
          %sub3A_980 = arith.constant 1597463007 : i32
          %sub3A_981 = vector.broadcast %sub3A_980 : i32 to vector<16xi32>
          %sub3A_982 = arith.subi %sub3A_981, %shift_right_arithmetic3A_979 : vector<16xi32>
          %bitcast_convert_type3A_983 = tpu.bitcast %sub3A_982 : vector<16xi32> -> vector<16xf32>
          %mul3A_984 = arith.constant 5.000000e-01 : f32
          %mul3A_985 = vector.broadcast %mul3A_984 : f32 to vector<16xf32>
          %mul3A_986 = arith.mulf %add3A_977, %mul3A_985 : vector<16xf32>
          %mul3A_987 = arith.mulf %mul3A_986, %bitcast_convert_type3A_983 : vector<16xf32>
          %mul3A_988 = arith.mulf %mul3A_987, %bitcast_convert_type3A_983 : vector<16xf32>
          %sub3A_989 = arith.constant 1.500000e+00 : f32
          %sub3A_990 = vector.broadcast %sub3A_989 : f32 to vector<16xf32>
          %sub3A_991 = arith.subf %sub3A_990, %mul3A_988 : vector<16xf32>
          %mul3A_992 = arith.mulf %bitcast_convert_type3A_983, %sub3A_991 : vector<16xf32>
          %mul3A_993 = arith.mulf %mul3A_986, %mul3A_992 : vector<16xf32>
          %mul3A_994 = arith.mulf %mul3A_993, %mul3A_992 : vector<16xf32>
          %sub3A_995 = arith.constant 1.500000e+00 : f32
          %sub3A_996 = vector.broadcast %sub3A_995 : f32 to vector<16xf32>
          %sub3A_997 = arith.subf %sub3A_996, %mul3A_994 : vector<16xf32>
          %mul3A_998 = arith.mulf %mul3A_992, %sub3A_997 : vector<16xf32>
          %mul3A_999 = arith.mulf %gather3A, %mul3A_998 : vector<16xf32>
          %sub3A_1000 = arith.subf %add3A_941, %mul3A_964 : vector<16xf32>
          %mul3A_1001 = arith.mulf %sub3A_1000, %mul3A_999 : vector<16xf32>
          %add3A_1002 = arith.addf %mul3A_1001, %gather3A_26 : vector<16xf32>
          tpu.vector_store_idx %run_scoped3A_3[%broadcast_in_dim3A_660, %broadcast_in_dim3A_939, %add3A_13], %add3A_1002 : memref<4x100x64xf32, #tpu.memory_space<vmem>>[vector<16xi32>, vector<16xi32>, vector<16xi32>], vector<16xf32>,
          %mul3A_1003 = arith.mulf %gather3A_23, %mul3A_998 : vector<16xf32>
          %sub3A_1004 = arith.subf %add3A_943, %mul3A_964 : vector<16xf32>
          %mul3A_1005 = arith.mulf %sub3A_1004, %mul3A_1003 : vector<16xf32>
          %add3A_1006 = arith.addf %mul3A_1005, %gather3A_27 : vector<16xf32>
          tpu.vector_store_idx %run_scoped3A_3[%broadcast_in_dim3A_660, %broadcast_in_dim3A_939, %add3A_16], %add3A_1006 : memref<4x100x64xf32, #tpu.memory_space<vmem>>[vector<16xi32>, vector<16xi32>, vector<16xi32>], vector<16xf32>,
          %mul3A_1007 = arith.mulf %gather3A_24, %mul3A_998 : vector<16xf32>
          %sub3A_1008 = arith.subf %add3A_945, %mul3A_964 : vector<16xf32>
          %mul3A_1009 = arith.mulf %sub3A_1008, %mul3A_1007 : vector<16xf32>
          %add3A_1010 = arith.addf %mul3A_1009, %gather3A_28 : vector<16xf32>
          tpu.vector_store_idx %run_scoped3A_3[%broadcast_in_dim3A_660, %broadcast_in_dim3A_939, %add3A_19], %add3A_1010 : memref<4x100x64xf32, #tpu.memory_space<vmem>>[vector<16xi32>, vector<16xi32>, vector<16xi32>], vector<16xf32>,
          %mul3A_1011 = arith.mulf %gather3A_25, %mul3A_998 : vector<16xf32>
          %sub3A_1012 = arith.subf %add3A_947, %mul3A_964 : vector<16xf32>
          %mul3A_1013 = arith.mulf %sub3A_1012, %mul3A_1011 : vector<16xf32>
          %add3A_1014 = arith.addf %mul3A_1013, %gather3A_29 : vector<16xf32>
          tpu.vector_store_idx %run_scoped3A_3[%broadcast_in_dim3A_660, %broadcast_in_dim3A_939, %add3A_22], %add3A_1014 : memref<4x100x64xf32, #tpu.memory_space<vmem>>[vector<16xi32>, vector<16xi32>, vector<16xi32>], vector<16xf32>,
          %scan3A_1015 = arith.constant 1 : i32
          %scan3A_1016 = arith.addi %scan3A_934, %scan3A_1015 : i32
          %mul3A_1017 = arith.constant 1 : i32
          %mul3A_1018 = arith.muli %scan3A_1016, %mul3A_1017 : i32
          %add3A_1019 = arith.constant 0 : i32
          %add3A_1020 = arith.addi %add3A_1019, %mul3A_1018 : i32
          %broadcast_in_dim3A_1021 = vector.broadcast %add3A_1020 : i32 to vector<16xi32>
          %gather3A_1022 = tpu.vector_load_idx %run_scoped3A_2[%broadcast_in_dim3A_660, %broadcast_in_dim3A_1021, %add3A_13] : memref<4x100x64xf32, #tpu.memory_space<vmem>>[vector<16xi32>, vector<16xi32>, vector<16xi32>], vector<16xf32>,
          %add3A_1023 = arith.addf %gather3A_1022, %gather3A_655 : vector<16xf32>
          %gather3A_1024 = tpu.vector_load_idx %run_scoped3A_2[%broadcast_in_dim3A_660, %broadcast_in_dim3A_1021, %add3A_16] : memref<4x100x64xf32, #tpu.memory_space<vmem>>[vector<16xi32>, vector<16xi32>, vector<16xi32>], vector<16xf32>,
          %add3A_1025 = arith.addf %gather3A_1024, %gather3A_656 : vector<16xf32>
          %gather3A_1026 = tpu.vector_load_idx %run_scoped3A_2[%broadcast_in_dim3A_660, %broadcast_in_dim3A_1021, %add3A_19] : memref<4x100x64xf32, #tpu.memory_space<vmem>>[vector<16xi32>, vector<16xi32>, vector<16xi32>], vector<16xf32>,
          %add3A_1027 = arith.addf %gather3A_1026, %gather3A_657 : vector<16xf32>
          %gather3A_1028 = tpu.vector_load_idx %run_scoped3A_2[%broadcast_in_dim3A_660, %broadcast_in_dim3A_1021, %add3A_22] : memref<4x100x64xf32, #tpu.memory_space<vmem>>[vector<16xi32>, vector<16xi32>, vector<16xi32>], vector<16xf32>,
          %add3A_1029 = arith.addf %gather3A_1028, %gather3A_658 : vector<16xf32>
          %add3A_1030 = arith.addf %add3A_1023, %add3A_1025 : vector<16xf32>
          %add3A_1031 = arith.addf %add3A_1027, %add3A_1029 : vector<16xf32>
          %add3A_1032 = arith.addf %add3A_1030, %add3A_1031 : vector<16xf32>
          %mul3A_1033 = arith.mulf %add3A_1023, %add3A_1023 : vector<16xf32>
          %mul3A_1034 = arith.mulf %add3A_1025, %add3A_1025 : vector<16xf32>
          %add3A_1035 = arith.addf %mul3A_1033, %mul3A_1034 : vector<16xf32>
          %mul3A_1036 = arith.mulf %add3A_1027, %add3A_1027 : vector<16xf32>
          %mul3A_1037 = arith.mulf %add3A_1029, %add3A_1029 : vector<16xf32>
          %add3A_1038 = arith.addf %mul3A_1036, %mul3A_1037 : vector<16xf32>
          %add3A_1039 = arith.addf %add3A_1035, %add3A_1038 : vector<16xf32>
          %reduce_sum3A_1040 = arith.constant true
          %reduce_sum3A_1041 = vector.broadcast %reduce_sum3A_1040 : i1 to vector<16xi1>
          %reduce_sum3A_1042 = tpu.scan <sum>, %add3A_1032 masked %reduce_sum3A_1041 : vector<16xf32>, vector<16xi1> -> vector<16xf32>
          %reduce_sum3A_1043 = vector.extract %reduce_sum3A_1042[15] : f32 from vector<16xf32>
          %broadcast_in_dim3A_1044 = vector.broadcast %reduce_sum3A_1043 : f32 to vector<16xf32>
          %mul3A_1045 = arith.constant 1.562500e-02 : f32
          %mul3A_1046 = vector.broadcast %mul3A_1045 : f32 to vector<16xf32>
          %mul3A_1047 = arith.mulf %broadcast_in_dim3A_1044, %mul3A_1046 : vector<16xf32>
          %reduce_sum3A_1048 = arith.constant true
          %reduce_sum3A_1049 = vector.broadcast %reduce_sum3A_1048 : i1 to vector<16xi1>
          %reduce_sum3A_1050 = tpu.scan <sum>, %add3A_1039 masked %reduce_sum3A_1049 : vector<16xf32>, vector<16xi1> -> vector<16xf32>
          %reduce_sum3A_1051 = vector.extract %reduce_sum3A_1050[15] : f32 from vector<16xf32>
          %broadcast_in_dim3A_1052 = vector.broadcast %reduce_sum3A_1051 : f32 to vector<16xf32>
          %mul3A_1053 = arith.constant 1.562500e-02 : f32
          %mul3A_1054 = vector.broadcast %mul3A_1053 : f32 to vector<16xf32>
          %mul3A_1055 = arith.mulf %broadcast_in_dim3A_1052, %mul3A_1054 : vector<16xf32>
          %mul3A_1056 = arith.mulf %mul3A_1047, %mul3A_1047 : vector<16xf32>
          %sub3A_1057 = arith.subf %mul3A_1055, %mul3A_1056 : vector<16xf32>
          %add3A_1058 = arith.constant 9.99999974E-6 : f32
          %add3A_1059 = vector.broadcast %add3A_1058 : f32 to vector<16xf32>
          %add3A_1060 = arith.addf %sub3A_1057, %add3A_1059 : vector<16xf32>
          %bitcast_convert_type3A_1061 = tpu.bitcast %add3A_1060 : vector<16xf32> -> vector<16xi32>
          %shift_right_arithmetic3A_1062 = arith.constant 1 : i32
          %shift_right_arithmetic3A_1063 = vector.broadcast %shift_right_arithmetic3A_1062 : i32 to vector<16xi32>
          %shift_right_arithmetic3A_1064 = arith.shrsi %bitcast_convert_type3A_1061, %shift_right_arithmetic3A_1063 : vector<16xi32>
          %sub3A_1065 = arith.constant 1597463007 : i32
          %sub3A_1066 = vector.broadcast %sub3A_1065 : i32 to vector<16xi32>
          %sub3A_1067 = arith.subi %sub3A_1066, %shift_right_arithmetic3A_1064 : vector<16xi32>
          %bitcast_convert_type3A_1068 = tpu.bitcast %sub3A_1067 : vector<16xi32> -> vector<16xf32>
          %mul3A_1069 = arith.constant 5.000000e-01 : f32
          %mul3A_1070 = vector.broadcast %mul3A_1069 : f32 to vector<16xf32>
          %mul3A_1071 = arith.mulf %add3A_1060, %mul3A_1070 : vector<16xf32>
          %mul3A_1072 = arith.mulf %mul3A_1071, %bitcast_convert_type3A_1068 : vector<16xf32>
          %mul3A_1073 = arith.mulf %mul3A_1072, %bitcast_convert_type3A_1068 : vector<16xf32>
          %sub3A_1074 = arith.constant 1.500000e+00 : f32
          %sub3A_1075 = vector.broadcast %sub3A_1074 : f32 to vector<16xf32>
          %sub3A_1076 = arith.subf %sub3A_1075, %mul3A_1073 : vector<16xf32>
          %mul3A_1077 = arith.mulf %bitcast_convert_type3A_1068, %sub3A_1076 : vector<16xf32>
          %mul3A_1078 = arith.mulf %mul3A_1071, %mul3A_1077 : vector<16xf32>
          %mul3A_1079 = arith.mulf %mul3A_1078, %mul3A_1077 : vector<16xf32>
          %sub3A_1080 = arith.constant 1.500000e+00 : f32
          %sub3A_1081 = vector.broadcast %sub3A_1080 : f32 to vector<16xf32>
          %sub3A_1082 = arith.subf %sub3A_1081, %mul3A_1079 : vector<16xf32>
          %mul3A_1083 = arith.mulf %mul3A_1077, %sub3A_1082 : vector<16xf32>
          %mul3A_1084 = arith.mulf %gather3A, %mul3A_1083 : vector<16xf32>
          %sub3A_1085 = arith.subf %add3A_1023, %mul3A_1047 : vector<16xf32>
          %mul3A_1086 = arith.mulf %sub3A_1085, %mul3A_1084 : vector<16xf32>
          %add3A_1087 = arith.addf %mul3A_1086, %gather3A_26 : vector<16xf32>
          tpu.vector_store_idx %run_scoped3A_3[%broadcast_in_dim3A_660, %broadcast_in_dim3A_1021, %add3A_13], %add3A_1087 : memref<4x100x64xf32, #tpu.memory_space<vmem>>[vector<16xi32>, vector<16xi32>, vector<16xi32>], vector<16xf32>,
          %mul3A_1088 = arith.mulf %gather3A_23, %mul3A_1083 : vector<16xf32>
          %sub3A_1089 = arith.subf %add3A_1025, %mul3A_1047 : vector<16xf32>
          %mul3A_1090 = arith.mulf %sub3A_1089, %mul3A_1088 : vector<16xf32>
          %add3A_1091 = arith.addf %mul3A_1090, %gather3A_27 : vector<16xf32>
          tpu.vector_store_idx %run_scoped3A_3[%broadcast_in_dim3A_660, %broadcast_in_dim3A_1021, %add3A_16], %add3A_1091 : memref<4x100x64xf32, #tpu.memory_space<vmem>>[vector<16xi32>, vector<16xi32>, vector<16xi32>], vector<16xf32>,
          %mul3A_1092 = arith.mulf %gather3A_24, %mul3A_1083 : vector<16xf32>
          %sub3A_1093 = arith.subf %add3A_1027, %mul3A_1047 : vector<16xf32>
          %mul3A_1094 = arith.mulf %sub3A_1093, %mul3A_1092 : vector<16xf32>
          %add3A_1095 = arith.addf %mul3A_1094, %gather3A_28 : vector<16xf32>
          tpu.vector_store_idx %run_scoped3A_3[%broadcast_in_dim3A_660, %broadcast_in_dim3A_1021, %add3A_19], %add3A_1095 : memref<4x100x64xf32, #tpu.memory_space<vmem>>[vector<16xi32>, vector<16xi32>, vector<16xi32>], vector<16xf32>,
          %mul3A_1096 = arith.mulf %gather3A_25, %mul3A_1083 : vector<16xf32>
          %sub3A_1097 = arith.subf %add3A_1029, %mul3A_1047 : vector<16xf32>
          %mul3A_1098 = arith.mulf %sub3A_1097, %mul3A_1096 : vector<16xf32>
          %add3A_1099 = arith.addf %mul3A_1098, %gather3A_29 : vector<16xf32>
          tpu.vector_store_idx %run_scoped3A_3[%broadcast_in_dim3A_660, %broadcast_in_dim3A_1021, %add3A_22], %add3A_1099 : memref<4x100x64xf32, #tpu.memory_space<vmem>>[vector<16xi32>, vector<16xi32>, vector<16xi32>], vector<16xf32>,
          %scan3A_1100 = arith.constant 2 : i32
          %scan3A_1101 = arith.addi %scan3A_934, %scan3A_1100 : i32
          %mul3A_1102 = arith.constant 1 : i32
          %mul3A_1103 = arith.muli %scan3A_1101, %mul3A_1102 : i32
          %add3A_1104 = arith.constant 0 : i32
          %add3A_1105 = arith.addi %add3A_1104, %mul3A_1103 : i32
          %broadcast_in_dim3A_1106 = vector.broadcast %add3A_1105 : i32 to vector<16xi32>
          %gather3A_1107 = tpu.vector_load_idx %run_scoped3A_2[%broadcast_in_dim3A_660, %broadcast_in_dim3A_1106, %add3A_13] : memref<4x100x64xf32, #tpu.memory_space<vmem>>[vector<16xi32>, vector<16xi32>, vector<16xi32>], vector<16xf32>,
          %add3A_1108 = arith.addf %gather3A_1107, %gather3A_655 : vector<16xf32>
          %gather3A_1109 = tpu.vector_load_idx %run_scoped3A_2[%broadcast_in_dim3A_660, %broadcast_in_dim3A_1106, %add3A_16] : memref<4x100x64xf32, #tpu.memory_space<vmem>>[vector<16xi32>, vector<16xi32>, vector<16xi32>], vector<16xf32>,
          %add3A_1110 = arith.addf %gather3A_1109, %gather3A_656 : vector<16xf32>
          %gather3A_1111 = tpu.vector_load_idx %run_scoped3A_2[%broadcast_in_dim3A_660, %broadcast_in_dim3A_1106, %add3A_19] : memref<4x100x64xf32, #tpu.memory_space<vmem>>[vector<16xi32>, vector<16xi32>, vector<16xi32>], vector<16xf32>,
          %add3A_1112 = arith.addf %gather3A_1111, %gather3A_657 : vector<16xf32>
          %gather3A_1113 = tpu.vector_load_idx %run_scoped3A_2[%broadcast_in_dim3A_660, %broadcast_in_dim3A_1106, %add3A_22] : memref<4x100x64xf32, #tpu.memory_space<vmem>>[vector<16xi32>, vector<16xi32>, vector<16xi32>], vector<16xf32>,
          %add3A_1114 = arith.addf %gather3A_1113, %gather3A_658 : vector<16xf32>
          %add3A_1115 = arith.addf %add3A_1108, %add3A_1110 : vector<16xf32>
          %add3A_1116 = arith.addf %add3A_1112, %add3A_1114 : vector<16xf32>
          %add3A_1117 = arith.addf %add3A_1115, %add3A_1116 : vector<16xf32>
          %mul3A_1118 = arith.mulf %add3A_1108, %add3A_1108 : vector<16xf32>
          %mul3A_1119 = arith.mulf %add3A_1110, %add3A_1110 : vector<16xf32>
          %add3A_1120 = arith.addf %mul3A_1118, %mul3A_1119 : vector<16xf32>
          %mul3A_1121 = arith.mulf %add3A_1112, %add3A_1112 : vector<16xf32>
          %mul3A_1122 = arith.mulf %add3A_1114, %add3A_1114 : vector<16xf32>
          %add3A_1123 = arith.addf %mul3A_1121, %mul3A_1122 : vector<16xf32>
          %add3A_1124 = arith.addf %add3A_1120, %add3A_1123 : vector<16xf32>
          %reduce_sum3A_1125 = arith.constant true
          %reduce_sum3A_1126 = vector.broadcast %reduce_sum3A_1125 : i1 to vector<16xi1>
          %reduce_sum3A_1127 = tpu.scan <sum>, %add3A_1117 masked %reduce_sum3A_1126 : vector<16xf32>, vector<16xi1> -> vector<16xf32>
          %reduce_sum3A_1128 = vector.extract %reduce_sum3A_1127[15] : f32 from vector<16xf32>
          %broadcast_in_dim3A_1129 = vector.broadcast %reduce_sum3A_1128 : f32 to vector<16xf32>
          %mul3A_1130 = arith.constant 1.562500e-02 : f32
          %mul3A_1131 = vector.broadcast %mul3A_1130 : f32 to vector<16xf32>
          %mul3A_1132 = arith.mulf %broadcast_in_dim3A_1129, %mul3A_1131 : vector<16xf32>
          %reduce_sum3A_1133 = arith.constant true
          %reduce_sum3A_1134 = vector.broadcast %reduce_sum3A_1133 : i1 to vector<16xi1>
          %reduce_sum3A_1135 = tpu.scan <sum>, %add3A_1124 masked %reduce_sum3A_1134 : vector<16xf32>, vector<16xi1> -> vector<16xf32>
          %reduce_sum3A_1136 = vector.extract %reduce_sum3A_1135[15] : f32 from vector<16xf32>
          %broadcast_in_dim3A_1137 = vector.broadcast %reduce_sum3A_1136 : f32 to vector<16xf32>
          %mul3A_1138 = arith.constant 1.562500e-02 : f32
          %mul3A_1139 = vector.broadcast %mul3A_1138 : f32 to vector<16xf32>
          %mul3A_1140 = arith.mulf %broadcast_in_dim3A_1137, %mul3A_1139 : vector<16xf32>
          %mul3A_1141 = arith.mulf %mul3A_1132, %mul3A_1132 : vector<16xf32>
          %sub3A_1142 = arith.subf %mul3A_1140, %mul3A_1141 : vector<16xf32>
          %add3A_1143 = arith.constant 9.99999974E-6 : f32
          %add3A_1144 = vector.broadcast %add3A_1143 : f32 to vector<16xf32>
          %add3A_1145 = arith.addf %sub3A_1142, %add3A_1144 : vector<16xf32>
          %bitcast_convert_type3A_1146 = tpu.bitcast %add3A_1145 : vector<16xf32> -> vector<16xi32>
          %shift_right_arithmetic3A_1147 = arith.constant 1 : i32
          %shift_right_arithmetic3A_1148 = vector.broadcast %shift_right_arithmetic3A_1147 : i32 to vector<16xi32>
          %shift_right_arithmetic3A_1149 = arith.shrsi %bitcast_convert_type3A_1146, %shift_right_arithmetic3A_1148 : vector<16xi32>
          %sub3A_1150 = arith.constant 1597463007 : i32
          %sub3A_1151 = vector.broadcast %sub3A_1150 : i32 to vector<16xi32>
          %sub3A_1152 = arith.subi %sub3A_1151, %shift_right_arithmetic3A_1149 : vector<16xi32>
          %bitcast_convert_type3A_1153 = tpu.bitcast %sub3A_1152 : vector<16xi32> -> vector<16xf32>
          %mul3A_1154 = arith.constant 5.000000e-01 : f32
          %mul3A_1155 = vector.broadcast %mul3A_1154 : f32 to vector<16xf32>
          %mul3A_1156 = arith.mulf %add3A_1145, %mul3A_1155 : vector<16xf32>
          %mul3A_1157 = arith.mulf %mul3A_1156, %bitcast_convert_type3A_1153 : vector<16xf32>
          %mul3A_1158 = arith.mulf %mul3A_1157, %bitcast_convert_type3A_1153 : vector<16xf32>
          %sub3A_1159 = arith.constant 1.500000e+00 : f32
          %sub3A_1160 = vector.broadcast %sub3A_1159 : f32 to vector<16xf32>
          %sub3A_1161 = arith.subf %sub3A_1160, %mul3A_1158 : vector<16xf32>
          %mul3A_1162 = arith.mulf %bitcast_convert_type3A_1153, %sub3A_1161 : vector<16xf32>
          %mul3A_1163 = arith.mulf %mul3A_1156, %mul3A_1162 : vector<16xf32>
          %mul3A_1164 = arith.mulf %mul3A_1163, %mul3A_1162 : vector<16xf32>
          %sub3A_1165 = arith.constant 1.500000e+00 : f32
          %sub3A_1166 = vector.broadcast %sub3A_1165 : f32 to vector<16xf32>
          %sub3A_1167 = arith.subf %sub3A_1166, %mul3A_1164 : vector<16xf32>
          %mul3A_1168 = arith.mulf %mul3A_1162, %sub3A_1167 : vector<16xf32>
          %mul3A_1169 = arith.mulf %gather3A, %mul3A_1168 : vector<16xf32>
          %sub3A_1170 = arith.subf %add3A_1108, %mul3A_1132 : vector<16xf32>
          %mul3A_1171 = arith.mulf %sub3A_1170, %mul3A_1169 : vector<16xf32>
          %add3A_1172 = arith.addf %mul3A_1171, %gather3A_26 : vector<16xf32>
          tpu.vector_store_idx %run_scoped3A_3[%broadcast_in_dim3A_660, %broadcast_in_dim3A_1106, %add3A_13], %add3A_1172 : memref<4x100x64xf32, #tpu.memory_space<vmem>>[vector<16xi32>, vector<16xi32>, vector<16xi32>], vector<16xf32>,
          %mul3A_1173 = arith.mulf %gather3A_23, %mul3A_1168 : vector<16xf32>
          %sub3A_1174 = arith.subf %add3A_1110, %mul3A_1132 : vector<16xf32>
          %mul3A_1175 = arith.mulf %sub3A_1174, %mul3A_1173 : vector<16xf32>
          %add3A_1176 = arith.addf %mul3A_1175, %gather3A_27 : vector<16xf32>
          tpu.vector_store_idx %run_scoped3A_3[%broadcast_in_dim3A_660, %broadcast_in_dim3A_1106, %add3A_16], %add3A_1176 : memref<4x100x64xf32, #tpu.memory_space<vmem>>[vector<16xi32>, vector<16xi32>, vector<16xi32>], vector<16xf32>,
          %mul3A_1177 = arith.mulf %gather3A_24, %mul3A_1168 : vector<16xf32>
          %sub3A_1178 = arith.subf %add3A_1112, %mul3A_1132 : vector<16xf32>
          %mul3A_1179 = arith.mulf %sub3A_1178, %mul3A_1177 : vector<16xf32>
          %add3A_1180 = arith.addf %mul3A_1179, %gather3A_28 : vector<16xf32>
          tpu.vector_store_idx %run_scoped3A_3[%broadcast_in_dim3A_660, %broadcast_in_dim3A_1106, %add3A_19], %add3A_1180 : memref<4x100x64xf32, #tpu.memory_space<vmem>>[vector<16xi32>, vector<16xi32>, vector<16xi32>], vector<16xf32>,
          %mul3A_1181 = arith.mulf %gather3A_25, %mul3A_1168 : vector<16xf32>
          %sub3A_1182 = arith.subf %add3A_1114, %mul3A_1132 : vector<16xf32>
          %mul3A_1183 = arith.mulf %sub3A_1182, %mul3A_1181 : vector<16xf32>
          %add3A_1184 = arith.addf %mul3A_1183, %gather3A_29 : vector<16xf32>
          tpu.vector_store_idx %run_scoped3A_3[%broadcast_in_dim3A_660, %broadcast_in_dim3A_1106, %add3A_22], %add3A_1184 : memref<4x100x64xf32, #tpu.memory_space<vmem>>[vector<16xi32>, vector<16xi32>, vector<16xi32>], vector<16xf32>,
          %scan3A_1185 = arith.constant 3 : i32
          %scan3A_1186 = arith.addi %scan3A_934, %scan3A_1185 : i32
          %mul3A_1187 = arith.constant 1 : i32
          %mul3A_1188 = arith.muli %scan3A_1186, %mul3A_1187 : i32
          %add3A_1189 = arith.constant 0 : i32
          %add3A_1190 = arith.addi %add3A_1189, %mul3A_1188 : i32
          %broadcast_in_dim3A_1191 = vector.broadcast %add3A_1190 : i32 to vector<16xi32>
          %gather3A_1192 = tpu.vector_load_idx %run_scoped3A_2[%broadcast_in_dim3A_660, %broadcast_in_dim3A_1191, %add3A_13] : memref<4x100x64xf32, #tpu.memory_space<vmem>>[vector<16xi32>, vector<16xi32>, vector<16xi32>], vector<16xf32>,
          %add3A_1193 = arith.addf %gather3A_1192, %gather3A_655 : vector<16xf32>
          %gather3A_1194 = tpu.vector_load_idx %run_scoped3A_2[%broadcast_in_dim3A_660, %broadcast_in_dim3A_1191, %add3A_16] : memref<4x100x64xf32, #tpu.memory_space<vmem>>[vector<16xi32>, vector<16xi32>, vector<16xi32>], vector<16xf32>,
          %add3A_1195 = arith.addf %gather3A_1194, %gather3A_656 : vector<16xf32>
          %gather3A_1196 = tpu.vector_load_idx %run_scoped3A_2[%broadcast_in_dim3A_660, %broadcast_in_dim3A_1191, %add3A_19] : memref<4x100x64xf32, #tpu.memory_space<vmem>>[vector<16xi32>, vector<16xi32>, vector<16xi32>], vector<16xf32>,
          %add3A_1197 = arith.addf %gather3A_1196, %gather3A_657 : vector<16xf32>
          %gather3A_1198 = tpu.vector_load_idx %run_scoped3A_2[%broadcast_in_dim3A_660, %broadcast_in_dim3A_1191, %add3A_22] : memref<4x100x64xf32, #tpu.memory_space<vmem>>[vector<16xi32>, vector<16xi32>, vector<16xi32>], vector<16xf32>,
          %add3A_1199 = arith.addf %gather3A_1198, %gather3A_658 : vector<16xf32>
          %add3A_1200 = arith.addf %add3A_1193, %add3A_1195 : vector<16xf32>
          %add3A_1201 = arith.addf %add3A_1197, %add3A_1199 : vector<16xf32>
          %add3A_1202 = arith.addf %add3A_1200, %add3A_1201 : vector<16xf32>
          %mul3A_1203 = arith.mulf %add3A_1193, %add3A_1193 : vector<16xf32>
          %mul3A_1204 = arith.mulf %add3A_1195, %add3A_1195 : vector<16xf32>
          %add3A_1205 = arith.addf %mul3A_1203, %mul3A_1204 : vector<16xf32>
          %mul3A_1206 = arith.mulf %add3A_1197, %add3A_1197 : vector<16xf32>
          %mul3A_1207 = arith.mulf %add3A_1199, %add3A_1199 : vector<16xf32>
          %add3A_1208 = arith.addf %mul3A_1206, %mul3A_1207 : vector<16xf32>
          %add3A_1209 = arith.addf %add3A_1205, %add3A_1208 : vector<16xf32>
          %reduce_sum3A_1210 = arith.constant true
          %reduce_sum3A_1211 = vector.broadcast %reduce_sum3A_1210 : i1 to vector<16xi1>
          %reduce_sum3A_1212 = tpu.scan <sum>, %add3A_1202 masked %reduce_sum3A_1211 : vector<16xf32>, vector<16xi1> -> vector<16xf32>
          %reduce_sum3A_1213 = vector.extract %reduce_sum3A_1212[15] : f32 from vector<16xf32>
          %broadcast_in_dim3A_1214 = vector.broadcast %reduce_sum3A_1213 : f32 to vector<16xf32>
          %mul3A_1215 = arith.constant 1.562500e-02 : f32
          %mul3A_1216 = vector.broadcast %mul3A_1215 : f32 to vector<16xf32>
          %mul3A_1217 = arith.mulf %broadcast_in_dim3A_1214, %mul3A_1216 : vector<16xf32>
          %reduce_sum3A_1218 = arith.constant true
          %reduce_sum3A_1219 = vector.broadcast %reduce_sum3A_1218 : i1 to vector<16xi1>
          %reduce_sum3A_1220 = tpu.scan <sum>, %add3A_1209 masked %reduce_sum3A_1219 : vector<16xf32>, vector<16xi1> -> vector<16xf32>
          %reduce_sum3A_1221 = vector.extract %reduce_sum3A_1220[15] : f32 from vector<16xf32>
          %broadcast_in_dim3A_1222 = vector.broadcast %reduce_sum3A_1221 : f32 to vector<16xf32>
          %mul3A_1223 = arith.constant 1.562500e-02 : f32
          %mul3A_1224 = vector.broadcast %mul3A_1223 : f32 to vector<16xf32>
          %mul3A_1225 = arith.mulf %broadcast_in_dim3A_1222, %mul3A_1224 : vector<16xf32>
          %mul3A_1226 = arith.mulf %mul3A_1217, %mul3A_1217 : vector<16xf32>
          %sub3A_1227 = arith.subf %mul3A_1225, %mul3A_1226 : vector<16xf32>
          %add3A_1228 = arith.constant 9.99999974E-6 : f32
          %add3A_1229 = vector.broadcast %add3A_1228 : f32 to vector<16xf32>
          %add3A_1230 = arith.addf %sub3A_1227, %add3A_1229 : vector<16xf32>
          %bitcast_convert_type3A_1231 = tpu.bitcast %add3A_1230 : vector<16xf32> -> vector<16xi32>
          %shift_right_arithmetic3A_1232 = arith.constant 1 : i32
          %shift_right_arithmetic3A_1233 = vector.broadcast %shift_right_arithmetic3A_1232 : i32 to vector<16xi32>
          %shift_right_arithmetic3A_1234 = arith.shrsi %bitcast_convert_type3A_1231, %shift_right_arithmetic3A_1233 : vector<16xi32>
          %sub3A_1235 = arith.constant 1597463007 : i32
          %sub3A_1236 = vector.broadcast %sub3A_1235 : i32 to vector<16xi32>
          %sub3A_1237 = arith.subi %sub3A_1236, %shift_right_arithmetic3A_1234 : vector<16xi32>
          %bitcast_convert_type3A_1238 = tpu.bitcast %sub3A_1237 : vector<16xi32> -> vector<16xf32>
          %mul3A_1239 = arith.constant 5.000000e-01 : f32
          %mul3A_1240 = vector.broadcast %mul3A_1239 : f32 to vector<16xf32>
          %mul3A_1241 = arith.mulf %add3A_1230, %mul3A_1240 : vector<16xf32>
          %mul3A_1242 = arith.mulf %mul3A_1241, %bitcast_convert_type3A_1238 : vector<16xf32>
          %mul3A_1243 = arith.mulf %mul3A_1242, %bitcast_convert_type3A_1238 : vector<16xf32>
          %sub3A_1244 = arith.constant 1.500000e+00 : f32
          %sub3A_1245 = vector.broadcast %sub3A_1244 : f32 to vector<16xf32>
          %sub3A_1246 = arith.subf %sub3A_1245, %mul3A_1243 : vector<16xf32>
          %mul3A_1247 = arith.mulf %bitcast_convert_type3A_1238, %sub3A_1246 : vector<16xf32>
          %mul3A_1248 = arith.mulf %mul3A_1241, %mul3A_1247 : vector<16xf32>
          %mul3A_1249 = arith.mulf %mul3A_1248, %mul3A_1247 : vector<16xf32>
          %sub3A_1250 = arith.constant 1.500000e+00 : f32
          %sub3A_1251 = vector.broadcast %sub3A_1250 : f32 to vector<16xf32>
          %sub3A_1252 = arith.subf %sub3A_1251, %mul3A_1249 : vector<16xf32>
          %mul3A_1253 = arith.mulf %mul3A_1247, %sub3A_1252 : vector<16xf32>
          %mul3A_1254 = arith.mulf %gather3A, %mul3A_1253 : vector<16xf32>
          %sub3A_1255 = arith.subf %add3A_1193, %mul3A_1217 : vector<16xf32>
          %mul3A_1256 = arith.mulf %sub3A_1255, %mul3A_1254 : vector<16xf32>
          %add3A_1257 = arith.addf %mul3A_1256, %gather3A_26 : vector<16xf32>
          tpu.vector_store_idx %run_scoped3A_3[%broadcast_in_dim3A_660, %broadcast_in_dim3A_1191, %add3A_13], %add3A_1257 : memref<4x100x64xf32, #tpu.memory_space<vmem>>[vector<16xi32>, vector<16xi32>, vector<16xi32>], vector<16xf32>,
          %mul3A_1258 = arith.mulf %gather3A_23, %mul3A_1253 : vector<16xf32>
          %sub3A_1259 = arith.subf %add3A_1195, %mul3A_1217 : vector<16xf32>
          %mul3A_1260 = arith.mulf %sub3A_1259, %mul3A_1258 : vector<16xf32>
          %add3A_1261 = arith.addf %mul3A_1260, %gather3A_27 : vector<16xf32>
          tpu.vector_store_idx %run_scoped3A_3[%broadcast_in_dim3A_660, %broadcast_in_dim3A_1191, %add3A_16], %add3A_1261 : memref<4x100x64xf32, #tpu.memory_space<vmem>>[vector<16xi32>, vector<16xi32>, vector<16xi32>], vector<16xf32>,
          %mul3A_1262 = arith.mulf %gather3A_24, %mul3A_1253 : vector<16xf32>
          %sub3A_1263 = arith.subf %add3A_1197, %mul3A_1217 : vector<16xf32>
          %mul3A_1264 = arith.mulf %sub3A_1263, %mul3A_1262 : vector<16xf32>
          %add3A_1265 = arith.addf %mul3A_1264, %gather3A_28 : vector<16xf32>
          tpu.vector_store_idx %run_scoped3A_3[%broadcast_in_dim3A_660, %broadcast_in_dim3A_1191, %add3A_19], %add3A_1265 : memref<4x100x64xf32, #tpu.memory_space<vmem>>[vector<16xi32>, vector<16xi32>, vector<16xi32>], vector<16xf32>,
          %mul3A_1266 = arith.mulf %gather3A_25, %mul3A_1253 : vector<16xf32>
          %sub3A_1267 = arith.subf %add3A_1199, %mul3A_1217 : vector<16xf32>
          %mul3A_1268 = arith.mulf %sub3A_1267, %mul3A_1266 : vector<16xf32>
          %add3A_1269 = arith.addf %mul3A_1268, %gather3A_29 : vector<16xf32>
          tpu.vector_store_idx %run_scoped3A_3[%broadcast_in_dim3A_660, %broadcast_in_dim3A_1191, %add3A_22], %add3A_1269 : memref<4x100x64xf32, #tpu.memory_space<vmem>>[vector<16xi32>, vector<16xi32>, vector<16xi32>], vector<16xf32>,
        }
        %scan3A_665 = arith.constant 100 : i32
        %jit3A_666 = arith.constant 2 : i32
        %div3A_667 = arith.divsi %add3A_559, %jit3A_666 : i32
        %sign3A_668 = arith.constant 0 : i32
        %sign3A_669 = arith.cmpi sgt, %add3A_559, %sign3A_668 : i32
        %sign3A_670 = arith.extui %sign3A_669 : i1 to i32
        %sign3A_671 = arith.constant 0 : i32
        %sign3A_672 = arith.cmpi slt, %add3A_559, %sign3A_671 : i32
        %sign3A_673 = arith.extui %sign3A_672 : i1 to i32
        %sign3A_674 = arith.subi %sign3A_670, %sign3A_673 : i32
        %sign3A_675 = arith.constant 0 : i32
        %sign3A_676 = arith.cmpi sgt, %jit3A_666, %sign3A_675 : i32
        %sign3A_677 = arith.extui %sign3A_676 : i1 to i32
        %sign3A_678 = arith.constant 0 : i32
        %sign3A_679 = arith.cmpi slt, %jit3A_666, %sign3A_678 : i32
        %sign3A_680 = arith.extui %sign3A_679 : i1 to i32
        %sign3A_681 = arith.subi %sign3A_677, %sign3A_680 : i32
        %ne3A_682 = arith.cmpi ne, %sign3A_674, %sign3A_681 : i32
        %rem3A_683 = arith.remsi %add3A_559, %jit3A_666 : i32
        %ne3A_684 = arith.constant 0 : i32
        %ne3A_685 = arith.cmpi ne, %rem3A_683, %ne3A_684 : i32
        %and3A_686 = arith.andi %ne3A_682, %ne3A_685 : i1
        %sub3A_687 = arith.constant 1 : i32
        %sub3A_688 = arith.subi %div3A_667, %sub3A_687 : i32
        %select_n3A_689 = arith.select %and3A_686, %sub3A_688, %div3A_667 : i32
        %mul3A_690 = arith.constant 2 : i32
        %mul3A_691 = arith.muli %mul3A_690, %select_n3A_689 : i32
        %sub3A_692 = arith.subi %add3A_559, %mul3A_691 : i32
        %jit3A_693 = arith.constant 2 : i32
        %div3A_694 = arith.divsi %add3A_559, %jit3A_693 : i32
        %sign3A_695 = arith.constant 0 : i32
        %sign3A_696 = arith.cmpi sgt, %add3A_559, %sign3A_695 : i32
        %sign3A_697 = arith.extui %sign3A_696 : i1 to i32
        %sign3A_698 = arith.constant 0 : i32
        %sign3A_699 = arith.cmpi slt, %add3A_559, %sign3A_698 : i32
        %sign3A_700 = arith.extui %sign3A_699 : i1 to i32
        %sign3A_701 = arith.subi %sign3A_697, %sign3A_700 : i32
        %sign3A_702 = arith.constant 0 : i32
        %sign3A_703 = arith.cmpi sgt, %jit3A_693, %sign3A_702 : i32
        %sign3A_704 = arith.extui %sign3A_703 : i1 to i32
        %sign3A_705 = arith.constant 0 : i32
        %sign3A_706 = arith.cmpi slt, %jit3A_693, %sign3A_705 : i32
        %sign3A_707 = arith.extui %sign3A_706 : i1 to i32
        %sign3A_708 = arith.subi %sign3A_704, %sign3A_707 : i32
        %ne3A_709 = arith.cmpi ne, %sign3A_701, %sign3A_708 : i32
        %rem3A_710 = arith.remsi %add3A_559, %jit3A_693 : i32
        %ne3A_711 = arith.constant 0 : i32
        %ne3A_712 = arith.cmpi ne, %rem3A_710, %ne3A_711 : i32
        %and3A_713 = arith.andi %ne3A_709, %ne3A_712 : i1
        %sub3A_714 = arith.constant 1 : i32
        %sub3A_715 = arith.subi %div3A_694, %sub3A_714 : i32
        %select_n3A_716 = arith.select %and3A_713, %sub3A_715, %div3A_694 : i32
        %add3A_717 = arith.addi %mul3A_6, %select_n3A_716 : i32
        %mul3A_718 = arith.constant 100 : i32
        %mul3A_719 = arith.muli %sub3A_692, %mul3A_718 : i32
        %dma_start3A_720 = arith.constant 2 : i32
        %dma_start3A_721 = arith.constant 2 : i32
        %dma_start3A_722 = arith.constant 0 : i32
        %dma_start3A_723 = arith.constant 0 : i32
        %dma_start3A_724 = tpu.memref_slice %run_scoped3A_3[%dma_start3A_720, %dma_start3A_722, %dma_start3A_723] : memref<4x100x64xf32, #tpu.memory_space<vmem>> -> memref<1x100x64xf32, #tpu.memory_space<vmem>>
        %dma_start3A_725 = tpu.memref_squeeze %dma_start3A_724 : memref<1x100x64xf32, #tpu.memory_space<vmem>> -> memref<100x64xf32, #tpu.memory_space<vmem>>
        %dma_start3A_726 = arith.constant 0 : i32
        %dma_start3A_727 = tpu.memref_slice %arg8[%add3A_717, %mul3A_719, %dma_start3A_726] : memref<4096x200x64xf32, #tpu.memory_space<hbm>> -> memref<1x100x64xf32, #tpu.memory_space<hbm>>
        %dma_start3A_728 = tpu.memref_squeeze %dma_start3A_727 : memref<1x100x64xf32, #tpu.memory_space<hbm>> -> memref<100x64xf32, #tpu.memory_space<hbm>>
        %dma_start3A_729 = tpu.memref_slice %arg12[%dma_start3A_721] : memref<4x!tpu.dma_semaphore, #tpu.memory_space<semaphore_mem>> -> memref<1x!tpu.dma_semaphore, #tpu.memory_space<semaphore_mem>>
        %dma_start3A_730 = tpu.memref_squeeze %dma_start3A_729 : memref<1x!tpu.dma_semaphore, #tpu.memory_space<semaphore_mem>> -> memref<!tpu.dma_semaphore, #tpu.memory_space<semaphore_mem>>
        %dma_start3A_731 = arith.constant 0 : i32
        %dma_start3A_732 = tpu.memref_slice %arg8[%add3A_717, %mul3A_719, %dma_start3A_731] : memref<4096x200x64xf32, #tpu.memory_space<hbm>> -> memref<1x100x64xf32, #tpu.memory_space<hbm>>
        %dma_start3A_733 = tpu.memref_squeeze %dma_start3A_732 : memref<1x100x64xf32, #tpu.memory_space<hbm>> -> memref<100x64xf32, #tpu.memory_space<hbm>>
        %dma_start3A_734 = arith.constant 0 : i32
        %dma_start3A_735 = arith.constant 0 : i32
        %dma_start3A_736 = tpu.memref_slice %run_scoped3A_3[%dma_start3A_720, %dma_start3A_734, %dma_start3A_735] : memref<4x100x64xf32, #tpu.memory_space<vmem>> -> memref<1x100x64xf32, #tpu.memory_space<vmem>>
        %dma_start3A_737 = tpu.memref_squeeze %dma_start3A_736 : memref<1x100x64xf32, #tpu.memory_space<vmem>> -> memref<100x64xf32, #tpu.memory_space<vmem>>
        tpu.enqueue_dma source(%dma_start3A_737 : memref<100x64xf32, #tpu.memory_space<vmem>>) target(%dma_start3A_733 : memref<100x64xf32, #tpu.memory_space<hbm>>) target_semaphore(%dma_start3A_730 : memref<!tpu.dma_semaphore, #tpu.memory_space<semaphore_mem>>)
        %add3A_738 = arith.constant 4 : i32
        %add3A_739 = arith.addi %add3A_559, %add3A_738 : i32
        %lt3A_740 = arith.constant 256 : i32
        %lt3A_741 = arith.cmpi slt, %add3A_739, %lt3A_740 : i32
        %convert_element_type3A_742 = arith.extui %lt3A_741 : i1 to i32
        %cond3A_743 = arith.constant 0 : i32
        %cond3A_744 = arith.cmpi ne, %convert_element_type3A_742, %cond3A_743 : i32
        scf.if %cond3A_744 {
          %add3A_934 = arith.constant 4 : i32
          %add3A_935 = arith.addi %add3A_559, %add3A_934 : i32
          %jit3A_936 = arith.constant 2 : i32
          %div3A_937 = arith.divsi %add3A_935, %jit3A_936 : i32
          %sign3A_938 = arith.constant 0 : i32
          %sign3A_939 = arith.cmpi sgt, %add3A_935, %sign3A_938 : i32
          %sign3A_940 = arith.extui %sign3A_939 : i1 to i32
          %sign3A_941 = arith.constant 0 : i32
          %sign3A_942 = arith.cmpi slt, %add3A_935, %sign3A_941 : i32
          %sign3A_943 = arith.extui %sign3A_942 : i1 to i32
          %sign3A_944 = arith.subi %sign3A_940, %sign3A_943 : i32
          %sign3A_945 = arith.constant 0 : i32
          %sign3A_946 = arith.cmpi sgt, %jit3A_936, %sign3A_945 : i32
          %sign3A_947 = arith.extui %sign3A_946 : i1 to i32
          %sign3A_948 = arith.constant 0 : i32
          %sign3A_949 = arith.cmpi slt, %jit3A_936, %sign3A_948 : i32
          %sign3A_950 = arith.extui %sign3A_949 : i1 to i32
          %sign3A_951 = arith.subi %sign3A_947, %sign3A_950 : i32
          %ne3A_952 = arith.cmpi ne, %sign3A_944, %sign3A_951 : i32
          %rem3A_953 = arith.remsi %add3A_935, %jit3A_936 : i32
          %ne3A_954 = arith.constant 0 : i32
          %ne3A_955 = arith.cmpi ne, %rem3A_953, %ne3A_954 : i32
          %and3A_956 = arith.andi %ne3A_952, %ne3A_955 : i1
          %sub3A_957 = arith.constant 1 : i32
          %sub3A_958 = arith.subi %div3A_937, %sub3A_957 : i32
          %select_n3A_959 = arith.select %and3A_956, %sub3A_958, %div3A_937 : i32
          %mul3A_960 = arith.constant 2 : i32
          %mul3A_961 = arith.muli %mul3A_960, %select_n3A_959 : i32
          %sub3A_962 = arith.subi %add3A_935, %mul3A_961 : i32
          %jit3A_963 = arith.constant 2 : i32
          %div3A_964 = arith.divsi %add3A_935, %jit3A_963 : i32
          %sign3A_965 = arith.constant 0 : i32
          %sign3A_966 = arith.cmpi sgt, %add3A_935, %sign3A_965 : i32
          %sign3A_967 = arith.extui %sign3A_966 : i1 to i32
          %sign3A_968 = arith.constant 0 : i32
          %sign3A_969 = arith.cmpi slt, %add3A_935, %sign3A_968 : i32
          %sign3A_970 = arith.extui %sign3A_969 : i1 to i32
          %sign3A_971 = arith.subi %sign3A_967, %sign3A_970 : i32
          %sign3A_972 = arith.constant 0 : i32
          %sign3A_973 = arith.cmpi sgt, %jit3A_963, %sign3A_972 : i32
          %sign3A_974 = arith.extui %sign3A_973 : i1 to i32
          %sign3A_975 = arith.constant 0 : i32
          %sign3A_976 = arith.cmpi slt, %jit3A_963, %sign3A_975 : i32
          %sign3A_977 = arith.extui %sign3A_976 : i1 to i32
          %sign3A_978 = arith.subi %sign3A_974, %sign3A_977 : i32
          %ne3A_979 = arith.cmpi ne, %sign3A_971, %sign3A_978 : i32
          %rem3A_980 = arith.remsi %add3A_935, %jit3A_963 : i32
          %ne3A_981 = arith.constant 0 : i32
          %ne3A_982 = arith.cmpi ne, %rem3A_980, %ne3A_981 : i32
          %and3A_983 = arith.andi %ne3A_979, %ne3A_982 : i1
          %sub3A_984 = arith.constant 1 : i32
          %sub3A_985 = arith.subi %div3A_964, %sub3A_984 : i32
          %select_n3A_986 = arith.select %and3A_983, %sub3A_985, %div3A_964 : i32
          %dma_start3A_987 = arith.constant 2 : i32
          %dma_start3A_988 = arith.constant 2 : i32
          %dma_start3A_989 = arith.constant 0 : i32
          %dma_start3A_990 = arith.constant 0 : i32
          %dma_start3A_991 = tpu.memref_slice %run_scoped3A_2[%dma_start3A_987, %dma_start3A_989, %dma_start3A_990] : memref<4x100x64xf32, #tpu.memory_space<vmem>> -> memref<1x100x64xf32, #tpu.memory_space<vmem>>
          %dma_start3A_992 = tpu.memref_squeeze %dma_start3A_991 : memref<1x100x64xf32, #tpu.memory_space<vmem>> -> memref<100x64xf32, #tpu.memory_space<vmem>>
          %dma_start3A_993 = arith.constant 0 : i32
          %dma_start3A_994 = tpu.memref_slice %arg9[%select_n3A_986, %sub3A_962, %dma_start3A_993] : memref<128x2x100xi32, #tpu.memory_space<vmem>> -> memref<1x1x100xi32, #tpu.memory_space<vmem>>
          %dma_start3A_995 = tpu.memref_squeeze %dma_start3A_994 : memref<1x1x100xi32, #tpu.memory_space<vmem>> -> memref<100xi32, #tpu.memory_space<vmem>>
          %dma_start3A_996 = arith.constant 0 : i32
          %dma_start3A_997 = arith.constant 0 : i32
          %dma_start3A_998 = tpu.memref_slice %arg4[%dma_start3A_996, %dma_start3A_997] : memref<1000000x64xf32, #tpu.memory_space<hbm>> -> memref<1000000x64xf32, #tpu.memory_space<hbm>>
          %dma_start3A_999 = tpu.memref_slice %arg11[%dma_start3A_988] : memref<4x!tpu.dma_semaphore, #tpu.memory_space<semaphore_mem>> -> memref<1x!tpu.dma_semaphore, #tpu.memory_space<semaphore_mem>>
          %dma_start3A_1000 = tpu.memref_squeeze %dma_start3A_999 : memref<1x!tpu.dma_semaphore, #tpu.memory_space<semaphore_mem>> -> memref<!tpu.dma_semaphore, #tpu.memory_space<semaphore_mem>>
          tpu.enqueue_indirect_dma source(%dma_start3A_998 : memref<1000000x64xf32, #tpu.memory_space<hbm>>) target(%dma_start3A_992 : memref<100x64xf32, #tpu.memory_space<vmem>>) offsets(%dma_start3A_995 : memref<100xi32, #tpu.memory_space<vmem>>) semaphore(%dma_start3A_1000 : memref<!tpu.dma_semaphore, #tpu.memory_space<semaphore_mem>>)
        } else {
        }
        %mul3A_745 = arith.constant 4 : i32
        %mul3A_746 = arith.muli %add3A_190, %mul3A_745 : i32
        %add3A_747 = arith.constant 3 : i32
        %add3A_748 = arith.addi %mul3A_746, %add3A_747 : i32
        %gt3A_749 = arith.constant 0 : i32
        %gt3A_750 = arith.cmpi sgt, %add3A_190, %gt3A_749 : i32
        %convert_element_type3A_751 = arith.extui %gt3A_750 : i1 to i32
        %cond3A_752 = arith.constant 0 : i32
        %cond3A_753 = arith.cmpi ne, %convert_element_type3A_751, %cond3A_752 : i32
        scf.if %cond3A_753 {
          %sub3A_934 = arith.constant 4 : i32
          %sub3A_935 = arith.subi %add3A_748, %sub3A_934 : i32
          %jit3A_936 = arith.constant 2 : i32
          %div3A_937 = arith.divsi %sub3A_935, %jit3A_936 : i32
          %sign3A_938 = arith.constant 0 : i32
          %sign3A_939 = arith.cmpi sgt, %sub3A_935, %sign3A_938 : i32
          %sign3A_940 = arith.extui %sign3A_939 : i1 to i32
          %sign3A_941 = arith.constant 0 : i32
          %sign3A_942 = arith.cmpi slt, %sub3A_935, %sign3A_941 : i32
          %sign3A_943 = arith.extui %sign3A_942 : i1 to i32
          %sign3A_944 = arith.subi %sign3A_940, %sign3A_943 : i32
          %sign3A_945 = arith.constant 0 : i32
          %sign3A_946 = arith.cmpi sgt, %jit3A_936, %sign3A_945 : i32
          %sign3A_947 = arith.extui %sign3A_946 : i1 to i32
          %sign3A_948 = arith.constant 0 : i32
          %sign3A_949 = arith.cmpi slt, %jit3A_936, %sign3A_948 : i32
          %sign3A_950 = arith.extui %sign3A_949 : i1 to i32
          %sign3A_951 = arith.subi %sign3A_947, %sign3A_950 : i32
          %ne3A_952 = arith.cmpi ne, %sign3A_944, %sign3A_951 : i32
          %rem3A_953 = arith.remsi %sub3A_935, %jit3A_936 : i32
          %ne3A_954 = arith.constant 0 : i32
          %ne3A_955 = arith.cmpi ne, %rem3A_953, %ne3A_954 : i32
          %and3A_956 = arith.andi %ne3A_952, %ne3A_955 : i1
          %sub3A_957 = arith.constant 1 : i32
          %sub3A_958 = arith.subi %div3A_937, %sub3A_957 : i32
          %select_n3A_959 = arith.select %and3A_956, %sub3A_958, %div3A_937 : i32
          %mul3A_960 = arith.constant 2 : i32
          %mul3A_961 = arith.muli %mul3A_960, %select_n3A_959 : i32
          %sub3A_962 = arith.subi %sub3A_935, %mul3A_961 : i32
          %jit3A_963 = arith.constant 2 : i32
          %div3A_964 = arith.divsi %sub3A_935, %jit3A_963 : i32
          %sign3A_965 = arith.constant 0 : i32
          %sign3A_966 = arith.cmpi sgt, %sub3A_935, %sign3A_965 : i32
          %sign3A_967 = arith.extui %sign3A_966 : i1 to i32
          %sign3A_968 = arith.constant 0 : i32
          %sign3A_969 = arith.cmpi slt, %sub3A_935, %sign3A_968 : i32
          %sign3A_970 = arith.extui %sign3A_969 : i1 to i32
          %sign3A_971 = arith.subi %sign3A_967, %sign3A_970 : i32
          %sign3A_972 = arith.constant 0 : i32
          %sign3A_973 = arith.cmpi sgt, %jit3A_963, %sign3A_972 : i32
          %sign3A_974 = arith.extui %sign3A_973 : i1 to i32
          %sign3A_975 = arith.constant 0 : i32
          %sign3A_976 = arith.cmpi slt, %jit3A_963, %sign3A_975 : i32
          %sign3A_977 = arith.extui %sign3A_976 : i1 to i32
          %sign3A_978 = arith.subi %sign3A_974, %sign3A_977 : i32
          %ne3A_979 = arith.cmpi ne, %sign3A_971, %sign3A_978 : i32
          %rem3A_980 = arith.remsi %sub3A_935, %jit3A_963 : i32
          %ne3A_981 = arith.constant 0 : i32
          %ne3A_982 = arith.cmpi ne, %rem3A_980, %ne3A_981 : i32
          %and3A_983 = arith.andi %ne3A_979, %ne3A_982 : i1
          %sub3A_984 = arith.constant 1 : i32
          %sub3A_985 = arith.subi %div3A_964, %sub3A_984 : i32
          %select_n3A_986 = arith.select %and3A_983, %sub3A_985, %div3A_964 : i32
          %add3A_987 = arith.addi %mul3A_6, %select_n3A_986 : i32
          %mul3A_988 = arith.constant 100 : i32
          %mul3A_989 = arith.muli %sub3A_962, %mul3A_988 : i32
          %dma_wait3A_990 = arith.constant 3 : i32
          %dma_wait3A_991 = arith.constant 3 : i32
          %dma_wait3A_992 = arith.constant 0 : i32
          %dma_wait3A_993 = arith.constant 0 : i32
          %dma_wait3A_994 = tpu.memref_slice %run_scoped3A_3[%dma_wait3A_990, %dma_wait3A_992, %dma_wait3A_993] : memref<4x100x64xf32, #tpu.memory_space<vmem>> -> memref<1x100x64xf32, #tpu.memory_space<vmem>>
          %dma_wait3A_995 = tpu.memref_squeeze %dma_wait3A_994 : memref<1x100x64xf32, #tpu.memory_space<vmem>> -> memref<100x64xf32, #tpu.memory_space<vmem>>
          %dma_wait3A_996 = arith.constant 0 : i32
          %dma_wait3A_997 = tpu.memref_slice %arg8[%add3A_987, %mul3A_989, %dma_wait3A_996] : memref<4096x200x64xf32, #tpu.memory_space<hbm>> -> memref<1x100x64xf32, #tpu.memory_space<hbm>>
          %dma_wait3A_998 = tpu.memref_squeeze %dma_wait3A_997 : memref<1x100x64xf32, #tpu.memory_space<hbm>> -> memref<100x64xf32, #tpu.memory_space<hbm>>
          %dma_wait3A_999 = tpu.memref_slice %arg12[%dma_wait3A_991] : memref<4x!tpu.dma_semaphore, #tpu.memory_space<semaphore_mem>> -> memref<1x!tpu.dma_semaphore, #tpu.memory_space<semaphore_mem>>
          %dma_wait3A_1000 = tpu.memref_squeeze %dma_wait3A_999 : memref<1x!tpu.dma_semaphore, #tpu.memory_space<semaphore_mem>> -> memref<!tpu.dma_semaphore, #tpu.memory_space<semaphore_mem>>
          %dma_wait3A_1001 = arith.constant 0 : i32
          %dma_wait3A_1002 = tpu.memref_slice %arg8[%add3A_987, %mul3A_989, %dma_wait3A_1001] : memref<4096x200x64xf32, #tpu.memory_space<hbm>> -> memref<1x100x64xf32, #tpu.memory_space<hbm>>
          %dma_wait3A_1003 = tpu.memref_squeeze %dma_wait3A_1002 : memref<1x100x64xf32, #tpu.memory_space<hbm>> -> memref<100x64xf32, #tpu.memory_space<hbm>>
          %dma_wait3A_1004 = arith.constant 0 : i32
          %dma_wait3A_1005 = arith.constant 0 : i32
          %dma_wait3A_1006 = tpu.memref_slice %run_scoped3A_3[%dma_wait3A_990, %dma_wait3A_1004, %dma_wait3A_1005] : memref<4x100x64xf32, #tpu.memory_space<vmem>> -> memref<1x100x64xf32, #tpu.memory_space<vmem>>
          %dma_wait3A_1007 = tpu.memref_squeeze %dma_wait3A_1006 : memref<1x100x64xf32, #tpu.memory_space<vmem>> -> memref<100x64xf32, #tpu.memory_space<vmem>>
          tpu.wait_dma2 semaphore(%dma_wait3A_1000 : memref<!tpu.dma_semaphore, #tpu.memory_space<semaphore_mem>>) src(%dma_wait3A_1007 : memref<100x64xf32, #tpu.memory_space<vmem>>) dst(%dma_wait3A_1003 : memref<100x64xf32, #tpu.memory_space<hbm>>)
        } else {
        }
        %jit3A_754 = arith.constant 2 : i32
        %div3A_755 = arith.divsi %add3A_748, %jit3A_754 : i32
        %sign3A_756 = arith.constant 0 : i32
        %sign3A_757 = arith.cmpi sgt, %add3A_748, %sign3A_756 : i32
        %sign3A_758 = arith.extui %sign3A_757 : i1 to i32
        %sign3A_759 = arith.constant 0 : i32
        %sign3A_760 = arith.cmpi slt, %add3A_748, %sign3A_759 : i32
        %sign3A_761 = arith.extui %sign3A_760 : i1 to i32
        %sign3A_762 = arith.subi %sign3A_758, %sign3A_761 : i32
        %sign3A_763 = arith.constant 0 : i32
        %sign3A_764 = arith.cmpi sgt, %jit3A_754, %sign3A_763 : i32
        %sign3A_765 = arith.extui %sign3A_764 : i1 to i32
        %sign3A_766 = arith.constant 0 : i32
        %sign3A_767 = arith.cmpi slt, %jit3A_754, %sign3A_766 : i32
        %sign3A_768 = arith.extui %sign3A_767 : i1 to i32
        %sign3A_769 = arith.subi %sign3A_765, %sign3A_768 : i32
        %ne3A_770 = arith.cmpi ne, %sign3A_762, %sign3A_769 : i32
        %rem3A_771 = arith.remsi %add3A_748, %jit3A_754 : i32
        %ne3A_772 = arith.constant 0 : i32
        %ne3A_773 = arith.cmpi ne, %rem3A_771, %ne3A_772 : i32
        %and3A_774 = arith.andi %ne3A_770, %ne3A_773 : i1
        %sub3A_775 = arith.constant 1 : i32
        %sub3A_776 = arith.subi %div3A_755, %sub3A_775 : i32
        %select_n3A_777 = arith.select %and3A_774, %sub3A_776, %div3A_755 : i32
        %mul3A_778 = arith.constant 2 : i32
        %mul3A_779 = arith.muli %mul3A_778, %select_n3A_777 : i32
        %sub3A_780 = arith.subi %add3A_748, %mul3A_779 : i32
        %jit3A_781 = arith.constant 2 : i32
        %div3A_782 = arith.divsi %add3A_748, %jit3A_781 : i32
        %sign3A_783 = arith.constant 0 : i32
        %sign3A_784 = arith.cmpi sgt, %add3A_748, %sign3A_783 : i32
        %sign3A_785 = arith.extui %sign3A_784 : i1 to i32
        %sign3A_786 = arith.constant 0 : i32
        %sign3A_787 = arith.cmpi slt, %add3A_748, %sign3A_786 : i32
        %sign3A_788 = arith.extui %sign3A_787 : i1 to i32
        %sign3A_789 = arith.subi %sign3A_785, %sign3A_788 : i32
        %sign3A_790 = arith.constant 0 : i32
        %sign3A_791 = arith.cmpi sgt, %jit3A_781, %sign3A_790 : i32
        %sign3A_792 = arith.extui %sign3A_791 : i1 to i32
        %sign3A_793 = arith.constant 0 : i32
        %sign3A_794 = arith.cmpi slt, %jit3A_781, %sign3A_793 : i32
        %sign3A_795 = arith.extui %sign3A_794 : i1 to i32
        %sign3A_796 = arith.subi %sign3A_792, %sign3A_795 : i32
        %ne3A_797 = arith.cmpi ne, %sign3A_789, %sign3A_796 : i32
        %rem3A_798 = arith.remsi %add3A_748, %jit3A_781 : i32
        %ne3A_799 = arith.constant 0 : i32
        %ne3A_800 = arith.cmpi ne, %rem3A_798, %ne3A_799 : i32
        %and3A_801 = arith.andi %ne3A_797, %ne3A_800 : i1
        %sub3A_802 = arith.constant 1 : i32
        %sub3A_803 = arith.subi %div3A_782, %sub3A_802 : i32
        %select_n3A_804 = arith.select %and3A_801, %sub3A_803, %div3A_782 : i32
        %dma_wait3A_805 = arith.constant 3 : i32
        %dma_wait3A_806 = arith.constant 3 : i32
        %dma_wait3A_807 = arith.constant 0 : i32
        %dma_wait3A_808 = arith.constant 0 : i32
        %dma_wait3A_809 = tpu.memref_slice %run_scoped3A_2[%dma_wait3A_805, %dma_wait3A_807, %dma_wait3A_808] : memref<4x100x64xf32, #tpu.memory_space<vmem>> -> memref<1x100x64xf32, #tpu.memory_space<vmem>>
        %dma_wait3A_810 = tpu.memref_squeeze %dma_wait3A_809 : memref<1x100x64xf32, #tpu.memory_space<vmem>> -> memref<100x64xf32, #tpu.memory_space<vmem>>
        %dma_wait3A_811 = arith.constant 0 : i32
        %dma_wait3A_812 = tpu.memref_slice %arg9[%select_n3A_804, %sub3A_780, %dma_wait3A_811] : memref<128x2x100xi32, #tpu.memory_space<vmem>> -> memref<1x1x100xi32, #tpu.memory_space<vmem>>
        %dma_wait3A_813 = tpu.memref_squeeze %dma_wait3A_812 : memref<1x1x100xi32, #tpu.memory_space<vmem>> -> memref<100xi32, #tpu.memory_space<vmem>>
        %dma_wait3A_814 = arith.constant 0 : i32
        %dma_wait3A_815 = arith.constant 0 : i32
        %dma_wait3A_816 = tpu.memref_slice %arg4[%dma_wait3A_814, %dma_wait3A_815] : memref<1000000x64xf32, #tpu.memory_space<hbm>> -> memref<1000000x64xf32, #tpu.memory_space<hbm>>
        %dma_wait3A_817 = tpu.memref_slice %arg11[%dma_wait3A_806] : memref<4x!tpu.dma_semaphore, #tpu.memory_space<semaphore_mem>> -> memref<1x!tpu.dma_semaphore, #tpu.memory_space<semaphore_mem>>
        %dma_wait3A_818 = tpu.memref_squeeze %dma_wait3A_817 : memref<1x!tpu.dma_semaphore, #tpu.memory_space<semaphore_mem>> -> memref<!tpu.dma_semaphore, #tpu.memory_space<semaphore_mem>>
        tpu.wait_indirect_dma semaphore(%dma_wait3A_818 : memref<!tpu.dma_semaphore, #tpu.memory_space<semaphore_mem>>) src(%dma_wait3A_816 : memref<1000000x64xf32, #tpu.memory_space<hbm>>) dst(%dma_wait3A_810 : memref<100x64xf32, #tpu.memory_space<vmem>>)
        %jit3A_819 = arith.constant 2 : i32
        %div3A_820 = arith.divsi %add3A_748, %jit3A_819 : i32
        %sign3A_821 = arith.constant 0 : i32
        %sign3A_822 = arith.cmpi sgt, %add3A_748, %sign3A_821 : i32
        %sign3A_823 = arith.extui %sign3A_822 : i1 to i32
        %sign3A_824 = arith.constant 0 : i32
        %sign3A_825 = arith.cmpi slt, %add3A_748, %sign3A_824 : i32
        %sign3A_826 = arith.extui %sign3A_825 : i1 to i32
        %sign3A_827 = arith.subi %sign3A_823, %sign3A_826 : i32
        %sign3A_828 = arith.constant 0 : i32
        %sign3A_829 = arith.cmpi sgt, %jit3A_819, %sign3A_828 : i32
        %sign3A_830 = arith.extui %sign3A_829 : i1 to i32
        %sign3A_831 = arith.constant 0 : i32
        %sign3A_832 = arith.cmpi slt, %jit3A_819, %sign3A_831 : i32
        %sign3A_833 = arith.extui %sign3A_832 : i1 to i32
        %sign3A_834 = arith.subi %sign3A_830, %sign3A_833 : i32
        %ne3A_835 = arith.cmpi ne, %sign3A_827, %sign3A_834 : i32
        %rem3A_836 = arith.remsi %add3A_748, %jit3A_819 : i32
        %ne3A_837 = arith.constant 0 : i32
        %ne3A_838 = arith.cmpi ne, %rem3A_836, %ne3A_837 : i32
        %and3A_839 = arith.andi %ne3A_835, %ne3A_838 : i1
        %sub3A_840 = arith.constant 1 : i32
        %sub3A_841 = arith.subi %div3A_820, %sub3A_840 : i32
        %select_n3A_842 = arith.select %and3A_839, %sub3A_841, %div3A_820 : i32
        %broadcast_in_dim3A_843 = vector.broadcast %select_n3A_842 : i32 to vector<16xi32>
        %gather3A_844 = tpu.vector_load_idx %run_scoped3A[%broadcast_in_dim3A_843, %add3A_13] : memref<128x64xf32, #tpu.memory_space<vmem>>[vector<16xi32>, vector<16xi32>], vector<16xf32>,
        %gather3A_845 = tpu.vector_load_idx %run_scoped3A[%broadcast_in_dim3A_843, %add3A_16] : memref<128x64xf32, #tpu.memory_space<vmem>>[vector<16xi32>, vector<16xi32>], vector<16xf32>,
        %gather3A_846 = tpu.vector_load_idx %run_scoped3A[%broadcast_in_dim3A_843, %add3A_19] : memref<128x64xf32, #tpu.memory_space<vmem>>[vector<16xi32>, vector<16xi32>], vector<16xf32>,
        %gather3A_847 = tpu.vector_load_idx %run_scoped3A[%broadcast_in_dim3A_843, %add3A_22] : memref<128x64xf32, #tpu.memory_space<vmem>>[vector<16xi32>, vector<16xi32>], vector<16xf32>,
        %broadcast_in_dim3A_848 = arith.constant 3 : i32
        %broadcast_in_dim3A_849 = vector.broadcast %broadcast_in_dim3A_848 : i32 to vector<16xi32>
        %scan3A_850 = arith.constant 0 : i32
        %scan3A_851 = arith.constant 100 : i32
        %scan3A_852 = arith.addi %scan3A_850, %scan3A_851 : i32
        %scan3A_853 = arith.constant 4 : i32
        scf.for %scan3A_934 = %scan3A_850 to %scan3A_852 step %scan3A_853  : i32 {
          %mul3A_935 = arith.constant 1 : i32
          %mul3A_936 = arith.muli %scan3A_934, %mul3A_935 : i32
          %add3A_937 = arith.constant 0 : i32
          %add3A_938 = arith.addi %add3A_937, %mul3A_936 : i32
          %broadcast_in_dim3A_939 = vector.broadcast %add3A_938 : i32 to vector<16xi32>
          %gather3A_940 = tpu.vector_load_idx %run_scoped3A_2[%broadcast_in_dim3A_849, %broadcast_in_dim3A_939, %add3A_13] : memref<4x100x64xf32, #tpu.memory_space<vmem>>[vector<16xi32>, vector<16xi32>, vector<16xi32>], vector<16xf32>,
          %add3A_941 = arith.addf %gather3A_940, %gather3A_844 : vector<16xf32>
          %gather3A_942 = tpu.vector_load_idx %run_scoped3A_2[%broadcast_in_dim3A_849, %broadcast_in_dim3A_939, %add3A_16] : memref<4x100x64xf32, #tpu.memory_space<vmem>>[vector<16xi32>, vector<16xi32>, vector<16xi32>], vector<16xf32>,
          %add3A_943 = arith.addf %gather3A_942, %gather3A_845 : vector<16xf32>
          %gather3A_944 = tpu.vector_load_idx %run_scoped3A_2[%broadcast_in_dim3A_849, %broadcast_in_dim3A_939, %add3A_19] : memref<4x100x64xf32, #tpu.memory_space<vmem>>[vector<16xi32>, vector<16xi32>, vector<16xi32>], vector<16xf32>,
          %add3A_945 = arith.addf %gather3A_944, %gather3A_846 : vector<16xf32>
          %gather3A_946 = tpu.vector_load_idx %run_scoped3A_2[%broadcast_in_dim3A_849, %broadcast_in_dim3A_939, %add3A_22] : memref<4x100x64xf32, #tpu.memory_space<vmem>>[vector<16xi32>, vector<16xi32>, vector<16xi32>], vector<16xf32>,
          %add3A_947 = arith.addf %gather3A_946, %gather3A_847 : vector<16xf32>
          %add3A_948 = arith.addf %add3A_941, %add3A_943 : vector<16xf32>
          %add3A_949 = arith.addf %add3A_945, %add3A_947 : vector<16xf32>
          %add3A_950 = arith.addf %add3A_948, %add3A_949 : vector<16xf32>
          %mul3A_951 = arith.mulf %add3A_941, %add3A_941 : vector<16xf32>
          %mul3A_952 = arith.mulf %add3A_943, %add3A_943 : vector<16xf32>
          %add3A_953 = arith.addf %mul3A_951, %mul3A_952 : vector<16xf32>
          %mul3A_954 = arith.mulf %add3A_945, %add3A_945 : vector<16xf32>
          %mul3A_955 = arith.mulf %add3A_947, %add3A_947 : vector<16xf32>
          %add3A_956 = arith.addf %mul3A_954, %mul3A_955 : vector<16xf32>
          %add3A_957 = arith.addf %add3A_953, %add3A_956 : vector<16xf32>
          %reduce_sum3A = arith.constant true
          %reduce_sum3A_958 = vector.broadcast %reduce_sum3A : i1 to vector<16xi1>
          %reduce_sum3A_959 = tpu.scan <sum>, %add3A_950 masked %reduce_sum3A_958 : vector<16xf32>, vector<16xi1> -> vector<16xf32>
          %reduce_sum3A_960 = vector.extract %reduce_sum3A_959[15] : f32 from vector<16xf32>
          %broadcast_in_dim3A_961 = vector.broadcast %reduce_sum3A_960 : f32 to vector<16xf32>
          %mul3A_962 = arith.constant 1.562500e-02 : f32
          %mul3A_963 = vector.broadcast %mul3A_962 : f32 to vector<16xf32>
          %mul3A_964 = arith.mulf %broadcast_in_dim3A_961, %mul3A_963 : vector<16xf32>
          %reduce_sum3A_965 = arith.constant true
          %reduce_sum3A_966 = vector.broadcast %reduce_sum3A_965 : i1 to vector<16xi1>
          %reduce_sum3A_967 = tpu.scan <sum>, %add3A_957 masked %reduce_sum3A_966 : vector<16xf32>, vector<16xi1> -> vector<16xf32>
          %reduce_sum3A_968 = vector.extract %reduce_sum3A_967[15] : f32 from vector<16xf32>
          %broadcast_in_dim3A_969 = vector.broadcast %reduce_sum3A_968 : f32 to vector<16xf32>
          %mul3A_970 = arith.constant 1.562500e-02 : f32
          %mul3A_971 = vector.broadcast %mul3A_970 : f32 to vector<16xf32>
          %mul3A_972 = arith.mulf %broadcast_in_dim3A_969, %mul3A_971 : vector<16xf32>
          %mul3A_973 = arith.mulf %mul3A_964, %mul3A_964 : vector<16xf32>
          %sub3A_974 = arith.subf %mul3A_972, %mul3A_973 : vector<16xf32>
          %add3A_975 = arith.constant 9.99999974E-6 : f32
          %add3A_976 = vector.broadcast %add3A_975 : f32 to vector<16xf32>
          %add3A_977 = arith.addf %sub3A_974, %add3A_976 : vector<16xf32>
          %bitcast_convert_type3A = tpu.bitcast %add3A_977 : vector<16xf32> -> vector<16xi32>
          %shift_right_arithmetic3A = arith.constant 1 : i32
          %shift_right_arithmetic3A_978 = vector.broadcast %shift_right_arithmetic3A : i32 to vector<16xi32>
          %shift_right_arithmetic3A_979 = arith.shrsi %bitcast_convert_type3A, %shift_right_arithmetic3A_978 : vector<16xi32>
          %sub3A_980 = arith.constant 1597463007 : i32
          %sub3A_981 = vector.broadcast %sub3A_980 : i32 to vector<16xi32>
          %sub3A_982 = arith.subi %sub3A_981, %shift_right_arithmetic3A_979 : vector<16xi32>
          %bitcast_convert_type3A_983 = tpu.bitcast %sub3A_982 : vector<16xi32> -> vector<16xf32>
          %mul3A_984 = arith.constant 5.000000e-01 : f32
          %mul3A_985 = vector.broadcast %mul3A_984 : f32 to vector<16xf32>
          %mul3A_986 = arith.mulf %add3A_977, %mul3A_985 : vector<16xf32>
          %mul3A_987 = arith.mulf %mul3A_986, %bitcast_convert_type3A_983 : vector<16xf32>
          %mul3A_988 = arith.mulf %mul3A_987, %bitcast_convert_type3A_983 : vector<16xf32>
          %sub3A_989 = arith.constant 1.500000e+00 : f32
          %sub3A_990 = vector.broadcast %sub3A_989 : f32 to vector<16xf32>
          %sub3A_991 = arith.subf %sub3A_990, %mul3A_988 : vector<16xf32>
          %mul3A_992 = arith.mulf %bitcast_convert_type3A_983, %sub3A_991 : vector<16xf32>
          %mul3A_993 = arith.mulf %mul3A_986, %mul3A_992 : vector<16xf32>
          %mul3A_994 = arith.mulf %mul3A_993, %mul3A_992 : vector<16xf32>
          %sub3A_995 = arith.constant 1.500000e+00 : f32
          %sub3A_996 = vector.broadcast %sub3A_995 : f32 to vector<16xf32>
          %sub3A_997 = arith.subf %sub3A_996, %mul3A_994 : vector<16xf32>
          %mul3A_998 = arith.mulf %mul3A_992, %sub3A_997 : vector<16xf32>
          %mul3A_999 = arith.mulf %gather3A, %mul3A_998 : vector<16xf32>
          %sub3A_1000 = arith.subf %add3A_941, %mul3A_964 : vector<16xf32>
          %mul3A_1001 = arith.mulf %sub3A_1000, %mul3A_999 : vector<16xf32>
          %add3A_1002 = arith.addf %mul3A_1001, %gather3A_26 : vector<16xf32>
          tpu.vector_store_idx %run_scoped3A_3[%broadcast_in_dim3A_849, %broadcast_in_dim3A_939, %add3A_13], %add3A_1002 : memref<4x100x64xf32, #tpu.memory_space<vmem>>[vector<16xi32>, vector<16xi32>, vector<16xi32>], vector<16xf32>,
          %mul3A_1003 = arith.mulf %gather3A_23, %mul3A_998 : vector<16xf32>
          %sub3A_1004 = arith.subf %add3A_943, %mul3A_964 : vector<16xf32>
          %mul3A_1005 = arith.mulf %sub3A_1004, %mul3A_1003 : vector<16xf32>
          %add3A_1006 = arith.addf %mul3A_1005, %gather3A_27 : vector<16xf32>
          tpu.vector_store_idx %run_scoped3A_3[%broadcast_in_dim3A_849, %broadcast_in_dim3A_939, %add3A_16], %add3A_1006 : memref<4x100x64xf32, #tpu.memory_space<vmem>>[vector<16xi32>, vector<16xi32>, vector<16xi32>], vector<16xf32>,
          %mul3A_1007 = arith.mulf %gather3A_24, %mul3A_998 : vector<16xf32>
          %sub3A_1008 = arith.subf %add3A_945, %mul3A_964 : vector<16xf32>
          %mul3A_1009 = arith.mulf %sub3A_1008, %mul3A_1007 : vector<16xf32>
          %add3A_1010 = arith.addf %mul3A_1009, %gather3A_28 : vector<16xf32>
          tpu.vector_store_idx %run_scoped3A_3[%broadcast_in_dim3A_849, %broadcast_in_dim3A_939, %add3A_19], %add3A_1010 : memref<4x100x64xf32, #tpu.memory_space<vmem>>[vector<16xi32>, vector<16xi32>, vector<16xi32>], vector<16xf32>,
          %mul3A_1011 = arith.mulf %gather3A_25, %mul3A_998 : vector<16xf32>
          %sub3A_1012 = arith.subf %add3A_947, %mul3A_964 : vector<16xf32>
          %mul3A_1013 = arith.mulf %sub3A_1012, %mul3A_1011 : vector<16xf32>
          %add3A_1014 = arith.addf %mul3A_1013, %gather3A_29 : vector<16xf32>
          tpu.vector_store_idx %run_scoped3A_3[%broadcast_in_dim3A_849, %broadcast_in_dim3A_939, %add3A_22], %add3A_1014 : memref<4x100x64xf32, #tpu.memory_space<vmem>>[vector<16xi32>, vector<16xi32>, vector<16xi32>], vector<16xf32>,
          %scan3A_1015 = arith.constant 1 : i32
          %scan3A_1016 = arith.addi %scan3A_934, %scan3A_1015 : i32
          %mul3A_1017 = arith.constant 1 : i32
          %mul3A_1018 = arith.muli %scan3A_1016, %mul3A_1017 : i32
          %add3A_1019 = arith.constant 0 : i32
          %add3A_1020 = arith.addi %add3A_1019, %mul3A_1018 : i32
          %broadcast_in_dim3A_1021 = vector.broadcast %add3A_1020 : i32 to vector<16xi32>
          %gather3A_1022 = tpu.vector_load_idx %run_scoped3A_2[%broadcast_in_dim3A_849, %broadcast_in_dim3A_1021, %add3A_13] : memref<4x100x64xf32, #tpu.memory_space<vmem>>[vector<16xi32>, vector<16xi32>, vector<16xi32>], vector<16xf32>,
          %add3A_1023 = arith.addf %gather3A_1022, %gather3A_844 : vector<16xf32>
          %gather3A_1024 = tpu.vector_load_idx %run_scoped3A_2[%broadcast_in_dim3A_849, %broadcast_in_dim3A_1021, %add3A_16] : memref<4x100x64xf32, #tpu.memory_space<vmem>>[vector<16xi32>, vector<16xi32>, vector<16xi32>], vector<16xf32>,
          %add3A_1025 = arith.addf %gather3A_1024, %gather3A_845 : vector<16xf32>
          %gather3A_1026 = tpu.vector_load_idx %run_scoped3A_2[%broadcast_in_dim3A_849, %broadcast_in_dim3A_1021, %add3A_19] : memref<4x100x64xf32, #tpu.memory_space<vmem>>[vector<16xi32>, vector<16xi32>, vector<16xi32>], vector<16xf32>,
          %add3A_1027 = arith.addf %gather3A_1026, %gather3A_846 : vector<16xf32>
          %gather3A_1028 = tpu.vector_load_idx %run_scoped3A_2[%broadcast_in_dim3A_849, %broadcast_in_dim3A_1021, %add3A_22] : memref<4x100x64xf32, #tpu.memory_space<vmem>>[vector<16xi32>, vector<16xi32>, vector<16xi32>], vector<16xf32>,
          %add3A_1029 = arith.addf %gather3A_1028, %gather3A_847 : vector<16xf32>
          %add3A_1030 = arith.addf %add3A_1023, %add3A_1025 : vector<16xf32>
          %add3A_1031 = arith.addf %add3A_1027, %add3A_1029 : vector<16xf32>
          %add3A_1032 = arith.addf %add3A_1030, %add3A_1031 : vector<16xf32>
          %mul3A_1033 = arith.mulf %add3A_1023, %add3A_1023 : vector<16xf32>
          %mul3A_1034 = arith.mulf %add3A_1025, %add3A_1025 : vector<16xf32>
          %add3A_1035 = arith.addf %mul3A_1033, %mul3A_1034 : vector<16xf32>
          %mul3A_1036 = arith.mulf %add3A_1027, %add3A_1027 : vector<16xf32>
          %mul3A_1037 = arith.mulf %add3A_1029, %add3A_1029 : vector<16xf32>
          %add3A_1038 = arith.addf %mul3A_1036, %mul3A_1037 : vector<16xf32>
          %add3A_1039 = arith.addf %add3A_1035, %add3A_1038 : vector<16xf32>
          %reduce_sum3A_1040 = arith.constant true
          %reduce_sum3A_1041 = vector.broadcast %reduce_sum3A_1040 : i1 to vector<16xi1>
          %reduce_sum3A_1042 = tpu.scan <sum>, %add3A_1032 masked %reduce_sum3A_1041 : vector<16xf32>, vector<16xi1> -> vector<16xf32>
          %reduce_sum3A_1043 = vector.extract %reduce_sum3A_1042[15] : f32 from vector<16xf32>
          %broadcast_in_dim3A_1044 = vector.broadcast %reduce_sum3A_1043 : f32 to vector<16xf32>
          %mul3A_1045 = arith.constant 1.562500e-02 : f32
          %mul3A_1046 = vector.broadcast %mul3A_1045 : f32 to vector<16xf32>
          %mul3A_1047 = arith.mulf %broadcast_in_dim3A_1044, %mul3A_1046 : vector<16xf32>
          %reduce_sum3A_1048 = arith.constant true
          %reduce_sum3A_1049 = vector.broadcast %reduce_sum3A_1048 : i1 to vector<16xi1>
          %reduce_sum3A_1050 = tpu.scan <sum>, %add3A_1039 masked %reduce_sum3A_1049 : vector<16xf32>, vector<16xi1> -> vector<16xf32>
          %reduce_sum3A_1051 = vector.extract %reduce_sum3A_1050[15] : f32 from vector<16xf32>
          %broadcast_in_dim3A_1052 = vector.broadcast %reduce_sum3A_1051 : f32 to vector<16xf32>
          %mul3A_1053 = arith.constant 1.562500e-02 : f32
          %mul3A_1054 = vector.broadcast %mul3A_1053 : f32 to vector<16xf32>
          %mul3A_1055 = arith.mulf %broadcast_in_dim3A_1052, %mul3A_1054 : vector<16xf32>
          %mul3A_1056 = arith.mulf %mul3A_1047, %mul3A_1047 : vector<16xf32>
          %sub3A_1057 = arith.subf %mul3A_1055, %mul3A_1056 : vector<16xf32>
          %add3A_1058 = arith.constant 9.99999974E-6 : f32
          %add3A_1059 = vector.broadcast %add3A_1058 : f32 to vector<16xf32>
          %add3A_1060 = arith.addf %sub3A_1057, %add3A_1059 : vector<16xf32>
          %bitcast_convert_type3A_1061 = tpu.bitcast %add3A_1060 : vector<16xf32> -> vector<16xi32>
          %shift_right_arithmetic3A_1062 = arith.constant 1 : i32
          %shift_right_arithmetic3A_1063 = vector.broadcast %shift_right_arithmetic3A_1062 : i32 to vector<16xi32>
          %shift_right_arithmetic3A_1064 = arith.shrsi %bitcast_convert_type3A_1061, %shift_right_arithmetic3A_1063 : vector<16xi32>
          %sub3A_1065 = arith.constant 1597463007 : i32
          %sub3A_1066 = vector.broadcast %sub3A_1065 : i32 to vector<16xi32>
          %sub3A_1067 = arith.subi %sub3A_1066, %shift_right_arithmetic3A_1064 : vector<16xi32>
          %bitcast_convert_type3A_1068 = tpu.bitcast %sub3A_1067 : vector<16xi32> -> vector<16xf32>
          %mul3A_1069 = arith.constant 5.000000e-01 : f32
          %mul3A_1070 = vector.broadcast %mul3A_1069 : f32 to vector<16xf32>
          %mul3A_1071 = arith.mulf %add3A_1060, %mul3A_1070 : vector<16xf32>
          %mul3A_1072 = arith.mulf %mul3A_1071, %bitcast_convert_type3A_1068 : vector<16xf32>
          %mul3A_1073 = arith.mulf %mul3A_1072, %bitcast_convert_type3A_1068 : vector<16xf32>
          %sub3A_1074 = arith.constant 1.500000e+00 : f32
          %sub3A_1075 = vector.broadcast %sub3A_1074 : f32 to vector<16xf32>
          %sub3A_1076 = arith.subf %sub3A_1075, %mul3A_1073 : vector<16xf32>
          %mul3A_1077 = arith.mulf %bitcast_convert_type3A_1068, %sub3A_1076 : vector<16xf32>
          %mul3A_1078 = arith.mulf %mul3A_1071, %mul3A_1077 : vector<16xf32>
          %mul3A_1079 = arith.mulf %mul3A_1078, %mul3A_1077 : vector<16xf32>
          %sub3A_1080 = arith.constant 1.500000e+00 : f32
          %sub3A_1081 = vector.broadcast %sub3A_1080 : f32 to vector<16xf32>
          %sub3A_1082 = arith.subf %sub3A_1081, %mul3A_1079 : vector<16xf32>
          %mul3A_1083 = arith.mulf %mul3A_1077, %sub3A_1082 : vector<16xf32>
          %mul3A_1084 = arith.mulf %gather3A, %mul3A_1083 : vector<16xf32>
          %sub3A_1085 = arith.subf %add3A_1023, %mul3A_1047 : vector<16xf32>
          %mul3A_1086 = arith.mulf %sub3A_1085, %mul3A_1084 : vector<16xf32>
          %add3A_1087 = arith.addf %mul3A_1086, %gather3A_26 : vector<16xf32>
          tpu.vector_store_idx %run_scoped3A_3[%broadcast_in_dim3A_849, %broadcast_in_dim3A_1021, %add3A_13], %add3A_1087 : memref<4x100x64xf32, #tpu.memory_space<vmem>>[vector<16xi32>, vector<16xi32>, vector<16xi32>], vector<16xf32>,
          %mul3A_1088 = arith.mulf %gather3A_23, %mul3A_1083 : vector<16xf32>
          %sub3A_1089 = arith.subf %add3A_1025, %mul3A_1047 : vector<16xf32>
          %mul3A_1090 = arith.mulf %sub3A_1089, %mul3A_1088 : vector<16xf32>
          %add3A_1091 = arith.addf %mul3A_1090, %gather3A_27 : vector<16xf32>
          tpu.vector_store_idx %run_scoped3A_3[%broadcast_in_dim3A_849, %broadcast_in_dim3A_1021, %add3A_16], %add3A_1091 : memref<4x100x64xf32, #tpu.memory_space<vmem>>[vector<16xi32>, vector<16xi32>, vector<16xi32>], vector<16xf32>,
          %mul3A_1092 = arith.mulf %gather3A_24, %mul3A_1083 : vector<16xf32>
          %sub3A_1093 = arith.subf %add3A_1027, %mul3A_1047 : vector<16xf32>
          %mul3A_1094 = arith.mulf %sub3A_1093, %mul3A_1092 : vector<16xf32>
          %add3A_1095 = arith.addf %mul3A_1094, %gather3A_28 : vector<16xf32>
          tpu.vector_store_idx %run_scoped3A_3[%broadcast_in_dim3A_849, %broadcast_in_dim3A_1021, %add3A_19], %add3A_1095 : memref<4x100x64xf32, #tpu.memory_space<vmem>>[vector<16xi32>, vector<16xi32>, vector<16xi32>], vector<16xf32>,
          %mul3A_1096 = arith.mulf %gather3A_25, %mul3A_1083 : vector<16xf32>
          %sub3A_1097 = arith.subf %add3A_1029, %mul3A_1047 : vector<16xf32>
          %mul3A_1098 = arith.mulf %sub3A_1097, %mul3A_1096 : vector<16xf32>
          %add3A_1099 = arith.addf %mul3A_1098, %gather3A_29 : vector<16xf32>
          tpu.vector_store_idx %run_scoped3A_3[%broadcast_in_dim3A_849, %broadcast_in_dim3A_1021, %add3A_22], %add3A_1099 : memref<4x100x64xf32, #tpu.memory_space<vmem>>[vector<16xi32>, vector<16xi32>, vector<16xi32>], vector<16xf32>,
          %scan3A_1100 = arith.constant 2 : i32
          %scan3A_1101 = arith.addi %scan3A_934, %scan3A_1100 : i32
          %mul3A_1102 = arith.constant 1 : i32
          %mul3A_1103 = arith.muli %scan3A_1101, %mul3A_1102 : i32
          %add3A_1104 = arith.constant 0 : i32
          %add3A_1105 = arith.addi %add3A_1104, %mul3A_1103 : i32
          %broadcast_in_dim3A_1106 = vector.broadcast %add3A_1105 : i32 to vector<16xi32>
          %gather3A_1107 = tpu.vector_load_idx %run_scoped3A_2[%broadcast_in_dim3A_849, %broadcast_in_dim3A_1106, %add3A_13] : memref<4x100x64xf32, #tpu.memory_space<vmem>>[vector<16xi32>, vector<16xi32>, vector<16xi32>], vector<16xf32>,
          %add3A_1108 = arith.addf %gather3A_1107, %gather3A_844 : vector<16xf32>
          %gather3A_1109 = tpu.vector_load_idx %run_scoped3A_2[%broadcast_in_dim3A_849, %broadcast_in_dim3A_1106, %add3A_16] : memref<4x100x64xf32, #tpu.memory_space<vmem>>[vector<16xi32>, vector<16xi32>, vector<16xi32>], vector<16xf32>,
          %add3A_1110 = arith.addf %gather3A_1109, %gather3A_845 : vector<16xf32>
          %gather3A_1111 = tpu.vector_load_idx %run_scoped3A_2[%broadcast_in_dim3A_849, %broadcast_in_dim3A_1106, %add3A_19] : memref<4x100x64xf32, #tpu.memory_space<vmem>>[vector<16xi32>, vector<16xi32>, vector<16xi32>], vector<16xf32>,
          %add3A_1112 = arith.addf %gather3A_1111, %gather3A_846 : vector<16xf32>
          %gather3A_1113 = tpu.vector_load_idx %run_scoped3A_2[%broadcast_in_dim3A_849, %broadcast_in_dim3A_1106, %add3A_22] : memref<4x100x64xf32, #tpu.memory_space<vmem>>[vector<16xi32>, vector<16xi32>, vector<16xi32>], vector<16xf32>,
          %add3A_1114 = arith.addf %gather3A_1113, %gather3A_847 : vector<16xf32>
          %add3A_1115 = arith.addf %add3A_1108, %add3A_1110 : vector<16xf32>
          %add3A_1116 = arith.addf %add3A_1112, %add3A_1114 : vector<16xf32>
          %add3A_1117 = arith.addf %add3A_1115, %add3A_1116 : vector<16xf32>
          %mul3A_1118 = arith.mulf %add3A_1108, %add3A_1108 : vector<16xf32>
          %mul3A_1119 = arith.mulf %add3A_1110, %add3A_1110 : vector<16xf32>
          %add3A_1120 = arith.addf %mul3A_1118, %mul3A_1119 : vector<16xf32>
          %mul3A_1121 = arith.mulf %add3A_1112, %add3A_1112 : vector<16xf32>
          %mul3A_1122 = arith.mulf %add3A_1114, %add3A_1114 : vector<16xf32>
          %add3A_1123 = arith.addf %mul3A_1121, %mul3A_1122 : vector<16xf32>
          %add3A_1124 = arith.addf %add3A_1120, %add3A_1123 : vector<16xf32>
          %reduce_sum3A_1125 = arith.constant true
          %reduce_sum3A_1126 = vector.broadcast %reduce_sum3A_1125 : i1 to vector<16xi1>
          %reduce_sum3A_1127 = tpu.scan <sum>, %add3A_1117 masked %reduce_sum3A_1126 : vector<16xf32>, vector<16xi1> -> vector<16xf32>
          %reduce_sum3A_1128 = vector.extract %reduce_sum3A_1127[15] : f32 from vector<16xf32>
          %broadcast_in_dim3A_1129 = vector.broadcast %reduce_sum3A_1128 : f32 to vector<16xf32>
          %mul3A_1130 = arith.constant 1.562500e-02 : f32
          %mul3A_1131 = vector.broadcast %mul3A_1130 : f32 to vector<16xf32>
          %mul3A_1132 = arith.mulf %broadcast_in_dim3A_1129, %mul3A_1131 : vector<16xf32>
          %reduce_sum3A_1133 = arith.constant true
          %reduce_sum3A_1134 = vector.broadcast %reduce_sum3A_1133 : i1 to vector<16xi1>
          %reduce_sum3A_1135 = tpu.scan <sum>, %add3A_1124 masked %reduce_sum3A_1134 : vector<16xf32>, vector<16xi1> -> vector<16xf32>
          %reduce_sum3A_1136 = vector.extract %reduce_sum3A_1135[15] : f32 from vector<16xf32>
          %broadcast_in_dim3A_1137 = vector.broadcast %reduce_sum3A_1136 : f32 to vector<16xf32>
          %mul3A_1138 = arith.constant 1.562500e-02 : f32
          %mul3A_1139 = vector.broadcast %mul3A_1138 : f32 to vector<16xf32>
          %mul3A_1140 = arith.mulf %broadcast_in_dim3A_1137, %mul3A_1139 : vector<16xf32>
          %mul3A_1141 = arith.mulf %mul3A_1132, %mul3A_1132 : vector<16xf32>
          %sub3A_1142 = arith.subf %mul3A_1140, %mul3A_1141 : vector<16xf32>
          %add3A_1143 = arith.constant 9.99999974E-6 : f32
          %add3A_1144 = vector.broadcast %add3A_1143 : f32 to vector<16xf32>
          %add3A_1145 = arith.addf %sub3A_1142, %add3A_1144 : vector<16xf32>
          %bitcast_convert_type3A_1146 = tpu.bitcast %add3A_1145 : vector<16xf32> -> vector<16xi32>
          %shift_right_arithmetic3A_1147 = arith.constant 1 : i32
          %shift_right_arithmetic3A_1148 = vector.broadcast %shift_right_arithmetic3A_1147 : i32 to vector<16xi32>
          %shift_right_arithmetic3A_1149 = arith.shrsi %bitcast_convert_type3A_1146, %shift_right_arithmetic3A_1148 : vector<16xi32>
          %sub3A_1150 = arith.constant 1597463007 : i32
          %sub3A_1151 = vector.broadcast %sub3A_1150 : i32 to vector<16xi32>
          %sub3A_1152 = arith.subi %sub3A_1151, %shift_right_arithmetic3A_1149 : vector<16xi32>
          %bitcast_convert_type3A_1153 = tpu.bitcast %sub3A_1152 : vector<16xi32> -> vector<16xf32>
          %mul3A_1154 = arith.constant 5.000000e-01 : f32
          %mul3A_1155 = vector.broadcast %mul3A_1154 : f32 to vector<16xf32>
          %mul3A_1156 = arith.mulf %add3A_1145, %mul3A_1155 : vector<16xf32>
          %mul3A_1157 = arith.mulf %mul3A_1156, %bitcast_convert_type3A_1153 : vector<16xf32>
          %mul3A_1158 = arith.mulf %mul3A_1157, %bitcast_convert_type3A_1153 : vector<16xf32>
          %sub3A_1159 = arith.constant 1.500000e+00 : f32
          %sub3A_1160 = vector.broadcast %sub3A_1159 : f32 to vector<16xf32>
          %sub3A_1161 = arith.subf %sub3A_1160, %mul3A_1158 : vector<16xf32>
          %mul3A_1162 = arith.mulf %bitcast_convert_type3A_1153, %sub3A_1161 : vector<16xf32>
          %mul3A_1163 = arith.mulf %mul3A_1156, %mul3A_1162 : vector<16xf32>
          %mul3A_1164 = arith.mulf %mul3A_1163, %mul3A_1162 : vector<16xf32>
          %sub3A_1165 = arith.constant 1.500000e+00 : f32
          %sub3A_1166 = vector.broadcast %sub3A_1165 : f32 to vector<16xf32>
          %sub3A_1167 = arith.subf %sub3A_1166, %mul3A_1164 : vector<16xf32>
          %mul3A_1168 = arith.mulf %mul3A_1162, %sub3A_1167 : vector<16xf32>
          %mul3A_1169 = arith.mulf %gather3A, %mul3A_1168 : vector<16xf32>
          %sub3A_1170 = arith.subf %add3A_1108, %mul3A_1132 : vector<16xf32>
          %mul3A_1171 = arith.mulf %sub3A_1170, %mul3A_1169 : vector<16xf32>
          %add3A_1172 = arith.addf %mul3A_1171, %gather3A_26 : vector<16xf32>
          tpu.vector_store_idx %run_scoped3A_3[%broadcast_in_dim3A_849, %broadcast_in_dim3A_1106, %add3A_13], %add3A_1172 : memref<4x100x64xf32, #tpu.memory_space<vmem>>[vector<16xi32>, vector<16xi32>, vector<16xi32>], vector<16xf32>,
          %mul3A_1173 = arith.mulf %gather3A_23, %mul3A_1168 : vector<16xf32>
          %sub3A_1174 = arith.subf %add3A_1110, %mul3A_1132 : vector<16xf32>
          %mul3A_1175 = arith.mulf %sub3A_1174, %mul3A_1173 : vector<16xf32>
          %add3A_1176 = arith.addf %mul3A_1175, %gather3A_27 : vector<16xf32>
          tpu.vector_store_idx %run_scoped3A_3[%broadcast_in_dim3A_849, %broadcast_in_dim3A_1106, %add3A_16], %add3A_1176 : memref<4x100x64xf32, #tpu.memory_space<vmem>>[vector<16xi32>, vector<16xi32>, vector<16xi32>], vector<16xf32>,
          %mul3A_1177 = arith.mulf %gather3A_24, %mul3A_1168 : vector<16xf32>
          %sub3A_1178 = arith.subf %add3A_1112, %mul3A_1132 : vector<16xf32>
          %mul3A_1179 = arith.mulf %sub3A_1178, %mul3A_1177 : vector<16xf32>
          %add3A_1180 = arith.addf %mul3A_1179, %gather3A_28 : vector<16xf32>
          tpu.vector_store_idx %run_scoped3A_3[%broadcast_in_dim3A_849, %broadcast_in_dim3A_1106, %add3A_19], %add3A_1180 : memref<4x100x64xf32, #tpu.memory_space<vmem>>[vector<16xi32>, vector<16xi32>, vector<16xi32>], vector<16xf32>,
          %mul3A_1181 = arith.mulf %gather3A_25, %mul3A_1168 : vector<16xf32>
          %sub3A_1182 = arith.subf %add3A_1114, %mul3A_1132 : vector<16xf32>
          %mul3A_1183 = arith.mulf %sub3A_1182, %mul3A_1181 : vector<16xf32>
          %add3A_1184 = arith.addf %mul3A_1183, %gather3A_29 : vector<16xf32>
          tpu.vector_store_idx %run_scoped3A_3[%broadcast_in_dim3A_849, %broadcast_in_dim3A_1106, %add3A_22], %add3A_1184 : memref<4x100x64xf32, #tpu.memory_space<vmem>>[vector<16xi32>, vector<16xi32>, vector<16xi32>], vector<16xf32>,
          %scan3A_1185 = arith.constant 3 : i32
          %scan3A_1186 = arith.addi %scan3A_934, %scan3A_1185 : i32
          %mul3A_1187 = arith.constant 1 : i32
          %mul3A_1188 = arith.muli %scan3A_1186, %mul3A_1187 : i32
          %add3A_1189 = arith.constant 0 : i32
          %add3A_1190 = arith.addi %add3A_1189, %mul3A_1188 : i32
          %broadcast_in_dim3A_1191 = vector.broadcast %add3A_1190 : i32 to vector<16xi32>
          %gather3A_1192 = tpu.vector_load_idx %run_scoped3A_2[%broadcast_in_dim3A_849, %broadcast_in_dim3A_1191, %add3A_13] : memref<4x100x64xf32, #tpu.memory_space<vmem>>[vector<16xi32>, vector<16xi32>, vector<16xi32>], vector<16xf32>,
          %add3A_1193 = arith.addf %gather3A_1192, %gather3A_844 : vector<16xf32>
          %gather3A_1194 = tpu.vector_load_idx %run_scoped3A_2[%broadcast_in_dim3A_849, %broadcast_in_dim3A_1191, %add3A_16] : memref<4x100x64xf32, #tpu.memory_space<vmem>>[vector<16xi32>, vector<16xi32>, vector<16xi32>], vector<16xf32>,
          %add3A_1195 = arith.addf %gather3A_1194, %gather3A_845 : vector<16xf32>
          %gather3A_1196 = tpu.vector_load_idx %run_scoped3A_2[%broadcast_in_dim3A_849, %broadcast_in_dim3A_1191, %add3A_19] : memref<4x100x64xf32, #tpu.memory_space<vmem>>[vector<16xi32>, vector<16xi32>, vector<16xi32>], vector<16xf32>,
          %add3A_1197 = arith.addf %gather3A_1196, %gather3A_846 : vector<16xf32>
          %gather3A_1198 = tpu.vector_load_idx %run_scoped3A_2[%broadcast_in_dim3A_849, %broadcast_in_dim3A_1191, %add3A_22] : memref<4x100x64xf32, #tpu.memory_space<vmem>>[vector<16xi32>, vector<16xi32>, vector<16xi32>], vector<16xf32>,
          %add3A_1199 = arith.addf %gather3A_1198, %gather3A_847 : vector<16xf32>
          %add3A_1200 = arith.addf %add3A_1193, %add3A_1195 : vector<16xf32>
          %add3A_1201 = arith.addf %add3A_1197, %add3A_1199 : vector<16xf32>
          %add3A_1202 = arith.addf %add3A_1200, %add3A_1201 : vector<16xf32>
          %mul3A_1203 = arith.mulf %add3A_1193, %add3A_1193 : vector<16xf32>
          %mul3A_1204 = arith.mulf %add3A_1195, %add3A_1195 : vector<16xf32>
          %add3A_1205 = arith.addf %mul3A_1203, %mul3A_1204 : vector<16xf32>
          %mul3A_1206 = arith.mulf %add3A_1197, %add3A_1197 : vector<16xf32>
          %mul3A_1207 = arith.mulf %add3A_1199, %add3A_1199 : vector<16xf32>
          %add3A_1208 = arith.addf %mul3A_1206, %mul3A_1207 : vector<16xf32>
          %add3A_1209 = arith.addf %add3A_1205, %add3A_1208 : vector<16xf32>
          %reduce_sum3A_1210 = arith.constant true
          %reduce_sum3A_1211 = vector.broadcast %reduce_sum3A_1210 : i1 to vector<16xi1>
          %reduce_sum3A_1212 = tpu.scan <sum>, %add3A_1202 masked %reduce_sum3A_1211 : vector<16xf32>, vector<16xi1> -> vector<16xf32>
          %reduce_sum3A_1213 = vector.extract %reduce_sum3A_1212[15] : f32 from vector<16xf32>
          %broadcast_in_dim3A_1214 = vector.broadcast %reduce_sum3A_1213 : f32 to vector<16xf32>
          %mul3A_1215 = arith.constant 1.562500e-02 : f32
          %mul3A_1216 = vector.broadcast %mul3A_1215 : f32 to vector<16xf32>
          %mul3A_1217 = arith.mulf %broadcast_in_dim3A_1214, %mul3A_1216 : vector<16xf32>
          %reduce_sum3A_1218 = arith.constant true
          %reduce_sum3A_1219 = vector.broadcast %reduce_sum3A_1218 : i1 to vector<16xi1>
          %reduce_sum3A_1220 = tpu.scan <sum>, %add3A_1209 masked %reduce_sum3A_1219 : vector<16xf32>, vector<16xi1> -> vector<16xf32>
          %reduce_sum3A_1221 = vector.extract %reduce_sum3A_1220[15] : f32 from vector<16xf32>
          %broadcast_in_dim3A_1222 = vector.broadcast %reduce_sum3A_1221 : f32 to vector<16xf32>
          %mul3A_1223 = arith.constant 1.562500e-02 : f32
          %mul3A_1224 = vector.broadcast %mul3A_1223 : f32 to vector<16xf32>
          %mul3A_1225 = arith.mulf %broadcast_in_dim3A_1222, %mul3A_1224 : vector<16xf32>
          %mul3A_1226 = arith.mulf %mul3A_1217, %mul3A_1217 : vector<16xf32>
          %sub3A_1227 = arith.subf %mul3A_1225, %mul3A_1226 : vector<16xf32>
          %add3A_1228 = arith.constant 9.99999974E-6 : f32
          %add3A_1229 = vector.broadcast %add3A_1228 : f32 to vector<16xf32>
          %add3A_1230 = arith.addf %sub3A_1227, %add3A_1229 : vector<16xf32>
          %bitcast_convert_type3A_1231 = tpu.bitcast %add3A_1230 : vector<16xf32> -> vector<16xi32>
          %shift_right_arithmetic3A_1232 = arith.constant 1 : i32
          %shift_right_arithmetic3A_1233 = vector.broadcast %shift_right_arithmetic3A_1232 : i32 to vector<16xi32>
          %shift_right_arithmetic3A_1234 = arith.shrsi %bitcast_convert_type3A_1231, %shift_right_arithmetic3A_1233 : vector<16xi32>
          %sub3A_1235 = arith.constant 1597463007 : i32
          %sub3A_1236 = vector.broadcast %sub3A_1235 : i32 to vector<16xi32>
          %sub3A_1237 = arith.subi %sub3A_1236, %shift_right_arithmetic3A_1234 : vector<16xi32>
          %bitcast_convert_type3A_1238 = tpu.bitcast %sub3A_1237 : vector<16xi32> -> vector<16xf32>
          %mul3A_1239 = arith.constant 5.000000e-01 : f32
          %mul3A_1240 = vector.broadcast %mul3A_1239 : f32 to vector<16xf32>
          %mul3A_1241 = arith.mulf %add3A_1230, %mul3A_1240 : vector<16xf32>
          %mul3A_1242 = arith.mulf %mul3A_1241, %bitcast_convert_type3A_1238 : vector<16xf32>
          %mul3A_1243 = arith.mulf %mul3A_1242, %bitcast_convert_type3A_1238 : vector<16xf32>
          %sub3A_1244 = arith.constant 1.500000e+00 : f32
          %sub3A_1245 = vector.broadcast %sub3A_1244 : f32 to vector<16xf32>
          %sub3A_1246 = arith.subf %sub3A_1245, %mul3A_1243 : vector<16xf32>
          %mul3A_1247 = arith.mulf %bitcast_convert_type3A_1238, %sub3A_1246 : vector<16xf32>
          %mul3A_1248 = arith.mulf %mul3A_1241, %mul3A_1247 : vector<16xf32>
          %mul3A_1249 = arith.mulf %mul3A_1248, %mul3A_1247 : vector<16xf32>
          %sub3A_1250 = arith.constant 1.500000e+00 : f32
          %sub3A_1251 = vector.broadcast %sub3A_1250 : f32 to vector<16xf32>
          %sub3A_1252 = arith.subf %sub3A_1251, %mul3A_1249 : vector<16xf32>
          %mul3A_1253 = arith.mulf %mul3A_1247, %sub3A_1252 : vector<16xf32>
          %mul3A_1254 = arith.mulf %gather3A, %mul3A_1253 : vector<16xf32>
          %sub3A_1255 = arith.subf %add3A_1193, %mul3A_1217 : vector<16xf32>
          %mul3A_1256 = arith.mulf %sub3A_1255, %mul3A_1254 : vector<16xf32>
          %add3A_1257 = arith.addf %mul3A_1256, %gather3A_26 : vector<16xf32>
          tpu.vector_store_idx %run_scoped3A_3[%broadcast_in_dim3A_849, %broadcast_in_dim3A_1191, %add3A_13], %add3A_1257 : memref<4x100x64xf32, #tpu.memory_space<vmem>>[vector<16xi32>, vector<16xi32>, vector<16xi32>], vector<16xf32>,
          %mul3A_1258 = arith.mulf %gather3A_23, %mul3A_1253 : vector<16xf32>
          %sub3A_1259 = arith.subf %add3A_1195, %mul3A_1217 : vector<16xf32>
          %mul3A_1260 = arith.mulf %sub3A_1259, %mul3A_1258 : vector<16xf32>
          %add3A_1261 = arith.addf %mul3A_1260, %gather3A_27 : vector<16xf32>
          tpu.vector_store_idx %run_scoped3A_3[%broadcast_in_dim3A_849, %broadcast_in_dim3A_1191, %add3A_16], %add3A_1261 : memref<4x100x64xf32, #tpu.memory_space<vmem>>[vector<16xi32>, vector<16xi32>, vector<16xi32>], vector<16xf32>,
          %mul3A_1262 = arith.mulf %gather3A_24, %mul3A_1253 : vector<16xf32>
          %sub3A_1263 = arith.subf %add3A_1197, %mul3A_1217 : vector<16xf32>
          %mul3A_1264 = arith.mulf %sub3A_1263, %mul3A_1262 : vector<16xf32>
          %add3A_1265 = arith.addf %mul3A_1264, %gather3A_28 : vector<16xf32>
          tpu.vector_store_idx %run_scoped3A_3[%broadcast_in_dim3A_849, %broadcast_in_dim3A_1191, %add3A_19], %add3A_1265 : memref<4x100x64xf32, #tpu.memory_space<vmem>>[vector<16xi32>, vector<16xi32>, vector<16xi32>], vector<16xf32>,
          %mul3A_1266 = arith.mulf %gather3A_25, %mul3A_1253 : vector<16xf32>
          %sub3A_1267 = arith.subf %add3A_1199, %mul3A_1217 : vector<16xf32>
          %mul3A_1268 = arith.mulf %sub3A_1267, %mul3A_1266 : vector<16xf32>
          %add3A_1269 = arith.addf %mul3A_1268, %gather3A_29 : vector<16xf32>
          tpu.vector_store_idx %run_scoped3A_3[%broadcast_in_dim3A_849, %broadcast_in_dim3A_1191, %add3A_22], %add3A_1269 : memref<4x100x64xf32, #tpu.memory_space<vmem>>[vector<16xi32>, vector<16xi32>, vector<16xi32>], vector<16xf32>,
        }
        %scan3A_854 = arith.constant 100 : i32
        %jit3A_855 = arith.constant 2 : i32
        %div3A_856 = arith.divsi %add3A_748, %jit3A_855 : i32
        %sign3A_857 = arith.constant 0 : i32
        %sign3A_858 = arith.cmpi sgt, %add3A_748, %sign3A_857 : i32
        %sign3A_859 = arith.extui %sign3A_858 : i1 to i32
        %sign3A_860 = arith.constant 0 : i32
        %sign3A_861 = arith.cmpi slt, %add3A_748, %sign3A_860 : i32
        %sign3A_862 = arith.extui %sign3A_861 : i1 to i32
        %sign3A_863 = arith.subi %sign3A_859, %sign3A_862 : i32
        %sign3A_864 = arith.constant 0 : i32
        %sign3A_865 = arith.cmpi sgt, %jit3A_855, %sign3A_864 : i32
        %sign3A_866 = arith.extui %sign3A_865 : i1 to i32
        %sign3A_867 = arith.constant 0 : i32
        %sign3A_868 = arith.cmpi slt, %jit3A_855, %sign3A_867 : i32
        %sign3A_869 = arith.extui %sign3A_868 : i1 to i32
        %sign3A_870 = arith.subi %sign3A_866, %sign3A_869 : i32
        %ne3A_871 = arith.cmpi ne, %sign3A_863, %sign3A_870 : i32
        %rem3A_872 = arith.remsi %add3A_748, %jit3A_855 : i32
        %ne3A_873 = arith.constant 0 : i32
        %ne3A_874 = arith.cmpi ne, %rem3A_872, %ne3A_873 : i32
        %and3A_875 = arith.andi %ne3A_871, %ne3A_874 : i1
        %sub3A_876 = arith.constant 1 : i32
        %sub3A_877 = arith.subi %div3A_856, %sub3A_876 : i32
        %select_n3A_878 = arith.select %and3A_875, %sub3A_877, %div3A_856 : i32
        %mul3A_879 = arith.constant 2 : i32
        %mul3A_880 = arith.muli %mul3A_879, %select_n3A_878 : i32
        %sub3A_881 = arith.subi %add3A_748, %mul3A_880 : i32
        %jit3A_882 = arith.constant 2 : i32
        %div3A_883 = arith.divsi %add3A_748, %jit3A_882 : i32
        %sign3A_884 = arith.constant 0 : i32
        %sign3A_885 = arith.cmpi sgt, %add3A_748, %sign3A_884 : i32
        %sign3A_886 = arith.extui %sign3A_885 : i1 to i32
        %sign3A_887 = arith.constant 0 : i32
        %sign3A_888 = arith.cmpi slt, %add3A_748, %sign3A_887 : i32
        %sign3A_889 = arith.extui %sign3A_888 : i1 to i32
        %sign3A_890 = arith.subi %sign3A_886, %sign3A_889 : i32
        %sign3A_891 = arith.constant 0 : i32
        %sign3A_892 = arith.cmpi sgt, %jit3A_882, %sign3A_891 : i32
        %sign3A_893 = arith.extui %sign3A_892 : i1 to i32
        %sign3A_894 = arith.constant 0 : i32
        %sign3A_895 = arith.cmpi slt, %jit3A_882, %sign3A_894 : i32
        %sign3A_896 = arith.extui %sign3A_895 : i1 to i32
        %sign3A_897 = arith.subi %sign3A_893, %sign3A_896 : i32
        %ne3A_898 = arith.cmpi ne, %sign3A_890, %sign3A_897 : i32
        %rem3A_899 = arith.remsi %add3A_748, %jit3A_882 : i32
        %ne3A_900 = arith.constant 0 : i32
        %ne3A_901 = arith.cmpi ne, %rem3A_899, %ne3A_900 : i32
        %and3A_902 = arith.andi %ne3A_898, %ne3A_901 : i1
        %sub3A_903 = arith.constant 1 : i32
        %sub3A_904 = arith.subi %div3A_883, %sub3A_903 : i32
        %select_n3A_905 = arith.select %and3A_902, %sub3A_904, %div3A_883 : i32
        %add3A_906 = arith.addi %mul3A_6, %select_n3A_905 : i32
        %mul3A_907 = arith.constant 100 : i32
        %mul3A_908 = arith.muli %sub3A_881, %mul3A_907 : i32
        %dma_start3A_909 = arith.constant 3 : i32
        %dma_start3A_910 = arith.constant 3 : i32
        %dma_start3A_911 = arith.constant 0 : i32
        %dma_start3A_912 = arith.constant 0 : i32
        %dma_start3A_913 = tpu.memref_slice %run_scoped3A_3[%dma_start3A_909, %dma_start3A_911, %dma_start3A_912] : memref<4x100x64xf32, #tpu.memory_space<vmem>> -> memref<1x100x64xf32, #tpu.memory_space<vmem>>
        %dma_start3A_914 = tpu.memref_squeeze %dma_start3A_913 : memref<1x100x64xf32, #tpu.memory_space<vmem>> -> memref<100x64xf32, #tpu.memory_space<vmem>>
        %dma_start3A_915 = arith.constant 0 : i32
        %dma_start3A_916 = tpu.memref_slice %arg8[%add3A_906, %mul3A_908, %dma_start3A_915] : memref<4096x200x64xf32, #tpu.memory_space<hbm>> -> memref<1x100x64xf32, #tpu.memory_space<hbm>>
        %dma_start3A_917 = tpu.memref_squeeze %dma_start3A_916 : memref<1x100x64xf32, #tpu.memory_space<hbm>> -> memref<100x64xf32, #tpu.memory_space<hbm>>
        %dma_start3A_918 = tpu.memref_slice %arg12[%dma_start3A_910] : memref<4x!tpu.dma_semaphore, #tpu.memory_space<semaphore_mem>> -> memref<1x!tpu.dma_semaphore, #tpu.memory_space<semaphore_mem>>
        %dma_start3A_919 = tpu.memref_squeeze %dma_start3A_918 : memref<1x!tpu.dma_semaphore, #tpu.memory_space<semaphore_mem>> -> memref<!tpu.dma_semaphore, #tpu.memory_space<semaphore_mem>>
        %dma_start3A_920 = arith.constant 0 : i32
        %dma_start3A_921 = tpu.memref_slice %arg8[%add3A_906, %mul3A_908, %dma_start3A_920] : memref<4096x200x64xf32, #tpu.memory_space<hbm>> -> memref<1x100x64xf32, #tpu.memory_space<hbm>>
        %dma_start3A_922 = tpu.memref_squeeze %dma_start3A_921 : memref<1x100x64xf32, #tpu.memory_space<hbm>> -> memref<100x64xf32, #tpu.memory_space<hbm>>
        %dma_start3A_923 = arith.constant 0 : i32
        %dma_start3A_924 = arith.constant 0 : i32
        %dma_start3A_925 = tpu.memref_slice %run_scoped3A_3[%dma_start3A_909, %dma_start3A_923, %dma_start3A_924] : memref<4x100x64xf32, #tpu.memory_space<vmem>> -> memref<1x100x64xf32, #tpu.memory_space<vmem>>
        %dma_start3A_926 = tpu.memref_squeeze %dma_start3A_925 : memref<1x100x64xf32, #tpu.memory_space<vmem>> -> memref<100x64xf32, #tpu.memory_space<vmem>>
        tpu.enqueue_dma source(%dma_start3A_926 : memref<100x64xf32, #tpu.memory_space<vmem>>) target(%dma_start3A_922 : memref<100x64xf32, #tpu.memory_space<hbm>>) target_semaphore(%dma_start3A_919 : memref<!tpu.dma_semaphore, #tpu.memory_space<semaphore_mem>>)
        %add3A_927 = arith.constant 4 : i32
        %add3A_928 = arith.addi %add3A_748, %add3A_927 : i32
        %lt3A_929 = arith.constant 256 : i32
        %lt3A_930 = arith.cmpi slt, %add3A_928, %lt3A_929 : i32
        %convert_element_type3A_931 = arith.extui %lt3A_930 : i1 to i32
        %cond3A_932 = arith.constant 0 : i32
        %cond3A_933 = arith.cmpi ne, %convert_element_type3A_931, %cond3A_932 : i32
        scf.if %cond3A_933 {
          %add3A_934 = arith.constant 4 : i32
          %add3A_935 = arith.addi %add3A_748, %add3A_934 : i32
          %jit3A_936 = arith.constant 2 : i32
          %div3A_937 = arith.divsi %add3A_935, %jit3A_936 : i32
          %sign3A_938 = arith.constant 0 : i32
          %sign3A_939 = arith.cmpi sgt, %add3A_935, %sign3A_938 : i32
          %sign3A_940 = arith.extui %sign3A_939 : i1 to i32
          %sign3A_941 = arith.constant 0 : i32
          %sign3A_942 = arith.cmpi slt, %add3A_935, %sign3A_941 : i32
          %sign3A_943 = arith.extui %sign3A_942 : i1 to i32
          %sign3A_944 = arith.subi %sign3A_940, %sign3A_943 : i32
          %sign3A_945 = arith.constant 0 : i32
          %sign3A_946 = arith.cmpi sgt, %jit3A_936, %sign3A_945 : i32
          %sign3A_947 = arith.extui %sign3A_946 : i1 to i32
          %sign3A_948 = arith.constant 0 : i32
          %sign3A_949 = arith.cmpi slt, %jit3A_936, %sign3A_948 : i32
          %sign3A_950 = arith.extui %sign3A_949 : i1 to i32
          %sign3A_951 = arith.subi %sign3A_947, %sign3A_950 : i32
          %ne3A_952 = arith.cmpi ne, %sign3A_944, %sign3A_951 : i32
          %rem3A_953 = arith.remsi %add3A_935, %jit3A_936 : i32
          %ne3A_954 = arith.constant 0 : i32
          %ne3A_955 = arith.cmpi ne, %rem3A_953, %ne3A_954 : i32
          %and3A_956 = arith.andi %ne3A_952, %ne3A_955 : i1
          %sub3A_957 = arith.constant 1 : i32
          %sub3A_958 = arith.subi %div3A_937, %sub3A_957 : i32
          %select_n3A_959 = arith.select %and3A_956, %sub3A_958, %div3A_937 : i32
          %mul3A_960 = arith.constant 2 : i32
          %mul3A_961 = arith.muli %mul3A_960, %select_n3A_959 : i32
          %sub3A_962 = arith.subi %add3A_935, %mul3A_961 : i32
          %jit3A_963 = arith.constant 2 : i32
          %div3A_964 = arith.divsi %add3A_935, %jit3A_963 : i32
          %sign3A_965 = arith.constant 0 : i32
          %sign3A_966 = arith.cmpi sgt, %add3A_935, %sign3A_965 : i32
          %sign3A_967 = arith.extui %sign3A_966 : i1 to i32
          %sign3A_968 = arith.constant 0 : i32
          %sign3A_969 = arith.cmpi slt, %add3A_935, %sign3A_968 : i32
          %sign3A_970 = arith.extui %sign3A_969 : i1 to i32
          %sign3A_971 = arith.subi %sign3A_967, %sign3A_970 : i32
          %sign3A_972 = arith.constant 0 : i32
          %sign3A_973 = arith.cmpi sgt, %jit3A_963, %sign3A_972 : i32
          %sign3A_974 = arith.extui %sign3A_973 : i1 to i32
          %sign3A_975 = arith.constant 0 : i32
          %sign3A_976 = arith.cmpi slt, %jit3A_963, %sign3A_975 : i32
          %sign3A_977 = arith.extui %sign3A_976 : i1 to i32
          %sign3A_978 = arith.subi %sign3A_974, %sign3A_977 : i32
          %ne3A_979 = arith.cmpi ne, %sign3A_971, %sign3A_978 : i32
          %rem3A_980 = arith.remsi %add3A_935, %jit3A_963 : i32
          %ne3A_981 = arith.constant 0 : i32
          %ne3A_982 = arith.cmpi ne, %rem3A_980, %ne3A_981 : i32
          %and3A_983 = arith.andi %ne3A_979, %ne3A_982 : i1
          %sub3A_984 = arith.constant 1 : i32
          %sub3A_985 = arith.subi %div3A_964, %sub3A_984 : i32
          %select_n3A_986 = arith.select %and3A_983, %sub3A_985, %div3A_964 : i32
          %dma_start3A_987 = arith.constant 3 : i32
          %dma_start3A_988 = arith.constant 3 : i32
          %dma_start3A_989 = arith.constant 0 : i32
          %dma_start3A_990 = arith.constant 0 : i32
          %dma_start3A_991 = tpu.memref_slice %run_scoped3A_2[%dma_start3A_987, %dma_start3A_989, %dma_start3A_990] : memref<4x100x64xf32, #tpu.memory_space<vmem>> -> memref<1x100x64xf32, #tpu.memory_space<vmem>>
          %dma_start3A_992 = tpu.memref_squeeze %dma_start3A_991 : memref<1x100x64xf32, #tpu.memory_space<vmem>> -> memref<100x64xf32, #tpu.memory_space<vmem>>
          %dma_start3A_993 = arith.constant 0 : i32
          %dma_start3A_994 = tpu.memref_slice %arg9[%select_n3A_986, %sub3A_962, %dma_start3A_993] : memref<128x2x100xi32, #tpu.memory_space<vmem>> -> memref<1x1x100xi32, #tpu.memory_space<vmem>>
          %dma_start3A_995 = tpu.memref_squeeze %dma_start3A_994 : memref<1x1x100xi32, #tpu.memory_space<vmem>> -> memref<100xi32, #tpu.memory_space<vmem>>
          %dma_start3A_996 = arith.constant 0 : i32
          %dma_start3A_997 = arith.constant 0 : i32
          %dma_start3A_998 = tpu.memref_slice %arg4[%dma_start3A_996, %dma_start3A_997] : memref<1000000x64xf32, #tpu.memory_space<hbm>> -> memref<1000000x64xf32, #tpu.memory_space<hbm>>
          %dma_start3A_999 = tpu.memref_slice %arg11[%dma_start3A_988] : memref<4x!tpu.dma_semaphore, #tpu.memory_space<semaphore_mem>> -> memref<1x!tpu.dma_semaphore, #tpu.memory_space<semaphore_mem>>
          %dma_start3A_1000 = tpu.memref_squeeze %dma_start3A_999 : memref<1x!tpu.dma_semaphore, #tpu.memory_space<semaphore_mem>> -> memref<!tpu.dma_semaphore, #tpu.memory_space<semaphore_mem>>
          tpu.enqueue_indirect_dma source(%dma_start3A_998 : memref<1000000x64xf32, #tpu.memory_space<hbm>>) target(%dma_start3A_992 : memref<100x64xf32, #tpu.memory_space<vmem>>) offsets(%dma_start3A_995 : memref<100xi32, #tpu.memory_space<vmem>>) semaphore(%dma_start3A_1000 : memref<!tpu.dma_semaphore, #tpu.memory_space<semaphore_mem>>)
        } else {
        }
      }
      %scan3A_97 = arith.constant 64 : i32
      %add3A_98 = arith.constant 126 : i32
      %add3A_99 = arith.addi %mul3A_6, %add3A_98 : i32
      %dma_wait3A_100 = arith.constant 0 : i32
      %dma_wait3A_101 = arith.constant 0 : i32
      %dma_wait3A_102 = arith.constant 0 : i32
      %dma_wait3A_103 = arith.constant 0 : i32
      %dma_wait3A_104 = tpu.memref_slice %run_scoped3A_3[%dma_wait3A_100, %dma_wait3A_102, %dma_wait3A_103] : memref<4x100x64xf32, #tpu.memory_space<vmem>> -> memref<1x100x64xf32, #tpu.memory_space<vmem>>
      %dma_wait3A_105 = tpu.memref_squeeze %dma_wait3A_104 : memref<1x100x64xf32, #tpu.memory_space<vmem>> -> memref<100x64xf32, #tpu.memory_space<vmem>>
      %dma_wait3A_106 = arith.constant 0 : i32
      %dma_wait3A_107 = arith.constant 0 : i32
      %dma_wait3A_108 = tpu.memref_slice %arg8[%add3A_99, %dma_wait3A_106, %dma_wait3A_107] : memref<4096x200x64xf32, #tpu.memory_space<hbm>> -> memref<1x100x64xf32, #tpu.memory_space<hbm>>
      %dma_wait3A_109 = tpu.memref_squeeze %dma_wait3A_108 : memref<1x100x64xf32, #tpu.memory_space<hbm>> -> memref<100x64xf32, #tpu.memory_space<hbm>>
      %dma_wait3A_110 = tpu.memref_slice %arg12[%dma_wait3A_101] : memref<4x!tpu.dma_semaphore, #tpu.memory_space<semaphore_mem>> -> memref<1x!tpu.dma_semaphore, #tpu.memory_space<semaphore_mem>>
      %dma_wait3A_111 = tpu.memref_squeeze %dma_wait3A_110 : memref<1x!tpu.dma_semaphore, #tpu.memory_space<semaphore_mem>> -> memref<!tpu.dma_semaphore, #tpu.memory_space<semaphore_mem>>
      %dma_wait3A_112 = arith.constant 0 : i32
      %dma_wait3A_113 = arith.constant 0 : i32
      %dma_wait3A_114 = tpu.memref_slice %arg8[%add3A_99, %dma_wait3A_112, %dma_wait3A_113] : memref<4096x200x64xf32, #tpu.memory_space<hbm>> -> memref<1x100x64xf32, #tpu.memory_space<hbm>>
      %dma_wait3A_115 = tpu.memref_squeeze %dma_wait3A_114 : memref<1x100x64xf32, #tpu.memory_space<hbm>> -> memref<100x64xf32, #tpu.memory_space<hbm>>
      %dma_wait3A_116 = arith.constant 0 : i32
      %dma_wait3A_117 = arith.constant 0 : i32
      %dma_wait3A_118 = tpu.memref_slice %run_scoped3A_3[%dma_wait3A_100, %dma_wait3A_116, %dma_wait3A_117] : memref<4x100x64xf32, #tpu.memory_space<vmem>> -> memref<1x100x64xf32, #tpu.memory_space<vmem>>
      %dma_wait3A_119 = tpu.memref_squeeze %dma_wait3A_118 : memref<1x100x64xf32, #tpu.memory_space<vmem>> -> memref<100x64xf32, #tpu.memory_space<vmem>>
      tpu.wait_dma2 semaphore(%dma_wait3A_111 : memref<!tpu.dma_semaphore, #tpu.memory_space<semaphore_mem>>) src(%dma_wait3A_119 : memref<100x64xf32, #tpu.memory_space<vmem>>) dst(%dma_wait3A_115 : memref<100x64xf32, #tpu.memory_space<hbm>>)
      %add3A_120 = arith.constant 126 : i32
      %add3A_121 = arith.addi %mul3A_6, %add3A_120 : i32
      %dma_wait3A_122 = arith.constant 1 : i32
      %dma_wait3A_123 = arith.constant 1 : i32
      %dma_wait3A_124 = arith.constant 0 : i32
      %dma_wait3A_125 = arith.constant 0 : i32
      %dma_wait3A_126 = tpu.memref_slice %run_scoped3A_3[%dma_wait3A_122, %dma_wait3A_124, %dma_wait3A_125] : memref<4x100x64xf32, #tpu.memory_space<vmem>> -> memref<1x100x64xf32, #tpu.memory_space<vmem>>
      %dma_wait3A_127 = tpu.memref_squeeze %dma_wait3A_126 : memref<1x100x64xf32, #tpu.memory_space<vmem>> -> memref<100x64xf32, #tpu.memory_space<vmem>>
      %dma_wait3A_128 = arith.constant 100 : i32
      %dma_wait3A_129 = arith.constant 0 : i32
      %dma_wait3A_130 = tpu.memref_slice %arg8[%add3A_121, %dma_wait3A_128, %dma_wait3A_129] : memref<4096x200x64xf32, #tpu.memory_space<hbm>> -> memref<1x100x64xf32, #tpu.memory_space<hbm>>
      %dma_wait3A_131 = tpu.memref_squeeze %dma_wait3A_130 : memref<1x100x64xf32, #tpu.memory_space<hbm>> -> memref<100x64xf32, #tpu.memory_space<hbm>>
      %dma_wait3A_132 = tpu.memref_slice %arg12[%dma_wait3A_123] : memref<4x!tpu.dma_semaphore, #tpu.memory_space<semaphore_mem>> -> memref<1x!tpu.dma_semaphore, #tpu.memory_space<semaphore_mem>>
      %dma_wait3A_133 = tpu.memref_squeeze %dma_wait3A_132 : memref<1x!tpu.dma_semaphore, #tpu.memory_space<semaphore_mem>> -> memref<!tpu.dma_semaphore, #tpu.memory_space<semaphore_mem>>
      %dma_wait3A_134 = arith.constant 100 : i32
      %dma_wait3A_135 = arith.constant 0 : i32
      %dma_wait3A_136 = tpu.memref_slice %arg8[%add3A_121, %dma_wait3A_134, %dma_wait3A_135] : memref<4096x200x64xf32, #tpu.memory_space<hbm>> -> memref<1x100x64xf32, #tpu.memory_space<hbm>>
      %dma_wait3A_137 = tpu.memref_squeeze %dma_wait3A_136 : memref<1x100x64xf32, #tpu.memory_space<hbm>> -> memref<100x64xf32, #tpu.memory_space<hbm>>
      %dma_wait3A_138 = arith.constant 0 : i32
      %dma_wait3A_139 = arith.constant 0 : i32
      %dma_wait3A_140 = tpu.memref_slice %run_scoped3A_3[%dma_wait3A_122, %dma_wait3A_138, %dma_wait3A_139] : memref<4x100x64xf32, #tpu.memory_space<vmem>> -> memref<1x100x64xf32, #tpu.memory_space<vmem>>
      %dma_wait3A_141 = tpu.memref_squeeze %dma_wait3A_140 : memref<1x100x64xf32, #tpu.memory_space<vmem>> -> memref<100x64xf32, #tpu.memory_space<vmem>>
      tpu.wait_dma2 semaphore(%dma_wait3A_133 : memref<!tpu.dma_semaphore, #tpu.memory_space<semaphore_mem>>) src(%dma_wait3A_141 : memref<100x64xf32, #tpu.memory_space<vmem>>) dst(%dma_wait3A_137 : memref<100x64xf32, #tpu.memory_space<hbm>>)
      %add3A_142 = arith.constant 127 : i32
      %add3A_143 = arith.addi %mul3A_6, %add3A_142 : i32
      %dma_wait3A_144 = arith.constant 2 : i32
      %dma_wait3A_145 = arith.constant 2 : i32
      %dma_wait3A_146 = arith.constant 0 : i32
      %dma_wait3A_147 = arith.constant 0 : i32
      %dma_wait3A_148 = tpu.memref_slice %run_scoped3A_3[%dma_wait3A_144, %dma_wait3A_146, %dma_wait3A_147] : memref<4x100x64xf32, #tpu.memory_space<vmem>> -> memref<1x100x64xf32, #tpu.memory_space<vmem>>
      %dma_wait3A_149 = tpu.memref_squeeze %dma_wait3A_148 : memref<1x100x64xf32, #tpu.memory_space<vmem>> -> memref<100x64xf32, #tpu.memory_space<vmem>>
      %dma_wait3A_150 = arith.constant 0 : i32
      %dma_wait3A_151 = arith.constant 0 : i32
      %dma_wait3A_152 = tpu.memref_slice %arg8[%add3A_143, %dma_wait3A_150, %dma_wait3A_151] : memref<4096x200x64xf32, #tpu.memory_space<hbm>> -> memref<1x100x64xf32, #tpu.memory_space<hbm>>
      %dma_wait3A_153 = tpu.memref_squeeze %dma_wait3A_152 : memref<1x100x64xf32, #tpu.memory_space<hbm>> -> memref<100x64xf32, #tpu.memory_space<hbm>>
      %dma_wait3A_154 = tpu.memref_slice %arg12[%dma_wait3A_145] : memref<4x!tpu.dma_semaphore, #tpu.memory_space<semaphore_mem>> -> memref<1x!tpu.dma_semaphore, #tpu.memory_space<semaphore_mem>>
      %dma_wait3A_155 = tpu.memref_squeeze %dma_wait3A_154 : memref<1x!tpu.dma_semaphore, #tpu.memory_space<semaphore_mem>> -> memref<!tpu.dma_semaphore, #tpu.memory_space<semaphore_mem>>
      %dma_wait3A_156 = arith.constant 0 : i32
      %dma_wait3A_157 = arith.constant 0 : i32
      %dma_wait3A_158 = tpu.memref_slice %arg8[%add3A_143, %dma_wait3A_156, %dma_wait3A_157] : memref<4096x200x64xf32, #tpu.memory_space<hbm>> -> memref<1x100x64xf32, #tpu.memory_space<hbm>>
      %dma_wait3A_159 = tpu.memref_squeeze %dma_wait3A_158 : memref<1x100x64xf32, #tpu.memory_space<hbm>> -> memref<100x64xf32, #tpu.memory_space<hbm>>
      %dma_wait3A_160 = arith.constant 0 : i32
      %dma_wait3A_161 = arith.constant 0 : i32
      %dma_wait3A_162 = tpu.memref_slice %run_scoped3A_3[%dma_wait3A_144, %dma_wait3A_160, %dma_wait3A_161] : memref<4x100x64xf32, #tpu.memory_space<vmem>> -> memref<1x100x64xf32, #tpu.memory_space<vmem>>
      %dma_wait3A_163 = tpu.memref_squeeze %dma_wait3A_162 : memref<1x100x64xf32, #tpu.memory_space<vmem>> -> memref<100x64xf32, #tpu.memory_space<vmem>>
      tpu.wait_dma2 semaphore(%dma_wait3A_155 : memref<!tpu.dma_semaphore, #tpu.memory_space<semaphore_mem>>) src(%dma_wait3A_163 : memref<100x64xf32, #tpu.memory_space<vmem>>) dst(%dma_wait3A_159 : memref<100x64xf32, #tpu.memory_space<hbm>>)
      %add3A_164 = arith.constant 127 : i32
      %add3A_165 = arith.addi %mul3A_6, %add3A_164 : i32
      %dma_wait3A_166 = arith.constant 3 : i32
      %dma_wait3A_167 = arith.constant 3 : i32
      %dma_wait3A_168 = arith.constant 0 : i32
      %dma_wait3A_169 = arith.constant 0 : i32
      %dma_wait3A_170 = tpu.memref_slice %run_scoped3A_3[%dma_wait3A_166, %dma_wait3A_168, %dma_wait3A_169] : memref<4x100x64xf32, #tpu.memory_space<vmem>> -> memref<1x100x64xf32, #tpu.memory_space<vmem>>
      %dma_wait3A_171 = tpu.memref_squeeze %dma_wait3A_170 : memref<1x100x64xf32, #tpu.memory_space<vmem>> -> memref<100x64xf32, #tpu.memory_space<vmem>>
      %dma_wait3A_172 = arith.constant 100 : i32
      %dma_wait3A_173 = arith.constant 0 : i32
      %dma_wait3A_174 = tpu.memref_slice %arg8[%add3A_165, %dma_wait3A_172, %dma_wait3A_173] : memref<4096x200x64xf32, #tpu.memory_space<hbm>> -> memref<1x100x64xf32, #tpu.memory_space<hbm>>
      %dma_wait3A_175 = tpu.memref_squeeze %dma_wait3A_174 : memref<1x100x64xf32, #tpu.memory_space<hbm>> -> memref<100x64xf32, #tpu.memory_space<hbm>>
      %dma_wait3A_176 = tpu.memref_slice %arg12[%dma_wait3A_167] : memref<4x!tpu.dma_semaphore, #tpu.memory_space<semaphore_mem>> -> memref<1x!tpu.dma_semaphore, #tpu.memory_space<semaphore_mem>>
      %dma_wait3A_177 = tpu.memref_squeeze %dma_wait3A_176 : memref<1x!tpu.dma_semaphore, #tpu.memory_space<semaphore_mem>> -> memref<!tpu.dma_semaphore, #tpu.memory_space<semaphore_mem>>
      %dma_wait3A_178 = arith.constant 100 : i32
      %dma_wait3A_179 = arith.constant 0 : i32
      %dma_wait3A_180 = tpu.memref_slice %arg8[%add3A_165, %dma_wait3A_178, %dma_wait3A_179] : memref<4096x200x64xf32, #tpu.memory_space<hbm>> -> memref<1x100x64xf32, #tpu.memory_space<hbm>>
      %dma_wait3A_181 = tpu.memref_squeeze %dma_wait3A_180 : memref<1x100x64xf32, #tpu.memory_space<hbm>> -> memref<100x64xf32, #tpu.memory_space<hbm>>
      %dma_wait3A_182 = arith.constant 0 : i32
      %dma_wait3A_183 = arith.constant 0 : i32
      %dma_wait3A_184 = tpu.memref_slice %run_scoped3A_3[%dma_wait3A_166, %dma_wait3A_182, %dma_wait3A_183] : memref<4x100x64xf32, #tpu.memory_space<vmem>> -> memref<1x100x64xf32, #tpu.memory_space<vmem>>
      %dma_wait3A_185 = tpu.memref_squeeze %dma_wait3A_184 : memref<1x100x64xf32, #tpu.memory_space<vmem>> -> memref<100x64xf32, #tpu.memory_space<vmem>>
      tpu.wait_dma2 semaphore(%dma_wait3A_177 : memref<!tpu.dma_semaphore, #tpu.memory_space<semaphore_mem>>) src(%dma_wait3A_185 : memref<100x64xf32, #tpu.memory_space<vmem>>) dst(%dma_wait3A_181 : memref<100x64xf32, #tpu.memory_space<hbm>>)
      tpu.yield
    }) : () -> ()
    return
  }
}

</mosaic_0001>

<sc_bundles>
// kernel: kernel.3.cloned.1.call-start
scs
__scs_entry_jumppad:
0x0: {  	(pc) =	sbr.rel $0x88, $3  }
0x1: {  	(tag) =	ssettag $0x0;
	lr =	simm.s32 $0x1  }
0x2: {  	[smem:$0x3F9B] =	sst lr;
	_ =	strace $0xD0000000  }
0x3: {  	_ = 	snop  }
0x4: {  	_ = 	snop  }
0x5: {  	_ = 	snop  }
0x6: {  	_ = 	snop  }
0x7: {  	_ = 	snop  }
__scs_overlays_trampoline_lowered:
0x8: {  	[smem:$0x3FAA] =	sst s0  }
0x9: {  	[smem:$0x3FAB] =	sst s1  }
0xa: {  	[smem:$0x3FAC] =	sst s2  }
0xb: {  	[smem:$0x3FAD] =	sst s3  }
0xc: {  	[smem:$0x3FAE] =	sst s4  }
0xd: {  	[smem:$0x3FAF] =	sst s5  }
0xe: {  	[smem:$0x3FB0] =	sst s6  }
0xf: {  	[smem:$0x3FB1] =	sst s7  }
0x10: {  	[smem:$0x3FB2] =	sst s8  }
0x11: {  	[smem:$0x3FB3] =	sst s9;
	s0 =	simm.s32 @!p0 $0x0  }
0x12: {  	s1 =	sld [smem:$0x3F99];
	s0 =	simm.s32 @p0 $0x1  }
0x13: {  	[smem:$0x3FB4] =	sst s0;
	s0 =	simm.s32 @!p1 $0x0  }
0x14: {  	s2 =	sld [smem:$0x3F98];
	s0 =	simm.s32 @p1 $0x1  }
0x15: {  	[smem:$0x3FB5] =	sst s0;
	s0 =	simm.s32 @!p2 $0x0  }
0x16: {  	s3 =	sld [smem:$0x3FDB];
	s0 =	simm.s32 @p2 $0x1  }
0x17: {  	s4 =	simm.s32 $0x1BF5;
	[smem:$0x3FB7] =	sst s0  }
0x18: {  	s0 =	sld [smem:$0x3F9A];
	_ =	swait.ge [sflag:s4], $0x0  }
0x19: {  	s7 =	sld [smem:$0x3F9B]  }
0x1a: {  	s8 =	sadd.s32 $0xFFFFE003, lr  }
0x1b: {  	s9 =	sadd.s32 $0xFFFFFEF7, lr;
	s5 =	simm.s32 $0xFFFFFFFF;
	p2 =	slt.u32 s8, $0xFFFFF086  }
0x1c: {  	p1 =	slt.u32 s9, $0xF7A;
	s5 =	simm.s32 @!p2 $0x0  }
0x1d: {  	s5 =	simm.s32 @p1 $0x1;
	p0 =	seq.s32 s7, s2  }
0x1e: {  	s7 =	smul.u32 @!p0 $0xF7A, s2;
	p2 =	seq.s32 @!p0 s5, $0x0  }
0x1f: {  	s9 =	smul.u32 $0xF7A, s1;
	s8 =	simm.s32 @!p0 $0x1BF5;
	p2 =	por !p2, p0  }
0x20: {  	[sflag:s8] =	ssyncset.s32 @!p0 $0xFFFFF086;
	s6 =	sadd.s32 @!p0 s3, s7;
	s7 =	simm.s32 @!p0 $0x108  }
0x21: {  	s3 =	sadd.s32 s3, s9;
	s6 =	sadd.s32 @!p0 $0x88, s6;
	s7 =	simm.s32 @p2 $0x1082  }
0x22: {  	[simem:s7], [sflag:s8] =	dma.local @!p0 [hbm:s6], $0xF7A  }
0x23: {  	s9 =	sor.u32 $0xD0000000, s2;
	s6 =	simm.s32 $0x108;
	_ =	swait.ge @!p0 [sflag:s8], $0x0  }
0x24: {  	s3 =	sadd.s32 $0x88, s3;
	s6 =	simm.s32 @!p1 $0x1082;
	[sflag:s4] =	ssyncset.s32 $0xFFFFF086  }
0x25: {  	[simem:s6], [sflag:s4] =	dma.local [hbm:s3], $0xF7A  }
0x26: {  	[smem:$0x3F9B] =	sst s1;
	(tag) =	ssettag s2;
	_ =	strace s9  }
0x27: {  	s1 =	sld [smem:$0x3FAB]  }
0x28: {  	s2 =	sld [smem:$0x3FAC]  }
0x29: {  	s4 =	sld [smem:$0x3FAE]  }
0x2a: {  	p0 =	seq.s32 s5, $0x0;
	s5 =	sld [smem:$0x3FAF]  }
0x2b: {  	s6 =	sld [smem:$0x3FB0]  }
0x2c: {  	s7 =	sld [smem:$0x3FB1]  }
0x2d: {  	s3 =	simm.s32 $0x108;
	s8 =	sld [smem:$0x3FB2]  }
0x2e: {  	s3 =	simm.s32 @!p0 $0x1082;
	s9 =	sld [smem:$0x3FB3]  }
0x2f: {  	lr =	sadd.s32 s0, s3;
	s0 =	sld [smem:$0x3FAA]  }
0x30: {  	s3 =	sld [smem:$0x3FAD]  }
0x31: {  	[smem:$0x3FB6] =	sst s10  }
0x32: {  	s10 =	sld [smem:$0x3FB4];
	_ =	sdelay $0x3  }
0x33: {  	p0 =	seq.s32 s10, $0x1;
	s10 =	sld [smem:$0x3FB6];
	_ =	sdelay $0x3  }
0x34: {  	[smem:$0x3FB6] =	sst s10  }
0x35: {  	s10 =	sld [smem:$0x3FB5];
	_ =	sdelay $0x3  }
0x36: {  	p1 =	seq.s32 s10, $0x1;
	s10 =	sld [smem:$0x3FB6];
	_ =	sdelay $0x3  }
0x37: {  	[smem:$0x3FB6] =	sst s10  }
0x38: {  	s10 =	sld [smem:$0x3FB7]  }
0x39: {  	_ = 	snop;
	(pc) =	sbr.ind lr, $3  }
0x3a: {  	_ = 	snop  }
0x3b: {  	_ = 	snop  }
0x3c: {  	p2 =	seq.s32 s10, $0x1;
	s10 =	sld [smem:$0x3FB6]  }
0x3d: {  	_ =	shalt  }
0x3e: {  	_ =	shalt  }
0x3f: {  	_ =	shalt  }
0x40: {  	_ =	shalt  }
0x41: {  	_ =	shalt  }
0x42: {  	_ =	shalt  }
0x43: {  	_ =	shalt  }
0x44: {  	_ =	shalt  }
0x45: {  	_ =	shalt  }
0x46: {  	_ =	shalt  }
0x47: {  	_ =	shalt  }
0x48: {  	_ =	shalt  }
0x49: {  	_ =	shalt  }
0x4a: {  	_ =	shalt  }
0x4b: {  	_ =	shalt  }
0x4c: {  	_ =	shalt  }
0x4d: {  	_ =	shalt  }
0x4e: {  	_ =	shalt  }
0x4f: {  	_ =	shalt  }
0x50: {  	_ =	shalt  }
0x51: {  	_ =	shalt  }
0x52: {  	_ =	shalt  }
0x53: {  	_ =	shalt  }
0x54: {  	_ =	shalt  }
0x55: {  	_ =	shalt  }
0x56: {  	_ =	shalt  }
0x57: {  	_ =	shalt  }
0x58: {  	_ =	shalt  }
0x59: {  	_ =	shalt  }
0x5a: {  	_ =	shalt  }
0x5b: {  	_ =	shalt  }
0x5c: {  	_ =	shalt  }
0x5d: {  	_ =	shalt  }
0x5e: {  	_ =	shalt  }
0x5f: {  	_ =	shalt  }
0x60: {  	_ =	shalt  }
0x61: {  	_ =	shalt  }
0x62: {  	_ =	shalt  }
0x63: {  	_ =	shalt  }
0x64: {  	_ =	shalt  }
0x65: {  	_ =	shalt  }
0x66: {  	_ =	shalt  }
0x67: {  	_ =	shalt  }
0x68: {  	_ =	shalt  }
0x69: {  	_ =	shalt  }
0x6a: {  	_ =	shalt  }
0x6b: {  	_ =	shalt  }
0x6c: {  	_ =	shalt  }
0x6d: {  	_ =	shalt  }
0x6e: {  	_ =	shalt  }
0x6f: {  	_ =	shalt  }
0x70: {  	_ =	shalt  }
0x71: {  	_ =	shalt  }
0x72: {  	_ =	shalt  }
0x73: {  	_ =	shalt  }
0x74: {  	_ =	shalt  }
0x75: {  	_ =	shalt  }
0x76: {  	_ =	shalt  }
0x77: {  	_ =	shalt  }
0x78: {  	_ =	shalt  }
0x79: {  	_ =	shalt  }
0x7a: {  	_ =	shalt  }
0x7b: {  	_ =	shalt  }
0x7c: {  	_ =	shalt  }
0x7d: {  	_ =	shalt  }
0x7e: {  	_ =	shalt  }
0x7f: {  	_ =	shalt  }
0x80: {  	_ =	shalt  }
0x81: {  	_ =	shalt  }
0x82: {  	_ =	shalt  }
0x83: {  	_ =	shalt  }
0x84: {  	_ =	shalt  }
0x85: {  	_ =	shalt  }
0x86: {  	_ =	shalt  }
0x87: {  	_ =	shalt  }
.Lfunc_end0:
.L_simem_size_0:
called_computation.1_lowered:
.L_overlay_start_0:
0x88: {  	s2 =	sld [smem:$0x3FD9]  }
0x89: {  	s3 =	sld [smem:$0x3FFE];
	_ =	sdelay $0x1  }
0x8a: {  	s1 =	srdreg.scid  }
0x8b: {  	s0 =	sand.u32 $0x1, s1  }
0x8c: {  	s17 =	sshll.u32 s0, $0xA;
	s2 =	sadd.s32 s3, s2  }
0x8d: {  	s2 =	sadd.s32 s2, s17  }
0x8e: {  	[smem:$0x3FC2] =	sst s2  }
0x8f: {  	_ = 	snop  }
0x90: {  	s2 =	sld [smem:$0x3FC8]  }
0x91: {  	s18 =	sld [smem:$0x3FC5]  }
0x92: {  	s4 =	sld [smem:$0x3FC4]  }
0x93: {  	s5 =	sld [smem:$0x3FD0];
	(tm) =	ssettm $0x1  }
0x94: {  	s6 =	sld [smem:$0x3FFB];
	_ =	sdelay $0x3  }
0x95: {  	_ =	strace s6  }
0x96: {  	s6 =	sld [smem:$0x3FFC];
	_ =	sdelay $0x3  }
0x97: {  	_ =	strace s6  }
0x98: {  	s6 =	sld [smem:$0x3FFD];
	_ =	sdelay $0x3  }
0x99: {  	_ =	strace s6  }
0x9a: {  	_ =	strace $0x8FFFFFFF  }
0x9b: {  	s19 =	sld [smem:$0x3FDB];
	_ =	sdelay $0x1  }
0x9c: {  	s7 =	simm.s32 $_scs_section_size  }
0x9d: {  	s8 =	simm.s32 $_size__tile_overlayer_lowered;
	s9 =	simm.s32 $_tile_overlayer_lowered  }
0x9e: {  	s22 =	simm.s32 $0x1BFF;
	s21 =	sshll.u32 s9, $0x1;
	s6 =	sadd.s32 s7, s19  }
0x9f: {  	s10 =	simm.s32 $0x0;
	s20 =	sshll.u32 s8, $0x1;
	s8 =	sadd.s32 s21, s6  }
0xa0: {  	[timem:s10], [sflag:s22] =	dma.local [hbm:s8], s20  }
0xa1: {  	_ =	swait.ge [sflag:s22], s20  }
0xa2: {  	s7 =	ssub.s32 $0x0, s20;
	[sflag:s22] =	ssyncset.done $0x0  }
0xa3: {  	[sflag:s22] =	ssyncadd.s32 s7;
	_ =	sdelay $0x1  }
0xa4: {  	s23 =	simm.s32 $0x1B8B  }
0xa5: {  	_ =	swait.ge [sflag:s23], $0x1  }
0xa6: {  	[sflag:s23] =	ssyncset.done $0x0  }
0xa7: {  	s25 =	simm.s32 $0x1B8E;
	s24 =	sld [smem:$0x3FFE];
	[sflag:s23] =	ssyncadd.s32 $0xFFFFFFFF  }
0xa8: {  	s26 =	simm.s32 $execute0_lowered;
	[smem:$0x3FD2] =	sst s25  }
0xa9: {  	s8 =	sshll.u32 s26, $0x1;
	_ =	strace $0x80000046;
	[dreg:$0x1] =	wrdreg $0xFFFFFFFF  }
0xaa: {  	s28 =	simm.s32 $_size_execute0_lowered;
	s6 =	sadd.s32 s6, s8;
	[dreg:$0x0] =	wrdreg $0x0  }
0xab: {  	s8 =	sshll.u32 s28, $0x1;
	[dreg:$0x2] =	wrdreg s6  }
0xac: {  	[dreg:$0x3] =	wrdreg s8  }
0xad: {  	[dreg:$0x4] =	wrdreg $0xC0  }
0xae: {  	_ =	task [dreg:s10], $0x5FFFF  }
0xaf: {  	[dreg:$0x1] =	wrdreg $0xFFFFFFFF  }
0xb0: {  	[dreg:$0x0] =	wrdreg $0x60  }
0xb1: {  	[dreg:$0x2] =	wrdreg s24  }
0xb2: {  	[dreg:$0x3] =	wrdreg s2  }
0xb3: {  	[dreg:$0x4] =	wrdreg s18  }
0xb4: {  	[dreg:$0x5] =	wrdreg s4  }
0xb5: {  	[dreg:$0x6] =	wrdreg s5  }
0xb6: {  	[dreg:$0x7] =	wrdreg $0x9  }
0xb7: {  	_ =	task.clear_ibuf [dreg:s10], $0x8FFFF;
	_ =	strace $0x90000046  }
0xb8: {  	s29 =	simm.s32 $0x9;
	_ =	strace $0x80000048  }
0xb9: {  	_ =	swait.ge [sflag:s29], $0x1  }
0xba: {  	[sflag:s29] =	ssyncadd.s32 $0xFFFFFFFF  }
0xbb: {  	_ =	strace $0x90000048  }
0xbc: {  	_ =	sfence  }
0xbd: {  	s30 =	sld [smem:$0x0];
	_ =	sdelay $0x2  }
0xbe: {  	s31 =	sshll.u32 s1, $0xD;
	s1 =	sshrl.u32 s1, $0x2  }
0xbf: {  	s3 =	sand.u32 $0x4000, s31;
	s1 =	sadd.s32 s1, s30  }
0xc0: {  	s0 =	sor.u32 s3, s0;
	s1 =	sshll.u32 s1, $0x11  }
0xc1: {  	s0 =	sor.u32 s1, s0  }
0xc2: {  	s0 =	sadd.s32 $0x8F2B, s0  }
0xc3: {  	[sflag:s0] =	ssyncadd.remote.s32 $0x1  }
0xc4: {  	_ =	sfence.sel $0xFFFF  }
0xc5: {  	[dreg:$0x0] =	wrdreg $0xFFFFFFFF;
	(pc) =	sbr.abs _section_cstart, $3  }
0xc6: {  	[dreg:$0x1] =	wrdreg $0xFFFFFFFF  }
0xc7: {  	_ =	task.clear_ibuf [dreg:s10], $0x2FFFF;
	_ =	strace $0x9FFFFFFF  }
0xc8: {  	(tm) =	ssettm $0x7FFFFFFF  }
0xc9: {  	_ =	shalt  }
tec
execute0_lowered:
.L_overlay_start_1:
0x0: {  	(tag) =	ssettag $0x1  }
0x1: {  	s0 =	rddreg [dreg:$0x0]  }
0x2: {  	s1 =	rddreg [dreg:$0x1]  }
0x3: {  	s2 =	srdreg.scid;
	s3 =	stileid.u32  }
0x4: {  	s4 =	rddreg [dreg:$0x4];
	s5 =	simm.s32 $0x0;
	s12 =	simm.s32 $0xA  }
0x5: {  	s15 =	simm.s32 $0x88C0;
	s17 =	simm.s32 $0x6880;
	s19 =	simm.s32 $0x64  }
0x6: {  	s20 =	simm.s32 $0x8900;
	s28 =	simm.s32 $0x1;
	s29 =	simm.s32 $0xED00  }
0x7: {  	s30 =	simm.s32 $0x2;
	s31 =	simm.s32 $0x10600;
	s21 =	simm.s32 $0x6  }
0x8: {  	s22 =	simm.s32 $0x7;
	s2 =	sand.u32 $0x1, s2;
	s3 =	sshll.u32 s3, $0x1  }
0x9: {  	[smem:$0x7FF] =	sst s5;
	s3 =	sor.u32 s2, s3;
	s2 =	ssub.s32 $0x2, s2  }
0xa: {  	s23 =	simm.s32 $0x8;
	_ =	strace $0x80000047;
	s8 =	sshrl.u32 s2, $0x1  }
0xb: {  	s6 =	smul.u32 $0xD00, s3;
	s26 =	sshll.u32 s3, $0x4;
	s24 =	ssub.s32 s2, s8  }
0xc: {  	s8 =	sshll.u32 s3, $0x7;
	s1 =	sadd.s32 s1, s26;
	s26 =	simm.s32 $0xD400  }
.Ltmp0:
0xd: {  	v42 =	vlaneseq.u32;
	s2 =	simm.s32 $0x3;
	s7 =	sadd.s32 s6, s0;
	(pc) =	sbr.rel .LBB2_1-.Ltmp0, $4  }
0xe: {  	v39 =	vor.u32 $0x10, v42;
	s6 =	sadd.s32 $0xF43000, s0;
	s0 =	sadd.s32 $0x1AC00, s0;
	[dreg:$0x8] =	wrdreg s1  }
0xf: {  	v56 =	vor.u32 $0x20, v42;
	[tilespmem:$0x1FFD0] =	vst v39;
	s3 =	simm.s32 $0x13800;
	[dreg:$0x6] =	wrdreg s0;
	s25 =	sadd.s32 $0xC00, s7  }
0x10: {  	v38 =	vor.u32 $0x30, v42;
	[tilespmem:$0x1FFE0] =	vst v56;
	s1 =	simm.s32 $0x4;
	s0 =	smax.u32 s24, $0x1;
	[dreg:$0x7] =	wrdreg s25  }
0x11: {  	[tilespmem:$0x1FFF0] =	vst v38;
	s24 =	simm.s32 $0x0;
	[dreg:$0x9] =	wrdreg s0;
	s0 =	simm.s32 $0x11F00  }
.LBB2_14:
0x12: {  	s7 =	simm.s32 $0x5  }
0x13: {  	_ =	swait.ge [sflag:s7], $0x1900  }
0x14: {  	[sflag:s7] =	ssyncset.done $0x0  }
0x15: {  	[sflag:s7] =	ssyncadd.s32 $0xFFFFE700  }
0x16: {  	_ =	swait.ge [sflag:s21], $0x1900  }
0x17: {  	[sflag:s21] =	ssyncset.done $0x0  }
0x18: {  	[sflag:s21] =	ssyncadd.s32 $0xFFFFE700  }
0x19: {  	_ =	swait.ge [sflag:s22], $0x1900  }
0x1a: {  	[sflag:s22] =	ssyncset.done $0x0  }
0x1b: {  	[sflag:s22] =	ssyncadd.s32 $0xFFFFE700  }
0x1c: {  	_ =	swait.ge [sflag:s23], $0x1900  }
0x1d: {  	s24 =	sadd.s32 $0x1, s24;
	s25 =	rddreg [dreg:$0x9]  }
0x1e: {  	p0 =	sne.s32 s24, s25  }
.Ltmp1:
0x1f: {  	_ = 	snop;
	(pc) =	sbr.rel @!p0 .LBB2_15-.Ltmp1, $3  }
0x20: {  	_ =	sdelay $0x1  }
0x21: {  	[sflag:s23] =	ssyncset.done $0x0  }
0x22: {  	v42 =	vlaneseq.u32;
	[sflag:s23] =	ssyncadd.s32 $0xFFFFE700  }
.LBB2_1:
0x23: {  	s7 =	rddreg [dreg:$0x7]  }
0x24: {  	[tilespmem:s5], [sflag:$0xA] =	stream.linear.gather [hbm4b:s7+s5], $0x6800, $0x38;
	[tilespmem:$0x15100] =	vst v63  }
0x25: {  	_ =	swait.ge [sflag:s12], $0x6800  }
0x26: {  	[sflag:s12] =	ssyncset.done $0x0  }
0x27: {  	s9 =	simm.s32 $0x6800;
	s14 =	rddreg [dreg:$0x8];
	[sflag:s12] =	ssyncadd.s32 $0xFFFF9800  }
0x28: {  	[tilespmem:s9], [sflag:$0xA] =	stream.linear.gather [hbm4b:s14+s5], $0x80, $0x38;
	[tilespmem:$0x15100] =	vst v63  }
0x29: {  	_ =	swait.ge [sflag:s12], $0x80  }
0x2a: {  	[sflag:s12] =	ssyncset.done $0x0  }
0x2b: {  	[sflag:s12] =	ssyncadd.s32 $0xFFFFFF80  }
0x2c: {  	s10 =	simm.s32 $0x8880;
	s16 =	rddreg [dreg:$0x2]  }
0x2d: {  	[tilespmem:s10], [sflag:$0xA] =	stream.linear.gather [hbm4b:s16+s5], $0x40, $0x38;
	[tilespmem:$0x15100] =	vst v63  }
0x2e: {  	_ =	swait.ge [sflag:s12], $0x40  }
0x2f: {  	[sflag:s12] =	ssyncset.done $0x0  }
0x30: {  	[sflag:s12] =	ssyncadd.s32 $0xFFFFFFC0  }
0x31: {  	s18 =	rddreg [dreg:$0x3]  }
0x32: {  	[tilespmem:s15], [sflag:$0xA] =	stream.linear.gather [hbm4b:s18+s5], $0x40, $0x38;
	[tilespmem:$0x15100] =	vst v63  }
0x33: {  	_ =	swait.ge [sflag:s12], $0x40  }
0x34: {  	[sflag:s12] =	ssyncset.done $0x0  }
0x35: {  	s11 =	simm.s32 $0x80;
	s25 =	rddreg [dreg:$0x6];
	[sflag:s12] =	ssyncadd.s32 $0xFFFFFFC0  }
0x36: {  	[tilespmem:s17], [sflag:$0x9] =	stream.indirect.gather [hbm4b:s25+s11], $0x40, s9, s11, $0xb8;
	[tilespmem:$0x15100] =	vst v63  }
0x37: {  	s11 =	simm.s32 $0x9  }
0x38: {  	_ =	swait.ge [sflag:s11], $0x2000  }
0x39: {  	[sflag:s11] =	ssyncset.done $0x0  }
0x3a: {  	[sflag:s11] =	ssyncadd.s32 $0xFFFFE000  }
0x3b: {  	v25 =	vld.idx.msk [tilespmem:v42+s10+$0x0], $0xffff  }
0x3c: {  	v40 =	vld.idx.msk [tilespmem:v39+s10+$0x0], $0xffff  }
0x3d: {  	v1 =	vld.idx.msk [tilespmem:v56+s10+$0x0], $0xffff  }
0x3e: {  	v0 =	vld.idx.msk [tilespmem:v38+s10+$0x0], $0xffff  }
0x3f: {  	v43 =	vld.idx.msk [tilespmem:v42+s15+$0x0], $0xffff  }
0x40: {  	v63 =	vld.idx.msk [tilespmem:v39+s15+$0x0], $0xffff  }
0x41: {  	v46 =	vld.idx.msk [tilespmem:v56+s15+$0x0], $0xffff  }
0x42: {  	v53 =	vld.idx.msk [tilespmem:v38+s15+$0x0], $0xffff;
	[tilespmem:s20], [sflag:$0x1] =	stream.indirect.gather [hbm4b:s6+s19], $0x40, s5, s19, $0xb8  }
0x43: {  	s13 =	simm.s32 $0x68;
	s14 =	simm.s32 $0xA200  }
0x44: {  	[tilespmem:s14], [sflag:$0x2] =	stream.indirect.gather [hbm4b:s6+s19], $0x40, s13, s19, $0xb8;
	[tilespmem:$0x15100] =	vst v63  }
0x45: {  	s16 =	simm.s32 $0xD0;
	s18 =	simm.s32 $0xBB00  }
0x46: {  	[tilespmem:s18], [sflag:$0x3] =	stream.indirect.gather [hbm4b:s6+s19], $0x40, s16, s19, $0xb8;
	[tilespmem:$0x15100] =	vst v63  }
0x47: {  	[tilespmem:$0x1FF50] =	vst v0  }
0x48: {  	[tilespmem:$0x1FF60] =	vst v63  }
0x49: {  	[tilespmem:$0x1FF70] =	vst v40  }
0x4a: {  	[tilespmem:$0x1FF80] =	vst v1  }
0x4b: {  	[tilespmem:$0x1FF90] =	vst v46  }
0x4c: {  	[tilespmem:$0x1FFA0] =	vst v43  }
0x4d: {  	s25 =	simm.s32 $0x138;
	[tilespmem:$0x1FFB0] =	vst v53  }
0x4e: {  	[tilespmem:s26], [sflag:$0x4] =	stream.indirect.gather [hbm4b:s6+s19], $0x40, s25, s19, $0xb8;
	[tilespmem:$0x15100] =	vst v63  }
0x4f: {  	v37 =	vmov v1;
	[tilespmem:$0x1FFC0] =	vst v25;
	s25 =	simm.s32 $0x0  }
.LBB2_2:
0x50: {  	p0 =	seq.s32 s25, $0x0  }
0x51: {  	s7 =	simm.s32 @!p0 $0x5  }
0x52: {  	s9 =	sshll.u32 s25, $0x7;
	_ =	swait.ge @!p0 [sflag:s7], $0x1900  }
0x53: {  	v0 =	vor.u32 s9, v42;
	[sflag:s7] =	ssyncset.done @!p0 $0x0  }
0x54: {  	v1 =	vor.u32 s9, v39;
	[sflag:s7] =	ssyncadd.s32 @!p0 $0xFFFFE700  }
0x55: {  	v2 =	vor.u32 s9, v56;
	_ =	swait.ge [sflag:s28], $0x1900  }
0x56: {  	s13 =	simm.s32 $0x0;
	v3 =	vor.u32 s9, v38;
	[sflag:s28] =	ssyncset.done $0x0  }
0x57: {  	v5 =	vor.u32 s13, v39;
	[sflag:s28] =	ssyncadd.s32 $0xFFFFE700  }
0x58: {  	v18 =	vor.u32 s13, v56;
	v35 =	vld.idx.msk [tilespmem:v0+s17+$0x0], $0xffff  }
0x59: {  	v4 =	vor.u32 s13, v42;
	v34 =	vld.idx.msk [tilespmem:v1+s17+$0x0], $0xffff  }
0x5a: {  	[tilespmem:$0x1FD40] =	vst v2;
	v62 =	vld.idx.msk [tilespmem:v2+s17+$0x0], $0xffff;
	v2 =	vor.u32 s13, v38  }
0x5b: {  	v61 =	vld.idx.msk [tilespmem:v3+s17+$0x0], $0xffff  }
0x5c: {  	[tilespmem:$0x1FD20] =	vst v0;
	v0 =	vld.idx.msk [tilespmem:v5+s20+$0x0], $0xffff  }
0x5d: {  	[tilespmem:$0x1FD30] =	vst v1;
	v1 =	vld.idx.msk [tilespmem:v18+s20+$0x0], $0xffff  }
0x5e: {  	[tilespmem:$0x1FD50] =	vst v3;
	v3 =	vld.idx.msk [tilespmem:v4+s20+$0x0], $0xffff  }
0x5f: {  	[tilespmem:$0x1FD70] =	vst v4;
	v4 =	vld.idx.msk [tilespmem:v2+s20+$0x0], $0xffff;
	_ =	sdelay $0x2  }
0x60: {  	[tilespmem:$0x1FD80] =	vst v2;
	v2 =	vadd.f32 v1, v62  }
0x61: {  	s14 =	simm.s32 $0x40;
	v7 =	vadd.f32 v0, v34;
	v8 =	vadd.f32 v3, v35  }
0x62: {  	v12 =	vor.u32 s14, v42;
	v0 =	vmul.f32 v2, v2;
	v4 =	vadd.f32 v4, v61  }
0x63: {  	v54 =	vor.u32 s14, v39;
	v1 =	vmul.f32 v7, v7;
	v3 =	vmul.f32 v8, v8  }
0x64: {  	[tilespmem:$0x1FD60] =	vst v5;
	v5 =	vadd.f32 v7, v8;
	v6 =	vadd.f32 v4, v2;
	v9 =	vmul.f32 v4, v4  }
0x65: {  	v10 =	vor.u32 s14, v38;
	v1 =	vadd.f32 v1, v3  }
0x66: {  	v11 =	vor.u32 s14, v56;
	v3 =	vadd.f32 v6, v5;
	v0 =	vadd.f32 v9, v0;
	_ =	sdelay $0x1  }
0x67: {  	v5 =	vld.idx.msk [tilespmem:v12+s20+$0x0], $0xffff;
	(xrf2) =	vadd.scan.msk.f32 $0xffff, v3;
	v0 =	vadd.f32 v0, v1  }
0x68: {  	v6 =	vld.idx.msk [tilespmem:v54+s20+$0x0], $0xffff  }
0x69: {  	v9 =	vld.idx.msk [tilespmem:v10+s20+$0x0], $0xffff;
	(xrf2) =	vadd.scan.msk.f32 $0xffff, v0  }
0x6a: {  	v1 =	vld.idx.msk [tilespmem:v11+s20+$0x0], $0xffff;
	_ =	sdelay $0x2  }
0x6b: {  	v3 =	vadd.f32 v6, v34  }
0x6c: {  	v5 =	vadd.f32 v5, v35  }
0x6d: {  	[tilespmem:$0x1FDA0] =	vst v11;
	v0 =	vadd.f32 v9, v61;
	v1 =	vadd.f32 v1, v62;
	v11 =	vmul.f32 v3, v3  }
0x6e: {  	[tilespmem:$0x1FD90] =	vst v12;
	v6 =	vmul.f32 v5, v5  }
0x6f: {  	s16 =	simm.s32 $0x80;
	[tilespmem:$0x1FDB0] =	vst v10;
	v10 =	vadd.f32 v3, v5;
	v13 =	vmul.f32 v0, v0;
	v12 =	vadd.f32 v0, v1;
	v9, _, _ =	vpop (xrf2)  }
0x70: {  	v15 =	vor.u32 s16, v42;
	v14 =	vmul.f32 v1, v1;
	v9 =	vmul.f32 $1.562500000e-02, v9  }
0x71: {  	v17 =	vor.u32 s16, v39;
	v6 =	vadd.f32 v11, v6;
	v10 =	vadd.f32 v12, v10;
	v11, _, _ =	vpop (xrf2)  }
0x72: {  	s18 =	simm.s32 $0x140;
	v12 =	vadd.f32 v13, v14;
	v11 =	vmul.f32 $1.562500000e-02, v11;
	v13 =	vmul.f32 v9, v9  }
0x73: {  	v44 =	vor.u32 s18, v39;
	(xrf2) =	vadd.scan.msk.f32 $0xffff, v10  }
0x74: {  	v49 =	vor.u32 s16, v56;
	v6 =	vadd.f32 v12, v6;
	v10 =	vsub.f32 v11, v13  }
0x75: {  	v48 =	vor.u32 s18, v42  }
0x76: {  	[tilespmem:$0x1FDD0] =	vst v15;
	v15 =	vld.idx.msk [tilespmem:v15+s20+$0x0], $0xffff;
	(xrf2) =	vadd.scan.msk.f32 $0xffff, v6;
	v6 =	vadd.f32 $9.999999740e-06, v10  }
0x77: {  	s9 =	simm.s32 $0x100;
	[tilespmem:$0x1FDE0] =	vst v17;
	v17 =	vld.idx.msk [tilespmem:v17+s20+$0x0], $0xffff;
	v12 =	vor.u32 s16, v38  }
0x78: {  	v28 =	vor.u32 s9, v38;
	v26 =	vld.idx.msk [tilespmem:v44+s20+$0x0], $0xffff;
	v6 =	vbroadcast v6, $0xF  }
0x79: {  	v50 =	vor.u32 s9, v39;
	v10 =	vld.idx.msk [tilespmem:v49+s20+$0x0], $0xffff  }
0x7a: {  	v19 =	vld.idx.msk [tilespmem:v48+s20+$0x0], $0xffff;
	v11 =	vshra.s32 v6, $0x1;
	v13 =	vmul.f32 $5.000000000e-01, v6  }
0x7b: {  	s10 =	simm.s32 $0xC0;
	v6 =	vor.u32 s9, v42;
	v14 =	vsub.s32 $0x5F3759DF, v11  }
0x7c: {  	v58 =	vor.u32 s10, v56;
	v52 =	vor.u32 s9, v56;
	[tilespmem:$0x1FDC0] =	vst v12;
	v12 =	vld.idx.msk [tilespmem:v12+s20+$0x0], $0xffff;
	v11 =	vmul.f32 v14, v13  }
0x7d: {  	[tilespmem:$0x1FE00] =	vst v28;
	v59 =	vadd.f32 v17, v34;
	v17 =	vld.idx.msk [tilespmem:v28+s20+$0x0], $0xffff;
	v28 =	vor.u32 s10, v42;
	v45 =	vadd.f32 v26, v34;
	v16, _, _ =	vpop (xrf2)  }
0x7e: {  	v41 =	vadd.f32 v10, v62;
	v57 =	vmul.f32 $1.562500000e-02, v16;
	v16 =	vld.idx.msk [tilespmem:v50+s20+$0x0], $0xffff;
	v10 =	vmul.f32 v14, v11  }
0x7f: {  	v55 =	vor.u32 s18, v56;
	v63 =	vadd.f32 v15, v35;
	v47 =	vadd.f32 v19, v35  }
0x80: {  	v26 =	vmul.f32 v45, v45;
	[tilespmem:$0x1FDF0] =	vst v6;
	v27 =	vld.idx.msk [tilespmem:v6+s20+$0x0], $0xffff;
	v6 =	vor.u32 s10, v38;
	v11, _, _ =	vpop (xrf2);
	v23 =	vsub.f32 $1.500000000e+00, v10  }
0x81: {  	v22 =	vld.idx.msk [tilespmem:v52+s20+$0x0], $0xffff;
	v21 =	vmul.f32 v57, v57;
	v24 =	vmul.f32 $1.562500000e-02, v11;
	v11 =	vadd.f32 v12, v61  }
0x82: {  	[tilespmem:$0x1FE20] =	vst v28;
	v20 =	vmul.f32 v41, v41;
	v10 =	vor.u32 s10, v39;
	v19 =	vmul.f32 v14, v23  }
0x83: {  	v28 =	vld.idx.msk [tilespmem:v28+s20+$0x0], $0xffff;
	v23 =	vadd.f32 v16, v34;
	v15 =	vsub.f32 v24, v21;
	v12 =	vmul.f32 v11, v11  }
0x84: {  	v51 =	vmul.f32 v63, v63;
	v21 =	vadd.f32 v11, v41;
	v24 =	vadd.f32 v59, v63  }
0x85: {  	v14 =	vadd.f32 v27, v35;
	v30 =	vld.idx.msk [tilespmem:v6+s20+$0x0], $0xffff;
	v31 =	vmul.f32 v23, v23;
	v20 =	vadd.f32 v12, v20  }
0x86: {  	[tilespmem:$0x1FE30] =	vst v6;
	v6 =	vor.u32 s18, v38;
	v12 =	vadd.f32 v22, v62;
	v22 =	vld.idx.msk [tilespmem:v58+s20+$0x0], $0xffff;
	v21 =	vadd.f32 v21, v24  }
0x87: {  	v16 =	vld.idx.msk [tilespmem:v10+s20+$0x0], $0xffff;
	v24 =	vadd.f32 v17, v61;
	v17 =	vmul.f32 v47, v47;
	v15 =	vadd.f32 $9.999999740e-06, v15  }
0x88: {  	[tilespmem:$0x1FE10] =	vst v10;
	v10 =	vadd.f32 v28, v35;
	v29 =	vadd.f32 v23, v14;
	v32 =	vmul.f32 v14, v14  }
0x89: {  	v60 =	vmul.f32 v59, v59;
	v33 =	vadd.f32 v24, v12;
	v26 =	vadd.f32 v26, v17  }
0x8a: {  	v28 =	vmul.f32 v24, v24;
	v31 =	vadd.f32 v31, v32;
	v32 =	vmul.f32 v19, v13  }
0x8b: {  	[tilespmem:$0x1FE50] =	vst v35;
	v17 =	vadd.f32 v30, v61;
	v13 =	vadd.f32 v22, v62;
	v22 =	vmul.f32 v12, v12  }
0x8c: {  	[tilespmem:$0x1FE60] =	vst v63;
	v15 =	vbroadcast v15, $0xF;
	v35 =	vmul.f32 v10, v10;
	v30 =	vld.idx.msk [tilespmem:v55+s20+$0x0], $0xffff;
	v16 =	vadd.f32 v16, v34  }
0x8d: {  	v29 =	vadd.f32 v33, v29;
	v63 =	vmul.f32 v17, v17;
	v22 =	vadd.f32 v28, v22;
	v28 =	vld.idx.msk [tilespmem:v6+s20+$0x0], $0xffff  }
0x8e: {  	v33 =	vadd.f32 v60, v51;
	v27 =	vmul.f32 v16, v16;
	v51 =	vmul.f32 v13, v13  }
0x8f: {  	[tilespmem:$0x1FE40] =	vst v34;
	v60 =	vshra.s32 v15, $0x1;
	v22 =	vadd.f32 v22, v31  }
0x90: {  	[tilespmem:$0x1FE90] =	vst v61;
	v15 =	vmul.f32 $5.000000000e-01, v15;
	v31 =	vadd.f32 v27, v35;
	v34 =	vadd.f32 v63, v51  }
0x91: {  	[tilespmem:$0x1FE70] =	vst v6;
	v32 =	vmul.f32 v32, v19;
	v27 =	vadd.f32 v17, v13;
	v63 =	vadd.f32 v16, v10  }
0x92: {  	(xrf2) =	vadd.scan.msk.f32 $0xffff, v21;
	v21 =	vsub.s32 $0x5F3759DF, v60;
	v51 =	vadd.f32 v30, v62;
	v6 =	vadd.f32 v28, v61  }
0x93: {  	(xrf2) =	vadd.scan.msk.f32 $0xffff, v29;
	v30 =	vmul.f32 v21, v15;
	v29 =	vadd.f32 v34, v31;
	v28 =	vadd.f32 v27, v63  }
0x94: {  	v31 =	vsub.f32 $1.500000000e+00, v32;
	(xrf2) =	vadd.scan.msk.f32 $0xffff, v22;
	v61 =	vmul.f32 v51, v51;
	v60 =	vmul.f32 v6, v6  }
0x95: {  	v22 =	vadd.f32 v45, v47;
	v63 =	vadd.f32 v6, v51;
	(xrf2) =	vadd.scan.msk.f32 $0xffff, v28  }
0x96: {  	v20 =	vadd.f32 v20, v33;
	v30 =	vmul.f32 v21, v30;
	(xrf2) =	vadd.scan.msk.f32 $0xffff, v29;
	v28 =	vadd.f32 v60, v61  }
0x97: {  	v9 =	vbroadcast v9, $0xF;
	v19 =	vmul.f32 v31, v19;
	v22 =	vadd.f32 v63, v22  }
0x98: {  	v27 =	vld [tilespmem:$0x1FF50];
	(xrf2) =	vadd.scan.msk.f32 $0xffff, v20;
	v20 =	vadd.f32 v28, v26;
	v26 =	vsub.f32 $1.500000000e+00, v30  }
0x99: {  	v8 =	vsub.f32 v8, v9;
	v7 =	vsub.f32 v7, v9;
	(xrf2) =	vadd.scan.msk.f32 $0xffff, v22;
	v22 =	vmul.f32 v19, v25  }
0x9a: {  	v36 =	vmovc v37;
	v2 =	vsub.f32 v2, v9;
	[tilespmem:$0x1FEA0] =	vst v6;
	v6 =	vbroadcast v57, $0xF;
	v21 =	vmul.f32 v21, v26  }
0x9b: {  	v4 =	vsub.f32 v4, v9;
	v9 =	vmul.f32 v19, v36;
	(xrf2) =	vadd.scan.msk.f32 $0xffff, v20;
	v20 =	vmul.f32 v19, v40  }
0x9c: {  	v8 =	vmul.f32 v22, v8;
	v26, _, _ =	vpop (xrf2);
	v15 =	vmul.f32 v21, v15  }
0x9d: {  	v19 =	vmul.f32 v19, v27;
	v7 =	vmul.f32 v20, v7;
	v22, _, _ =	vpop (xrf2)  }
0x9e: {  	v15 =	vmul.f32 v15, v21;
	v20 =	vmul.f32 $1.562500000e-02, v22;
	v22, _, _ =	vpop (xrf2)  }
0x9f: {  	v3 =	vsub.f32 v3, v6;
	v22 =	vmul.f32 $1.562500000e-02, v22;
	v28, _, _ =	vpop (xrf2)  }
0xa0: {  	v2 =	vmul.f32 v9, v2;
	v9 =	vmul.f32 v19, v4;
	v15 =	vsub.f32 $1.500000000e+00, v15;
	v4, _, _ =	vpop (xrf2)  }
0xa1: {  	s10 =	simm.s32 $0x180;
	[tilespmem:$0x1FEB0] =	vst v3;
	v29 =	vmul.f32 v20, v20;
	v3 =	vmul.f32 $1.562500000e-02, v4  }
0xa2: {  	v61 =	vor.u32 s10, v56;
	v19, _, _ =	vpop (xrf2);
	v63 =	vmul.f32 v15, v21;
	v21 =	vmul.f32 $1.562500000e-02, v26  }
0xa3: {  	v15 =	vsub.f32 v22, v29;
	v26 =	vmul.f32 $1.562500000e-02, v28;
	v4 =	vmul.f32 $1.562500000e-02, v19;
	v22, _, _ =	vpop (xrf2)  }
0xa4: {  	v5 =	vsub.f32 v5, v6;
	v37 =	vmul.f32 $1.562500000e-02, v22;
	v22 =	vmul.f32 v21, v21  }
0xa5: {  	v1 =	vsub.f32 v1, v6;
	v0 =	vsub.f32 v0, v6;
	v28 =	vmul.f32 v63, v36  }
0xa6: {  	v19, _, _ =	vpop (xrf2);
	v6 =	vmul.f32 v26, v26;
	v30 =	vsub.f32 v4, v22;
	v4 =	vbroadcast v20, $0xF  }
0xa7: {  	v15 =	vadd.f32 $9.999999740e-06, v15;
	v19 =	vmul.f32 $1.562500000e-02, v19  }
0xa8: {  	v20 =	vld.idx.msk [tilespmem:v61+s20+$0x0], $0xffff;
	v28 =	vmul.f32 v28, v1;
	v3 =	vsub.f32 v3, v6;
	v1 =	vsub.f32 v23, v4  }
0xa9: {  	v29 =	vmul.f32 v37, v37;
	v6 =	vsub.f32 v12, v4;
	v22 =	vsub.f32 v14, v4  }
0xaa: {  	v15 =	vbroadcast v15, $0xF;
	v12 =	vsub.f32 v24, v4;
	v4 =	vadd.f32 v8, v43  }
0xab: {  	[tilespmem:$0x1FE80] =	vst v10;
	v10 =	vsub.f32 v19, v29  }
0xac: {  	v19 =	vshra.s32 v15, $0x1;
	v23 =	vmul.f32 $5.000000000e-01, v15;
	v14 =	vmul.f32 v63, v25;
	[tilespmem:$0x1FED0] =	vst v4;
	v4 =	vld [tilespmem:$0x1FF60]  }
0xad: {  	[tilespmem:$0x1FEE0] =	vst v62;
	v19 =	vsub.s32 $0x5F3759DF, v19;
	v40 =	vadd.f32 v20, v62;
	v62 =	vbroadcast v21, $0xF  }
0xae: {  	v15 =	vmul.f32 v19, v23  }
0xaf: {  	[tilespmem:$0x1FEC0] =	vst v6;
	v20 =	vmul.f32 v14, v5;
	v14 =	vbroadcast v26, $0xF;
	v6 =	vsub.f32 v59, v62  }
0xb0: {  	v3 =	vadd.f32 $9.999999740e-06, v3  }
0xb1: {  	v4 =	vadd.f32 v7, v4;
	v7 =	vmul.f32 v19, v15;
	[tilespmem:$0x1FEF0] =	vst v6;
	v6 =	vsub.f32 v16, v14  }
0xb2: {  	v9 =	vadd.f32 v9, v53;
	v15 =	vmul.f32 v63, v27  }
0xb3: {  	v3 =	vbroadcast v3, $0xF;
	v7 =	vsub.f32 $1.500000000e+00, v7;
	[tilespmem:$0x1FF00] =	vst v6;
	v6 =	vsub.f32 v17, v14  }
0xb4: {  	v5 =	vadd.f32 v2, v46;
	v2 =	vsub.f32 v41, v62;
	v0 =	vmul.f32 v15, v0  }
0xb5: {  	v31 =	vmul.f32 v19, v7;
	v7 =	vadd.f32 $9.999999740e-06, v30;
	[tilespmem:$0x1FF10] =	vst v6;
	v6 =	vadd.f32 v20, v43  }
0xb6: {  	v29 =	vmul.f32 $5.000000000e-01, v3;
	v60 =	vsub.f32 v13, v14;
	v0 =	vadd.f32 v0, v53  }
0xb7: {  	v13 =	vbroadcast v37, $0xF;
	v15 =	vsub.f32 v11, v62;
	[tilespmem:$0x1FF20] =	vst v6;
	v8 =	vbroadcast v7, $0xF  }
0xb8: {  	v6 =	vadd.f32 v28, v46;
	[tilespmem:$0x1FF40] =	vst v0;
	v0 =	vshra.s32 v3, $0x1;
	v3 =	vadd.f32 $9.999999740e-06, v10  }
0xb9: {  	v28 =	vmul.f32 v31, v23;
	v21 =	vsub.s32 $0x5F3759DF, v0;
	v7 =	vshra.s32 v8, $0x1  }
0xba: {  	v30 =	vmul.f32 $5.000000000e-01, v8;
	v24 =	vbroadcast v3, $0xF;
	v3 =	vor.u32 s10, v38  }
0xbb: {  	s11 =	simm.s32 $0x8;
	s7 =	sshll.u32 s25, $0x1;
	s13 =	sshll.u32 s25, $0x2;
	v57 =	vmovc v40;
	[tilespmem:$0x1FF30] =	vst v6;
	v32 =	vmul.f32 v21, v29;
	v37 =	vsub.s32 $0x5F3759DF, v7;
	v7 =	vmul.f32 v40, v40  }
.LBB2_3:
0xbc: {  	v6 =	vld [tilespmem:$0x1FE70];
	_ =	sdelay $0x1  }
0xbd: {  	s18 =	sshll.u32 s11, $0x6  }
0xbe: {  	v8 =	vld [tilespmem:$0x1FE10];
	s16 =	sadd.s32 $0x40, s18  }
0xbf: {  	v11 =	vmul.f32 v28, v31;
	v10 =	vor.u32 s16, v42  }
0xc0: {  	v0 =	vmov v6;
	_ =	sdelay $0x1  }
0xc1: {  	v20 =	vor.u32 s10, v42  }
0xc2: {  	v19 =	vsub.f32 $1.500000000e+00, v11;
	v11 =	vmovc v8;
	v8 =	vld [tilespmem:$0x1FE30];
	[tilespmem:$0x1FD10] =	vst v0;
	v0 =	vmov v18;
	v18 =	vor.u32 s18, v39  }
0xc3: {  	[tilespmem:$0x1FCF0] =	vst v55;
	v16 =	vmul.f32 v21, v32;
	v32 =	vmov v4;
	v4 =	vld.idx.msk [tilespmem:v10+s20+$0x0], $0xffff  }
0xc4: {  	[tilespmem:$0x1FCD0] =	vst v10;
	v10 =	vld [tilespmem:$0x1FFC0]  }
0xc5: {  	v40 =	vld.idx.msk [tilespmem:v3+s20+$0x0], $0xffff;
	[tilespmem:$0x1FBB0] =	vst v0;
	v0 =	vmov v54  }
0xc6: {  	v55 =	vmov v61;
	[tilespmem:$0x1FC40] =	vst v20;
	v23 =	vor.u32 s10, v39;
	v61 =	vld.idx.msk [tilespmem:v20+s20+$0x0], $0xffff  }
0xc7: {  	v36 =	vor.u32 s16, v39;
	v20 =	vmul.f32 v19, v31;
	[tilespmem:$0x1FC10] =	vst v18;
	v19 =	vld.idx.msk [tilespmem:v18+s20+$0x0], $0xffff  }
0xc8: {  	[tilespmem:$0x1FBF0] =	vst v0;
	v18 =	vld [tilespmem:$0x1FE90];
	v0 =	vmov v8  }
0xc9: {  	v16 =	vsub.f32 $1.500000000e+00, v16;
	v8 =	vmov v5;
	v5 =	vmul.f32 v20, v10;
	[tilespmem:$0x1FCE0] =	vst v0;
	v0 =	vld [tilespmem:$0x1FE20]  }
0xca: {  	[tilespmem:$0x1FCB0] =	vst v48;
	v34 =	vor.u32 s16, v38;
	v27 =	vmov v44  }
0xcb: {  	v6 =	vor.u32 s16, v56;
	s16 =	sadd.s32 $0xC0, s9;
	[tilespmem:$0x1FC90] =	vst v11;
	v11 =	vmul.f32 v21, v16;
	v16 =	vld.idx.msk [tilespmem:v23+s20+$0x0], $0xffff;
	v5 =	vmul.f32 v5, v22  }
0xcc: {  	v25 =	vmovc v58;
	[tilespmem:$0x1FC60] =	vst v23;
	v53 =	vor.u32 s16, v39;
	v58 =	vor.u32 s16, v38;
	v39 =	vsub.f32 v51, v13;
	v51 =	vld.idx.msk [tilespmem:v36+s20+$0x0], $0xffff  }
0xcd: {  	v31 =	vmov v15;
	[tilespmem:$0x1FBC0] =	vst v8;
	v8 =	vld [tilespmem:$0x1FE50];
	v15 =	vadd.f32 v40, v18;
	v5 =	vadd.f32 v5, v43  }
0xce: {  	v17 =	vshra.s32 v24, $0x1;
	v24 =	vmul.f32 $5.000000000e-01, v24;
	v35 =	vor.u32 s18, v56;
	[tilespmem:$0x1FC30] =	vst v27;
	v27 =	vmovc v0;
	v0 =	vld [tilespmem:$0x1FED0]  }
0xcf: {  	v59 =	vor.u32 s18, v42;
	v17 =	vsub.s32 $0x5F3759DF, v17;
	v40 =	vmovc v2;
	v2 =	vld [tilespmem:$0x1FDC0];
	[tilespmem:$0x1FED0] =	vst v5;
	v5 =	vmul.f32 v15, v15  }
0xd0: {  	[tilespmem:$0x1FC20] =	vst v36;
	v21 =	vmul.f32 v17, v24;
	v23 =	vor.u32 s16, v56;
	v36 =	vld [tilespmem:$0x1FE40]  }
0xd1: {  	[tilespmem:$0x1FE30] =	vst v58;
	v5 =	vadd.f32 v5, v7;
	v7 =	vld.idx.msk [tilespmem:v58+s20+$0x0], $0xffff  }
0xd2: {  	v26 =	vor.u32 s18, v38;
	v41 =	vsub.f32 v47, v13;
	[tilespmem:$0x1FC80] =	vst v27;
	v58 =	vld [tilespmem:$0x1FEE0]  }
0xd3: {  	v27 =	vmul.f32 v11, v29;
	v29 =	vmul.f32 v17, v21;
	v33 =	vmovc v0;
	v0 =	vmov v9;
	v9 =	vld.idx.msk [tilespmem:v35+s20+$0x0], $0xffff  }
0xd4: {  	[tilespmem:$0x1FBD0] =	vst v41;
	v38 =	vld.idx.msk [tilespmem:v59+s20+$0x0], $0xffff;
	v41 =	vadd.f32 v61, v8;
	v21 =	vmov v2  }
0xd5: {  	v48 =	vld.idx.msk [tilespmem:v23+s20+$0x0], $0xffff;
	v22 =	vsub.f32 $1.500000000e+00, v29;
	[tilespmem:$0x1FC70] =	vst v21;
	v21 =	vadd.f32 v16, v36  }
0xd6: {  	[tilespmem:$0x1FE10] =	vst v53;
	v53 =	vld.idx.msk [tilespmem:v53+s20+$0x0], $0xffff  }
0xd7: {  	v22 =	vmul.f32 v17, v22;
	v17 =	vadd.f32 v15, v57;
	[tilespmem:$0x1FBE0] =	vst v0;
	v0 =	vld [tilespmem:$0x1FF70];
	v43 =	vadd.f32 v21, v41  }
0xd8: {  	[tilespmem:$0x1FCC0] =	vst v25;
	v25 =	vsub.f32 v45, v13;
	v16 =	vadd.f32 v9, v58;
	v9 =	vld.idx.msk [tilespmem:v26+s20+$0x0], $0xffff  }
0xd9: {  	[tilespmem:$0x1FCA0] =	vst v26;
	s10 =	sadd.s32 $0x80, s18;
	v61 =	vor.u32 s16, v42;
	v47 =	vadd.f32 v4, v8;
	v4 =	vld.idx.msk [tilespmem:v34+s20+$0x0], $0xffff;
	v43 =	vadd.f32 v17, v43  }
0xda: {  	[tilespmem:$0x1FE70] =	vst v34;
	v54 =	vmovc v49;
	v49 =	vor.u32 s10, v56;
	v17 =	vadd.f32 v48, v58;
	v48 =	vadd.f32 v7, v18;
	v7 =	vld [tilespmem:$0x1FEB0]  }
0xdb: {  	[tilespmem:$0x1FC50] =	vst v54;
	v2 =	vld.idx.msk [tilespmem:v6+s20+$0x0], $0xffff;
	v29 =	vmov v50;
	v44 =	vmul.f32 v22, v24;
	v24 =	vmul.f32 v37, v30  }
0xdc: {  	v50 =	vadd.f32 v19, v36;
	v26 =	vmovc v60;
	v60 =	vadd.f32 v51, v36;
	v51 =	vmovc v3;
	v3 =	vmov v25  }
0xdd: {  	v54 =	vmul.f32 v37, v24;
	v63 =	vmul.f32 v63, v0;
	[tilespmem:$0x1FEB0] =	vst v3;
	v3 =	vadd.f32 v9, v18;
	v9 =	vld [tilespmem:$0x1FE80]  }
0xde: {  	v38 =	vadd.f32 v38, v8;
	v19 =	vmul.f32 v47, v47;
	v34 =	vld.idx.msk [tilespmem:v61+s20+$0x0], $0xffff;
	v24 =	vmul.f32 v60, v60  }
0xdf: {  	v54 =	vsub.f32 $1.500000000e+00, v54;
	v63 =	vmul.f32 v63, v7;
	v7 =	vmul.f32 v50, v50  }
0xe0: {  	v19 =	vadd.f32 v24, v19;
	v24 =	vadd.f32 v53, v36;
	v36 =	vmul.f32 v38, v38  }
0xe1: {  	[tilespmem:$0x1FDC0] =	vst v51;
	v51 =	vadd.f32 v2, v58;
	v2 =	vmul.f32 v27, v11;
	v27 =	vadd.f32 v4, v18;
	v18 =	vld [tilespmem:$0x1FE60]  }
0xe2: {  	(xrf2) =	vadd.scan.msk.f32 $0xffff, v43;
	v43 =	vsub.f32 v9, v14;
	v9 =	vadd.f32 v7, v36;
	v14 =	vmul.f32 v37, v54;
	v36 =	vld [tilespmem:$0x1FF60]  }
0xe3: {  	[tilespmem:$0x1FC00] =	vst v55;
	v55 =	vld.idx.msk [tilespmem:v49+s20+$0x0], $0xffff;
	v25 =	vadd.f32 v50, v38;
	v8 =	vadd.f32 v34, v8  }
0xe4: {  	[tilespmem:$0x1FE20] =	vst v61;
	v45 =	vmul.f32 v20, v0;
	v53 =	vadd.f32 v3, v16;
	v30 =	vmul.f32 v14, v30  }
0xe5: {  	v61 =	vmovc v49;
	v4 =	vadd.f32 v48, v17;
	v46 =	vmul.f32 v16, v16;
	v49 =	vmul.f32 v3, v3  }
0xe6: {  	v25 =	vadd.f32 v53, v25;
	v62 =	vsub.f32 v18, v62;
	v30 =	vmul.f32 v30, v14  }
0xe7: {  	v1 =	vmul.f32 v45, v1;
	v45 =	vld [tilespmem:$0x1FF80];
	v54 =	vadd.f32 v49, v46;
	v37 =	vadd.f32 v63, v36  }
0xe8: {  	[tilespmem:$0x1FE80] =	vst v8;
	v18 =	vmovc v41;
	v63 =	vmul.f32 v8, v8;
	v8 =	vadd.f32 v24, v8;
	v30 =	vsub.f32 $1.500000000e+00, v30  }
0xe9: {  	v28 =	vmovc v52;
	v42 =	vmul.f32 v41, v41;
	v52 =	vmul.f32 v21, v21;
	[tilespmem:$0x1FE60] =	vst v18;
	(xrf2) =	vadd.scan.msk.f32 $0xffff, v25;
	v18 =	vld [tilespmem:$0x1FEC0]  }
0xea: {  	v9 =	vadd.f32 v54, v9;
	v14 =	vmul.f32 v30, v14;
	v30 =	vadd.f32 v4, v8;
	v8 =	vld [tilespmem:$0x1FF50]  }
0xeb: {  	v52 =	vadd.f32 v52, v42;
	v41 =	vmul.f32 v48, v48;
	v49 =	vmul.f32 v17, v17;
	v54 =	vld [tilespmem:$0x1FF90]  }
0xec: {  	v56 =	vmul.f32 v20, v45;
	v25 =	vmul.f32 v24, v24;
	(xrf2) =	vadd.scan.msk.f32 $0xffff, v9  }
0xed: {  	v34 =	vadd.f32 v5, v52;
	v41 =	vadd.f32 v41, v49  }
0xee: {  	v5, _, _ =	vpop (xrf2);
	v9 =	vmul.f32 v44, v22;
	v42 =	vmul.f32 v56, v18;
	v25 =	vadd.f32 v25, v63  }
0xef: {  	v4 =	vadd.f32 v1, v36;
	v1 =	vmul.f32 $1.562500000e-02, v5;
	v20 =	vmul.f32 v20, v8  }
0xf0: {  	v5 =	vadd.f32 v42, v54;
	v42 =	vsub.f32 $1.500000000e+00, v9;
	v63 =	vmul.f32 v14, v10  }
0xf1: {  	v46 =	vmul.f32 v1, v1;
	v9 =	vmul.f32 v20, v12;
	v12 =	vadd.f32 v41, v25  }
0xf2: {  	(xrf2) =	vadd.scan.msk.f32 $0xffff, v30;
	v44 =	vmul.f32 v63, v62;
	v62 =	vbroadcast v1, $0xF;
	v1 =	vsub.f32 $1.500000000e+00, v2  }
0xf3: {  	v25, _, _ =	vpop (xrf2);
	(xrf2) =	vadd.scan.msk.f32 $0xffff, v12;
	v12 =	vld [tilespmem:$0x1FEF0]  }
0xf4: {  	[tilespmem:$0x1FD00] =	vst v6;
	v55 =	vadd.f32 v55, v58;
	v58 =	vmul.f32 v27, v27;
	v30 =	vmul.f32 v14, v0  }
0xf5: {  	v6 =	vadd.f32 v60, v47;
	v18 =	vld [tilespmem:$0x1FEA0];
	v2 =	vmovc v27;
	v27 =	vmul.f32 v1, v11;
	v20 =	vmul.f32 v14, v45  }
0xf6: {  	[tilespmem:$0x1FEA0] =	vst v2;
	v2 =	vadd.f32 v2, v51;
	v41 =	vmul.f32 v14, v8;
	v14 =	vld [tilespmem:$0x1FFA0];
	v25 =	vmul.f32 $1.562500000e-02, v25;
	v1, _, _ =	vpop (xrf2)  }
0xf7: {  	v49 =	vmul.f32 $1.562500000e-02, v1;
	v1 =	vsub.f32 v21, v62;
	v21 =	vmul.f32 v27, v0;
	v0 =	vld [tilespmem:$0x1FF10]  }
0xf8: {  	v12 =	vmul.f32 v30, v12;
	v30 =	vadd.f32 v2, v6;
	v6 =	vld [tilespmem:$0x1FD70]  }
0xf9: {  	v11 =	vbroadcast v25, $0xF;
	v25 =	vmul.f32 v25, v25;
	_ =	sdelay $0x1  }
0xfa: {  	v44 =	vadd.f32 v44, v14;
	v14 =	vmul.f32 v27, v8;
	v25 =	vsub.f32 v49, v25;
	v49 =	vld [tilespmem:$0x1FDF0];
	_ =	sdelay $0x1  }
0xfb: {  	v53 =	vld [tilespmem:$0x1FFB0];
	v14 =	vmul.f32 v14, v0;
	v0 =	vsub.f32 v16, v11;
	_ =	sdelay $0x1  }
0xfc: {  	v7 =	vmul.f32 v55, v55;
	v2 =	vsub.f32 v57, v62;
	v57 =	vmov v55;
	v55, _, _ =	vpop (xrf2);
	[tilespmem:$0x1FEC0] =	vst v0;
	v0 =	vld [tilespmem:$0x1FF00]  }
0xfd: {  	(xrf2) =	vadd.scan.msk.f32 $0xffff, v34;
	v34 =	vmul.f32 $1.562500000e-02, v55;
	[tilespmem:v6+s29+$0x0] =	vst.idx.msk $0xffff, v33;
	v6 =	vmov v49  }
0xfe: {  	[tilespmem:$0x1FD70] =	vst v6;
	v6 =	vld [tilespmem:$0x1FD60]  }
0xff: {  	v63 =	vmul.f32 v42, v22;
	v42 =	vadd.f32 v14, v53;
	v14 =	vbroadcast v34, $0xF;
	_ =	sdelay $0x1  }
0x100: {  	v21 =	vmul.f32 v21, v0;
	v0 =	vsub.f32 v24, v14;
	_ =	sdelay $0x1  }
0x101: {  	[tilespmem:$0x1FF00] =	vst v0;
	v0 =	vld [tilespmem:$0x1FBB0];
	_ =	sdelay $0x2  }
0x102: {  	[tilespmem:v6+s29+$0x0] =	vst.idx.msk $0xffff, v32;
	v6 =	vld [tilespmem:$0x1FBC0];
	_ =	sdelay $0x1  }
0x103: {  	v16 =	vmul.f32 v51, v51;
	_ =	sdelay $0x1  }
0x104: {  	v16 =	vadd.f32 v58, v16  }
0x105: {  	[tilespmem:v0+s29+$0x0] =	vst.idx.msk $0xffff, v6;
	v0 =	vld [tilespmem:$0x1FBD0]  }
0x106: {  	v16 =	vadd.f32 v16, v19  }
0x107: {  	v22 =	vsub.f32 v38, v11;
	v38 =	vmul.f32 v27, v45;
	(xrf2) =	vadd.scan.msk.f32 $0xffff, v30  }
0x108: {  	v30 =	vmul.f32 v63, v45;
	v45 =	vmov v60;
	v60, _, _ =	vpop (xrf2);
	(xrf2) =	vadd.scan.msk.f32 $0xffff, v16;
	v16 =	vmul.f32 v63, v10  }
0x109: {  	v6 =	vld [tilespmem:$0x1FD80]  }
0x10a: {  	v16 =	vmul.f32 v16, v0;
	v0 =	vsub.f32 v48, v14;
	_ =	sdelay $0x1  }
0x10b: {  	[tilespmem:$0x1FF10] =	vst v0;
	v0 =	vld [tilespmem:$0x1FBE0];
	_ =	sdelay $0x4  }
0x10c: {  	[tilespmem:v6+s29+$0x0] =	vst.idx.msk $0xffff, v0;
	v6 =	vmov v59  }
0x10d: {  	v27 =	vmul.f32 v27, v10;
	[tilespmem:$0x1FDF0] =	vst v6;
	v6 =	vld [tilespmem:$0x1FD90];
	_ =	sdelay $0x1  }
0x10e: {  	v27 =	vmul.f32 v27, v43;
	v43 =	vld [tilespmem:$0x1FFA0]  }
0x10f: {  	v0 =	vld [tilespmem:$0x1FF20];
	_ =	sdelay $0x4  }
0x110: {  	[tilespmem:v6+s29+$0x0] =	vst.idx.msk $0xffff, v0;
	v0 =	vadd.f32 v16, v43;
	_ =	sdelay $0x1  }
0x111: {  	[tilespmem:$0x1FF20] =	vst v0;
	v0 =	vld [tilespmem:$0x1FBF0];
	_ =	sdelay $0x4  }
0x112: {  	v6 =	vld [tilespmem:$0x1FDA0];
	_ =	sdelay $0x2  }
0x113: {  	[tilespmem:v0+s29+$0x0] =	vst.idx.msk $0xffff, v37;
	v0 =	vld [tilespmem:$0x1FF30];
	_ =	sdelay $0x4  }
0x114: {  	[tilespmem:v6+s29+$0x0] =	vst.idx.msk $0xffff, v0;
	v6 =	vmov v29  }
0x115: {  	[tilespmem:$0x1FD60] =	vst v6;
	v6 =	vld [tilespmem:$0x1FDB0];
	_ =	sdelay $0x2  }
0x116: {  	v0 =	vld [tilespmem:$0x1FF40];
	_ =	sdelay $0x4  }
0x117: {  	[tilespmem:v6+s29+$0x0] =	vst.idx.msk $0xffff, v0;
	v6 =	vld [tilespmem:$0x1FDD0];
	_ =	sdelay $0x3  }
0x118: {  	v0 =	vld [tilespmem:$0x1FC10];
	_ =	sdelay $0x2  }
0x119: {  	v25 =	vadd.f32 $9.999999740e-06, v25;
	v24 =	vadd.f32 v27, v43;
	v27 =	vmul.f32 v30, v39  }
0x11a: {  	[tilespmem:v6+s29+$0x0] =	vst.idx.msk $0xffff, v44;
	v6 =	vld [tilespmem:$0x1FDE0]  }
0x11b: {  	[tilespmem:$0x1FEF0] =	vst v1;
	v1 =	vsub.f32 v50, v11;
	v25 =	vbroadcast v25, $0xF;
	v50 =	vmovc v0;
	v0 =	vadd.f32 v27, v54;
	_ =	sdelay $0x1  }
0x11c: {  	v30 =	vshra.s32 v25, $0x1;
	[tilespmem:$0x1FF30] =	vst v0;
	v0 =	vld [tilespmem:$0x1FC40];
	_ =	sdelay $0x1  }
0x11d: {  	v55 =	vmul.f32 $1.562500000e-02, v60;
	v60 =	vsub.f32 v17, v14;
	v17, _, _ =	vpop (xrf2)  }
0x11e: {  	v12 =	vadd.f32 v12, v36;
	v16 =	vsub.s32 $0x5F3759DF, v30;
	v30, _, _ =	vpop (xrf2)  }
0x11f: {  	v59 =	vmul.f32 $1.562500000e-02, v30;
	v30 =	vmul.f32 v63, v8;
	v8 =	vld [tilespmem:$0x1FC60]  }
0x120: {  	[tilespmem:v6+s29+$0x0] =	vst.idx.msk $0xffff, v12;
	v6 =	vmov v0  }
0x121: {  	[tilespmem:$0x1FDD0] =	vst v6;
	v6 =	vld [tilespmem:$0x1FC50];
	_ =	sdelay $0x2  }
0x122: {  	v10 =	vmov v8;
	v8 =	vld [tilespmem:$0x1FE00]  }
0x123: {  	v20 =	vmul.f32 v20, v40  }
0x124: {  	v13 =	vsub.f32 v18, v13  }
0x125: {  	v20 =	vadd.f32 v20, v54  }
0x126: {  	v13 =	vmul.f32 v30, v13  }
0x127: {  	[tilespmem:v6+s29+$0x0] =	vst.idx.msk $0xffff, v20;
	v6 =	vmov v8  }
0x128: {  	[tilespmem:$0x1FD80] =	vst v6;
	v6 =	vadd.f32 v13, v53;
	_ =	sdelay $0x1  }
0x129: {  	[tilespmem:$0x1FF40] =	vst v6;
	v6 =	vld [tilespmem:$0x1FC70];
	_ =	sdelay $0x3  }
0x12a: {  	v18 =	vmov v28;
	v28 =	vmul.f32 v41, v31;
	_ =	sdelay $0x1  }
0x12b: {  	v28 =	vadd.f32 v28, v53;
	_ =	sdelay $0x1  }
0x12c: {  	[tilespmem:v6+s29+$0x0] =	vst.idx.msk $0xffff, v28;
	v6 =	vld [tilespmem:$0x1FC80];
	_ =	sdelay $0x5  }
0x12d: {  	v8 =	vld [tilespmem:$0x1FCA0];
	_ =	sdelay $0x1  }
0x12e: {  	v17 =	vmul.f32 $1.562500000e-02, v17;
	[tilespmem:v6+s29+$0x0] =	vst.idx.msk $0xffff, v24;
	v6 =	vld [tilespmem:$0x1FC90];
	_ =	sdelay $0x1  }
0x12f: {  	v17 =	vsub.f32 v17, v46  }
0x130: {  	[tilespmem:$0x1FDE0] =	vst v10;
	v10 =	vmov v8;
	v8 =	vld [tilespmem:$0x1FCB0]  }
0x131: {  	v17 =	vadd.f32 $9.999999740e-06, v17;
	_ =	sdelay $0x1  }
0x132: {  	v13 =	vbroadcast v17, $0xF;
	v17 =	vadd.f32 v21, v36;
	_ =	sdelay $0x1  }
0x133: {  	[tilespmem:v6+s29+$0x0] =	vst.idx.msk $0xffff, v17;
	v6 =	vmov v8  }
0x134: {  	v19 =	vmul.f32 v34, v34;
	[tilespmem:$0x1FD90] =	vst v6;
	v6 =	vld [tilespmem:$0x1FCC0]  }
0x135: {  	v25 =	vmul.f32 $5.000000000e-01, v25  }
0x136: {  	v19 =	vsub.f32 v55, v19  }
0x137: {  	v38 =	vmul.f32 v38, v26;
	v26 =	vmul.f32 v16, v25  }
0x138: {  	v19 =	vadd.f32 $9.999999740e-06, v19  }
0x139: {  	v58 =	vmov v23;
	v23 =	vmul.f32 v16, v26  }
0x13a: {  	v33 =	vadd.f32 v38, v54;
	v19 =	vbroadcast v19, $0xF;
	v27, _, _ =	vpop (xrf2)  }
0x13b: {  	v26 =	vmul.f32 v59, v59;
	v0 =	vsub.f32 $1.500000000e+00, v23;
	v12 =	vmul.f32 $1.562500000e-02, v27  }
0x13c: {  	[tilespmem:v6+s29+$0x0] =	vst.idx.msk $0xffff, v33;
	v6 =	vld [tilespmem:$0x1FCD0]  }
0x13d: {  	v31 =	vmul.f32 v16, v0;
	v0 =	vsub.f32 v12, v26;
	v12 =	vshra.s32 v19, $0x1  }
0x13e: {  	v21 =	vsub.s32 $0x5F3759DF, v12;
	v12 =	vsub.f32 v3, v11;
	v3 =	vld [tilespmem:$0x1FCE0];
	_ =	sdelay $0x2  }
0x13f: {  	v48 =	vmov v6;
	v6 =	vld [tilespmem:$0x1FCF0];
	_ =	sdelay $0x1  }
0x140: {  	v0 =	vadd.f32 $9.999999740e-06, v0;
	_ =	sdelay $0x1  }
0x141: {  	v24 =	vbroadcast v0, $0xF;
	v0 =	vld [tilespmem:$0x1FD00]  }
0x142: {  	[tilespmem:v3+s29+$0x0] =	vst.idx.msk $0xffff, v42;
	v3 =	vmov v6;
	v6 =	vld [tilespmem:$0x1FD10]  }
0x143: {  	p0 =	slt.u32 s11, $0x60;
	v38 =	vld [tilespmem:$0x1FFF0]  }
.Ltmp2:
0x144: {  	v56 =	vld [tilespmem:$0x1FFE0];
	v29 =	vmul.f32 $5.000000000e-01, v19;
	(pc) =	sbr.rel @p0 .LBB2_3-.Ltmp2, $4  }
0x145: {  	v15 =	vsub.f32 v15, v62;
	v39 =	vld [tilespmem:$0x1FFD0]  }
0x146: {  	v9 =	vadd.f32 v9, v53;
	v49 =	vld [tilespmem:$0x1FC00];
	v32 =	vmul.f32 v21, v29;
	v16 =	vshra.s32 v13, $0x1;
	[tilespmem:$0x1FE00] =	vst v10  }
0x147: {  	v54 =	vld [tilespmem:$0x1FC30];
	v30 =	vmul.f32 $5.000000000e-01, v13;
	v13 =	vbroadcast v59, $0xF;
	v37 =	vsub.s32 $0x5F3759DF, v16;
	v55 =	vmovc v0;
	[tilespmem:$0x1FDA0] =	vst v3;
	v0 =	vmovc v6  }
0x148: {  	s11 =	sadd.s32 $0x4, s11;
	s9 =	smov.u32 s18;
	v52 =	vmovc v35;
	v44 =	vld [tilespmem:$0x1FC20];
	v28 =	vmul.f32 v31, v25;
	v42 =	vlaneseq.u32;
	v3 =	vor.u32 s10, v38;
	[tilespmem:$0x1FDB0] =	vst v0  }
0x149: {  	_ =	sdelay $0x2  }
0x14a: {  	v20 =	vor.u32 s10, v42  }
0x14b: {  	s9 =	sadd.s32 $0xC0, s9;
	v11 =	vld.idx.msk [tilespmem:v3+s20+$0x0], $0xffff;
	v10 =	vor.u32 s10, v39  }
0x14c: {  	v41 =	vld [tilespmem:$0x1FE90];
	v59 =	vor.u32 s9, v38  }
0x14d: {  	v6 =	vld [tilespmem:$0x1FE50]  }
0x14e: {  	v35 =	vld [tilespmem:$0x1FE40];
	v0 =	vor.u32 s9, v56  }
0x14f: {  	v8 =	vor.u32 s9, v42;
	v16 =	vld.idx.msk [tilespmem:v20+s20+$0x0], $0xffff  }
0x150: {  	v36 =	vor.u32 s9, v39;
	v17 =	vld.idx.msk [tilespmem:v10+s20+$0x0], $0xffff  }
0x151: {  	v46 =	vld.idx.msk [tilespmem:v59+s20+$0x0], $0xffff  }
0x152: {  	v26 =	vadd.f32 v11, v41  }
0x153: {  	v23 =	vld.idx.msk [tilespmem:v0+s20+$0x0], $0xffff  }
0x154: {  	v39 =	vld.idx.msk [tilespmem:v8+s20+$0x0], $0xffff;
	v25 =	vmul.f32 v26, v26  }
0x155: {  	v27 =	vld.idx.msk [tilespmem:v36+s20+$0x0], $0xffff;
	v16 =	vadd.f32 v16, v6;
	v19 =	vadd.f32 v17, v35  }
0x156: {  	v25 =	vadd.f32 v25, v7;
	v7 =	vadd.f32 v46, v41;
	v46 =	vld [tilespmem:$0x1FEE0]  }
0x157: {  	v33 =	vadd.f32 v26, v57;
	v34 =	vadd.f32 v19, v16;
	_ =	sdelay $0x1  }
0x158: {  	v33 =	vadd.f32 v33, v34;
	v34 =	vmul.f32 v37, v30  }
0x159: {  	v11 =	vadd.f32 v39, v6  }
0x15a: {  	v17 =	vadd.f32 v23, v46;
	v23 =	vadd.f32 v27, v35;
	v27 =	vmul.f32 v37, v34  }
0x15b: {  	v40 =	vmul.f32 v16, v16;
	v41 =	vmul.f32 v19, v19  }
0x15c: {  	v6 =	vmul.f32 v11, v11;
	v46 =	vmul.f32 v7, v7;
	v27 =	vsub.f32 $1.500000000e+00, v27  }
0x15d: {  	v34 =	vadd.f32 v41, v40;
	v38 =	vmul.f32 v23, v23;
	v35 =	vmul.f32 v17, v17  }
0x15e: {  	v40 =	vadd.f32 v7, v17;
	v41 =	vadd.f32 v23, v11;
	v27 =	vmul.f32 v37, v27  }
0x15f: {  	v6 =	vadd.f32 v38, v6;
	v37 =	vadd.f32 v46, v35  }
0x160: {  	v46 =	vadd.f32 v40, v41;
	v40 =	vmul.f32 v27, v30  }
0x161: {  	v28 =	vmul.f32 v28, v31;
	(xrf2) =	vadd.scan.msk.f32 $0xffff, v33;
	v38 =	vadd.f32 v37, v6  }
0x162: {  	(xrf2) =	vadd.scan.msk.f32 $0xffff, v46;
	v30 =	vmul.f32 v40, v27;
	v40 =	vld [tilespmem:$0x1FF70]  }
0x163: {  	v28 =	vsub.f32 $1.500000000e+00, v28;
	(xrf2) =	vadd.scan.msk.f32 $0xffff, v38;
	v38 =	vld [tilespmem:$0x1FD70]  }
0x164: {  	v39 =	vshra.s32 v24, $0x1;
	v24 =	vmul.f32 $5.000000000e-01, v24  }
0x165: {  	v28 =	vmul.f32 v28, v31;
	v25 =	vadd.f32 v25, v34;
	v34 =	vsub.s32 $0x5F3759DF, v39  }
0x166: {  	v39 =	vld [tilespmem:$0x1FED0];
	v41 =	vmul.f32 v34, v24  }
0x167: {  	v37 =	vld [tilespmem:$0x1FFC0];
	v35 =	vmul.f32 v28, v40  }
0x168: {  	v32 =	vmul.f32 v21, v32;
	v46 =	vmul.f32 v34, v41;
	v41 =	vld [tilespmem:$0x1FE60]  }
0x169: {  	v30 =	vsub.f32 $1.500000000e+00, v30;
	v1 =	vmul.f32 v35, v1;
	v35 =	vld [tilespmem:$0x1FD60]  }
0x16a: {  	(xrf2) =	vadd.scan.msk.f32 $0xffff, v25;
	v25 =	vsub.f32 $1.500000000e+00, v32  }
0x16b: {  	v27 =	vmul.f32 v30, v27;
	[tilespmem:v38+s29+$0x0] =	vst.idx.msk $0xffff, v39;
	v39 =	vld [tilespmem:$0x1FF80]  }
0x16c: {  	v21 =	vmul.f32 v21, v25;
	v25 =	vsub.f32 $1.500000000e+00, v46;
	v38 =	vld [tilespmem:$0x1FEB0]  }
0x16d: {  	v46 =	vsub.f32 v41, v62;
	v41 =	vld [tilespmem:$0x1FEC0];
	v30 =	vmul.f32 v63, v40;
	v63 =	vmul.f32 v27, v37;
	_ =	sdelay $0x1  }
0x16e: {  	v25 =	vmul.f32 v34, v25;
	v31 =	vmul.f32 v63, v46;
	v46 =	vld [tilespmem:$0x1FD80]  }
0x16f: {  	v29 =	vmul.f32 v21, v29;
	v34 =	vld [tilespmem:$0x1FD90];
	v62 =	vmul.f32 v28, v39  }
0x170: {  	[tilespmem:v35+s29+$0x0] =	vst.idx.msk $0xffff, v4;
	v4 =	vmul.f32 v30, v38  }
0x171: {  	v38 =	vld [tilespmem:$0x1FF60];
	[tilespmem:v18+s29+$0x0] =	vst.idx.msk $0xffff, v5;
	v5 =	vmul.f32 v62, v41;
	v62 =	vmul.f32 v29, v21  }
0x172: {  	v32, _, _ =	vpop (xrf2);
	v35 =	vld [tilespmem:$0x1FF20]  }
0x173: {  	v30, _, _ =	vpop (xrf2);
	v41 =	vsub.f32 $1.500000000e+00, v62;
	v62 =	vld [tilespmem:$0x1FDA0]  }
0x174: {  	v33, _, _ =	vpop (xrf2);
	v29 =	vmul.f32 $1.562500000e-02, v32;
	v18 =	vld [tilespmem:$0x1FEF0]  }
0x175: {  	v63, _, _ =	vpop (xrf2)  }
0x176: {  	[tilespmem:v46+s29+$0x0] =	vst.idx.msk $0xffff, v9;
	v32 =	vmul.f32 $1.562500000e-02, v63;
	v46 =	vmul.f32 v29, v29;
	v63 =	vld [tilespmem:$0x1FF30];
	v4 =	vadd.f32 v4, v38  }
0x177: {  	[tilespmem:v34+s29+$0x0] =	vst.idx.msk $0xffff, v35;
	v34 =	vmul.f32 v27, v40;
	v35 =	vld [tilespmem:$0x1FDB0]  }
0x178: {  	v9 =	vsub.f32 v32, v46;
	v46 =	vld [tilespmem:$0x1FE80];
	[tilespmem:v54+s29+$0x0] =	vst.idx.msk $0xffff, v4;
	v54 =	vmul.f32 v27, v39  }
0x179: {  	v34 =	vmul.f32 v34, v18;
	v18 =	vld [tilespmem:$0x1FF50]  }
0x17a: {  	v2 =	vmul.f32 v54, v2;
	v54 =	vld [tilespmem:$0x1FDD0]  }
0x17b: {  	[tilespmem:v62+s29+$0x0] =	vst.idx.msk $0xffff, v63;
	v63 =	vld [tilespmem:$0x1FDE0]  }
0x17c: {  	v4 =	vmul.f32 v41, v21;
	v41 =	vld [tilespmem:$0x1FF40]  }
0x17d: {  	v62 =	vadd.f32 v34, v38;
	v34 =	vld [tilespmem:$0x1FF90]  }
0x17e: {  	v24 =	vmul.f32 v25, v24;
	_ =	sdelay $0x1  }
0x17f: {  	v21 =	vmul.f32 v24, v25;
	v24 =	vmul.f32 v27, v18;
	v27 =	vadd.f32 v31, v43  }
0x180: {  	v6 =	vmul.f32 v28, v37;
	v14 =	vsub.f32 v46, v14;
	v46 =	vld [tilespmem:$0x1FF00];
	[tilespmem:v35+s29+$0x0] =	vst.idx.msk $0xffff, v41  }
0x181: {  	v41 =	vld [tilespmem:$0x1FDC0];
	v2 =	vadd.f32 v2, v34;
	[tilespmem:v54+s29+$0x0] =	vst.idx.msk $0xffff, v27  }
0x182: {  	v22 =	vmul.f32 v6, v22;
	[tilespmem:v63+s29+$0x0] =	vst.idx.msk $0xffff, v62;
	v62 =	vld [tilespmem:$0x1FE20]  }
0x183: {  	v30 =	vmul.f32 $1.562500000e-02, v30;
	v9 =	vadd.f32 $9.999999740e-06, v9;
	[tilespmem:v49+s29+$0x0] =	vst.idx.msk $0xffff, v2;
	v2 =	vmul.f32 $1.562500000e-02, v33;
	v33 =	vld [tilespmem:$0x1FE10]  }
0x184: {  	v15 =	vmul.f32 v24, v15;
	v24 =	vmul.f32 v4, v37  }
0x185: {  	v9 =	vbroadcast v9, $0xF;
	v31 =	vmul.f32 v4, v40  }
0x186: {  	v14 =	vmul.f32 v24, v14;
	v27 =	vmul.f32 v4, v39  }
0x187: {  	v6 =	vshra.s32 v9, $0x1;
	v15 =	vadd.f32 v15, v53;
	v49 =	vmul.f32 v31, v46  }
0x188: {  	v9 =	vmul.f32 $5.000000000e-01, v9;
	v14 =	vadd.f32 v14, v43;
	v63 =	vmul.f32 v27, v60  }
0x189: {  	v32 =	vsub.s32 $0x5F3759DF, v6;
	v24 =	vmul.f32 v30, v30;
	[tilespmem:v41+s29+$0x0] =	vst.idx.msk $0xffff, v15;
	v15 =	vadd.f32 v49, v38  }
0x18a: {  	v35 =	vld [tilespmem:$0x1FF10];
	v54 =	vmul.f32 v32, v9;
	[tilespmem:v62+s29+$0x0] =	vst.idx.msk $0xffff, v14;
	v14 =	vadd.f32 v63, v34  }
0x18b: {  	v49 =	vld [tilespmem:$0x1FE30];
	[tilespmem:v33+s29+$0x0] =	vst.idx.msk $0xffff, v15  }
0x18c: {  	v21 =	vsub.f32 $1.500000000e+00, v21;
	v2 =	vsub.f32 v2, v24;
	v24 =	vmul.f32 v32, v54;
	[tilespmem:v58+s29+$0x0] =	vst.idx.msk $0xffff, v14;
	v58 =	vld [tilespmem:$0x1FDF0]  }
0x18d: {  	v4 =	vmul.f32 v4, v18  }
0x18e: {  	v21 =	vmul.f32 v21, v25;
	v25 =	vmul.f32 v28, v18;
	v41 =	vsub.f32 $1.500000000e+00, v24  }
0x18f: {  	v22 =	vadd.f32 v22, v43;
	v4 =	vmul.f32 v4, v35;
	v2 =	vadd.f32 $9.999999740e-06, v2  }
0x190: {  	v1 =	vadd.f32 v1, v38;
	v12 =	vmul.f32 v25, v12;
	v46 =	vmul.f32 v32, v41  }
0x191: {  	v25 =	vmul.f32 v21, v37;
	v4 =	vadd.f32 v4, v53;
	v2 =	vbroadcast v2, $0xF  }
0x192: {  	v5 =	vadd.f32 v5, v34;
	v60 =	vsub.f32 v45, v13;
	v9 =	vmul.f32 v46, v9  }
0x193: {  	v45 =	vmul.f32 v21, v18;
	v54 =	vmul.f32 $5.000000000e-01, v2;
	v2 =	vshra.s32 v2, $0x1;
	[tilespmem:v49+s29+$0x0] =	vst.idx.msk $0xffff, v4  }
0x194: {  	v24 =	vsub.f32 v47, v13;
	v63 =	vld [tilespmem:$0x1FE00];
	v2 =	vsub.s32 $0x5F3759DF, v2;
	v9 =	vmul.f32 v9, v46;
	[tilespmem:v58+s29+$0x0] =	vst.idx.msk $0xffff, v22  }
0x195: {  	v12 =	vadd.f32 v12, v53;
	v31 =	vbroadcast v29, $0xF;
	v15 =	vld [tilespmem:$0x1FEA0];
	[tilespmem:v50+s29+$0x0] =	vst.idx.msk $0xffff, v1;
	v1 =	vmul.f32 v2, v54  }
0x196: {  	v47 =	vmul.f32 v25, v24;
	v32 =	vmul.f32 v21, v40;
	v9 =	vsub.f32 $1.500000000e+00, v9  }
0x197: {  	v24 =	vsub.f32 v51, v13;
	v25 =	vmul.f32 v21, v39;
	v1 =	vmul.f32 v2, v1  }
0x198: {  	v41 =	vsub.f32 v19, v31;
	v35 =	vmul.f32 v32, v60;
	v49 =	vld [tilespmem:$0x1FE70];
	v9 =	vmul.f32 v9, v46  }
0x199: {  	v62 =	vadd.f32 v47, v43;
	v33 =	vmul.f32 v25, v24;
	v1 =	vsub.f32 $1.500000000e+00, v1  }
0x19a: {  	v14 =	vadd.f32 v35, v38;
	v28 =	vsub.f32 v15, v13;
	v46 =	vmul.f32 v9, v37  }
0x19b: {  	[tilespmem:v52+s29+$0x0] =	vst.idx.msk $0xffff, v5;
	v1 =	vmul.f32 v2, v1;
	v2 =	vsub.f32 v16, v31  }
0x19c: {  	v5 =	vadd.f32 v33, v34;
	[tilespmem:v63+s29+$0x0] =	vst.idx.msk $0xffff, v12;
	v12 =	vmul.f32 v45, v28  }
0x19d: {  	[tilespmem:v48+s29+$0x0] =	vst.idx.msk $0xffff, v62;
	v2 =	vmul.f32 v46, v2;
	v4 =	vmul.f32 v1, v54  }
0x19e: {  	v47 =	vmul.f32 v9, v40;
	[tilespmem:v44+s29+$0x0] =	vst.idx.msk $0xffff, v14;
	v12 =	vadd.f32 v12, v53  }
0x19f: {  	[tilespmem:v55+s29+$0x0] =	vst.idx.msk $0xffff, v5;
	v4 =	vmul.f32 v4, v1;
	v2 =	vadd.f32 v2, v43  }
0x1a0: {  	v52 =	vbroadcast v30, $0xF;
	v48 =	vmul.f32 v47, v41;
	[tilespmem:v49+s29+$0x0] =	vst.idx.msk $0xffff, v12  }
0x1a1: {  	v51 =	vsub.f32 v26, v31;
	[tilespmem:v20+s29+$0x0] =	vst.idx.msk $0xffff, v2;
	v2 =	vsub.f32 $1.500000000e+00, v4  }
0x1a2: {  	v11 =	vsub.f32 v11, v52;
	v50 =	vadd.f32 v48, v38  }
0x1a3: {  	v54 =	vsub.f32 v57, v31;
	v1 =	vmul.f32 v2, v1;
	v2 =	vmul.f32 v9, v39  }
0x1a4: {  	v55 =	vsub.f32 v23, v52;
	v5 =	vsub.f32 v7, v52;
	v9 =	vmul.f32 v9, v18  }
0x1a5: {  	v57 =	vsub.f32 v17, v52;
	v2 =	vmul.f32 v2, v54;
	v58 =	vmul.f32 v1, v37  }
0x1a6: {  	[tilespmem:v10+s29+$0x0] =	vst.idx.msk $0xffff, v50;
	v4 =	vmul.f32 v9, v51;
	v60 =	vmul.f32 v1, v40  }
0x1a7: {  	v63 =	vmul.f32 v1, v39;
	v62 =	vmul.f32 v58, v11;
	v2 =	vadd.f32 v2, v34  }
0x1a8: {  	v1 =	vmul.f32 v1, v18;
	v7 =	vmul.f32 v60, v55;
	v4 =	vadd.f32 v4, v53  }
0x1a9: {  	[tilespmem:v61+s29+$0x0] =	vst.idx.msk $0xffff, v2;
	v2 =	vmul.f32 v63, v57;
	v9 =	vadd.f32 v62, v43  }
0x1aa: {  	v1 =	vmul.f32 v1, v5;
	[tilespmem:v3+s29+$0x0] =	vst.idx.msk $0xffff, v4;
	v3 =	vadd.f32 v7, v38  }
0x1ab: {  	s10 =	sor.u32 s8, s7;
	[tilespmem:v8+s29+$0x0] =	vst.idx.msk $0xffff, v9;
	v2 =	vadd.f32 v2, v34  }
0x1ac: {  	p0 =	seq.s32 s25, $0x3F;
	s18 =	smul.u32 $0x640, s10;
	v1 =	vadd.f32 v1, v53;
	[tilespmem:v36+s29+$0x0] =	vst.idx.msk $0xffff, v3  }
0x1ad: {  	s11 =	sshrl.u32 @!p0 s13, $0x1;
	p1 =	seq.s32 @!p0 s25, $0x0;
	[tilespmem:v0+s29+$0x0] =	vst.idx.msk $0xffff, v2  }
0x1ae: {  	s11 =	smul.u32 @!p0 $0x340, s11;
	p1 =	por p0, !p1;
	s9 =	sadd.s32 s4, s18;
	[tilespmem:v59+s29+$0x0] =	vst.idx.msk $0xffff, v1  }
0x1af: {  	[hbm4b:s9+s5] =	stream.linear.scatter [tilespmem:s29], [sflag:$0x5], $0x1900, $0x38;
	[tilespmem:$0x15100] =	vst v63  }
.Ltmp3:
0x1b0: {  	_ = 	snop;
	(pc) =	sbr.rel @!p1 .LBB2_6-.Ltmp3, $4  }
0x1b1: {  	s9 =	sadd.s32 @!p0 $0x680, s11  }
0x1b2: {  	s16 =	simm.s32 @!p0 $0x8900;
	s11 =	simm.s32 @!p0 $0x64;
	s9 =	sshra.s32 @!p0 s9, $0x2  }
0x1b3: {  	[tilespmem:s16], [sflag:$0x1] =	stream.indirect.gather @!p0 [hbm4b:s6+s11], $0x40, s9, s11, $0xb8;
	[tilespmem:$0x15100] =	vst v63  }
0x1b4: {  	v24 =	vmov v38;
	v2 =	vmov v37;
	s11 =	sor.u32 @!p0 $0x1, s13  }
0x1b5: {  	_ =	swait.ge [sflag:s21], $0x1900  }
0x1b6: {  	[sflag:s21] =	ssyncset.done $0x0  }
0x1b7: {  	s11 =	simm.s32 @p0 $0xFD;
	[sflag:s21] =	ssyncadd.s32 $0xFFFFE700  }
.LBB2_6:
0x1b8: {  	s18 =	simm.s32 $0x0  }
0x1b9: {  	v1 =	vmov s18  }
0x1ba: {  	_ =	swait.ge [sflag:s30], $0x1900;
	v1 =	vadd.s32 $0x1900, v1  }
0x1bb: {  	v3 =	vbroadcast v1, $0x0;
	v1 =	vld [tilespmem:$0x1FD20];
	_ =	sdelay $0x3  }
0x1bc: {  	v4 =	vld [tilespmem:$0x1FD40];
	_ =	sdelay $0x1  }
0x1bd: {  	[sflag:s30] =	ssyncset.done $0x0  }
0x1be: {  	[sflag:s30] =	ssyncadd.s32 $0xFFFFE700  }
0x1bf: {  	v19 =	vld.idx.msk [tilespmem:v1+s17+$0x0], $0xffff  }
0x1c0: {  	v1 =	vld [tilespmem:$0x1FD30];
	_ =	sdelay $0x2  }
0x1c1: {  	s16 =	simm.s32 $0x40;
	v20 =	vld.idx.msk [tilespmem:v4+s17+$0x0], $0xffff  }
0x1c2: {  	v0 =	vmov s16;
	v4 =	vld [tilespmem:$0x1FD50]  }
0x1c3: {  	v39 =	vld [tilespmem:$0x1FFD0];
	v0 =	vadd.s32 $0x1900, v0  }
0x1c4: {  	v0 =	vbroadcast v0, $0x0;
	_ =	sdelay $0x1  }
0x1c5: {  	v5 =	vor.u32 v42, v0;
	v47 =	vld.idx.msk [tilespmem:v1+s17+$0x0], $0xffff  }
0x1c6: {  	v6 =	vor.u32 v42, v3;
	v1 =	vld [tilespmem:$0x1FFF0]  }
0x1c7: {  	v12 =	vor.u32 v39, v3;
	_ =	sdelay $0x1  }
0x1c8: {  	v14 =	vor.u32 v56, v3;
	v21 =	vld.idx.msk [tilespmem:v4+s17+$0x0], $0xffff  }
0x1c9: {  	s14 =	simm.s32 $0xC0;
	v8 =	vor.u32 v39, v0;
	v4 =	vld.idx.msk [tilespmem:v5+s20+$0x0], $0xffff  }
0x1ca: {  	v9 =	vor.u32 v56, v0;
	[tilespmem:$0x1FBA0] =	vst v5;
	v5 =	vld.idx.msk [tilespmem:v6+s20+$0x0], $0xffff;
	v7 =	vor.u32 v1, v0;
	v0 =	vmov s14  }
0x1cb: {  	[tilespmem:$0x1FB40] =	vst v12;
	v12 =	vld.idx.msk [tilespmem:v12+s20+$0x0], $0xffff;
	v0 =	vadd.s32 $0x1900, v0  }
0x1cc: {  	[tilespmem:$0x1FB20] =	vst v6;
	v11 =	vor.u32 v1, v3;
	v6 =	vbroadcast v0, $0x0  }
0x1cd: {  	v13 =	vld.idx.msk [tilespmem:v14+s20+$0x0], $0xffff  }
0x1ce: {  	v3 =	vld.idx.msk [tilespmem:v8+s20+$0x0], $0xffff;
	v0 =	vor.u32 v1, v6  }
0x1cf: {  	[tilespmem:$0x1F9B0] =	vst v8;
	v15 =	vadd.f32 v5, v19;
	v8 =	vld.idx.msk [tilespmem:v9+s20+$0x0], $0xffff;
	v33 =	vor.u32 v56, v6  }
0x1d0: {  	v40 =	vadd.f32 v12, v47;
	[tilespmem:$0x1F9A0] =	vst v7;
	v35 =	vor.u32 v39, v6;
	v7 =	vld.idx.msk [tilespmem:v7+s20+$0x0], $0xffff  }
0x1d1: {  	[tilespmem:$0x1FB70] =	vst v11;
	v18 =	vor.u32 v42, v6;
	v11 =	vld.idx.msk [tilespmem:v11+s20+$0x0], $0xffff  }
0x1d2: {  	[tilespmem:$0x1FB60] =	vst v14;
	v14 =	vmul.f32 v15, v15;
	v25 =	vmul.f32 v40, v40  }
0x1d3: {  	[tilespmem:$0x1F9C0] =	vst v9;
	v41 =	vadd.f32 v13, v20;
	v9 =	vadd.f32 v4, v19;
	v5 =	vld.idx.msk [tilespmem:v0+s20+$0x0], $0xffff  }
0x1d4: {  	v23 =	vadd.f32 v40, v15;
	v14 =	vadd.f32 v25, v14;
	v6 =	vld.idx.msk [tilespmem:v33+s20+$0x0], $0xffff  }
0x1d5: {  	[tilespmem:$0x1F9D0] =	vst v0;
	v53 =	vadd.f32 v8, v20;
	v0 =	vadd.f32 v3, v47;
	v12 =	vld.idx.msk [tilespmem:v35+s20+$0x0], $0xffff  }
0x1d6: {  	v13 =	vld.idx.msk [tilespmem:v18+s20+$0x0], $0xffff;
	v10 =	vadd.f32 v7, v21;
	v11 =	vadd.f32 v11, v21  }
0x1d7: {  	v7 =	vmul.f32 v9, v9;
	v16 =	vmul.f32 v0, v0;
	v17 =	vadd.f32 v0, v9  }
0x1d8: {  	v22 =	vadd.f32 v10, v53;
	v26 =	vadd.f32 v11, v41  }
0x1d9: {  	v27 =	vmul.f32 v53, v53;
	[tilespmem:$0x1FAD0] =	vst v0;
	v16 =	vadd.f32 v16, v7;
	v0 =	vadd.f32 v5, v21  }
0x1da: {  	v25 =	vmul.f32 v10, v10;
	v17 =	vadd.f32 v22, v17;
	v4 =	vadd.f32 v12, v47  }
0x1db: {  	v12 =	vmul.f32 v11, v11;
	v5 =	vadd.f32 v6, v20;
	v6 =	vadd.f32 v13, v19  }
0x1dc: {  	v13 =	vadd.f32 v26, v23;
	v22 =	vmul.f32 v41, v41;
	v23 =	vadd.f32 v25, v27  }
0x1dd: {  	v25 =	vadd.f32 v0, v5;
	v26 =	vadd.f32 v4, v6  }
0x1de: {  	(xrf2) =	vadd.scan.msk.f32 $0xffff, v17;
	v16 =	vadd.f32 v23, v16;
	v12 =	vadd.f32 v12, v22  }
0x1df: {  	(xrf2) =	vadd.scan.msk.f32 $0xffff, v13;
	v13 =	vadd.f32 v25, v26  }
0x1e0: {  	(xrf2) =	vadd.scan.msk.f32 $0xffff, v16;
	v12 =	vadd.f32 v12, v14  }
0x1e1: {  	(xrf2) =	vadd.scan.msk.f32 $0xffff, v13  }
0x1e2: {  	(xrf2) =	vadd.scan.msk.f32 $0xffff, v12;
	_ =	sdelay $0x5  }
0x1e3: {  	v12, _, _ =	vpop (xrf2)  }
0x1e4: {  	s18 =	simm.s32 $0x80;
	v13, _, _ =	vpop (xrf2)  }
0x1e5: {  	v14 =	vmov s18;
	v16, _, _ =	vpop (xrf2)  }
0x1e6: {  	v14 =	vadd.s32 $0x1900, v14;
	v13 =	vmul.f32 $1.562500000e-02, v13;
	v17, _, _ =	vpop (xrf2)  }
0x1e7: {  	v14 =	vbroadcast v14, $0x0;
	v22, _, _ =	vpop (xrf2)  }
0x1e8: {  	v23 =	vmul.f32 v13, v13;
	v22 =	vmul.f32 $1.562500000e-02, v22;
	_ =	sdelay $0x1  }
0x1e9: {  	v3 =	vmov v0;
	[tilespmem:$0x1FB30] =	vst v0;
	v0 =	vor.u32 v42, v14;
	v22 =	vsub.f32 v22, v23;
	_ =	sdelay $0x1  }
0x1ea: {  	v22 =	vadd.f32 $9.999999740e-06, v22  }
0x1eb: {  	v27 =	vmul.f32 v6, v6;
	v28 =	vmul.f32 v4, v4;
	v46 =	vor.u32 v39, v14  }
0x1ec: {  	v25 =	vmul.f32 v3, v3;
	v22 =	vbroadcast v22, $0xF  }
0x1ed: {  	v26 =	vmul.f32 v5, v5;
	v3 =	vor.u32 v1, v14;
	v48 =	vmul.f32 $1.562500000e-02, v12;
	v23 =	vld.idx.msk [tilespmem:v0+s20+$0x0], $0xffff  }
0x1ee: {  	s14 =	simm.s32 $0x140;
	[tilespmem:$0x1F9F0] =	vst v0;
	v0 =	vor.u32 v56, v14;
	v29 =	vshra.s32 v22, $0x1;
	v32 =	vmul.f32 $5.000000000e-01, v22  }
0x1ef: {  	v12 =	vmov s14;
	v22 =	vadd.f32 v25, v26;
	v25 =	vsub.s32 $0x5F3759DF, v29  }
0x1f0: {  	v14 =	vbroadcast v13, $0xF;
	v13 =	vld.idx.msk [tilespmem:v46+s20+$0x0], $0xffff;
	v26 =	vadd.f32 v28, v27;
	v27 =	vmul.f32 v25, v32  }
0x1f1: {  	v12 =	vadd.s32 $0x1900, v12;
	v16 =	vmul.f32 $1.562500000e-02, v16  }
0x1f2: {  	s14 =	simm.s32 $0x1C0;
	v50 =	vadd.f32 v23, v19;
	v22 =	vadd.f32 v22, v26;
	v23 =	vmul.f32 v25, v27  }
0x1f3: {  	[tilespmem:$0x1F9E0] =	vst v18;
	v61 =	vmov s14;
	v29 =	vmul.f32 v48, v48;
	v26 =	vld.idx.msk [tilespmem:v0+s20+$0x0], $0xffff;
	v27 =	vbroadcast v12, $0x0  }
0x1f4: {  	v18 =	vmul.f32 $1.562500000e-02, v17;
	v15 =	vsub.f32 v15, v14;
	(xrf2) =	vadd.scan.msk.f32 $0xffff, v22;
	v12 =	vsub.f32 $1.500000000e+00, v23  }
0x1f5: {  	s18 =	simm.s32 $0x100;
	v13 =	vadd.f32 v13, v47;
	v16 =	vsub.f32 v16, v29;
	v23 =	vld.idx.msk [tilespmem:v3+s20+$0x0], $0xffff;
	v44 =	vor.u32 v42, v27  }
0x1f6: {  	v30 =	vor.u32 v56, v27;
	v36 =	vmul.f32 v25, v12;
	v25 =	vmov s18  }
0x1f7: {  	[tilespmem:$0x1FA00] =	vst v0;
	v22 =	vor.u32 v1, v27;
	v0 =	vor.u32 v39, v27;
	v25 =	vadd.s32 $0x1900, v25  }
0x1f8: {  	v12 =	vadd.f32 v26, v20;
	v26 =	vbroadcast v25, $0x0;
	v27 =	vmul.f32 v36, v32;
	v32 =	vmovc v0  }
0x1f9: {  	[tilespmem:$0x1FA10] =	vst v3;
	v28 =	vmul.f32 v50, v50;
	v38 =	vmul.f32 v13, v13;
	v16 =	vadd.f32 $9.999999740e-06, v16  }
0x1fa: {  	v43 =	vadd.f32 v13, v50;
	v62 =	vld.idx.msk [tilespmem:v44+s20+$0x0], $0xffff;
	v51 =	vadd.f32 v23, v21;
	v3 =	vor.u32 v42, v26  }
0x1fb: {  	[tilespmem:$0x1FB10] =	vst v5;
	v16 =	vbroadcast v16, $0xF;
	v5 =	vld.idx.msk [tilespmem:v30+s20+$0x0], $0xffff;
	v31 =	vor.u32 v1, v26;
	v23 =	vmul.f32 v27, v36  }
0x1fc: {  	v37 =	vmul.f32 v12, v12;
	v0 =	vor.u32 v39, v26;
	v27 =	vld.idx.msk [tilespmem:v22+s20+$0x0], $0xffff;
	v45 =	vmul.f32 v51, v51  }
0x1fd: {  	[tilespmem:$0x1FB00] =	vst v4;
	v4 =	vor.u32 v56, v26;
	v52 =	vadd.f32 v51, v12;
	v17 =	vsub.f32 $1.500000000e+00, v23;
	v49 =	vld.idx.msk [tilespmem:v32+s20+$0x0], $0xffff  }
0x1fe: {  	[tilespmem:$0x1FAE0] =	vst v6;
	v23 =	vadd.f32 v38, v28;
	v63, _, _ =	vpop (xrf2);
	v38 =	vadd.s32 $0x1900, v61;
	v26 =	vadd.f32 v45, v37  }
0x1ff: {  	[tilespmem:$0x1FA20] =	vst v3;
	v34 =	vadd.f32 v52, v43;
	v45 =	vmul.f32 v18, v18;
	v60 =	vmul.f32 $1.562500000e-02, v63;
	v54 =	vld.idx.msk [tilespmem:v3+s20+$0x0], $0xffff  }
0x200: {  	v17 =	vmul.f32 v17, v36;
	v28 =	vadd.f32 v62, v19;
	v55 =	vld.idx.msk [tilespmem:v31+s20+$0x0], $0xffff;
	v23 =	vadd.f32 v26, v23  }
0x201: {  	v57 =	vbroadcast v38, $0x0;
	v38 =	vmovc v1;
	v58 =	vld.idx.msk [tilespmem:v0+s20+$0x0], $0xffff;
	v3 =	vadd.f32 v5, v20;
	v1 =	vadd.f32 v27, v21  }
0x202: {  	v6 =	vlaneseq.u32;
	v36 =	vmovc v0;
	(xrf2) =	vadd.scan.msk.f32 $0xffff, v34;
	v52 =	vsub.f32 v60, v45;
	v62 =	vld.idx.msk [tilespmem:v4+s20+$0x0], $0xffff;
	v0 =	vadd.f32 v49, v47  }
0x203: {  	[tilespmem:$0x1FA30] =	vst v4;
	v29 =	vor.u32 v39, v57;
	v26 =	vmul.f32 v17, v2;
	v27 =	vmul.f32 v28, v28  }
0x204: {  	v25 =	vor.u32 v38, v57;
	(xrf2) =	vadd.scan.msk.f32 $0xffff, v23;
	v63 =	vmul.f32 v3, v3;
	v4 =	vmul.f32 v0, v0  }
0x205: {  	v59 =	vmul.f32 v1, v1;
	v5 =	vmul.f32 v26, v15;
	v54 =	vadd.f32 v54, v19  }
0x206: {  	v55 =	vadd.f32 v55, v21;
	v15 =	vadd.f32 v4, v27;
	v27 =	vor.u32 v56, v57  }
0x207: {  	[tilespmem:$0x1FA50] =	vst v1;
	v4 =	vor.u32 v6, v57;
	v57 =	vadd.f32 v58, v47;
	v58 =	vadd.f32 v62, v20  }
0x208: {  	v61 =	vadd.f32 v1, v3;
	v43 =	vadd.f32 v59, v63;
	v23 =	vmovc v2;
	v34 =	vmul.f32 v54, v54  }
0x209: {  	v59 =	vld.idx.msk [tilespmem:v25+s20+$0x0], $0xffff;
	v62 =	vmul.f32 v57, v57;
	v2 =	vadd.f32 v57, v54;
	v1 =	vadd.f32 v55, v58  }
0x20a: {  	[tilespmem:$0x1FAF0] =	vst v5;
	v42 =	vld.idx.msk [tilespmem:v29+s20+$0x0], $0xffff;
	v7 =	vadd.f32 v43, v15;
	v15 =	vmul.f32 $5.000000000e-01, v16;
	v16 =	vshra.s32 v16, $0x1  }
0x20b: {  	v52 =	vadd.f32 $9.999999740e-06, v52;
	[tilespmem:$0x1FA40] =	vst v0;
	v16 =	vsub.s32 $0x5F3759DF, v16;
	v5 =	vadd.f32 v1, v2;
	v2 =	vld [tilespmem:$0x1FF70]  }
0x20c: {  	v60 =	vadd.f32 v0, v28;
	v0, _, _ =	vpop (xrf2);
	v62 =	vadd.f32 v62, v34;
	v34 =	vmul.f32 v16, v15;
	v63 =	vld.idx.msk [tilespmem:v27+s20+$0x0], $0xffff  }
0x20d: {  	v40 =	vsub.f32 v40, v14;
	v6 =	vmul.f32 $1.562500000e-02, v0;
	v37 =	vld.idx.msk [tilespmem:v4+s20+$0x0], $0xffff  }
0x20e: {  	v52 =	vbroadcast v52, $0xF;
	v8 =	vadd.f32 v59, v21;
	v49, _, _ =	vpop (xrf2);
	v59 =	vmul.f32 v16, v34;
	v34 =	vld [tilespmem:$0x1FF80]  }
0x20f: {  	v60 =	vadd.f32 v61, v60;
	v61 =	vmul.f32 $1.562500000e-02, v49;
	v0 =	vmul.f32 v6, v6  }
0x210: {  	[tilespmem:$0x1FA70] =	vst v4;
	v26 =	vadd.f32 v42, v47;
	v4 =	vsub.f32 v41, v14;
	v1 =	vmul.f32 v17, v2  }
0x211: {  	[tilespmem:$0x1FA60] =	vst v3;
	v3 =	vmul.f32 v55, v55;
	v61 =	vsub.f32 v61, v0;
	v59 =	vsub.f32 $1.500000000e+00, v59  }
0x212: {  	[tilespmem:$0x1FA80] =	vst v21;
	v21 =	vadd.f32 v63, v20;
	v41 =	vadd.f32 v37, v19;
	v49 =	vmul.f32 v1, v40  }
0x213: {  	(xrf2) =	vadd.scan.msk.f32 $0xffff, v60;
	v61 =	vadd.f32 $9.999999740e-06, v61;
	v40 =	vmovc v2;
	v37 =	vmul.f32 v17, v34;
	v2 =	vmul.f32 v58, v58  }
0x214: {  	(xrf2) =	vadd.scan.msk.f32 $0xffff, v5;
	v5 =	vmul.f32 $5.000000000e-01, v52;
	v1 =	vadd.f32 v8, v21;
	v0 =	vadd.f32 v26, v41  }
0x215: {  	v2 =	vadd.f32 v3, v2;
	v43 =	vmul.f32 v37, v4;
	v3 =	vbroadcast v61, $0xF  }
0x216: {  	v4 =	vshra.s32 v52, $0x1;
	v37 =	vld [tilespmem:$0x1FF50];
	v0 =	vadd.f32 v1, v0;
	v1 =	vmul.f32 v16, v59  }
0x217: {  	(xrf2) =	vadd.scan.msk.f32 $0xffff, v7;
	v4 =	vsub.s32 $0x5F3759DF, v4;
	v16 =	vmul.f32 v21, v21;
	v2 =	vadd.f32 v2, v62  }
0x218: {  	v59 =	vmul.f32 v26, v26;
	v7 =	vshra.s32 v3, $0x1;
	v3 =	vmul.f32 $5.000000000e-01, v3;
	(xrf2) =	vadd.scan.msk.f32 $0xffff, v0  }
0x219: {  	v0 =	vmul.f32 v1, v15;
	(xrf2) =	vadd.scan.msk.f32 $0xffff, v2;
	v2 =	vsub.s32 $0x5F3759DF, v7;
	v7 =	vmul.f32 v4, v5  }
0x21a: {  	v15 =	vmul.f32 v8, v8;
	v42 =	vmul.f32 v2, v3  }
0x21b: {  	v11 =	vsub.f32 v11, v14;
	v14 =	vmul.f32 v17, v37;
	v7 =	vmul.f32 v4, v7  }
0x21c: {  	v0 =	vmul.f32 v0, v1;
	v17 =	vmul.f32 v41, v41  }
0x21d: {  	v15 =	vadd.f32 v15, v16;
	v16 =	vmul.f32 v2, v42;
	v7 =	vsub.f32 $1.500000000e+00, v7  }
0x21e: {  	v60 =	vmul.f32 v14, v11;
	v0 =	vsub.f32 $1.500000000e+00, v0;
	v14 =	vadd.f32 v59, v17  }
0x21f: {  	v4 =	vmul.f32 v4, v7;
	v7 =	vsub.f32 $1.500000000e+00, v16  }
0x220: {  	v6 =	vbroadcast v6, $0xF;
	v0 =	vmul.f32 v0, v1;
	v14 =	vadd.f32 v15, v14  }
0x221: {  	[tilespmem:$0x1FAB0] =	vst v41;
	v15 =	vbroadcast v48, $0xF;
	v16, _, _ =	vpop (xrf2);
	v2 =	vmul.f32 v2, v7  }
0x222: {  	v1 =	vsub.f32 v50, v6;
	(xrf2) =	vadd.scan.msk.f32 $0xffff, v14;
	v14 =	vmul.f32 v0, v23;
	v41 =	vmul.f32 $1.562500000e-02, v16  }
0x223: {  	v10 =	vsub.f32 v10, v15;
	v16, _, _ =	vpop (xrf2);
	v5 =	vmul.f32 v4, v5;
	v3 =	vmul.f32 v2, v3  }
0x224: {  	v42 =	vmul.f32 v0, v37;
	v7 =	vsub.f32 v12, v6;
	v16 =	vmul.f32 $1.562500000e-02, v16  }
0x225: {  	v12 =	vsub.f32 v13, v6;
	v13, _, _ =	vpop (xrf2);
	v5 =	vmul.f32 v5, v4;
	v3 =	vmul.f32 v3, v2  }
0x226: {  	v9 =	vsub.f32 v9, v15;
	v13 =	vmul.f32 $1.562500000e-02, v13;
	v17 =	vmul.f32 v41, v41;
	v61, _, _ =	vpop (xrf2)  }
0x227: {  	v59 =	vmul.f32 v42, v10;
	v62, _, _ =	vpop (xrf2);
	v5 =	vsub.f32 $1.500000000e+00, v5;
	v3 =	vsub.f32 $1.500000000e+00, v3  }
0x228: {  	v63 =	vmul.f32 v16, v16;
	v13 =	vsub.f32 v13, v17;
	v17 =	vmul.f32 $1.562500000e-02, v62  }
0x229: {  	v6 =	vsub.f32 v51, v6;
	v4 =	vmul.f32 v5, v4;
	v5 =	vld [tilespmem:$0x1FAD0];
	v2 =	vmul.f32 v3, v2  }
0x22a: {  	v10 =	vbroadcast v16, $0xF;
	v16 =	vmul.f32 v0, v34;
	v3 =	vsub.f32 v53, v15  }
0x22b: {  	v51 =	vmul.f32 v14, v9;
	v14 =	vsub.f32 v17, v63;
	v17 =	vmul.f32 v2, v23  }
0x22c: {  	[tilespmem:$0x1FA90] =	vst v8;
	v8 =	vmul.f32 v16, v3;
	v3 =	vmul.f32 v2, v34  }
0x22d: {  	[tilespmem:$0x1FAC0] =	vst v26;
	v26 =	vsub.f32 v58, v10;
	v58 =	vmul.f32 v17, v1;
	v1 =	vadd.f32 $9.999999740e-06, v14  }
0x22e: {  	s18 =	simm.s32 $0x180;
	v5 =	vsub.f32 v5, v15;
	v9 =	vmul.f32 v3, v7;
	v14 =	vmul.f32 v2, v40  }
0x22f: {  	v16, _, _ =	vpop (xrf2);
	v15 =	vmov s18;
	v3 =	vmul.f32 $1.562500000e-02, v61;
	v1 =	vbroadcast v1, $0xF  }
0x230: {  	v12 =	vmul.f32 v14, v12;
	v14 =	vadd.s32 $0x1900, v15;
	v15 =	vmul.f32 $1.562500000e-02, v16  }
0x231: {  	v16 =	vshra.s32 v1, $0x1;
	v53 =	vmul.f32 $5.000000000e-01, v1;
	v1 =	vmul.f32 v3, v3  }
0x232: {  	v16 =	vsub.s32 $0x5F3759DF, v16  }
0x233: {  	v17 =	vsub.f32 v15, v1;
	v1 =	vmul.f32 v16, v53;
	_ =	sdelay $0x1  }
0x234: {  	v1 =	vmul.f32 v16, v1;
	_ =	sdelay $0x1  }
0x235: {  	v1 =	vsub.f32 $1.500000000e+00, v1;
	_ =	sdelay $0x1  }
0x236: {  	v61 =	vmul.f32 v16, v1;
	v1 =	vld [tilespmem:$0x1FB00]  }
0x237: {  	v0 =	vmul.f32 v0, v40  }
0x238: {  	v62 =	vbroadcast v18, $0xF  }
0x239: {  	v63 =	vmul.f32 v0, v5;
	v0 =	vmul.f32 v2, v37  }
0x23a: {  	v2 =	vld [tilespmem:$0x1FAE0]  }
0x23b: {  	v15 =	vmul.f32 v0, v6;
	v0 =	vadd.f32 $9.999999740e-06, v13;
	v6 =	vsub.f32 v1, v62;
	v1 =	vld [tilespmem:$0x1FB10];
	_ =	sdelay $0x1  }
0x23c: {  	v0 =	vbroadcast v0, $0xF  }
0x23d: {  	v42 =	vsub.f32 v55, v10  }
0x23e: {  	[tilespmem:$0x1FAA0] =	vst v21;
	v21 =	vld [tilespmem:$0x1FFA0];
	v5 =	vmul.f32 v4, v23;
	v2 =	vsub.f32 v2, v62;
	v55 =	vmul.f32 $5.000000000e-01, v0  }
0x23f: {  	v7 =	vld [tilespmem:$0x1FB20];
	v13 =	vsub.f32 v1, v62;
	v1 =	vshra.s32 v0, $0x1;
	v0 =	vmul.f32 v4, v40  }
0x240: {  	v18 =	vmul.f32 v5, v2;
	v2 =	vld [tilespmem:$0x1FAF0]  }
0x241: {  	v11 =	vmul.f32 v0, v6;
	v6 =	vld [tilespmem:$0x1FB40];
	_ =	sdelay $0x3  }
0x242: {  	v2 =	vadd.f32 v2, v21;
	_ =	sdelay $0x1  }
0x243: {  	v5 =	vadd.f32 v49, v24;
	[tilespmem:v7+s29+$0x0] =	vst.idx.msk $0xffff, v2;
	v2 =	vadd.f32 $9.999999740e-06, v17;
	v17 =	vmul.f32 v4, v34;
	_ =	sdelay $0x1  }
0x244: {  	[tilespmem:v6+s29+$0x0] =	vst.idx.msk $0xffff, v5;
	v5 =	vmul.f32 v17, v13;
	v13 =	vbroadcast v2, $0xF;
	v2 =	vld [tilespmem:$0x1FFB0];
	_ =	sdelay $0x1  }
0x245: {  	v1 =	vsub.s32 $0x5F3759DF, v1  }
0x246: {  	v0 =	vmul.f32 v1, v55;
	_ =	sdelay $0x1  }
0x247: {  	v2 =	vadd.f32 v60, v2;
	v60 =	vmul.f32 v1, v0;
	v0 =	vld [tilespmem:$0x1FB60]  }
0x248: {  	v23 =	vld [tilespmem:$0x1FF90]  }
0x249: {  	v14 =	vbroadcast v14, $0x0  }
0x24a: {  	v45 =	vlaneseq.u32  }
0x24b: {  	v50 =	vor.u32 v45, v14  }
0x24c: {  	v52 =	vsub.f32 v57, v10;
	v57 =	vor.u32 v56, v14  }
0x24d: {  	v7 =	vld [tilespmem:$0x1FB30];
	v6 =	vadd.f32 v43, v23  }
0x24e: {  	v48 =	vor.u32 v39, v14  }
0x24f: {  	[tilespmem:v0+s29+$0x0] =	vst.idx.msk $0xffff, v6;
	v6 =	vld [tilespmem:$0x1FB70]  }
0x250: {  	v45 =	vld.idx.msk [tilespmem:v50+s20+$0x0], $0xffff  }
0x251: {  	v54 =	vsub.f32 v54, v10;
	v10 =	vld.idx.msk [tilespmem:v57+s20+$0x0], $0xffff  }
0x252: {  	v16 =	vsub.f32 v7, v62;
	v62 =	vadd.f32 v9, v23;
	v9 =	vor.u32 v38, v14;
	v14 =	vld [tilespmem:$0x1FBA0]  }
0x253: {  	v7 =	vld.idx.msk [tilespmem:v48+s20+$0x0], $0xffff;
	_ =	sdelay $0x2  }
0x254: {  	[tilespmem:$0x1FB80] =	vst v20;
	v49 =	vadd.f32 v45, v19;
	v0 =	vshra.s32 v13, $0x1  }
0x255: {  	v17 =	vadd.f32 v8, v23;
	v8 =	vadd.f32 v51, v21;
	[tilespmem:v6+s29+$0x0] =	vst.idx.msk $0xffff, v2;
	v2 =	vsub.s32 $0x5F3759DF, v0  }
0x256: {  	[tilespmem:$0x1FB50] =	vst v19;
	v0 =	vadd.f32 v10, v20;
	v6 =	vmul.f32 v4, v37;
	v4 =	vadd.f32 v7, v47  }
0x257: {  	[tilespmem:$0x1FB90] =	vst v47;
	v7 =	vadd.f32 v63, v24;
	v10 =	vadd.f32 v18, v21;
	v63 =	vmul.f32 v61, v53  }
0x258: {  	s18 =	simm.s32 $0x8;
	v53 =	vbroadcast v41, $0xF;
	[tilespmem:v14+s29+$0x0] =	vst.idx.msk $0xffff, v8;
	v8 =	vadd.f32 v11, v24;
	v11 =	vmul.f32 v49, v49  }
.LBB2_7:
0x259: {  	v19 =	vld [tilespmem:$0x1F9B0];
	_ =	sdelay $0x6  }
0x25a: {  	v45 =	vld [tilespmem:$0x1FF90]  }
0x25b: {  	[tilespmem:v19+s29+$0x0] =	vst.idx.msk $0xffff, v7;
	v19 =	vld [tilespmem:$0x1F9C0];
	_ =	sdelay $0x4  }
0x25c: {  	v18 =	vadd.f32 v5, v45;
	v5 =	vmul.f32 v6, v16;
	v6 =	vmov v44  }
0x25d: {  	s16 =	sshll.u32 s18, $0x6;
	[tilespmem:$0x1F990] =	vst v6;
	v7 =	vmov v32  }
0x25e: {  	s14 =	sadd.s32 $0x40, s16;
	v6 =	vmov s16;
	[tilespmem:$0x1F9B0] =	vst v7  }
0x25f: {  	v6 =	vadd.s32 $0x1900, v6;
	v7 =	vmov s14;
	[tilespmem:v19+s29+$0x0] =	vst.idx.msk $0xffff, v17;
	v19 =	vmov v30  }
0x260: {  	[tilespmem:$0x1F9C0] =	vst v19;
	v19 =	vbroadcast v6, $0x0;
	v6 =	vadd.s32 $0x1900, v7;
	v7 =	vld [tilespmem:$0x1F9A0]  }
0x261: {  	v47 =	vmov v42;
	v42 =	vld [tilespmem:$0x1FFB0];
	_ =	sdelay $0x4  }
0x262: {  	v14 =	vadd.f32 v59, v42;
	_ =	sdelay $0x1  }
0x263: {  	[tilespmem:v7+s29+$0x0] =	vst.idx.msk $0xffff, v14;
	v14 =	vbroadcast v6, $0x0;
	v6 =	vld [tilespmem:$0x1F9F0]  }
0x264: {  	v51 =	vld [tilespmem:$0x1FFA0];
	_ =	sdelay $0x4  }
0x265: {  	v17 =	vadd.f32 v58, v51  }
0x266: {  	v12 =	vadd.f32 v12, v24  }
0x267: {  	v58 =	vbroadcast v3, $0xF;
	v3 =	vld [tilespmem:$0x1FA00];
	[tilespmem:v6+s29+$0x0] =	vst.idx.msk $0xffff, v17  }
0x268: {  	[tilespmem:v46+s29+$0x0] =	vst.idx.msk $0xffff, v12;
	v12 =	vld [tilespmem:$0x1FA10];
	_ =	sdelay $0x5  }
0x269: {  	v15 =	vadd.f32 v15, v42;
	v32 =	vlaneseq.u32  }
0x26a: {  	v23 =	vor.u32 v32, v14;
	[tilespmem:v3+s29+$0x0] =	vst.idx.msk $0xffff, v62  }
0x26b: {  	[tilespmem:v12+s29+$0x0] =	vst.idx.msk $0xffff, v15;
	v15 =	vld [tilespmem:$0x1F9E0]  }
0x26c: {  	s14 =	sadd.s32 $0xC0, s16  }
0x26d: {  	[tilespmem:$0x1F930] =	vst v31;
	v20 =	vld.idx.msk [tilespmem:v9+s20+$0x0], $0xffff;
	v41 =	vmov v22;
	v31 =	vor.u32 v56, v14;
	v3 =	vmov s14  }
0x26e: {  	[tilespmem:$0x1F9A0] =	vst v41;
	v41 =	vld [tilespmem:$0x1FA80];
	v30 =	vor.u32 v38, v19;
	v44 =	vor.u32 v39, v14;
	v24 =	vadd.s32 $0x1900, v3;
	v12 =	vmovc v29  }
0x26f: {  	v17 =	vadd.f32 v5, v42;
	v5 =	vor.u32 v38, v14;
	v14 =	vbroadcast v24, $0x0;
	[tilespmem:$0x1F980] =	vst v12;
	v12 =	vld.idx.msk [tilespmem:v23+s20+$0x0], $0xffff  }
0x270: {  	v21 =	vmul.f32 v4, v4;
	[tilespmem:$0x1F940] =	vst v23;
	v6 =	vor.u32 v39, v19;
	v23 =	vld [tilespmem:$0x1F9D0]  }
0x271: {  	[tilespmem:$0x1F960] =	vst v30;
	v3 =	vmov v27;
	v27 =	vor.u32 v56, v14  }
0x272: {  	v11 =	vadd.f32 v21, v11;
	v7 =	vor.u32 v32, v19;
	v46 =	vld.idx.msk [tilespmem:v31+s20+$0x0], $0xffff;
	[tilespmem:$0x1F970] =	vst v3  }
0x273: {  	v16 =	vmul.f32 v0, v0;
	v62 =	vld.idx.msk [tilespmem:v30+s20+$0x0], $0xffff;
	[tilespmem:v15+s29+$0x0] =	vst.idx.msk $0xffff, v10;
	v15 =	vmov v50  }
0x274: {  	v59 =	vmul.f32 $5.000000000e-01, v13;
	v13 =	vmul.f32 v63, v61;
	s16 =	sadd.s32 $0x80, s16;
	v30 =	vld [tilespmem:$0x1FFC0];
	v3 =	vadd.f32 v20, v41;
	[tilespmem:$0x1F9F0] =	vst v15  }
0x275: {  	v22 =	vmov s16;
	v43 =	vor.u32 v39, v14;
	v10 =	vmov v48;
	[tilespmem:v35+s29+$0x0] =	vst.idx.msk $0xffff, v8;
	v35 =	vld.idx.msk [tilespmem:v6+s20+$0x0], $0xffff  }
0x276: {  	[tilespmem:$0x1F920] =	vst v10;
	v10 =	vadd.s32 $0x1900, v22;
	v15 =	vor.u32 v38, v14;
	v38 =	vor.u32 v32, v14;
	v14 =	vld.idx.msk [tilespmem:v27+s20+$0x0], $0xffff  }
0x277: {  	v21 =	vmul.f32 v3, v3;
	v8 =	vbroadcast v10, $0x0;
	v10 =	vsub.f32 $1.500000000e+00, v13;
	[tilespmem:v33+s29+$0x0] =	vst.idx.msk $0xffff, v18;
	v18 =	vld.idx.msk [tilespmem:v7+s20+$0x0], $0xffff  }
0x278: {  	v60 =	vsub.f32 $1.500000000e+00, v60;
	[tilespmem:v23+s29+$0x0] =	vst.idx.msk $0xffff, v17;
	v17 =	vld.idx.msk [tilespmem:v44+s20+$0x0], $0xffff;
	v23 =	vmov v25  }
0x279: {  	v16 =	vadd.f32 v21, v16;
	v20 =	vmul.f32 v10, v61;
	v10 =	vor.u32 v56, v19;
	[tilespmem:$0x1F9D0] =	vst v23;
	v23 =	vld [tilespmem:$0x1FA70]  }
0x27a: {  	v1 =	vmul.f32 v1, v60;
	v13 =	vadd.f32 v4, v49;
	v25 =	vld [tilespmem:$0x1FB80];
	v56 =	vadd.f32 v3, v0  }
0x27b: {  	v21 =	vmul.f32 v2, v59;
	v11 =	vadd.f32 v16, v11;
	v50 =	vor.u32 v32, v8;
	v19 =	vld.idx.msk [tilespmem:v5+s20+$0x0], $0xffff  }
0x27c: {  	v16 =	vadd.f32 v62, v41;
	v29 =	vadd.f32 v56, v13;
	v56 =	vmul.f32 v20, v40;
	v40 =	vld [tilespmem:$0x1FB50]  }
0x27d: {  	v21 =	vmul.f32 v2, v21;
	v24 =	vmov v15;
	v48 =	vor.u32 v39, v8;
	v15 =	vld.idx.msk [tilespmem:v15+s20+$0x0], $0xffff  }
0x27e: {  	[tilespmem:$0x1F950] =	vst v24;
	v61 =	vsub.f32 v28, v53;
	v39 =	vmul.f32 v16, v16;
	v22 =	vmov v23;
	v23 =	vld.idx.msk [tilespmem:v10+s20+$0x0], $0xffff  }
0x27f: {  	v28 =	vmul.f32 v20, v30;
	v24 =	vmul.f32 v20, v34;
	v13 =	vmovc v57;
	(xrf2) =	vadd.scan.msk.f32 $0xffff, v29;
	[tilespmem:$0x1F9E0] =	vst v22;
	v22 =	vld [tilespmem:$0x1FB90]  }
0x280: {  	v21 =	vsub.f32 $1.500000000e+00, v21;
	v20 =	vmul.f32 v20, v37;
	[tilespmem:$0x1FA00] =	vst v13;
	v19 =	vadd.f32 v19, v41;
	v32 =	vld.idx.msk [tilespmem:v50+s20+$0x0], $0xffff  }
0x281: {  	(xrf2) =	vadd.scan.msk.f32 $0xffff, v11;
	v13 =	vadd.f32 v18, v40;
	v18 =	vmul.f32 v28, v54;
	v54 =	vadd.f32 v46, v25  }
0x282: {  	[tilespmem:$0x1FA70] =	vst v38;
	v24 =	vmul.f32 v24, v26;
	v20 =	vmul.f32 v20, v47;
	v28 =	vadd.f32 v12, v40  }
0x283: {  	v29 =	vmovc v9;
	v34 =	vmul.f32 v19, v19;
	v9 =	vadd.f32 v15, v41;
	v33 =	vadd.f32 v19, v54  }
0x284: {  	[tilespmem:$0x1FA10] =	vst v29;
	v63 =	vmul.f32 v54, v54;
	v23 =	vadd.f32 v23, v25;
	v12 =	vadd.f32 v17, v22  }
0x285: {  	v11 =	vmul.f32 v28, v28;
	v32 =	vadd.f32 v32, v40;
	v29 =	vadd.f32 v35, v22;
	v35 =	vld.idx.msk [tilespmem:v43+s20+$0x0], $0xffff  }
0x286: {  	v38 =	vld.idx.msk [tilespmem:v38+s20+$0x0], $0xffff;
	v34 =	vadd.f32 v34, v63;
	v57 =	vmul.f32 v12, v12;
	v62 =	vadd.f32 v12, v28  }
0x287: {  	v46 =	vmovc v36;
	v17 =	vmul.f32 v13, v13;
	v15 =	vadd.f32 v16, v23;
	v36 =	vadd.f32 v29, v13  }
0x288: {  	v41 =	vld [tilespmem:$0x1FF60];
	v37 =	vmul.f32 v29, v29;
	v57 =	vadd.f32 v57, v11;
	v11 =	vadd.f32 v33, v62  }
0x289: {  	v33 =	vmul.f32 v56, v52;
	v15 =	vadd.f32 v15, v36;
	v56, _, _ =	vpop (xrf2);
	v62 =	vadd.f32 v18, v51  }
0x28a: {  	v18 =	vadd.f32 v35, v22;
	v35 =	vadd.f32 v14, v25;
	v14 =	vmul.f32 $1.562500000e-02, v56;
	(xrf2) =	vadd.scan.msk.f32 $0xffff, v11  }
0x28b: {  	v17 =	vadd.f32 v37, v17;
	v36 =	vmul.f32 v23, v23;
	v37 =	vadd.f32 v38, v40;
	v56, _, _ =	vpop (xrf2)  }
0x28c: {  	v34 =	vadd.f32 v34, v57;
	(xrf2) =	vadd.scan.msk.f32 $0xffff, v15;
	v15 =	vmul.f32 $1.562500000e-02, v56;
	v57 =	vmul.f32 v14, v14  }
0x28d: {  	v52 =	vmul.f32 v9, v9;
	v63 =	vadd.f32 v33, v41;
	v38 =	vmul.f32 v35, v35  }
0x28e: {  	v33 =	vadd.f32 v9, v35;
	v56 =	vmul.f32 v37, v37;
	v15 =	vsub.f32 v15, v57  }
0x28f: {  	v40 =	vadd.f32 v18, v37;
	v41 =	vmul.f32 v18, v18;
	v57 =	vadd.f32 v39, v36  }
0x290: {  	v14 =	vbroadcast v14, $0xF;
	(xrf2) =	vadd.scan.msk.f32 $0xffff, v34;
	v38 =	vadd.f32 v52, v38;
	v15 =	vadd.f32 $9.999999740e-06, v15  }
0x291: {  	v11 =	vmul.f32 v32, v32;
	v33 =	vadd.f32 v33, v40;
	v17 =	vadd.f32 v57, v17  }
0x292: {  	v40 =	vbroadcast v15, $0xF;
	v15 =	vsub.f32 v3, v14;
	v3 =	vadd.f32 v41, v56  }
0x293: {  	v36 =	vsub.f32 v49, v14;
	v49 =	vmovc v32;
	v32 =	vsub.f32 v0, v14;
	(xrf2) =	vadd.scan.msk.f32 $0xffff, v33  }
0x294: {  	v34 =	vsub.f32 v4, v14;
	v3 =	vadd.f32 v38, v3;
	v0, _, _ =	vpop (xrf2);
	(xrf2) =	vadd.scan.msk.f32 $0xffff, v17;
	v17 =	vmul.f32 v1, v55  }
0x295: {  	v4 =	vadd.f32 v24, v45;
	v33 =	vmul.f32 $5.000000000e-01, v40;
	v14 =	vmul.f32 $1.562500000e-02, v0  }
0x296: {  	v55 =	vld [tilespmem:$0x1FAB0];
	v0 =	vadd.f32 v20, v42;
	v20 =	vshra.s32 v40, $0x1;
	v24, _, _ =	vpop (xrf2);
	(xrf2) =	vadd.scan.msk.f32 $0xffff, v3;
	v3 =	vmul.f32 v17, v1  }
0x297: {  	v42 =	vld [tilespmem:$0x1FA50];
	v20 =	vsub.s32 $0x5F3759DF, v20  }
0x298: {  	v2 =	vmul.f32 v2, v21;
	v21 =	vmovc v19;
	v19 =	vmul.f32 v20, v33;
	v3 =	vsub.f32 $1.500000000e+00, v3  }
0x299: {  	v24 =	vmul.f32 $1.562500000e-02, v24;
	v47 =	vmul.f32 v14, v14  }
0x29a: {  	v52, _, _ =	vpop (xrf2);
	v19 =	vmul.f32 v20, v19;
	v39 =	vmul.f32 v3, v1  }
0x29b: {  	[tilespmem:$0x1FA50] =	vst v21;
	v40 =	vmul.f32 $1.562500000e-02, v52;
	v21 =	vbroadcast v24, $0xF;
	v41 =	vsub.f32 v55, v58  }
0x29c: {  	v26 =	vmovc v54;
	v17 =	vld [tilespmem:$0x1FA60];
	v38 =	vsub.f32 v42, v53;
	v1 =	vsub.f32 $1.500000000e+00, v19;
	v19 =	vmul.f32 v39, v30  }
0x29d: {  	[tilespmem:$0x1FA60] =	vst v26;
	v52 =	vsub.f32 v29, v21;
	v29 =	vsub.f32 v40, v47;
	v40 =	vld [tilespmem:$0x1FAA0];
	v47 =	vmovc v18;
	v18 =	vmov v35  }
0x29e: {  	v60, _, _ =	vpop (xrf2);
	v54 =	vsub.f32 v13, v21;
	v26 =	vsub.f32 v23, v21;
	[tilespmem:$0x1FAA0] =	vst v18;
	v18 =	vmul.f32 v19, v61;
	v19 =	vld [tilespmem:$0x1FA40]  }
0x29f: {  	v42 =	vsub.f32 v16, v21;
	v3 =	vmul.f32 $1.562500000e-02, v60;
	v20 =	vmul.f32 v20, v1;
	v23, _, _ =	vpop (xrf2)  }
0x2a0: {  	v16 =	vadd.f32 $9.999999740e-06, v29;
	v1 =	vmul.f32 v24, v24;
	v23 =	vmul.f32 $1.562500000e-02, v23  }
0x2a1: {  	v13 =	vmul.f32 v2, v59;
	v17 =	vsub.f32 v17, v53;
	v21 =	vmul.f32 v3, v3  }
0x2a2: {  	v16 =	vbroadcast v16, $0xF;
	v29 =	vmul.f32 v20, v33;
	v1 =	vsub.f32 v23, v1;
	v23 =	vld [tilespmem:$0x1FF50]  }
0x2a3: {  	v13 =	vmul.f32 v13, v2;
	v19 =	vsub.f32 v19, v53;
	v53 =	vmov v12;
	v12, _, _ =	vpop (xrf2)  }
0x2a4: {  	v59 =	vld [tilespmem:$0x1FF80];
	v55 =	vshra.s32 v16, $0x1;
	v29 =	vmul.f32 v29, v20;
	v12 =	vmul.f32 $1.562500000e-02, v12  }
0x2a5: {  	v13 =	vsub.f32 $1.500000000e+00, v13;
	v60 =	vadd.f32 $9.999999740e-06, v1;
	v1 =	vsub.s32 $0x5F3759DF, v55  }
0x2a6: {  	v55 =	vmul.f32 $5.000000000e-01, v16;
	v12 =	vsub.f32 v12, v21;
	v21 =	vsub.f32 $1.500000000e+00, v29  }
0x2a7: {  	v24 =	vld [tilespmem:$0x1FAC0];
	v16 =	vbroadcast v60, $0xF;
	v23 =	vmul.f32 v39, v23  }
0x2a8: {  	v20 =	vmul.f32 v21, v20;
	v21 =	vmul.f32 v13, v2;
	v13 =	vld [tilespmem:$0x1FF80]  }
0x2a9: {  	v57 =	vmovc v37;
	v37 =	vmul.f32 v39, v59;
	v35 =	vmul.f32 $5.000000000e-01, v16;
	v2 =	vshra.s32 v16, $0x1;
	v16 =	vld [tilespmem:$0x1FA90]  }
0x2aa: {  	v33 =	vsub.f32 v40, v58;
	v40 =	vld [tilespmem:$0x1FF70];
	v59 =	vmul.f32 v23, v38;
	v23 =	vmul.f32 v1, v55  }
0x2ab: {  	v29 =	vadd.f32 $9.999999740e-06, v12;
	v12 =	vmul.f32 v37, v17;
	v37 =	vld [tilespmem:$0x1FF50]  }
0x2ac: {  	v60 =	vmul.f32 v1, v23;
	v23 =	vsub.s32 $0x5F3759DF, v2;
	v2 =	vmul.f32 v20, v30  }
0x2ad: {  	v13 =	vmul.f32 v20, v13  }
0x2ae: {  	v24 =	vsub.f32 v24, v58;
	v16 =	vsub.f32 v16, v58;
	v58 =	vmul.f32 v2, v36  }
0x2af: {  	v2 =	vmul.f32 v13, v32;
	v13 =	vbroadcast v29, $0xF;
	v29 =	vld [tilespmem:$0x1FA20]  }
0x2b0: {  	[tilespmem:$0x1FA40] =	vst v53;
	v61 =	vmul.f32 v20, v40;
	v53 =	vmul.f32 v20, v37;
	v20 =	vmov v7  }
0x2b1: {  	[tilespmem:$0x1FA20] =	vst v20;
	v20 =	vld [tilespmem:$0x1FA30];
	_ =	sdelay $0x5  }
0x2b2: {  	[tilespmem:v29+s29+$0x0] =	vst.idx.msk $0xffff, v62  }
0x2b3: {  	[tilespmem:v46+s29+$0x0] =	vst.idx.msk $0xffff, v63  }
0x2b4: {  	[tilespmem:v20+s29+$0x0] =	vst.idx.msk $0xffff, v4;
	v4 =	vld [tilespmem:$0x1F930];
	_ =	sdelay $0x6  }
0x2b5: {  	v38 =	vld.idx.msk [tilespmem:v48+s20+$0x0], $0xffff  }
0x2b6: {  	[tilespmem:v4+s29+$0x0] =	vst.idx.msk $0xffff, v0;
	v4 =	vld [tilespmem:$0x1F960];
	_ =	sdelay $0x1  }
0x2b7: {  	v56 =	vld [tilespmem:$0x1FFE0];
	_ =	sdelay $0x1  }
0x2b8: {  	v17 =	vmul.f32 v23, v35;
	v62 =	vadd.f32 v2, v45  }
0x2b9: {  	v2 =	vmul.f32 v21, v30;
	v30 =	vmovc v31;
	v31 =	vmov v4;
	v4 =	vadd.f32 v38, v22;
	v38 =	vld [tilespmem:$0x1FFF0]  }
0x2ba: {  	[tilespmem:$0x1FAC0] =	vst v47;
	v47 =	vmovc v9;
	v9 =	vmul.f32 v23, v17;
	v36 =	vmul.f32 v39, v40;
	v22 =	vmov v5;
	v5 =	vld [tilespmem:$0x1FF60]  }
0x2bb: {  	[tilespmem:$0x1FAB0] =	vst v57;
	v57 =	vor.u32 v56, v8  }
0x2bc: {  	v19 =	vmul.f32 v36, v19;
	v7 =	vsub.f32 $1.500000000e+00, v9;
	v9 =	vshra.s32 v13, $0x1  }
0x2bd: {  	v20 =	vmul.f32 v2, v41;
	v2 =	vsub.s32 $0x5F3759DF, v9;
	v9 =	vmul.f32 v21, v40  }
0x2be: {  	v17 =	vadd.f32 v12, v45;
	v12 =	vmul.f32 v61, v34;
	v34 =	vld [tilespmem:$0x1FF80];
	v61 =	vmul.f32 v23, v7  }
0x2bf: {  	v7 =	vadd.f32 v19, v5;
	v19 =	vmul.f32 v9, v24;
	v9 =	vor.u32 v38, v8;
	v8 =	vld [tilespmem:$0x1F990]  }
0x2c0: {  	v32 =	vld.idx.msk [tilespmem:v57+s20+$0x0], $0xffff  }
0x2c1: {  	v39 =	vld [tilespmem:$0x1FFD0]  }
0x2c2: {  	p2 =	slt.u32 s18, $0x60;
	v24 =	vld [tilespmem:$0x1FF60]  }
.Ltmp4:
0x2c3: {  	v46 =	vld [tilespmem:$0x1F920];
	(pc) =	sbr.rel @p2 .LBB2_7-.Ltmp4, $4  }
0x2c4: {  	v18 =	vadd.f32 v18, v51;
	v15 =	vmul.f32 v53, v15;
	v63 =	vmul.f32 v61, v35;
	v35 =	vld [tilespmem:$0x1F980]  }
0x2c5: {  	[tilespmem:$0x1FA90] =	vst v47;
	v53 =	vmul.f32 v21, v34;
	v0 =	vadd.f32 v32, v25;
	v32 =	vmovc v44;
	v44 =	vld [tilespmem:$0x1F940];
	v5 =	vmov v10  }
0x2c6: {  	v36 =	vmovc v6;
	v6 =	vmul.f32 v21, v37;
	v29 =	vmov v43;
	v25 =	vld [tilespmem:$0x1F950];
	v10 =	vadd.f32 v20, v51;
	[tilespmem:$0x1FA30] =	vst v5  }
0x2c7: {  	s18 =	sadd.s32 $0x4, s18;
	v5 =	vmul.f32 v53, v33;
	v33 =	vld [tilespmem:$0x1F970];
	v53 =	vbroadcast v14, $0xF;
	[tilespmem:v8+s29+$0x0] =	vst.idx.msk $0xffff, v18;
	v8 =	vadd.f32 v19, v24  }
0x2c8: {  	_ =	sdelay $0x3  }
0x2c9: {  	v14 =	vld.idx.msk [tilespmem:v9+s20+$0x0], $0xffff  }
0x2ca: {  	v18 =	vld [tilespmem:$0x1FA80];
	_ =	sdelay $0x4  }
0x2cb: {  	v14 =	vadd.f32 v14, v18;
	_ =	sdelay $0x1  }
0x2cc: {  	v19 =	vmul.f32 v4, v4;
	v20 =	vadd.f32 v4, v49;
	v23 =	vadd.f32 v14, v0;
	_ =	sdelay $0x1  }
0x2cd: {  	v11 =	vadd.f32 v19, v11;
	v19 =	vadd.f32 v23, v20;
	v20 =	vld [tilespmem:$0x1F9B0];
	_ =	sdelay $0x4  }
0x2ce: {  	v18 =	vmul.f32 v0, v0;
	v21 =	vmul.f32 v14, v14;
	_ =	sdelay $0x1  }
0x2cf: {  	v18 =	vadd.f32 v21, v18  }
0x2d0: {  	[tilespmem:v20+s29+$0x0] =	vst.idx.msk $0xffff, v7;
	v7 =	vld [tilespmem:$0x1F9C0]  }
0x2d1: {  	v11 =	vadd.f32 v18, v11;
	(xrf2) =	vadd.scan.msk.f32 $0xffff, v19  }
0x2d2: {  	v20 =	vld [tilespmem:$0x1F9A0]  }
0x2d3: {  	v23 =	vld [tilespmem:$0x1FFB0];
	(xrf2) =	vadd.scan.msk.f32 $0xffff, v11;
	_ =	sdelay $0x4  }
0x2d4: {  	[tilespmem:v7+s29+$0x0] =	vst.idx.msk $0xffff, v17;
	v17 =	vadd.f32 v59, v23;
	_ =	sdelay $0x1  }
0x2d5: {  	[tilespmem:v20+s29+$0x0] =	vst.idx.msk $0xffff, v17;
	v20 =	vld [tilespmem:$0x1F9F0]  }
0x2d6: {  	v21 =	vld [tilespmem:$0x1FFA0];
	v11, _, _ =	vpop (xrf2)  }
0x2d7: {  	v11 =	vmul.f32 $1.562500000e-02, v11  }
0x2d8: {  	v18, _, _ =	vpop (xrf2)  }
0x2d9: {  	v18 =	vmul.f32 $1.562500000e-02, v18;
	v19 =	vmul.f32 v11, v11;
	_ =	sdelay $0x1  }
0x2da: {  	v7 =	vsub.f32 v18, v19;
	v18 =	vadd.f32 v58, v21  }
0x2db: {  	v12 =	vadd.f32 v12, v24  }
0x2dc: {  	v17 =	vsub.f32 $1.500000000e+00, v60;
	[tilespmem:v20+s29+$0x0] =	vst.idx.msk $0xffff, v18  }
0x2dd: {  	[tilespmem:v46+s29+$0x0] =	vst.idx.msk $0xffff, v12;
	v12 =	vadd.f32 v15, v23;
	v15 =	vld [tilespmem:$0x1FA00]  }
0x2de: {  	v1 =	vmul.f32 v1, v17;
	v17 =	vld [tilespmem:$0x1FA10];
	_ =	sdelay $0x2  }
0x2df: {  	v6 =	vmul.f32 v6, v16;
	v16 =	vld [tilespmem:$0x1F9E0]  }
0x2e0: {  	v19 =	vmul.f32 v63, v61;
	_ =	sdelay $0x1  }
0x2e1: {  	v18 =	vsub.f32 $1.500000000e+00, v19;
	v19 =	vld [tilespmem:$0x1FF90]  }
0x2e2: {  	[tilespmem:v15+s29+$0x0] =	vst.idx.msk $0xffff, v62  }
0x2e3: {  	[tilespmem:v17+s29+$0x0] =	vst.idx.msk $0xffff, v12;
	v12 =	vmul.f32 v1, v55  }
0x2e4: {  	v15 =	vmul.f32 v18, v61  }
0x2e5: {  	v12 =	vmul.f32 v12, v1  }
0x2e6: {  	v60 =	vld [tilespmem:$0x1FFC0];
	v5 =	vadd.f32 v5, v19;
	[tilespmem:v16+s29+$0x0] =	vst.idx.msk $0xffff, v10;
	v18 =	vmul.f32 v15, v40  }
0x2e7: {  	[tilespmem:v35+s29+$0x0] =	vst.idx.msk $0xffff, v8;
	v12 =	vsub.f32 $1.500000000e+00, v12  }
0x2e8: {  	[tilespmem:v33+s29+$0x0] =	vst.idx.msk $0xffff, v5;
	v5 =	vmul.f32 v18, v52;
	v18 =	vld [tilespmem:$0x1F9D0]  }
0x2e9: {  	v7 =	vadd.f32 $9.999999740e-06, v7;
	v1 =	vmul.f32 v12, v1;
	v12 =	vld [tilespmem:$0x1FA20];
	_ =	sdelay $0x1  }
0x2ea: {  	v7 =	vbroadcast v7, $0xF;
	v10 =	vmul.f32 v15, v60;
	_ =	sdelay $0x1  }
0x2eb: {  	v17 =	vshra.s32 v7, $0x1;
	v7 =	vmul.f32 $5.000000000e-01, v7;
	v10 =	vmul.f32 v10, v54  }
0x2ec: {  	v6 =	vadd.f32 v6, v23;
	v16 =	vsub.s32 $0x5F3759DF, v17  }
0x2ed: {  	v17 =	vmul.f32 v16, v7;
	v10 =	vadd.f32 v10, v21  }
0x2ee: {  	v8 =	vmul.f32 v15, v34;
	[tilespmem:v18+s29+$0x0] =	vst.idx.msk $0xffff, v6  }
0x2ef: {  	v17 =	vmul.f32 v16, v17;
	[tilespmem:v12+s29+$0x0] =	vst.idx.msk $0xffff, v10;
	v10 =	vmul.f32 $5.000000000e-01, v13  }
0x2f0: {  	v12 =	vmul.f32 v15, v37;
	v13 =	vsub.f32 v28, v53;
	v15 =	vmul.f32 v1, v60  }
0x2f1: {  	v6 =	vmul.f32 v8, v26;
	v8 =	vsub.f32 $1.500000000e+00, v17  }
0x2f2: {  	v13 =	vmul.f32 v15, v13;
	v15 =	vld [tilespmem:$0x1FA30]  }
0x2f3: {  	v5 =	vadd.f32 v5, v24;
	v8 =	vmul.f32 v16, v8;
	v16 =	vmul.f32 v2, v10;
	_ =	sdelay $0x1  }
0x2f4: {  	[tilespmem:v36+s29+$0x0] =	vst.idx.msk $0xffff, v5;
	v5 =	vmul.f32 v2, v16;
	_ =	sdelay $0x1  }
0x2f5: {  	v12 =	vmul.f32 v12, v42;
	v5 =	vsub.f32 $1.500000000e+00, v5  }
0x2f6: {  	v6 =	vadd.f32 v6, v19;
	v7 =	vmul.f32 v8, v7  }
0x2f7: {  	v12 =	vadd.f32 v12, v23;
	v2 =	vmul.f32 v2, v5;
	v5 =	vld [tilespmem:$0x1FA40]  }
0x2f8: {  	[tilespmem:v15+s29+$0x0] =	vst.idx.msk $0xffff, v6;
	v6 =	vmul.f32 v7, v8;
	v7 =	vadd.f32 v13, v21  }
0x2f9: {  	v13 =	vld [tilespmem:$0x1FA60];
	[tilespmem:v31+s29+$0x0] =	vst.idx.msk $0xffff, v12  }
0x2fa: {  	[tilespmem:v44+s29+$0x0] =	vst.idx.msk $0xffff, v7;
	v7 =	vbroadcast v11, $0xF;
	v11 =	vld [tilespmem:$0x1FA50]  }
0x2fb: {  	v6 =	vsub.f32 $1.500000000e+00, v6  }
0x2fc: {  	v12 =	vmul.f32 v1, v40;
	v5 =	vsub.f32 v5, v53  }
0x2fd: {  	v10 =	vmul.f32 v2, v10;
	v6 =	vmul.f32 v6, v8  }
0x2fe: {  	v8 =	vmul.f32 v1, v34;
	v13 =	vsub.f32 v13, v53;
	v5 =	vmul.f32 v12, v5  }
0x2ff: {  	v1 =	vmul.f32 v1, v37;
	v12 =	vsub.f32 v49, v7;
	v11 =	vsub.f32 v11, v53  }
0x300: {  	v8 =	vmul.f32 v8, v13;
	v13 =	vmul.f32 v6, v60;
	v5 =	vadd.f32 v5, v24  }
0x301: {  	v4 =	vsub.f32 v4, v7;
	v1 =	vmul.f32 v1, v11;
	v11 =	vmul.f32 v6, v40  }
0x302: {  	v12 =	vmul.f32 v13, v12;
	v8 =	vadd.f32 v8, v19;
	[tilespmem:v32+s29+$0x0] =	vst.idx.msk $0xffff, v5  }
0x303: {  	v5 =	vmul.f32 v10, v2;
	v4 =	vmul.f32 v11, v4;
	v1 =	vadd.f32 v1, v23  }
0x304: {  	[tilespmem:v30+s29+$0x0] =	vst.idx.msk $0xffff, v8;
	v8 =	vadd.f32 v12, v21  }
0x305: {  	[tilespmem:v22+s29+$0x0] =	vst.idx.msk $0xffff, v1;
	v1 =	vadd.f32 v4, v24;
	v4 =	vsub.f32 $1.500000000e+00, v5  }
0x306: {  	v0 =	vsub.f32 v0, v7  }
0x307: {  	[tilespmem:v50+s29+$0x0] =	vst.idx.msk $0xffff, v8;
	v2 =	vmul.f32 v4, v2;
	v4 =	vmul.f32 v6, v34  }
0x308: {  	[tilespmem:v48+s29+$0x0] =	vst.idx.msk $0xffff, v1;
	v1 =	vbroadcast v3, $0xF;
	v3 =	vsub.f32 v14, v7;
	v6 =	vmul.f32 v6, v37  }
0x309: {  	v0 =	vmul.f32 v4, v0  }
0x30a: {  	v10 =	vld [tilespmem:$0x1FA90];
	v3 =	vmul.f32 v6, v3  }
0x30b: {  	v5 =	vld [tilespmem:$0x1FAB0];
	v0 =	vadd.f32 v0, v19  }
0x30c: {  	v7 =	vld [tilespmem:$0x1FAC0];
	v3 =	vadd.f32 v3, v23  }
0x30d: {  	v8 =	vld [tilespmem:$0x1FAA0];
	[tilespmem:v57+s29+$0x0] =	vst.idx.msk $0xffff, v0  }
0x30e: {  	[tilespmem:v9+s29+$0x0] =	vst.idx.msk $0xffff, v3;
	v3 =	vld [tilespmem:$0x1FA70];
	_ =	sdelay $0x1  }
0x30f: {  	v4 =	vmul.f32 v2, v60;
	v5 =	vsub.f32 v5, v1  }
0x310: {  	v6 =	vmul.f32 v2, v40;
	v7 =	vsub.f32 v7, v1  }
0x311: {  	v8 =	vsub.f32 v8, v1;
	v4 =	vmul.f32 v4, v5;
	v5 =	vmul.f32 v2, v34  }
0x312: {  	v1 =	vsub.f32 v10, v1;
	v2 =	vmul.f32 v2, v37;
	v6 =	vmul.f32 v6, v7  }
0x313: {  	s10 =	smul.u32 $0x3200, s10;
	s11 =	ssub.s32 s11, s13;
	v0 =	vmul.f32 v5, v8;
	v4 =	vadd.f32 v4, v21  }
0x314: {  	s11 =	smul.u32 $0x1900, s11;
	v1 =	vmul.f32 v2, v1;
	v2 =	vadd.f32 v6, v24  }
0x315: {  	v0 =	vadd.f32 v0, v19;
	[tilespmem:v3+s29+$0x0] =	vst.idx.msk $0xffff, v4  }
0x316: {  	s10 =	sadd.s32 s10, s11;
	v1 =	vadd.f32 v1, v23;
	[tilespmem:v29+s29+$0x0] =	vst.idx.msk $0xffff, v2  }
0x317: {  	s10 =	sshrl.u32 s10, $0x3;
	[tilespmem:v27+s29+$0x0] =	vst.idx.msk $0xffff, v0  }
0x318: {  	s9 =	sadd.s32 @!p0 $0x68, s9;
	s10 =	sadd.s32 s4, s10;
	[tilespmem:v25+s29+$0x0] =	vst.idx.msk $0xffff, v1  }
0x319: {  	[hbm4b:s10+s5] =	stream.linear.scatter [tilespmem:s31], [sflag:$0x6], $0x1900, $0x38;
	[tilespmem:$0x15100] =	vst v63  }
0x31a: {  	s7 =	sor.u32 $0x1, s7;
	s11 =	simm.s32 @!p0 $0xA200;
	s10 =	simm.s32 @!p0 $0x64  }
0x31b: {  	[tilespmem:s11], [sflag:$0x2] =	stream.indirect.gather @!p0 [hbm4b:s6+s10], $0x40, s9, s10, $0xb8;
	[tilespmem:$0x15100] =	vst v63  }
0x31c: {  	s14 =	simm.s32 $0x40;
	s18 =	sshll.u32 s7, $0x6;
	v33 =	vlaneseq.u32;
	_ =	swait.ge @p1 [sflag:s22], $0x1900  }
0x31d: {  	s16 =	simm.s32 $0x0;
	v2 =	vor.u32 s18, v33;
	v0 =	vmov s14;
	[sflag:s22] =	ssyncset.done @p1 $0x0  }
0x31e: {  	v4 =	vor.u32 s18, v39;
	v1 =	vmov s16;
	v0 =	vadd.s32 $0x3200, v0;
	[sflag:s22] =	ssyncadd.s32 @p1 $0xFFFFE700  }
0x31f: {  	v5 =	vor.u32 s18, v56;
	v1 =	vadd.s32 $0x3200, v1;
	v0 =	vbroadcast v0, $0x0;
	_ =	swait.ge [sflag:s2], $0x1900  }
0x320: {  	v6 =	vor.u32 s18, v38;
	v3 =	vbroadcast v1, $0x0;
	[sflag:s2] =	ssyncset.done $0x0  }
0x321: {  	v10 =	vor.u32 v33, v0;
	[sflag:s2] =	ssyncadd.s32 $0xFFFFE700  }
0x322: {  	v8 =	vor.u32 v33, v3;
	v23 =	vld.idx.msk [tilespmem:v2+s17+$0x0], $0xffff  }
0x323: {  	v7 =	vor.u32 v38, v0;
	[tilespmem:$0x1F910] =	vst v10;
	v24 =	vld.idx.msk [tilespmem:v4+s17+$0x0], $0xffff  }
0x324: {  	v1 =	vor.u32 v39, v0;
	[tilespmem:$0x1F6C0] =	vst v2;
	v25 =	vld.idx.msk [tilespmem:v5+s17+$0x0], $0xffff  }
0x325: {  	s18 =	simm.s32 $0xC0;
	v12 =	vor.u32 v39, v3;
	[tilespmem:$0x1F6D0] =	vst v4;
	v22 =	vld.idx.msk [tilespmem:v6+s17+$0x0], $0xffff  }
0x326: {  	v9 =	vor.u32 v38, v3;
	[tilespmem:$0x1F6E0] =	vst v5;
	v2 =	vor.u32 v56, v0;
	v0 =	vmov s18;
	v4 =	vld.idx.msk [tilespmem:v10+s20+$0x0], $0xffff  }
0x327: {  	[tilespmem:$0x1F6F0] =	vst v6;
	v5 =	vld.idx.msk [tilespmem:v8+s20+$0x0], $0xffff;
	v0 =	vadd.s32 $0x3200, v0  }
0x328: {  	[tilespmem:$0x1F700] =	vst v7;
	v10 =	vor.u32 v56, v3;
	v7 =	vld.idx.msk [tilespmem:v7+s20+$0x0], $0xffff;
	v6 =	vbroadcast v0, $0x0  }
0x329: {  	v3 =	vld.idx.msk [tilespmem:v1+s20+$0x0], $0xffff  }
0x32a: {  	[tilespmem:$0x1F890] =	vst v12;
	v12 =	vld.idx.msk [tilespmem:v12+s20+$0x0], $0xffff;
	v0 =	vor.u32 v38, v6  }
0x32b: {  	v11 =	vld.idx.msk [tilespmem:v9+s20+$0x0], $0xffff;
	v28 =	vor.u32 v56, v6  }
0x32c: {  	[tilespmem:$0x1F870] =	vst v8;
	v42 =	vor.u32 v39, v6;
	v8 =	vld.idx.msk [tilespmem:v2+s20+$0x0], $0xffff  }
0x32d: {  	[tilespmem:$0x1F8E0] =	vst v9;
	v47 =	vor.u32 v33, v6;
	v13 =	vld.idx.msk [tilespmem:v10+s20+$0x0], $0xffff  }
0x32e: {  	[tilespmem:$0x1F8C0] =	vst v10;
	v14 =	vadd.f32 v5, v23  }
0x32f: {  	[tilespmem:$0x1F730] =	vst v0;
	v9 =	vadd.f32 v4, v23;
	v44 =	vadd.f32 v12, v24;
	v5 =	vld.idx.msk [tilespmem:v0+s20+$0x0], $0xffff  }
0x330: {  	v10 =	vadd.f32 v7, v22;
	v11 =	vadd.f32 v11, v22;
	v15 =	vmul.f32 v14, v14;
	v6 =	vld.idx.msk [tilespmem:v28+s20+$0x0], $0xffff  }
0x331: {  	v19 =	vadd.f32 v44, v14;
	v20 =	vmul.f32 v44, v44;
	v0 =	vadd.f32 v3, v24;
	v12 =	vld.idx.msk [tilespmem:v42+s20+$0x0], $0xffff  }
0x332: {  	v7 =	vmul.f32 v9, v9;
	v57 =	vadd.f32 v8, v25;
	v45 =	vadd.f32 v13, v25;
	v13 =	vld.idx.msk [tilespmem:v47+s20+$0x0], $0xffff  }
0x333: {  	v15 =	vadd.f32 v20, v15;
	v16 =	vmul.f32 v0, v0;
	v17 =	vadd.f32 v0, v9  }
0x334: {  	v18 =	vadd.f32 v10, v57;
	v21 =	vadd.f32 v11, v45  }
0x335: {  	v20 =	vmul.f32 v10, v10;
	v16 =	vadd.f32 v16, v7;
	v55 =	vadd.f32 v5, v22  }
0x336: {  	v26 =	vmul.f32 v57, v57;
	v17 =	vadd.f32 v18, v17;
	v3 =	vadd.f32 v12, v24  }
0x337: {  	[tilespmem:$0x1F720] =	vst v2;
	v12 =	vmul.f32 v11, v11;
	v2 =	vadd.f32 v6, v25;
	v8 =	vadd.f32 v13, v23  }
0x338: {  	v18 =	vmul.f32 v45, v45;
	v13 =	vadd.f32 v21, v19;
	v19 =	vadd.f32 v20, v26  }
0x339: {  	v20 =	vadd.f32 v55, v2;
	v21 =	vadd.f32 v3, v8  }
0x33a: {  	(xrf2) =	vadd.scan.msk.f32 $0xffff, v17;
	v12 =	vadd.f32 v12, v18;
	v16 =	vadd.f32 v19, v16  }
0x33b: {  	(xrf2) =	vadd.scan.msk.f32 $0xffff, v13;
	v13 =	vadd.f32 v20, v21  }
0x33c: {  	v12 =	vadd.f32 v12, v15;
	(xrf2) =	vadd.scan.msk.f32 $0xffff, v16  }
0x33d: {  	(xrf2) =	vadd.scan.msk.f32 $0xffff, v13  }
0x33e: {  	(xrf2) =	vadd.scan.msk.f32 $0xffff, v12;
	_ =	sdelay $0x5  }
0x33f: {  	s10 =	simm.s32 $0x80;
	v12, _, _ =	vpop (xrf2)  }
0x340: {  	v13 =	vmov s10;
	v15, _, _ =	vpop (xrf2)  }
0x341: {  	v13 =	vadd.s32 $0x3200, v13;
	v16, _, _ =	vpop (xrf2)  }
0x342: {  	v13 =	vbroadcast v13, $0x0;
	v15 =	vmul.f32 $1.562500000e-02, v15;
	v19, _, _ =	vpop (xrf2)  }
0x343: {  	v17, _, _ =	vpop (xrf2)  }
0x344: {  	[tilespmem:$0x1F840] =	vst v0;
	v0 =	vor.u32 v33, v13;
	v18 =	vmul.f32 v15, v15;
	v17 =	vmul.f32 $1.562500000e-02, v17;
	_ =	sdelay $0x1  }
0x345: {  	v17 =	vsub.f32 v17, v18  }
0x346: {  	v20 =	vmul.f32 v55, v55;
	v21 =	vmul.f32 v2, v2  }
0x347: {  	v17 =	vadd.f32 $9.999999740e-06, v17  }
0x348: {  	s11 =	simm.s32 $0x140;
	[tilespmem:$0x1F710] =	vst v1;
	v20 =	vadd.f32 v20, v21;
	v1 =	vor.u32 v38, v13;
	v18 =	vld.idx.msk [tilespmem:v0+s20+$0x0], $0xffff  }
0x349: {  	v21 =	vmov s11;
	[tilespmem:$0x1F740] =	vst v0;
	v0 =	vor.u32 v39, v13;
	v17 =	vbroadcast v17, $0xF  }
0x34a: {  	v21 =	vadd.s32 $0x3200, v21;
	v50 =	vor.u32 v56, v13  }
0x34b: {  	v21 =	vbroadcast v21, $0x0;
	v26 =	vshra.s32 v17, $0x1;
	v27 =	vmul.f32 $5.000000000e-01, v17  }
0x34c: {  	v29 =	vmul.f32 v3, v3;
	v17 =	vmul.f32 v8, v8;
	v26 =	vsub.s32 $0x5F3759DF, v26  }
0x34d: {  	v48 =	vor.u32 v39, v21;
	v58 =	vld.idx.msk [tilespmem:v1+s20+$0x0], $0xffff;
	v51 =	vadd.f32 v18, v23;
	v18 =	vmul.f32 v26, v27  }
0x34e: {  	s16 =	simm.s32 $0x1C0;
	v35 =	vor.u32 v56, v21;
	v13 =	vmul.f32 $1.562500000e-02, v12;
	v17 =	vadd.f32 v29, v17;
	v29 =	vld.idx.msk [tilespmem:v0+s20+$0x0], $0xffff  }
0x34f: {  	v36 =	vmov s16;
	[tilespmem:$0x1F760] =	vst v1;
	v1 =	vor.u32 v33, v21;
	v12 =	vmul.f32 v26, v18;
	v18 =	vld.idx.msk [tilespmem:v50+s20+$0x0], $0xffff  }
0x350: {  	v31 =	vmul.f32 v13, v13;
	v20 =	vadd.f32 v20, v17;
	v17 =	vbroadcast v15, $0xF  }
0x351: {  	[tilespmem:$0x1F750] =	vst v0;
	v30 =	vmul.f32 v51, v51;
	v0 =	vor.u32 v38, v21;
	v12 =	vsub.f32 $1.500000000e+00, v12  }
0x352: {  	s14 =	simm.s32 $0x100;
	(xrf2) =	vadd.scan.msk.f32 $0xffff, v20;
	v20 =	vmul.f32 $1.562500000e-02, v16;
	v14 =	vsub.f32 v14, v17;
	v44 =	vsub.f32 v44, v17  }
0x353: {  	v16 =	vadd.f32 v29, v24;
	v59 =	vmul.f32 v26, v12;
	v12 =	vmov s14  }
0x354: {  	[tilespmem:$0x1F860] =	vst v2;
	v20 =	vsub.f32 v20, v31;
	v15 =	vadd.f32 v18, v25;
	v12 =	vadd.s32 $0x3200, v12  }
0x355: {  	[tilespmem:$0x1F850] =	vst v3;
	v52 =	vld.idx.msk [tilespmem:v48+s20+$0x0], $0xffff;
	v18 =	vadd.f32 v58, v22;
	v41 =	vbroadcast v12, $0x0;
	v12 =	vmul.f32 v59, v27  }
0x356: {  	v31 =	vld.idx.msk [tilespmem:v1+s20+$0x0], $0xffff;
	v43 =	vadd.f32 v16, v51;
	v27 =	vmul.f32 v16, v16;
	v21 =	vmul.f32 v15, v15  }
0x357: {  	[tilespmem:$0x1F770] =	vst v1;
	v4 =	vmul.f32 v18, v18;
	v62 =	vadd.f32 v18, v15;
	v2 =	vor.u32 v33, v41  }
0x358: {  	v1 =	vor.u32 v39, v41;
	v61 =	vmul.f32 v12, v59;
	v27 =	vadd.f32 v27, v30;
	v30 =	vld.idx.msk [tilespmem:v35+s20+$0x0], $0xffff  }
0x359: {  	v29 =	vmovc v0;
	v0 =	vld.idx.msk [tilespmem:v0+s20+$0x0], $0xffff;
	v46 =	vor.u32 v38, v41;
	v12 =	vmul.f32 $1.562500000e-02, v19;
	v21 =	vadd.f32 v4, v21  }
0x35a: {  	v3 =	vor.u32 v56, v41;
	v63 =	vadd.f32 v62, v43;
	[tilespmem:$0x1F780] =	vst v2;
	v19 =	vsub.f32 $1.500000000e+00, v61  }
0x35b: {  	[tilespmem:$0x1F790] =	vst v1;
	v32 =	vadd.f32 v31, v23;
	v5 =	vmul.f32 v12, v12;
	v61 =	vadd.s32 $0x3200, v36  }
0x35c: {  	[tilespmem:$0x1F7A0] =	vst v3;
	v21 =	vadd.f32 v21, v27;
	v6 =	vbroadcast v61, $0x0;
	v34, _, _ =	vpop (xrf2);
	v54 =	vmul.f32 v19, v59;
	v19 =	vld.idx.msk [tilespmem:v2+s20+$0x0], $0xffff  }
0x35d: {  	(xrf2) =	vadd.scan.msk.f32 $0xffff, v63;
	v49 =	vmul.f32 $1.562500000e-02, v34;
	v63 =	vld.idx.msk [tilespmem:v1+s20+$0x0], $0xffff;
	v1 =	vadd.f32 v52, v24;
	v4 =	vadd.f32 v30, v25  }
0x35e: {  	(xrf2) =	vadd.scan.msk.f32 $0xffff, v21;
	v2 =	vadd.f32 v0, v22;
	v30 =	vmul.f32 v32, v32;
	v21 =	vmul.f32 v54, v60  }
0x35f: {  	v0 =	vld.idx.msk [tilespmem:v3+s20+$0x0], $0xffff;
	v40 =	vor.u32 v38, v6;
	v31 =	vmul.f32 v1, v1;
	v3 =	vmul.f32 v4, v4  }
0x360: {  	v62 =	vld.idx.msk [tilespmem:v46+s20+$0x0], $0xffff;
	v34 =	vmul.f32 v2, v2;
	v36 =	vadd.f32 v1, v32;
	v41 =	vadd.f32 v2, v4  }
0x361: {  	v43 =	vmovc v56;
	v52 =	vsub.f32 v49, v5;
	v49 =	vmul.f32 v21, v14;
	v21 =	vadd.f32 v31, v30  }
0x362: {  	v30 =	vor.u32 v43, v6;
	v7 =	vadd.f32 v34, v3;
	v56 =	vadd.f32 v41, v36  }
0x363: {  	v26 =	vor.u32 v39, v6;
	v52 =	vadd.f32 $9.999999740e-06, v52;
	v58 =	vadd.f32 v19, v23  }
0x364: {  	v14 =	vor.u32 v33, v6;
	v19 =	vadd.f32 $9.999999740e-06, v20;
	v20 =	vadd.f32 v63, v24  }
0x365: {  	[tilespmem:$0x1F880] =	vst v55;
	v59 =	vadd.f32 v62, v22;
	v55 =	vadd.f32 v0, v25;
	v3 =	vmul.f32 v58, v58  }
0x366: {  	[tilespmem:$0x1F7B0] =	vst v1;
	v53 =	vld.idx.msk [tilespmem:v40+s20+$0x0], $0xffff;
	v7 =	vadd.f32 v7, v21;
	v34 =	vmul.f32 v20, v20;
	v19 =	vbroadcast v19, $0xF  }
0x367: {  	v13 =	vbroadcast v13, $0xF;
	[tilespmem:$0x1F7C0] =	vst v2;
	v2 =	vadd.f32 v20, v58;
	v1 =	vadd.f32 v59, v55;
	v0, _, _ =	vpop (xrf2);
	v63 =	vld.idx.msk [tilespmem:v30+s20+$0x0], $0xffff  }
0x368: {  	v62 =	vadd.f32 v34, v3;
	v3 =	vld.idx.msk [tilespmem:v26+s20+$0x0], $0xffff;
	v21 =	vmul.f32 $5.000000000e-01, v19;
	v19 =	vshra.s32 v19, $0x1;
	v36, _, _ =	vpop (xrf2)  }
0x369: {  	v6 =	vmul.f32 $1.562500000e-02, v0;
	v19 =	vsub.s32 $0x5F3759DF, v19;
	v61 =	vmul.f32 $1.562500000e-02, v36;
	v36 =	vld [tilespmem:$0x1FF70]  }
0x36a: {  	v52 =	vbroadcast v52, $0xF;
	v5 =	vadd.f32 v1, v2;
	v2 =	vld.idx.msk [tilespmem:v14+s20+$0x0], $0xffff;
	v41 =	vmul.f32 v19, v21  }
0x36b: {  	v12 =	vbroadcast v12, $0xF;
	[tilespmem:$0x1F7D0] =	vst v4;
	(xrf2) =	vadd.scan.msk.f32 $0xffff, v56;
	v0 =	vmul.f32 v6, v6  }
0x36c: {  	v4 =	vsub.f32 v45, v17;
	(xrf2) =	vadd.scan.msk.f32 $0xffff, v5;
	v5 =	vshra.s32 v52, $0x1;
	v34 =	vmul.f32 v19, v41;
	v41 =	vld [tilespmem:$0x1FF80]  }
0x36d: {  	v6 =	vbroadcast v6, $0xF;
	v5 =	vsub.s32 $0x5F3759DF, v5;
	v61 =	vsub.f32 v61, v0  }
0x36e: {  	v0 =	vadd.f32 v53, v22;
	v27 =	vadd.f32 v3, v24;
	v1 =	vmul.f32 v54, v36  }
0x36f: {  	[tilespmem:$0x1F7F0] =	vst v22;
	v22 =	vadd.f32 v63, v25;
	v31 =	vadd.f32 v2, v23;
	v3 =	vmul.f32 v59, v59  }
0x370: {  	[tilespmem:$0x1F7E0] =	vst v14;
	v2 =	vmul.f32 v55, v55;
	v61 =	vadd.f32 $9.999999740e-06, v61;
	v14 =	vmul.f32 v1, v44  }
0x371: {  	v45 =	vmovc v0;
	v44 =	vmul.f32 v54, v41;
	v1 =	vadd.f32 v0, v22;
	v0 =	vadd.f32 v27, v31  }
0x372: {  	(xrf2) =	vadd.scan.msk.f32 $0xffff, v7;
	v7 =	vmul.f32 $5.000000000e-01, v52;
	v53 =	vsub.f32 $1.500000000e+00, v34;
	v2 =	vadd.f32 v3, v2  }
0x373: {  	v1 =	vadd.f32 v1, v0;
	v44 =	vmul.f32 v44, v4;
	v4 =	vbroadcast v61, $0xF  }
0x374: {  	v56 =	vmul.f32 v22, v22;
	v3 =	vmul.f32 v19, v53;
	v2 =	vadd.f32 v2, v62  }
0x375: {  	v63 =	vmul.f32 v31, v31;
	(xrf2) =	vadd.scan.msk.f32 $0xffff, v1;
	v19 =	vshra.s32 v4, $0x1;
	v4 =	vmul.f32 $5.000000000e-01, v4  }
0x376: {  	v1 =	vmul.f32 v3, v21;
	(xrf2) =	vadd.scan.msk.f32 $0xffff, v2;
	v2 =	vsub.s32 $0x5F3759DF, v19;
	v19 =	vmul.f32 v5, v7  }
0x377: {  	v34 =	vmul.f32 v27, v27;
	v61 =	vmul.f32 v2, v4  }
0x378: {  	v11 =	vsub.f32 v11, v17;
	v1 =	vmul.f32 v1, v3;
	v17 =	vmul.f32 v5, v19  }
0x379: {  	v15 =	vsub.f32 v15, v6;
	v21 =	vmul.f32 v45, v45;
	v19 =	vmul.f32 v54, v37  }
0x37a: {  	v62 =	vmul.f32 v2, v61;
	v1 =	vsub.f32 $1.500000000e+00, v1;
	v17 =	vsub.f32 $1.500000000e+00, v17  }
0x37b: {  	v21 =	vadd.f32 v21, v56;
	v0 =	vmul.f32 v19, v11;
	v19 =	vadd.f32 v34, v63  }
0x37c: {  	v61, _, _ =	vpop (xrf2);
	v1 =	vmul.f32 v1, v3;
	v5 =	vmul.f32 v5, v17;
	v17 =	vsub.f32 $1.500000000e+00, v62  }
0x37d: {  	v16 =	vsub.f32 v16, v6;
	v3 =	vsub.f32 v51, v6;
	v34 =	vmul.f32 $1.562500000e-02, v61  }
0x37e: {  	v19 =	vadd.f32 v21, v19;
	v63 =	vmul.f32 v1, v37;
	v2 =	vmul.f32 v2, v17  }
0x37f: {  	v6 =	vsub.f32 v18, v6;
	v62, _, _ =	vpop (xrf2);
	v18 =	vmul.f32 v34, v34;
	v7 =	vmul.f32 v5, v7  }
0x380: {  	v10 =	vsub.f32 v10, v13;
	(xrf2) =	vadd.scan.msk.f32 $0xffff, v19;
	v19 =	vmul.f32 v1, v60;
	v17, _, _ =	vpop (xrf2);
	v4 =	vmul.f32 v2, v4  }
0x381: {  	v7 =	vmul.f32 v7, v5;
	v17 =	vmul.f32 $1.562500000e-02, v17  }
0x382: {  	v9 =	vsub.f32 v9, v13;
	v63 =	vmul.f32 v63, v10;
	v52, _, _ =	vpop (xrf2);
	v4 =	vmul.f32 v4, v2  }
0x383: {  	v21, _, _ =	vpop (xrf2);
	v7 =	vsub.f32 $1.500000000e+00, v7;
	v17 =	vsub.f32 v17, v18;
	v18 =	vmul.f32 $1.562500000e-02, v62  }
0x384: {  	[tilespmem:$0x1F8B0] =	vst v0;
	v0 =	vmul.f32 v19, v9;
	v21 =	vmul.f32 $1.562500000e-02, v21  }
0x385: {  	v4 =	vsub.f32 $1.500000000e+00, v4;
	v7 =	vmul.f32 v7, v5;
	v51 =	vmul.f32 v18, v18  }
0x386: {  	v10 =	vbroadcast v18, $0xF;
	v18 =	vmul.f32 v1, v41  }
0x387: {  	v2 =	vmul.f32 v4, v2;
	v4 =	vsub.f32 v57, v13;
	v19 =	vsub.f32 v21, v51  }
0x388: {  	[tilespmem:$0x1F8D0] =	vst v0;
	v1 =	vmul.f32 v1, v36;
	v58 =	vsub.f32 v58, v10;
	v0 =	vsub.f32 v55, v10  }
0x389: {  	v56 =	vsub.f32 v20, v10;
	v51 =	vsub.f32 v59, v10;
	v10 =	vmul.f32 v2, v41  }
0x38a: {  	v20 =	vmul.f32 v2, v60;
	v9 =	vmul.f32 v18, v4;
	[tilespmem:$0x1F830] =	vst v0;
	v5 =	vadd.f32 $9.999999740e-06, v19;
	v0 =	vld [tilespmem:$0x1F840]  }
0x38b: {  	s18 =	simm.s32 $0x180;
	v10 =	vmul.f32 v10, v15;
	v15 =	vmul.f32 v2, v36  }
0x38c: {  	v18 =	vmov s18;
	v62 =	vmul.f32 v20, v3;
	v5 =	vbroadcast v5, $0xF  }
0x38d: {  	v3 =	vmul.f32 $1.562500000e-02, v52;
	v19, _, _ =	vpop (xrf2);
	v16 =	vmul.f32 v15, v16;
	v15 =	vadd.s32 $0x3200, v18  }
0x38e: {  	v18 =	vmul.f32 $1.562500000e-02, v19;
	v19 =	vshra.s32 v5, $0x1;
	v20 =	vmul.f32 $5.000000000e-01, v5  }
0x38f: {  	v5 =	vmul.f32 v3, v3;
	v13 =	vsub.f32 v0, v13;
	v19 =	vsub.s32 $0x5F3759DF, v19  }
0x390: {  	v57 =	vbroadcast v15, $0x0;
	v15 =	vmul.f32 v19, v20  }
0x391: {  	v21 =	vmul.f32 v7, v60;
	v0 =	vld [tilespmem:$0x1F850];
	v5 =	vsub.f32 v18, v5;
	v18 =	vmul.f32 v1, v13  }
0x392: {  	v1 =	vmul.f32 v2, v37;
	v2 =	vsub.f32 v8, v12;
	v13 =	vmul.f32 v19, v15;
	_ =	sdelay $0x1  }
0x393: {  	[tilespmem:$0x1F800] =	vst v22;
	v22 =	vmul.f32 v21, v2;
	v2 =	vsub.f32 $1.500000000e+00, v13;
	_ =	sdelay $0x1  }
0x394: {  	v13 =	vmul.f32 v19, v2;
	v2 =	vsub.f32 v0, v12;
	v0 =	vld [tilespmem:$0x1F860]  }
0x395: {  	[tilespmem:$0x1F820] =	vst v27;
	v27 =	vld [tilespmem:$0x1FF60]  }
0x396: {  	[tilespmem:$0x1F810] =	vst v31;
	v31 =	vld [tilespmem:$0x1FF90];
	v54 =	vor.u32 v33, v57  }
0x397: {  	v61 =	vor.u32 v43, v57;
	v43 =	vld [tilespmem:$0x1FFA0]  }
0x398: {  	v4 =	vld [tilespmem:$0x1F880]  }
0x399: {  	v15 =	vmul.f32 v1, v6;
	v1 =	vadd.f32 $9.999999740e-06, v17;
	v17 =	vsub.f32 v0, v12;
	v0 =	vld [tilespmem:$0x1F870]  }
0x39a: {  	v8 =	vld [tilespmem:$0x1F890]  }
0x39b: {  	v1 =	vbroadcast v1, $0xF;
	v21 =	vld.idx.msk [tilespmem:v54+s20+$0x0], $0xffff  }
0x39c: {  	v6 =	vadd.f32 v49, v43  }
0x39d: {  	v49 =	vmul.f32 v7, v36;
	v19 =	vshra.s32 v1, $0x1;
	v59 =	vmul.f32 $5.000000000e-01, v1  }
0x39e: {  	v14 =	vadd.f32 v14, v27;
	v1 =	vsub.s32 $0x5F3759DF, v19  }
0x39f: {  	v19 =	vsub.f32 v4, v12;
	v11 =	vmul.f32 v49, v2;
	v2 =	vmul.f32 v1, v59  }
0x3a0: {  	v53 =	vadd.f32 v21, v23;
	v21 =	vadd.f32 v9, v31;
	v9 =	vld [tilespmem:$0x1F8E0]  }
0x3a1: {  	v12 =	vmul.f32 v1, v2;
	v2 =	vld [tilespmem:$0x1F8C0];
	[tilespmem:v0+s29+$0x0] =	vst.idx.msk $0xffff, v6;
	v6 =	vadd.f32 $9.999999740e-06, v5;
	v5 =	vmul.f32 v7, v41  }
0x3a2: {  	[tilespmem:v8+s29+$0x0] =	vst.idx.msk $0xffff, v14;
	v8 =	vld [tilespmem:$0x1F8B0]  }
0x3a3: {  	v5 =	vmul.f32 v5, v17;
	v17 =	vbroadcast v6, $0xF;
	v6 =	vld [tilespmem:$0x1FFB0]  }
0x3a4: {  	v52 =	vor.u32 v39, v57;
	_ =	sdelay $0x2  }
0x3a5: {  	v14 =	vadd.f32 v44, v31  }
0x3a6: {  	v6 =	vadd.f32 v8, v6  }
0x3a7: {  	v4 =	vld.idx.msk [tilespmem:v52+s20+$0x0], $0xffff;
	[tilespmem:v2+s29+$0x0] =	vst.idx.msk $0xffff, v14  }
0x3a8: {  	[tilespmem:v9+s29+$0x0] =	vst.idx.msk $0xffff, v6;
	v6 =	vmul.f32 v7, v37;
	v7 =	vadd.f32 v18, v27;
	v18 =	vld [tilespmem:$0x1F910]  }
0x3a9: {  	v2 =	vld [tilespmem:$0x1F8D0]  }
0x3aa: {  	v0 =	vld.idx.msk [tilespmem:v61+s20+$0x0], $0xffff;
	_ =	sdelay $0x2  }
0x3ab: {  	[tilespmem:$0x1F8A0] =	vst v23;
	v20 =	vmul.f32 v13, v20;
	v4 =	vadd.f32 v4, v24;
	v14 =	vadd.f32 v10, v31  }
0x3ac: {  	[tilespmem:$0x1F8F0] =	vst v25;
	v10 =	vadd.f32 v22, v43;
	v8 =	vadd.f32 v2, v43;
	v2 =	vshra.s32 v17, $0x1  }
0x3ad: {  	[tilespmem:$0x1F900] =	vst v24;
	v0 =	vadd.f32 v0, v25;
	v2 =	vsub.s32 $0x5F3759DF, v2;
	v9 =	vor.u32 v38, v57  }
0x3ae: {  	s9 =	simm.s32 $0x8;
	v57 =	vbroadcast v34, $0xF;
	[tilespmem:v18+s29+$0x0] =	vst.idx.msk $0xffff, v8;
	v8 =	vadd.f32 v11, v27;
	v11 =	vmul.f32 v53, v53  }
.LBB2_9:
0x3af: {  	v23 =	vld [tilespmem:$0x1F710];
	_ =	sdelay $0x4  }
0x3b0: {  	v49 =	vld [tilespmem:$0x1FF90];
	_ =	sdelay $0x2  }
0x3b1: {  	[tilespmem:v23+s29+$0x0] =	vst.idx.msk $0xffff, v7;
	v23 =	vld [tilespmem:$0x1F720];
	_ =	sdelay $0x1  }
0x3b2: {  	v22 =	vadd.f32 v5, v49;
	v5 =	vmul.f32 v6, v19;
	v6 =	vld [tilespmem:$0x1F770];
	_ =	sdelay $0x3  }
0x3b3: {  	s10 =	sshll.u32 s9, $0x6;
	v7 =	vmov v48  }
0x3b4: {  	s11 =	sadd.s32 $0x40, s10;
	[tilespmem:$0x1F710] =	vst v7;
	v19 =	vmov v6;
	v6 =	vmov s10  }
0x3b5: {  	v7 =	vmov s11;
	v6 =	vadd.s32 $0x3200, v6;
	[tilespmem:v23+s29+$0x0] =	vst.idx.msk $0xffff, v21;
	v23 =	vmov v35  }
0x3b6: {  	[tilespmem:$0x1F720] =	vst v23;
	v23 =	vbroadcast v6, $0x0;
	v6 =	vadd.s32 $0x3200, v7;
	v7 =	vld [tilespmem:$0x1F700]  }
0x3b7: {  	v31 =	vmov v51;
	v51 =	vld [tilespmem:$0x1FFB0];
	_ =	sdelay $0x4  }
0x3b8: {  	v18 =	vadd.f32 v63, v51;
	_ =	sdelay $0x1  }
0x3b9: {  	[tilespmem:v7+s29+$0x0] =	vst.idx.msk $0xffff, v18;
	v18 =	vbroadcast v6, $0x0;
	v6 =	vld [tilespmem:$0x1F740];
	_ =	sdelay $0x5  }
0x3ba: {  	v21 =	vadd.f32 v62, v43;
	_ =	sdelay $0x1  }
0x3bb: {  	[tilespmem:v6+s29+$0x0] =	vst.idx.msk $0xffff, v21;
	v21 =	vadd.f32 v5, v51;
	v5 =	vld [tilespmem:$0x1F750]  }
0x3bc: {  	v55 =	vld [tilespmem:$0x1FF60];
	_ =	sdelay $0x4  }
0x3bd: {  	v16 =	vadd.f32 v16, v55;
	_ =	sdelay $0x1  }
0x3be: {  	[tilespmem:v5+s29+$0x0] =	vst.idx.msk $0xffff, v16  }
0x3bf: {  	[tilespmem:v50+s29+$0x0] =	vst.idx.msk $0xffff, v14;
	v14 =	vld [tilespmem:$0x1F760];
	_ =	sdelay $0x4  }
0x3c0: {  	v24 =	vld.idx.msk [tilespmem:v9+s20+$0x0], $0xffff  }
0x3c1: {  	[tilespmem:$0x1F670] =	vst v46;
	v34 =	vld [tilespmem:$0x1FFE0];
	s18 =	sadd.s32 $0xC0, s10;
	v15 =	vadd.f32 v15, v51;
	v16 =	vor.u32 v33, v18  }
0x3c2: {  	v62 =	vbroadcast v3, $0xF;
	v3 =	vmov s18;
	v43 =	vld [tilespmem:$0x1F7F0];
	[tilespmem:$0x1F770] =	vst v16  }
0x3c3: {  	[tilespmem:v14+s29+$0x0] =	vst.idx.msk $0xffff, v15;
	v14 =	vmov v29  }
0x3c4: {  	[tilespmem:$0x1F700] =	vst v14  }
0x3c5: {  	v25 =	vmul.f32 v4, v4;
	v63 =	vmul.f32 $5.000000000e-01, v17;
	s10 =	sadd.s32 $0x80, s10;
	v29 =	vadd.s32 $0x3200, v3;
	v3 =	vmovc v30;
	[tilespmem:v47+s29+$0x0] =	vst.idx.msk $0xffff, v10  }
0x3c6: {  	v35 =	vor.u32 v34, v18;
	v15 =	vmul.f32 v20, v13;
	v14 =	vmov s10;
	v10 =	vmovc v52;
	[tilespmem:$0x1F690] =	vst v3  }
0x3c7: {  	v7 =	vor.u32 v33, v23;
	v20 =	vmovc v54;
	v3 =	vadd.f32 v24, v43;
	[tilespmem:$0x1F750] =	vst v10;
	v10 =	vadd.s32 $0x3200, v14  }
0x3c8: {  	[tilespmem:v42+s29+$0x0] =	vst.idx.msk $0xffff, v8;
	v8 =	vbroadcast v10, $0x0;
	v10 =	vsub.f32 $1.500000000e+00, v15;
	v15 =	vld.idx.msk [tilespmem:v16+s20+$0x0], $0xffff;
	v16 =	vadd.f32 v4, v53  }
0x3c9: {  	v44 =	vld [tilespmem:$0x1F8A0];
	v27 =	vor.u32 v38, v23;
	v5 =	vor.u32 v38, v18;
	[tilespmem:$0x1F740] =	vst v20;
	v14 =	vbroadcast v29, $0x0  }
0x3ca: {  	v17 =	vmov v26;
	[tilespmem:v28+s29+$0x0] =	vst.idx.msk $0xffff, v22;
	v28 =	vadd.f32 v3, v0;
	v20 =	vmul.f32 v10, v13;
	v13 =	vld [tilespmem:$0x1F730]  }
0x3cb: {  	v11 =	vadd.f32 v25, v11;
	[tilespmem:$0x1F6B0] =	vst v17;
	v25 =	vld.idx.msk [tilespmem:v35+s20+$0x0], $0xffff;
	v17 =	vor.u32 v38, v14  }
0x3cc: {  	[tilespmem:$0x1F6A0] =	vst v19;
	v48 =	vor.u32 v39, v18;
	v18 =	vld.idx.msk [tilespmem:v7+s20+$0x0], $0xffff;
	v29 =	vadd.f32 v28, v16;
	v16 =	vmov v17  }
0x3cd: {  	v19 =	vmul.f32 v0, v0;
	v6 =	vor.u32 v39, v23;
	[tilespmem:$0x1F650] =	vst v16;
	v16 =	vld [tilespmem:$0x1F7E0]  }
0x3ce: {  	[tilespmem:$0x1F680] =	vst v27;
	v30 =	vmov v40;
	v22 =	vld.idx.msk [tilespmem:v5+s20+$0x0], $0xffff;
	v46 =	vor.u32 v39, v14;
	v42 =	vor.u32 v33, v14  }
0x3cf: {  	v52 =	vor.u32 v39, v8;
	v10 =	vor.u32 v34, v23;
	v23 =	vmul.f32 v3, v3;
	v39 =	vld.idx.msk [tilespmem:v27+s20+$0x0], $0xffff  }
0x3d0: {  	v26 =	vor.u32 v34, v14;
	[tilespmem:$0x1F730] =	vst v30;
	v30 =	vld [tilespmem:$0x1F8F0]  }
0x3d1: {  	v54 =	vor.u32 v33, v8;
	v19 =	vadd.f32 v23, v19;
	v23 =	vmul.f32 v2, v63;
	(xrf2) =	vadd.scan.msk.f32 $0xffff, v29;
	v29 =	vld [tilespmem:$0x1F900]  }
0x3d2: {  	v47 =	vmov v60;
	v40 =	vmul.f32 v20, v60;
	[tilespmem:v13+s29+$0x0] =	vst.idx.msk $0xffff, v21;
	v21 =	vld.idx.msk [tilespmem:v48+s20+$0x0], $0xffff;
	v24 =	vmov v16  }
0x3d3: {  	v27 =	vsub.f32 $1.500000000e+00, v12;
	v11 =	vadd.f32 v19, v11;
	v19 =	vmul.f32 v2, v23;
	[tilespmem:$0x1F660] =	vst v24;
	v24 =	vld.idx.msk [tilespmem:v6+s20+$0x0], $0xffff  }
0x3d4: {  	v12 =	vmov v61;
	v60 =	vmul.f32 v20, v36;
	v22 =	vadd.f32 v22, v43;
	[tilespmem:$0x1F7E0] =	vst v42;
	v42 =	vld.idx.msk [tilespmem:v42+s20+$0x0], $0xffff  }
0x3d5: {  	[tilespmem:$0x1F640] =	vst v12;
	v28 =	vmul.f32 v20, v41;
	v23 =	vld.idx.msk [tilespmem:v10+s20+$0x0], $0xffff;
	v19 =	vsub.f32 $1.500000000e+00, v19;
	v13 =	vsub.f32 v32, v57  }
0x3d6: {  	v20 =	vmul.f32 v20, v37;
	v36 =	vld.idx.msk [tilespmem:v54+s20+$0x0], $0xffff;
	v16 =	vadd.f32 v18, v44;
	v32 =	vadd.f32 v15, v44  }
0x3d7: {  	v1 =	vmul.f32 v1, v27;
	v18 =	vld.idx.msk [tilespmem:v17+s20+$0x0], $0xffff;
	v17 =	vadd.f32 v39, v43;
	v12 =	vadd.f32 v21, v29  }
0x3d8: {  	v58 =	vmul.f32 v40, v58;
	v39 =	vld.idx.msk [tilespmem:v46+s20+$0x0], $0xffff;
	v21 =	vadd.f32 v25, v30;
	v24 =	vadd.f32 v24, v29  }
0x3d9: {  	(xrf2) =	vadd.scan.msk.f32 $0xffff, v11;
	v42 =	vadd.f32 v42, v44;
	v11 =	vmul.f32 v32, v32;
	v25 =	vmul.f32 v12, v12  }
0x3da: {  	v61 =	vadd.f32 v12, v32;
	v37 =	vadd.f32 v22, v21;
	v50 =	vmul.f32 v24, v24  }
0x3db: {  	v38 =	vmul.f32 v22, v22;
	v15 =	vld.idx.msk [tilespmem:v26+s20+$0x0], $0xffff;
	v23 =	vadd.f32 v23, v30;
	v36 =	vadd.f32 v36, v44  }
0x3dc: {  	v41 =	vmovc v9;
	v14 =	vmul.f32 v16, v16;
	v25 =	vadd.f32 v25, v11;
	v11 =	vadd.f32 v37, v61  }
0x3dd: {  	[tilespmem:$0x1F760] =	vst v41;
	v2 =	vmul.f32 v2, v19;
	v9 =	vadd.f32 v18, v43;
	v39 =	vadd.f32 v39, v29  }
0x3de: {  	v18 =	vadd.f32 v17, v23;
	v33 =	vmul.f32 v21, v21;
	v41 =	vadd.f32 v50, v14;
	v50, _, _ =	vpop (xrf2);
	(xrf2) =	vadd.scan.msk.f32 $0xffff, v11;
	v11 =	vld [tilespmem:$0x1FFA0]  }
0x3df: {  	v44 =	vadd.f32 v39, v42;
	v40 =	vadd.f32 v24, v16;
	v37 =	vmul.f32 v60, v56  }
0x3e0: {  	v43 =	vmul.f32 v17, v17;
	v33 =	vadd.f32 v38, v33;
	v60 =	vadd.f32 v15, v30  }
0x3e1: {  	v56 =	vmul.f32 v9, v9;
	v18 =	vadd.f32 v18, v40;
	v15 =	vadd.f32 v37, v55  }
0x3e2: {  	v25 =	vadd.f32 v33, v25;
	v37 =	vadd.f32 v9, v60;
	v38 =	vmul.f32 $1.562500000e-02, v50  }
0x3e3: {  	v40 =	vmul.f32 v23, v23;
	v33 =	vmul.f32 v60, v60;
	v14 =	vadd.f32 v58, v11;
	v58, _, _ =	vpop (xrf2);
	(xrf2) =	vadd.scan.msk.f32 $0xffff, v18  }
0x3e4: {  	v37 =	vadd.f32 v37, v44;
	v44 =	vld [tilespmem:$0x1F830];
	v61 =	vmul.f32 v38, v38;
	v18 =	vmul.f32 $1.562500000e-02, v58;
	(xrf2) =	vadd.scan.msk.f32 $0xffff, v25  }
0x3e5: {  	v50 =	vmov v45;
	v45 =	vmul.f32 v39, v39;
	v25 =	vbroadcast v38, $0xF  }
0x3e6: {  	v33 =	vadd.f32 v56, v33;
	v56 =	vmul.f32 v20, v31;
	v18 =	vsub.f32 v18, v61  }
0x3e7: {  	v58 =	vmul.f32 v42, v42;
	v61 =	vadd.f32 v43, v40;
	v43 =	vsub.f32 v53, v25  }
0x3e8: {  	v11 =	vmul.f32 v36, v36;
	v27 =	vsub.f32 v0, v25;
	v18 =	vadd.f32 $9.999999740e-06, v18  }
0x3e9: {  	v28 =	vmul.f32 v28, v44;
	v20 =	vsub.f32 v3, v25;
	v3 =	vadd.f32 v45, v58  }
0x3ea: {  	v38 =	vsub.f32 v4, v25;
	v61 =	vadd.f32 v61, v41;
	v41 =	vbroadcast v18, $0xF  }
0x3eb: {  	(xrf2) =	vadd.scan.msk.f32 $0xffff, v37;
	v4 =	vadd.f32 v28, v49;
	v25 =	vmul.f32 v1, v59;
	v0, _, _ =	vpop (xrf2);
	v3 =	vadd.f32 v33, v3  }
0x3ec: {  	v53 =	vmovc v36;
	v18 =	vmul.f32 $1.562500000e-02, v0;
	(xrf2) =	vadd.scan.msk.f32 $0xffff, v61;
	v28 =	vshra.s32 v41, $0x1;
	v36 =	vmul.f32 $5.000000000e-01, v41  }
0x3ed: {  	v19 =	vmov v22;
	v44, _, _ =	vpop (xrf2);
	v28 =	vsub.s32 $0x5F3759DF, v28;
	(xrf2) =	vadd.scan.msk.f32 $0xffff, v3;
	v3 =	vmul.f32 v25, v1  }
0x3ee: {  	v0 =	vadd.f32 v56, v51;
	v51 =	vmul.f32 v18, v18;
	v22 =	vmul.f32 v28, v36;
	v58, _, _ =	vpop (xrf2)  }
0x3ef: {  	v33 =	vmul.f32 $1.562500000e-02, v44;
	v41 =	vmul.f32 $1.562500000e-02, v58;
	v3 =	vsub.f32 $1.500000000e+00, v3  }
0x3f0: {  	v61 =	vmov v21;
	v21 =	vmov v42;
	v22 =	vmul.f32 v28, v22  }
0x3f1: {  	v59 =	vld [tilespmem:$0x1F810];
	[tilespmem:$0x1F810] =	vst v21;
	v25 =	vbroadcast v33, $0xF;
	v21 =	vsub.f32 v41, v51;
	v40 =	vmul.f32 v3, v1  }
0x3f2: {  	v1 =	vsub.f32 $1.500000000e+00, v22  }
0x3f3: {  	v51 =	vsub.f32 v17, v25;
	v17 =	vadd.f32 $9.999999740e-06, v21;
	v21 =	vmul.f32 v40, v47  }
0x3f4: {  	v22 =	vmul.f32 v28, v1  }
0x3f5: {  	v13 =	vmul.f32 v21, v13;
	v21 =	vld [tilespmem:$0x1F7B0]  }
0x3f6: {  	v28 =	vmul.f32 v22, v36;
	v36 =	vld [tilespmem:$0x1F800]  }
0x3f7: {  	v45 =	vld [tilespmem:$0x1F7C0];
	_ =	sdelay $0x1  }
0x3f8: {  	[tilespmem:$0x1F7C0] =	vst v19;
	v19 =	vld [tilespmem:$0x1F7D0]  }
0x3f9: {  	v42 =	vld [tilespmem:$0x1FF80];
	v3 =	vsub.f32 v23, v25  }
0x3fa: {  	v1 =	vmul.f32 v33, v33;
	v33 =	vsub.f32 v36, v62;
	v36 =	vsub.f32 v21, v57;
	v21 =	vmovc v12  }
0x3fb: {  	v37 =	vsub.f32 v45, v57;
	v56 =	vsub.f32 v24, v25;
	v24, _, _ =	vpop (xrf2);
	[tilespmem:$0x1F7B0] =	vst v21;
	v21 =	vld [tilespmem:$0x1FF50]  }
0x3fc: {  	v58 =	vsub.f32 v16, v25;
	v16 =	vmul.f32 v2, v63;
	[tilespmem:$0x1F830] =	vst v3;
	v3 =	vmul.f32 $1.562500000e-02, v24;
	v24, _, _ =	vpop (xrf2)  }
0x3fd: {  	v19 =	vsub.f32 v19, v57;
	v24 =	vmul.f32 $1.562500000e-02, v24;
	v17 =	vbroadcast v17, $0xF  }
0x3fe: {  	v31 =	vmovc v39;
	v44 =	vsub.f32 v59, v62;
	v39 =	vmul.f32 v40, v42;
	v16 =	vmul.f32 v16, v2  }
0x3ff: {  	v23 =	vmul.f32 v3, v3;
	v1 =	vsub.f32 v24, v1;
	v59 =	vmul.f32 $5.000000000e-01, v17  }
0x400: {  	v16 =	vsub.f32 $1.500000000e+00, v16;
	v24 =	vmul.f32 v28, v22;
	v12, _, _ =	vpop (xrf2);
	v21 =	vmul.f32 v40, v21  }
0x401: {  	v28 =	vshra.s32 v17, $0x1;
	v45 =	vadd.f32 $9.999999740e-06, v1;
	v12 =	vmul.f32 $1.562500000e-02, v12  }
0x402: {  	v25 =	vld [tilespmem:$0x1F820];
	v1 =	vsub.s32 $0x5F3759DF, v28;
	v63 =	vmul.f32 v21, v37;
	v21 =	vsub.f32 $1.500000000e+00, v24  }
0x403: {  	v28 =	vmul.f32 v39, v19;
	v19 =	vld [tilespmem:$0x1FF70];
	v17 =	vbroadcast v45, $0xF;
	v12 =	vsub.f32 v12, v23  }
0x404: {  	v23 =	vmul.f32 v1, v59;
	v22 =	vmul.f32 v21, v22  }
0x405: {  	v24 =	vadd.f32 $9.999999740e-06, v12;
	v37 =	vmul.f32 v16, v2;
	v2 =	vshra.s32 v17, $0x1  }
0x406: {  	v12 =	vmul.f32 v1, v23;
	v23 =	vsub.s32 $0x5F3759DF, v2;
	v2 =	vmul.f32 v22, v47  }
0x407: {  	v25 =	vsub.f32 v25, v62  }
0x408: {  	v57 =	vmul.f32 v22, v19;
	v19 =	vsub.f32 v50, v62;
	v62 =	vmul.f32 v2, v43;
	v43 =	vld [tilespmem:$0x1FFA0];
	_ =	sdelay $0x3  }
0x409: {  	v16 =	vld [tilespmem:$0x1FF80]  }
0x40a: {  	[tilespmem:$0x1F7D0] =	vst v61;
	v61 =	vor.u32 v34, v8;
	v34 =	vadd.f32 v13, v43;
	v13 =	vld [tilespmem:$0x1FF50];
	_ =	sdelay $0x4  }
0x40b: {  	[tilespmem:$0x1F820] =	vst v31;
	v16 =	vmul.f32 v22, v16;
	v31 =	vmul.f32 v22, v13;
	v22 =	vld [tilespmem:$0x1F780];
	_ =	sdelay $0x7  }
0x40c: {  	v13 =	vmov v7;
	[tilespmem:v22+s29+$0x0] =	vst.idx.msk $0xffff, v14;
	v22 =	vld [tilespmem:$0x1F790]  }
0x40d: {  	[tilespmem:$0x1F780] =	vst v13;
	v13 =	vld [tilespmem:$0x1F7A0];
	_ =	sdelay $0x2  }
0x40e: {  	v2 =	vmul.f32 v16, v27;
	v16 =	vld [tilespmem:$0x1FF70];
	_ =	sdelay $0x3  }
0x40f: {  	v39 =	vmul.f32 $5.000000000e-01, v17;
	[tilespmem:v22+s29+$0x0] =	vst.idx.msk $0xffff, v15  }
0x410: {  	v40 =	vmul.f32 v40, v16;
	[tilespmem:v13+s29+$0x0] =	vst.idx.msk $0xffff, v4;
	v4 =	vld [tilespmem:$0x1F670]  }
0x411: {  	v17 =	vmul.f32 v23, v39  }
0x412: {  	v22 =	vmul.f32 v40, v36;
	v36 =	vld [tilespmem:$0x1FF70]  }
0x413: {  	v45 =	vmov v9;
	v9 =	vmul.f32 v23, v17  }
0x414: {  	v17 =	vbroadcast v24, $0xF;
	v16 =	vmul.f32 v57, v38;
	v38 =	vld [tilespmem:$0x1FFF0];
	_ =	sdelay $0x1  }
0x415: {  	v7 =	vsub.f32 $1.500000000e+00, v9;
	v9 =	vshra.s32 v17, $0x1;
	v14 =	vadd.f32 v2, v49;
	v2 =	vmovc v6  }
0x416: {  	v42 =	vld [tilespmem:$0x1F6B0];
	[tilespmem:$0x1F790] =	vst v2;
	v2 =	vsub.s32 $0x5F3759DF, v9;
	v9 =	vmul.f32 v37, v36  }
0x417: {  	v13 =	vmul.f32 v23, v7;
	[tilespmem:v4+s29+$0x0] =	vst.idx.msk $0xffff, v0;
	v4 =	vld [tilespmem:$0x1FF50]  }
0x418: {  	v41 =	vmovc v60;
	v7 =	vadd.f32 v22, v55;
	v22 =	vmul.f32 v9, v25;
	v9 =	vor.u32 v38, v8;
	v8 =	vld [tilespmem:$0x1F6A0]  }
0x419: {  	[tilespmem:$0x1F800] =	vst v41;
	v41 =	vld [tilespmem:$0x1FF80]  }
0x41a: {  	v27 =	vld.idx.msk [tilespmem:v61+s20+$0x0], $0xffff  }
0x41b: {  	v21 =	vadd.f32 v28, v49;
	v28 =	vld.idx.msk [tilespmem:v52+s20+$0x0], $0xffff  }
0x41c: {  	v6 =	vmul.f32 v37, v4;
	v4 =	vld [tilespmem:$0x1F680]  }
0x41d: {  	p2 =	slt.u32 s9, $0x60;
	v50 =	vld [tilespmem:$0x1F640];
	v24 =	vmul.f32 v37, v47  }
.Ltmp5:
0x41e: {  	v60 =	vmov v47;
	v47 =	vld [tilespmem:$0x1F660];
	v15 =	vmul.f32 v31, v20;
	(pc) =	sbr.rel @p2 .LBB2_9-.Ltmp5, $4  }
0x41f: {  	v40 =	vld [tilespmem:$0x1F650];
	v20 =	vmul.f32 v24, v44;
	v24 =	vmul.f32 v37, v41;
	v0 =	vadd.f32 v27, v30  }
0x420: {  	v57 =	vbroadcast v18, $0xF;
	v30 =	vmovc v26;
	v26 =	vmov v46;
	v37 =	vld [tilespmem:$0x1FF50];
	[tilespmem:v8+s29+$0x0] =	vst.idx.msk $0xffff, v34;
	v8 =	vadd.f32 v22, v55  }
0x421: {  	v46 =	vmovc v4;
	v4 =	vadd.f32 v28, v29;
	v29 =	vmovc v5;
	v28 =	vld [tilespmem:$0x1F690];
	v5 =	vmov v10;
	v10 =	vadd.f32 v20, v43  }
0x422: {  	s9 =	sadd.s32 $0x4, s9;
	v20 =	vmul.f32 v13, v39;
	v39 =	vld [tilespmem:$0x1FFD0];
	[tilespmem:$0x1F7A0] =	vst v5;
	v5 =	vmul.f32 v24, v33;
	v33 =	vlaneseq.u32  }
0x423: {  	_ =	sdelay $0x3  }
0x424: {  	v18 =	vld.idx.msk [tilespmem:v9+s20+$0x0], $0xffff  }
0x425: {  	v22 =	vld [tilespmem:$0x1F7F0];
	_ =	sdelay $0x4  }
0x426: {  	v18 =	vadd.f32 v18, v22  }
0x427: {  	v23 =	vmul.f32 v4, v4;
	v24 =	vadd.f32 v4, v53  }
0x428: {  	v22 =	vmul.f32 v0, v0;
	v25 =	vmul.f32 v18, v18;
	v27 =	vadd.f32 v18, v0  }
0x429: {  	v11 =	vadd.f32 v23, v11  }
0x42a: {  	v22 =	vadd.f32 v25, v22;
	v23 =	vadd.f32 v27, v24  }
0x42b: {  	v24 =	vld [tilespmem:$0x1F710]  }
0x42c: {  	v11 =	vadd.f32 v22, v11;
	(xrf2) =	vadd.scan.msk.f32 $0xffff, v23;
	_ =	sdelay $0x1  }
0x42d: {  	(xrf2) =	vadd.scan.msk.f32 $0xffff, v11;
	_ =	sdelay $0x4  }
0x42e: {  	[tilespmem:v24+s29+$0x0] =	vst.idx.msk $0xffff, v7;
	v7 =	vld [tilespmem:$0x1F720];
	_ =	sdelay $0x2  }
0x42f: {  	v11, _, _ =	vpop (xrf2)  }
0x430: {  	v11 =	vmul.f32 $1.562500000e-02, v11  }
0x431: {  	v22, _, _ =	vpop (xrf2)  }
0x432: {  	v22 =	vmul.f32 $1.562500000e-02, v22;
	v23 =	vmul.f32 v11, v11;
	_ =	sdelay $0x1  }
0x433: {  	[tilespmem:v7+s29+$0x0] =	vst.idx.msk $0xffff, v21;
	v7 =	vsub.f32 v22, v23;
	v23 =	vld [tilespmem:$0x1F700]  }
0x434: {  	v25 =	vld [tilespmem:$0x1FFB0];
	_ =	sdelay $0x4  }
0x435: {  	v21 =	vadd.f32 v63, v25;
	_ =	sdelay $0x1  }
0x436: {  	[tilespmem:v23+s29+$0x0] =	vst.idx.msk $0xffff, v21;
	v21 =	vld [tilespmem:$0x1F740];
	_ =	sdelay $0x5  }
0x437: {  	v22 =	vadd.f32 v62, v43;
	_ =	sdelay $0x1  }
0x438: {  	[tilespmem:v21+s29+$0x0] =	vst.idx.msk $0xffff, v22;
	v21 =	vld [tilespmem:$0x1F750]  }
0x439: {  	v24 =	vld [tilespmem:$0x1FF60];
	_ =	sdelay $0x4  }
0x43a: {  	v16 =	vadd.f32 v16, v24;
	_ =	sdelay $0x1  }
0x43b: {  	[tilespmem:v21+s29+$0x0] =	vst.idx.msk $0xffff, v16  }
0x43c: {  	[tilespmem:v50+s29+$0x0] =	vst.idx.msk $0xffff, v14;
	v14 =	vld [tilespmem:$0x1F760];
	_ =	sdelay $0x2  }
0x43d: {  	v20 =	vmul.f32 v20, v13  }
0x43e: {  	v12 =	vsub.f32 $1.500000000e+00, v12;
	v6 =	vmul.f32 v6, v19;
	v19 =	vld [tilespmem:$0x1FF90]  }
0x43f: {  	v20 =	vsub.f32 $1.500000000e+00, v20  }
0x440: {  	v1 =	vmul.f32 v1, v12;
	v12 =	vadd.f32 v15, v25  }
0x441: {  	v13 =	vmul.f32 v20, v13  }
0x442: {  	[tilespmem:v14+s29+$0x0] =	vst.idx.msk $0xffff, v12  }
0x443: {  	v5 =	vadd.f32 v5, v19;
	v16 =	vmul.f32 v13, v36;
	[tilespmem:v47+s29+$0x0] =	vst.idx.msk $0xffff, v10  }
0x444: {  	[tilespmem:v42+s29+$0x0] =	vst.idx.msk $0xffff, v8  }
0x445: {  	v12 =	vmul.f32 v1, v59;
	[tilespmem:v28+s29+$0x0] =	vst.idx.msk $0xffff, v5;
	v5 =	vmul.f32 v16, v56;
	v16 =	vld [tilespmem:$0x1F730];
	_ =	sdelay $0x1  }
0x446: {  	v12 =	vmul.f32 v12, v1  }
0x447: {  	v7 =	vadd.f32 $9.999999740e-06, v7  }
0x448: {  	v12 =	vsub.f32 $1.500000000e+00, v12  }
0x449: {  	v7 =	vbroadcast v7, $0xF  }
0x44a: {  	v6 =	vadd.f32 v6, v25;
	v1 =	vmul.f32 v12, v1;
	v12 =	vld [tilespmem:$0x1F780]  }
0x44b: {  	v14 =	vshra.s32 v7, $0x1;
	v7 =	vmul.f32 $5.000000000e-01, v7  }
0x44c: {  	v10 =	vmul.f32 v13, v60;
	v14 =	vsub.s32 $0x5F3759DF, v14;
	[tilespmem:v16+s29+$0x0] =	vst.idx.msk $0xffff, v6;
	v6 =	vld [tilespmem:$0x1F830]  }
0x44d: {  	v15 =	vmul.f32 v14, v7  }
0x44e: {  	v10 =	vmul.f32 v10, v58  }
0x44f: {  	v8 =	vmul.f32 v13, v41;
	v15 =	vmul.f32 v14, v15  }
0x450: {  	v10 =	vadd.f32 v10, v43  }
0x451: {  	v6 =	vmul.f32 v8, v6;
	v8 =	vsub.f32 $1.500000000e+00, v15  }
0x452: {  	[tilespmem:v12+s29+$0x0] =	vst.idx.msk $0xffff, v10;
	v12 =	vmul.f32 v13, v37  }
0x453: {  	v13 =	vsub.f32 v32, v57;
	v8 =	vmul.f32 v14, v8;
	v14 =	vmul.f32 v1, v60;
	_ =	sdelay $0x1  }
0x454: {  	v13 =	vmul.f32 v14, v13;
	v14 =	vld [tilespmem:$0x1F790];
	_ =	sdelay $0x5  }
0x455: {  	v5 =	vadd.f32 v5, v24;
	_ =	sdelay $0x1  }
0x456: {  	[tilespmem:v14+s29+$0x0] =	vst.idx.msk $0xffff, v5;
	v14 =	vld [tilespmem:$0x1F7A0];
	_ =	sdelay $0x4  }
0x457: {  	v12 =	vmul.f32 v12, v51  }
0x458: {  	v10 =	vmul.f32 $5.000000000e-01, v17;
	v6 =	vadd.f32 v6, v19  }
0x459: {  	v12 =	vadd.f32 v12, v25  }
0x45a: {  	v15 =	vmul.f32 v2, v10;
	[tilespmem:v14+s29+$0x0] =	vst.idx.msk $0xffff, v6  }
0x45b: {  	[tilespmem:v46+s29+$0x0] =	vst.idx.msk $0xffff, v12;
	v12 =	vld [tilespmem:$0x1F770]  }
0x45c: {  	v5 =	vmul.f32 v2, v15;
	_ =	sdelay $0x1  }
0x45d: {  	v5 =	vsub.f32 $1.500000000e+00, v5  }
0x45e: {  	v7 =	vmul.f32 v8, v7  }
0x45f: {  	v2 =	vmul.f32 v2, v5;
	v5 =	vld [tilespmem:$0x1F7B0]  }
0x460: {  	v6 =	vmul.f32 v7, v8;
	v7 =	vadd.f32 v13, v43;
	v13 =	vld [tilespmem:$0x1F7D0];
	_ =	sdelay $0x1  }
0x461: {  	[tilespmem:v12+s29+$0x0] =	vst.idx.msk $0xffff, v7;
	v7 =	vbroadcast v11, $0xF;
	v11 =	vld [tilespmem:$0x1F7C0]  }
0x462: {  	v6 =	vsub.f32 $1.500000000e+00, v6  }
0x463: {  	v5 =	vsub.f32 v5, v57;
	v12 =	vmul.f32 v1, v36  }
0x464: {  	v6 =	vmul.f32 v6, v8;
	v8 =	vmul.f32 v1, v41;
	v13 =	vsub.f32 v13, v57  }
0x465: {  	v10 =	vmul.f32 v2, v10;
	v5 =	vmul.f32 v12, v5  }
0x466: {  	v8 =	vmul.f32 v8, v13;
	v1 =	vmul.f32 v1, v37;
	v11 =	vsub.f32 v11, v57  }
0x467: {  	v13 =	vmul.f32 v6, v60;
	v12 =	vsub.f32 v53, v7;
	v5 =	vadd.f32 v5, v24  }
0x468: {  	v4 =	vsub.f32 v4, v7;
	v1 =	vmul.f32 v1, v11;
	v11 =	vmul.f32 v6, v36  }
0x469: {  	v8 =	vadd.f32 v8, v19;
	v12 =	vmul.f32 v13, v12;
	[tilespmem:v48+s29+$0x0] =	vst.idx.msk $0xffff, v5  }
0x46a: {  	v5 =	vmul.f32 v10, v2;
	v4 =	vmul.f32 v11, v4;
	v1 =	vadd.f32 v1, v25  }
0x46b: {  	[tilespmem:v35+s29+$0x0] =	vst.idx.msk $0xffff, v8;
	v8 =	vadd.f32 v12, v43  }
0x46c: {  	[tilespmem:v29+s29+$0x0] =	vst.idx.msk $0xffff, v1;
	v1 =	vadd.f32 v4, v24;
	v4 =	vsub.f32 $1.500000000e+00, v5  }
0x46d: {  	v0 =	vsub.f32 v0, v7  }
0x46e: {  	[tilespmem:v54+s29+$0x0] =	vst.idx.msk $0xffff, v8;
	v2 =	vmul.f32 v4, v2;
	v4 =	vmul.f32 v6, v41  }
0x46f: {  	[tilespmem:v52+s29+$0x0] =	vst.idx.msk $0xffff, v1;
	v1 =	vbroadcast v3, $0xF;
	v3 =	vsub.f32 v18, v7;
	v6 =	vmul.f32 v6, v37  }
0x470: {  	v0 =	vmul.f32 v4, v0  }
0x471: {  	v3 =	vmul.f32 v6, v3  }
0x472: {  	v5 =	vld [tilespmem:$0x1F810];
	v0 =	vadd.f32 v0, v19  }
0x473: {  	v7 =	vld [tilespmem:$0x1F820];
	v3 =	vadd.f32 v3, v25  }
0x474: {  	v8 =	vld [tilespmem:$0x1F800];
	[tilespmem:v61+s29+$0x0] =	vst.idx.msk $0xffff, v0  }
0x475: {  	[tilespmem:v9+s29+$0x0] =	vst.idx.msk $0xffff, v3;
	v3 =	vld [tilespmem:$0x1F7E0];
	_ =	sdelay $0x1  }
0x476: {  	v4 =	vmul.f32 v2, v60;
	v5 =	vsub.f32 v5, v1  }
0x477: {  	v6 =	vmul.f32 v2, v36;
	v7 =	vsub.f32 v7, v1  }
0x478: {  	v8 =	vsub.f32 v8, v1;
	v4 =	vmul.f32 v4, v5;
	v5 =	vmul.f32 v2, v41  }
0x479: {  	v1 =	vsub.f32 v45, v1;
	v2 =	vmul.f32 v2, v37;
	v6 =	vmul.f32 v6, v7  }
0x47a: {  	v0 =	vmul.f32 v5, v8;
	v4 =	vadd.f32 v4, v43  }
0x47b: {  	v1 =	vmul.f32 v2, v1;
	v2 =	vadd.f32 v6, v24  }
0x47c: {  	s7 =	sor.u32 s8, s7;
	v0 =	vadd.f32 v0, v19;
	[tilespmem:v3+s29+$0x0] =	vst.idx.msk $0xffff, v4  }
0x47d: {  	s10 =	sadd.s32 @!p0 $0x6, s13;
	s9 =	smul.u32 $0x640, s7;
	v1 =	vadd.f32 v1, v25;
	[tilespmem:v26+s29+$0x0] =	vst.idx.msk $0xffff, v2  }
0x47e: {  	s10 =	sshrl.u32 @!p0 s10, $0x1;
	[tilespmem:v30+s29+$0x0] =	vst.idx.msk $0xffff, v0  }
0x47f: {  	s10 =	smul.u32 @!p0 $0x340, s10;
	s9 =	sadd.s32 s4, s9;
	[tilespmem:v40+s29+$0x0] =	vst.idx.msk $0xffff, v1  }
0x480: {  	[hbm4b:s9+s5] =	stream.linear.scatter [tilespmem:s0], [sflag:$0x7], $0x1900, $0x38;
	[tilespmem:$0x15100] =	vst v63  }
0x481: {  	s11 =	simm.s32 @!p0 $0xBB00;
	s9 =	sshra.s32 @!p0 s10, $0x2;
	s10 =	simm.s32 @!p0 $0x64  }
0x482: {  	[tilespmem:s11], [sflag:$0x3] =	stream.indirect.gather @!p0 [hbm4b:s6+s10], $0x40, s9, s10, $0xb8;
	[tilespmem:$0x15100] =	vst v63  }
0x483: {  	_ =	swait.ge @p1 [sflag:s23], $0x1900  }
0x484: {  	s16 =	simm.s32 $0x0;
	[sflag:s23] =	ssyncset.done @p1 $0x0  }
0x485: {  	v1 =	vmov s16;
	[sflag:s23] =	ssyncadd.s32 @p1 $0xFFFFE700  }
0x486: {  	v1 =	vadd.s32 $0x4B00, v1;
	_ =	swait.ge [sflag:s1], $0x1900  }
0x487: {  	v3 =	vbroadcast v1, $0x0;
	v1 =	vld [tilespmem:$0x1F6C0];
	_ =	sdelay $0x5  }
0x488: {  	[sflag:s1] =	ssyncset.done $0x0  }
0x489: {  	[sflag:s1] =	ssyncadd.s32 $0xFFFFE700  }
0x48a: {  	v19 =	vld.idx.msk [tilespmem:v1+s17+$0x0], $0xffff  }
0x48b: {  	v1 =	vld [tilespmem:$0x1F6D0];
	_ =	sdelay $0x7  }
0x48c: {  	v47 =	vld.idx.msk [tilespmem:v1+s17+$0x0], $0xffff  }
0x48d: {  	s14 =	simm.s32 $0x40;
	v1 =	vld [tilespmem:$0x1F6E0]  }
0x48e: {  	v0 =	vmov s14;
	v5 =	vor.u32 v33, v3;
	v56 =	vld [tilespmem:$0x1FFE0]  }
0x48f: {  	v0 =	vadd.s32 $0x4B00, v0;
	v12 =	vor.u32 v39, v3  }
0x490: {  	v0 =	vbroadcast v0, $0x0;
	_ =	sdelay $0x1  }
0x491: {  	s18 =	simm.s32 $0xC0;
	v4 =	vor.u32 v33, v0;
	v7 =	vor.u32 v38, v0;
	v2 =	vor.u32 v39, v0  }
0x492: {  	[tilespmem:$0x1F5B0] =	vst v5;
	v5 =	vld.idx.msk [tilespmem:v5+s20+$0x0], $0xffff;
	v8 =	vor.u32 v56, v0;
	v0 =	vmov s18;
	v14 =	vor.u32 v56, v3  }
0x493: {  	[tilespmem:$0x1F5D0] =	vst v12;
	v12 =	vld.idx.msk [tilespmem:v12+s20+$0x0], $0xffff;
	v0 =	vadd.s32 $0x4B00, v0  }
0x494: {  	v6 =	vbroadcast v0, $0x0;
	v20 =	vld.idx.msk [tilespmem:v1+s17+$0x0], $0xffff  }
0x495: {  	v1 =	vld [tilespmem:$0x1F6F0]  }
0x496: {  	v9 =	vor.u32 v38, v3;
	v3 =	vld.idx.msk [tilespmem:v2+s20+$0x0], $0xffff;
	v0 =	vor.u32 v39, v6  }
0x497: {  	[tilespmem:$0x1F430] =	vst v2;
	v2 =	vor.u32 v33, v6;
	v13 =	vld.idx.msk [tilespmem:v14+s20+$0x0], $0xffff  }
0x498: {  	[tilespmem:$0x1F630] =	vst v4;
	v4 =	vld.idx.msk [tilespmem:v4+s20+$0x0], $0xffff  }
0x499: {  	[tilespmem:$0x1F420] =	vst v7;
	v7 =	vld.idx.msk [tilespmem:v7+s20+$0x0], $0xffff  }
0x49a: {  	[tilespmem:$0x1F440] =	vst v8;
	v35 =	vor.u32 v56, v6;
	v8 =	vld.idx.msk [tilespmem:v8+s20+$0x0], $0xffff  }
0x49b: {  	v40 =	vadd.f32 v12, v47;
	v12 =	vld.idx.msk [tilespmem:v0+s20+$0x0], $0xffff  }
0x49c: {  	v15 =	vadd.f32 v5, v19;
	v41 =	vadd.f32 v13, v20;
	v13 =	vld.idx.msk [tilespmem:v2+s20+$0x0], $0xffff  }
0x49d: {  	v21 =	vld.idx.msk [tilespmem:v1+s17+$0x0], $0xffff;
	v1 =	vor.u32 v38, v6  }
0x49e: {  	v11 =	vld.idx.msk [tilespmem:v9+s20+$0x0], $0xffff;
	[tilespmem:$0x1F5F0] =	vst v14;
	v14 =	vmul.f32 v15, v15;
	v25 =	vmul.f32 v40, v40  }
0x49f: {  	[tilespmem:$0x1F600] =	vst v9;
	v9 =	vadd.f32 v4, v19;
	v6 =	vld.idx.msk [tilespmem:v35+s20+$0x0], $0xffff  }
0x4a0: {  	v23 =	vadd.f32 v40, v15;
	v14 =	vadd.f32 v25, v14  }
0x4a1: {  	[tilespmem:$0x1F470] =	vst v2;
	v53 =	vadd.f32 v8, v20;
	v2 =	vadd.f32 v12, v47  }
0x4a2: {  	[tilespmem:$0x1F450] =	vst v1;
	v4 =	vadd.f32 v13, v19;
	v5 =	vld.idx.msk [tilespmem:v1+s20+$0x0], $0xffff;
	v1 =	vadd.f32 v3, v47  }
0x4a3: {  	v10 =	vadd.f32 v7, v21;
	v11 =	vadd.f32 v11, v21  }
0x4a4: {  	v7 =	vmul.f32 v9, v9;
	v3 =	vadd.f32 v6, v20;
	v16 =	vmul.f32 v1, v1  }
0x4a5: {  	v27 =	vmul.f32 v53, v53;
	v17 =	vadd.f32 v1, v9;
	v22 =	vadd.f32 v10, v53  }
0x4a6: {  	v26 =	vadd.f32 v11, v41;
	v25 =	vmul.f32 v10, v10;
	v16 =	vadd.f32 v16, v7  }
0x4a7: {  	[tilespmem:$0x1F460] =	vst v0;
	v12 =	vmul.f32 v11, v11;
	v17 =	vadd.f32 v22, v17;
	v0 =	vadd.f32 v5, v21  }
0x4a8: {  	v13 =	vadd.f32 v26, v23;
	v22 =	vmul.f32 v41, v41;
	v23 =	vadd.f32 v25, v27  }
0x4a9: {  	v26 =	vadd.f32 v2, v4;
	v25 =	vadd.f32 v0, v3  }
0x4aa: {  	(xrf2) =	vadd.scan.msk.f32 $0xffff, v17;
	v16 =	vadd.f32 v23, v16;
	v12 =	vadd.f32 v12, v22  }
0x4ab: {  	(xrf2) =	vadd.scan.msk.f32 $0xffff, v13;
	v13 =	vadd.f32 v25, v26  }
0x4ac: {  	(xrf2) =	vadd.scan.msk.f32 $0xffff, v16;
	v12 =	vadd.f32 v12, v14  }
0x4ad: {  	(xrf2) =	vadd.scan.msk.f32 $0xffff, v13  }
0x4ae: {  	(xrf2) =	vadd.scan.msk.f32 $0xffff, v12;
	_ =	sdelay $0x5  }
0x4af: {  	v12, _, _ =	vpop (xrf2)  }
0x4b0: {  	s10 =	simm.s32 $0x80;
	v13, _, _ =	vpop (xrf2)  }
0x4b1: {  	v14 =	vmov s10;
	v16, _, _ =	vpop (xrf2)  }
0x4b2: {  	v14 =	vadd.s32 $0x4B00, v14;
	v13 =	vmul.f32 $1.562500000e-02, v13;
	v17, _, _ =	vpop (xrf2)  }
0x4b3: {  	v14 =	vbroadcast v14, $0x0;
	v22, _, _ =	vpop (xrf2)  }
0x4b4: {  	[tilespmem:$0x1F570] =	vst v1;
	v23 =	vmul.f32 v13, v13;
	v22 =	vmul.f32 $1.562500000e-02, v22  }
0x4b5: {  	v1 =	vmov v0;
	[tilespmem:$0x1F5C0] =	vst v0;
	v0 =	vor.u32 v33, v14  }
0x4b6: {  	v22 =	vsub.f32 v22, v23;
	_ =	sdelay $0x1  }
0x4b7: {  	v28 =	vmul.f32 v2, v2;
	v46 =	vor.u32 v39, v14;
	v22 =	vadd.f32 $9.999999740e-06, v22  }
0x4b8: {  	v27 =	vmul.f32 v4, v4;
	v25 =	vmul.f32 v1, v1  }
0x4b9: {  	s11 =	simm.s32 $0x140;
	v26 =	vmul.f32 v3, v3;
	v23 =	vld.idx.msk [tilespmem:v0+s20+$0x0], $0xffff;
	v22 =	vbroadcast v22, $0xF  }
0x4ba: {  	v1 =	vor.u32 v38, v14;
	v48 =	vmul.f32 $1.562500000e-02, v12;
	v12 =	vmov s11  }
0x4bb: {  	[tilespmem:$0x1F480] =	vst v0;
	v0 =	vor.u32 v56, v14;
	v29 =	vshra.s32 v22, $0x1;
	v62 =	vmul.f32 $5.000000000e-01, v22  }
0x4bc: {  	v14 =	vbroadcast v13, $0xF;
	v13 =	vld.idx.msk [tilespmem:v46+s20+$0x0], $0xffff;
	v22 =	vadd.f32 v25, v26;
	v25 =	vsub.s32 $0x5F3759DF, v29  }
0x4bd: {  	v12 =	vadd.s32 $0x4B00, v12;
	v26 =	vadd.f32 v28, v27;
	v27 =	vmul.f32 v25, v62  }
0x4be: {  	v16 =	vmul.f32 $1.562500000e-02, v16;
	v18 =	vmul.f32 $1.562500000e-02, v17;
	v50 =	vadd.f32 v23, v19  }
0x4bf: {  	s16 =	simm.s32 $0x1C0;
	v29 =	vmul.f32 v48, v48;
	v22 =	vadd.f32 v22, v26;
	v23 =	vmul.f32 v25, v27  }
0x4c0: {  	v43 =	vmov s16;
	[tilespmem:$0x1F580] =	vst v4;
	v4 =	vmul.f32 v18, v18;
	v26 =	vld.idx.msk [tilespmem:v0+s20+$0x0], $0xffff;
	v27 =	vbroadcast v12, $0x0  }
0x4c1: {  	[tilespmem:$0x1F490] =	vst v0;
	v13 =	vadd.f32 v13, v47;
	(xrf2) =	vadd.scan.msk.f32 $0xffff, v22;
	v12 =	vsub.f32 $1.500000000e+00, v23  }
0x4c2: {  	s14 =	simm.s32 $0x100;
	v16 =	vsub.f32 v16, v29;
	v23 =	vld.idx.msk [tilespmem:v1+s20+$0x0], $0xffff;
	v44 =	vor.u32 v33, v27;
	v0 =	vor.u32 v56, v27  }
0x4c3: {  	v30 =	vor.u32 v39, v27;
	v29 =	vmovc v0;
	v0 =	vld [tilespmem:$0x1FFF0];
	v36 =	vmul.f32 v25, v12;
	v25 =	vmov s14  }
0x4c4: {  	v28 =	vmul.f32 v50, v50;
	v22 =	vor.u32 v38, v27;
	v25 =	vadd.s32 $0x4B00, v25  }
0x4c5: {  	v57 =	vmul.f32 v13, v13;
	v12 =	vadd.f32 v26, v20;
	v26 =	vbroadcast v25, $0x0  }
0x4c6: {  	[tilespmem:$0x1F590] =	vst v2;
	v58 =	vadd.f32 v13, v50;
	v16 =	vadd.f32 $9.999999740e-06, v16;
	v27 =	vmul.f32 v36, v62  }
0x4c7: {  	[tilespmem:$0x1F4A0] =	vst v1;
	v38 =	vadd.s32 $0x4B00, v43;
	v42 =	vld.idx.msk [tilespmem:v44+s20+$0x0], $0xffff;
	v51 =	vadd.f32 v23, v21;
	v2 =	vor.u32 v33, v26  }
0x4c8: {  	v63 =	vmul.f32 v12, v12;
	v49 =	vld.idx.msk [tilespmem:v30+s20+$0x0], $0xffff;
	v32 =	vor.u32 v0, v26;
	v23 =	vmul.f32 v27, v36  }
0x4c9: {  	v1 =	vor.u32 v39, v26;
	v27 =	vld.idx.msk [tilespmem:v22+s20+$0x0], $0xffff;
	v59 =	vmul.f32 v51, v51;
	v61 =	vadd.f32 v51, v12  }
0x4ca: {  	[tilespmem:$0x1F5A0] =	vst v3;
	v3 =	vor.u32 v56, v26;
	v17 =	vsub.f32 $1.500000000e+00, v23;
	v23 =	vadd.f32 v57, v28;
	v28 =	vld.idx.msk [tilespmem:v29+s20+$0x0], $0xffff  }
0x4cb: {  	v62, _, _ =	vpop (xrf2);
	v26 =	vadd.f32 v59, v63;
	v63 =	vadd.f32 v61, v58;
	v61 =	vbroadcast v38, $0x0;
	v38 =	vld [tilespmem:$0x1FFF0]  }
0x4cc: {  	v15 =	vsub.f32 v15, v14;
	v16 =	vbroadcast v16, $0xF;
	v34 =	vmul.f32 $1.562500000e-02, v62;
	v45 =	vld.idx.msk [tilespmem:v2+s20+$0x0], $0xffff  }
0x4cd: {  	v17 =	vmul.f32 v17, v36;
	v5 =	vadd.f32 v42, v19;
	v0 =	vadd.f32 v49, v47;
	v55 =	vld.idx.msk [tilespmem:v32+s20+$0x0], $0xffff  }
0x4ce: {  	[tilespmem:$0x1F4C0] =	vst v1;
	v23 =	vadd.f32 v26, v23;
	(xrf2) =	vadd.scan.msk.f32 $0xffff, v63;
	v62 =	vld.idx.msk [tilespmem:v1+s20+$0x0], $0xffff;
	v1 =	vadd.f32 v27, v21  }
0x4cf: {  	v52 =	vsub.f32 v34, v4;
	v63 =	vld.idx.msk [tilespmem:v3+s20+$0x0], $0xffff;
	v31 =	vor.u32 v39, v61;
	v26 =	vmul.f32 v17, v60  }
0x4d0: {  	[tilespmem:$0x1F4B0] =	vst v2;
	v27 =	vmul.f32 v5, v5;
	v2 =	vadd.f32 v28, v20;
	v28 =	vmul.f32 v0, v0  }
0x4d1: {  	v34 =	vmul.f32 v1, v1;
	v25 =	vor.u32 v38, v61;
	v37 =	vmul.f32 v26, v15  }
0x4d2: {  	(xrf2) =	vadd.scan.msk.f32 $0xffff, v23;
	v15 =	vadd.f32 v28, v27;
	v27 =	vor.u32 v56, v61;
	v49 =	vadd.f32 v1, v2  }
0x4d3: {  	[tilespmem:$0x1F4D0] =	vst v3;
	v3 =	vmul.f32 v2, v2;
	v54 =	vadd.f32 v45, v19;
	v57 =	vadd.f32 v62, v47  }
0x4d4: {  	v33 =	vlaneseq.u32;
	v55 =	vadd.f32 v55, v21;
	v58 =	vadd.f32 v63, v20  }
0x4d5: {  	v28 =	vor.u32 v33, v61;
	[tilespmem:$0x1F510] =	vst v2;
	v45 =	vadd.f32 v0, v5;
	v3 =	vadd.f32 v34, v3  }
0x4d6: {  	v36 =	vmul.f32 v54, v54;
	v34 =	vmul.f32 v57, v57;
	v2 =	vadd.f32 v57, v54;
	v59 =	vld.idx.msk [tilespmem:v25+s20+$0x0], $0xffff  }
0x4d7: {  	[tilespmem:$0x1F500] =	vst v1;
	v1 =	vadd.f32 v55, v58;
	v7 =	vadd.f32 v3, v15;
	v63 =	vld.idx.msk [tilespmem:v27+s20+$0x0], $0xffff  }
0x4d8: {  	v15 =	vmul.f32 $5.000000000e-01, v16;
	v16 =	vshra.s32 v16, $0x1;
	v62 =	vadd.f32 v34, v36;
	v36 =	vld.idx.msk [tilespmem:v31+s20+$0x0], $0xffff  }
0x4d9: {  	[tilespmem:$0x1F4F0] =	vst v5;
	v52 =	vadd.f32 $9.999999740e-06, v52;
	v5 =	vadd.f32 v1, v2;
	v16 =	vsub.s32 $0x5F3759DF, v16;
	v2 =	vld [tilespmem:$0x1FF70]  }
0x4da: {  	[tilespmem:$0x1F4E0] =	vst v0;
	v23 =	vmov v60;
	v60 =	vadd.f32 v49, v45;
	v3 =	vld.idx.msk [tilespmem:v28+s20+$0x0], $0xffff;
	v0, _, _ =	vpop (xrf2);
	v45 =	vmul.f32 v16, v15  }
0x4db: {  	v40 =	vsub.f32 v40, v14;
	v6 =	vmul.f32 $1.562500000e-02, v0  }
0x4dc: {  	v4 =	vsub.f32 v41, v14;
	v52 =	vbroadcast v52, $0xF;
	v43, _, _ =	vpop (xrf2);
	v34 =	vmul.f32 v16, v45  }
0x4dd: {  	v61 =	vmul.f32 $1.562500000e-02, v43;
	v0 =	vmul.f32 v6, v6;
	v8 =	vadd.f32 v59, v21  }
0x4de: {  	[tilespmem:$0x1F520] =	vst v21;
	v1 =	vmul.f32 v17, v2;
	v24 =	vadd.f32 v36, v47;
	v21 =	vadd.f32 v63, v20;
	v36 =	vld [tilespmem:$0x1FF80]  }
0x4df: {  	(xrf2) =	vadd.scan.msk.f32 $0xffff, v60;
	v26 =	vadd.f32 v3, v19;
	v3 =	vmul.f32 v55, v55;
	v59 =	vsub.f32 $1.500000000e+00, v34  }
0x4e0: {  	v61 =	vsub.f32 v61, v0;
	v49 =	vmul.f32 v1, v40;
	v40 =	vmovc v2;
	v2 =	vmul.f32 v58, v58  }
0x4e1: {  	(xrf2) =	vadd.scan.msk.f32 $0xffff, v5;
	v5 =	vmul.f32 $5.000000000e-01, v52;
	v34 =	vld [tilespmem:$0x1FF50];
	v1 =	vadd.f32 v8, v21;
	v0 =	vadd.f32 v24, v26  }
0x4e2: {  	v43 =	vmul.f32 v24, v24;
	v61 =	vadd.f32 $9.999999740e-06, v61;
	v2 =	vadd.f32 v3, v2  }
0x4e3: {  	v0 =	vadd.f32 v1, v0;
	v1 =	vmul.f32 v16, v59;
	v41 =	vmul.f32 v17, v36  }
0x4e4: {  	v11 =	vsub.f32 v11, v14;
	v16 =	vmul.f32 v21, v21;
	v3 =	vbroadcast v61, $0xF  }
0x4e5: {  	(xrf2) =	vadd.scan.msk.f32 $0xffff, v7;
	v2 =	vadd.f32 v2, v62;
	v41 =	vmul.f32 v41, v4;
	v4 =	vshra.s32 v52, $0x1  }
0x4e6: {  	v14 =	vmul.f32 v17, v34;
	(xrf2) =	vadd.scan.msk.f32 $0xffff, v0;
	v7 =	vshra.s32 v3, $0x1;
	v4 =	vsub.s32 $0x5F3759DF, v4  }
0x4e7: {  	v3 =	vmul.f32 $5.000000000e-01, v3;
	(xrf2) =	vadd.scan.msk.f32 $0xffff, v2;
	v2 =	vsub.s32 $0x5F3759DF, v7;
	v7 =	vmul.f32 v4, v5  }
0x4e8: {  	v0 =	vmul.f32 v1, v15;
	v15 =	vmul.f32 v8, v8  }
0x4e9: {  	v42 =	vmul.f32 v2, v3;
	v7 =	vmul.f32 v4, v7  }
0x4ea: {  	v17 =	vmul.f32 v26, v26;
	v0 =	vmul.f32 v0, v1  }
0x4eb: {  	v15 =	vadd.f32 v15, v16;
	v16 =	vmul.f32 v2, v42;
	v7 =	vsub.f32 $1.500000000e+00, v7  }
0x4ec: {  	v60 =	vmul.f32 v14, v11;
	v0 =	vsub.f32 $1.500000000e+00, v0  }
0x4ed: {  	v14 =	vadd.f32 v43, v17;
	v4 =	vmul.f32 v4, v7;
	v7 =	vsub.f32 $1.500000000e+00, v16  }
0x4ee: {  	v6 =	vbroadcast v6, $0xF;
	v0 =	vmul.f32 v0, v1  }
0x4ef: {  	v14 =	vadd.f32 v15, v14;
	v15 =	vbroadcast v48, $0xF;
	v16, _, _ =	vpop (xrf2);
	v2 =	vmul.f32 v2, v7  }
0x4f0: {  	v63 =	vmul.f32 v0, v34;
	v42 =	vmul.f32 $1.562500000e-02, v16  }
0x4f1: {  	v1 =	vsub.f32 v50, v6;
	v16, _, _ =	vpop (xrf2);
	v5 =	vmul.f32 v4, v5;
	v3 =	vmul.f32 v2, v3  }
0x4f2: {  	(xrf2) =	vadd.scan.msk.f32 $0xffff, v14;
	v14 =	vmul.f32 v0, v23;
	v7 =	vsub.f32 v12, v6;
	v16 =	vmul.f32 $1.562500000e-02, v16  }
0x4f3: {  	v12 =	vsub.f32 v13, v6;
	v13, _, _ =	vpop (xrf2);
	v5 =	vmul.f32 v5, v4;
	v3 =	vmul.f32 v3, v2  }
0x4f4: {  	v10 =	vsub.f32 v10, v15;
	v13 =	vmul.f32 $1.562500000e-02, v13;
	v17 =	vmul.f32 v42, v42;
	v45, _, _ =	vpop (xrf2)  }
0x4f5: {  	v59, _, _ =	vpop (xrf2);
	v62 =	vmul.f32 v16, v16;
	v5 =	vsub.f32 $1.500000000e+00, v5;
	v3 =	vsub.f32 $1.500000000e+00, v3  }
0x4f6: {  	v13 =	vsub.f32 v13, v17;
	v17 =	vmul.f32 $1.562500000e-02, v59;
	v59 =	vmul.f32 v63, v10  }
0x4f7: {  	v9 =	vsub.f32 v9, v15;
	v4 =	vmul.f32 v5, v4;
	v5 =	vld [tilespmem:$0x1F570];
	v2 =	vmul.f32 v3, v2  }
0x4f8: {  	v10 =	vbroadcast v16, $0xF;
	v16 =	vmul.f32 v0, v36;
	v3 =	vsub.f32 v53, v15  }
0x4f9: {  	v43 =	vmul.f32 v14, v9;
	v14 =	vsub.f32 v17, v62;
	v17 =	vmul.f32 v2, v23  }
0x4fa: {  	[tilespmem:$0x1F530] =	vst v8;
	v8 =	vmul.f32 v16, v3;
	v3 =	vmul.f32 v2, v36  }
0x4fb: {  	[tilespmem:$0x1F550] =	vst v26;
	v26 =	vsub.f32 v58, v10;
	v58 =	vmul.f32 v17, v1;
	v1 =	vadd.f32 $9.999999740e-06, v14  }
0x4fc: {  	s18 =	simm.s32 $0x180;
	v5 =	vsub.f32 v5, v15;
	v9 =	vmul.f32 v3, v7;
	v14 =	vmul.f32 v2, v40  }
0x4fd: {  	v16, _, _ =	vpop (xrf2);
	v15 =	vmov s18;
	v3 =	vmul.f32 $1.562500000e-02, v45;
	v1 =	vbroadcast v1, $0xF  }
0x4fe: {  	v12 =	vmul.f32 v14, v12;
	v14 =	vadd.s32 $0x4B00, v15;
	v15 =	vmul.f32 $1.562500000e-02, v16  }
0x4ff: {  	v16 =	vshra.s32 v1, $0x1;
	v53 =	vmul.f32 $5.000000000e-01, v1;
	v1 =	vmul.f32 v3, v3  }
0x500: {  	v16 =	vsub.s32 $0x5F3759DF, v16  }
0x501: {  	v17 =	vsub.f32 v15, v1;
	v1 =	vmul.f32 v16, v53;
	_ =	sdelay $0x1  }
0x502: {  	v1 =	vmul.f32 v16, v1;
	_ =	sdelay $0x1  }
0x503: {  	v1 =	vsub.f32 $1.500000000e+00, v1;
	_ =	sdelay $0x1  }
0x504: {  	v61 =	vmul.f32 v16, v1;
	v1 =	vld [tilespmem:$0x1F590]  }
0x505: {  	v0 =	vmul.f32 v0, v40  }
0x506: {  	v62 =	vbroadcast v18, $0xF  }
0x507: {  	v6 =	vsub.f32 v51, v6;
	v63 =	vmul.f32 v0, v5;
	v0 =	vmul.f32 v2, v34;
	_ =	sdelay $0x1  }
0x508: {  	v15 =	vmul.f32 v0, v6;
	v0 =	vadd.f32 $9.999999740e-06, v13;
	v6 =	vsub.f32 v1, v62;
	v1 =	vld [tilespmem:$0x1F5A0];
	_ =	sdelay $0x1  }
0x509: {  	v0 =	vbroadcast v0, $0xF;
	_ =	sdelay $0x1  }
0x50a: {  	v51 =	vsub.f32 v55, v10;
	v2 =	vld [tilespmem:$0x1F580];
	v55 =	vmul.f32 $5.000000000e-01, v0  }
0x50b: {  	v7 =	vld [tilespmem:$0x1F5B0];
	v13 =	vsub.f32 v1, v62;
	v1 =	vshra.s32 v0, $0x1;
	v0 =	vmul.f32 v4, v40  }
0x50c: {  	[tilespmem:$0x1F540] =	vst v21;
	v21 =	vld [tilespmem:$0x1FFA0]  }
0x50d: {  	v11 =	vmul.f32 v0, v6;
	v6 =	vld [tilespmem:$0x1F5D0]  }
0x50e: {  	[tilespmem:$0x1F560] =	vst v24;
	v24 =	vld [tilespmem:$0x1FF60]  }
0x50f: {  	v5 =	vmul.f32 v4, v23;
	v2 =	vsub.f32 v2, v62;
	_ =	sdelay $0x1  }
0x510: {  	v18 =	vmul.f32 v5, v2;
	v2 =	vadd.f32 v37, v21;
	_ =	sdelay $0x1  }
0x511: {  	v5 =	vadd.f32 v49, v24;
	[tilespmem:v7+s29+$0x0] =	vst.idx.msk $0xffff, v2;
	v2 =	vadd.f32 $9.999999740e-06, v17;
	v17 =	vmul.f32 v4, v36;
	_ =	sdelay $0x1  }
0x512: {  	[tilespmem:v6+s29+$0x0] =	vst.idx.msk $0xffff, v5;
	v5 =	vmul.f32 v17, v13;
	v13 =	vbroadcast v2, $0xF;
	v2 =	vld [tilespmem:$0x1FFB0];
	_ =	sdelay $0x1  }
0x513: {  	v1 =	vsub.s32 $0x5F3759DF, v1  }
0x514: {  	v0 =	vmul.f32 v1, v55;
	_ =	sdelay $0x1  }
0x515: {  	v2 =	vadd.f32 v60, v2;
	v60 =	vmul.f32 v1, v0;
	v0 =	vld [tilespmem:$0x1F5F0]  }
0x516: {  	v23 =	vld [tilespmem:$0x1FF90]  }
0x517: {  	v14 =	vbroadcast v14, $0x0;
	_ =	sdelay $0x1  }
0x518: {  	v48 =	vor.u32 v33, v14  }
0x519: {  	v52 =	vsub.f32 v57, v10;
	v57 =	vor.u32 v56, v14  }
0x51a: {  	v7 =	vld [tilespmem:$0x1F5C0];
	v6 =	vadd.f32 v41, v23  }
0x51b: {  	v50 =	vor.u32 v39, v14  }
0x51c: {  	[tilespmem:v0+s29+$0x0] =	vst.idx.msk $0xffff, v6;
	v6 =	vld [tilespmem:$0x1F600]  }
0x51d: {  	v45 =	vld.idx.msk [tilespmem:v48+s20+$0x0], $0xffff  }
0x51e: {  	v54 =	vsub.f32 v54, v10;
	v10 =	vld.idx.msk [tilespmem:v57+s20+$0x0], $0xffff  }
0x51f: {  	v16 =	vsub.f32 v7, v62;
	v62 =	vadd.f32 v9, v23;
	v9 =	vor.u32 v38, v14;
	v14 =	vld [tilespmem:$0x1F630]  }
0x520: {  	v7 =	vld.idx.msk [tilespmem:v50+s20+$0x0], $0xffff;
	_ =	sdelay $0x1  }
0x521: {  	[tilespmem:$0x1F5E0] =	vst v19  }
0x522: {  	[tilespmem:$0x1F620] =	vst v47;
	v49 =	vadd.f32 v45, v19;
	v0 =	vshra.s32 v13, $0x1  }
0x523: {  	v17 =	vadd.f32 v8, v23;
	v8 =	vadd.f32 v43, v21;
	[tilespmem:v6+s29+$0x0] =	vst.idx.msk $0xffff, v2;
	v2 =	vsub.s32 $0x5F3759DF, v0  }
0x524: {  	[tilespmem:$0x1F610] =	vst v20;
	v0 =	vadd.f32 v10, v20;
	v6 =	vmul.f32 v4, v34;
	v4 =	vadd.f32 v7, v47  }
0x525: {  	v37 =	vmovc v36;
	v7 =	vadd.f32 v63, v24;
	v10 =	vadd.f32 v18, v21;
	v63 =	vmul.f32 v61, v53  }
0x526: {  	s9 =	simm.s32 $0x8;
	v53 =	vbroadcast v42, $0xF;
	[tilespmem:v14+s29+$0x0] =	vst.idx.msk $0xffff, v8;
	v8 =	vadd.f32 v11, v24;
	v11 =	vmul.f32 v49, v49  }
.LBB2_11:
0x527: {  	v19 =	vld [tilespmem:$0x1F430];
	_ =	sdelay $0x6  }
0x528: {  	v43 =	vld [tilespmem:$0x1FF90]  }
0x529: {  	[tilespmem:v19+s29+$0x0] =	vst.idx.msk $0xffff, v7;
	v19 =	vld [tilespmem:$0x1F440];
	_ =	sdelay $0x4  }
0x52a: {  	v18 =	vadd.f32 v5, v43;
	v5 =	vmul.f32 v6, v16;
	v6 =	vmov v44  }
0x52b: {  	s10 =	sshll.u32 s9, $0x6;
	[tilespmem:$0x1F410] =	vst v6;
	v7 =	vmov v30  }
0x52c: {  	s11 =	sadd.s32 $0x40, s10;
	v6 =	vmov s10;
	[tilespmem:$0x1F430] =	vst v7  }
0x52d: {  	v6 =	vadd.s32 $0x4B00, v6;
	v7 =	vmov s11;
	[tilespmem:v19+s29+$0x0] =	vst.idx.msk $0xffff, v17;
	v19 =	vmov v29  }
0x52e: {  	[tilespmem:$0x1F440] =	vst v19;
	v19 =	vbroadcast v6, $0x0;
	v6 =	vadd.s32 $0x4B00, v7;
	v7 =	vld [tilespmem:$0x1F420]  }
0x52f: {  	v47 =	vmov v51;
	v51 =	vld [tilespmem:$0x1FFB0];
	_ =	sdelay $0x4  }
0x530: {  	v14 =	vadd.f32 v59, v51;
	_ =	sdelay $0x1  }
0x531: {  	[tilespmem:v7+s29+$0x0] =	vst.idx.msk $0xffff, v14;
	v14 =	vbroadcast v6, $0x0;
	v6 =	vld [tilespmem:$0x1F480]  }
0x532: {  	v45 =	vld [tilespmem:$0x1FFA0];
	_ =	sdelay $0x4  }
0x533: {  	v17 =	vadd.f32 v58, v45  }
0x534: {  	v12 =	vadd.f32 v12, v24  }
0x535: {  	v58 =	vbroadcast v3, $0xF;
	v3 =	vld [tilespmem:$0x1F490];
	[tilespmem:v6+s29+$0x0] =	vst.idx.msk $0xffff, v17  }
0x536: {  	[tilespmem:v46+s29+$0x0] =	vst.idx.msk $0xffff, v12;
	v12 =	vld [tilespmem:$0x1F4A0];
	_ =	sdelay $0x5  }
0x537: {  	v15 =	vadd.f32 v15, v51  }
0x538: {  	[tilespmem:v3+s29+$0x0] =	vst.idx.msk $0xffff, v62  }
0x539: {  	s18 =	sadd.s32 $0xC0, s10;
	v29 =	vlaneseq.u32;
	[tilespmem:v12+s29+$0x0] =	vst.idx.msk $0xffff, v15;
	v15 =	vld [tilespmem:$0x1F470]  }
0x53a: {  	v36 =	vor.u32 v38, v19;
	v33 =	vor.u32 v56, v14;
	v3 =	vmov s18  }
0x53b: {  	v23 =	vmovc v22;
	v44 =	vor.u32 v38, v14;
	v30 =	vor.u32 v39, v14;
	v3 =	vadd.s32 $0x4B00, v3  }
0x53c: {  	[tilespmem:$0x1F420] =	vst v23;
	v17 =	vadd.f32 v5, v51;
	v5 =	vor.u32 v29, v14;
	v14 =	vbroadcast v3, $0x0;
	v3 =	vld [tilespmem:$0x1F460]  }
0x53d: {  	[tilespmem:$0x1F3D0] =	vst v36  }
0x53e: {  	v20 =	vld.idx.msk [tilespmem:v9+s20+$0x0], $0xffff;
	v21 =	vmul.f32 v4, v4;
	[tilespmem:$0x1F3E0] =	vst v33  }
0x53f: {  	v23 =	vld [tilespmem:$0x1F450];
	[tilespmem:$0x1F3F0] =	vst v5;
	v12 =	vmov v31  }
0x540: {  	v41 =	vld [tilespmem:$0x1F520];
	v60 =	vsub.f32 $1.500000000e+00, v60;
	v11 =	vadd.f32 v21, v11;
	[tilespmem:$0x1F460] =	vst v12  }
0x541: {  	v7 =	vor.u32 v29, v19;
	v46 =	vld.idx.msk [tilespmem:v33+s20+$0x0], $0xffff;
	[tilespmem:v15+s29+$0x0] =	vst.idx.msk $0xffff, v10;
	v15 =	vmov v48  }
0x542: {  	v1 =	vmul.f32 v1, v60;
	v16 =	vmul.f32 v0, v0;
	s10 =	sadd.s32 $0x80, s10;
	v62 =	vld.idx.msk [tilespmem:v36+s20+$0x0], $0xffff;
	v10 =	vmov v50;
	[tilespmem:$0x1F480] =	vst v15  }
0x543: {  	v59 =	vmul.f32 $5.000000000e-01, v13;
	v13 =	vmul.f32 v63, v61;
	v22 =	vmov s10;
	v12 =	vld.idx.msk [tilespmem:v5+s20+$0x0], $0xffff;
	[tilespmem:$0x1F3B0] =	vst v10  }
0x544: {  	v6 =	vor.u32 v39, v19;
	v42 =	vor.u32 v39, v14;
	v10 =	vadd.s32 $0x4B00, v22;
	[tilespmem:v3+s29+$0x0] =	vst.idx.msk $0xffff, v8;
	v22 =	vld [tilespmem:$0x1F4F0]  }
0x545: {  	v31 =	vor.u32 v56, v14;
	v3 =	vmov v27;
	v27 =	vld [tilespmem:$0x1FFC0];
	v8 =	vbroadcast v10, $0x0;
	[tilespmem:v35+s29+$0x0] =	vst.idx.msk $0xffff, v18  }
0x546: {  	v15 =	vor.u32 v38, v14;
	v10 =	vsub.f32 $1.500000000e+00, v13;
	[tilespmem:$0x1F400] =	vst v3;
	v3 =	vadd.f32 v20, v41;
	v18 =	vld.idx.msk [tilespmem:v7+s20+$0x0], $0xffff  }
0x547: {  	v13 =	vadd.f32 v4, v49;
	[tilespmem:v23+s29+$0x0] =	vst.idx.msk $0xffff, v17;
	v17 =	vld.idx.msk [tilespmem:v30+s20+$0x0], $0xffff;
	v48 =	vor.u32 v29, v8  }
0x548: {  	v23 =	vmovc v25;
	v25 =	vld [tilespmem:$0x1F610];
	v50 =	vor.u32 v39, v8;
	v20 =	vmul.f32 v10, v61;
	v21 =	vmul.f32 v3, v3  }
0x549: {  	v10 =	vor.u32 v56, v19;
	v19 =	vld.idx.msk [tilespmem:v44+s20+$0x0], $0xffff;
	v24 =	vadd.f32 v3, v0;
	v61 =	vsub.f32 v22, v53  }
0x54a: {  	v5 =	vmovc v15;
	v16 =	vadd.f32 v21, v16;
	v21 =	vmul.f32 v2, v59;
	v56 =	vmul.f32 v20, v40;
	v40 =	vld [tilespmem:$0x1F5E0]  }
0x54b: {  	[tilespmem:$0x1F450] =	vst v23;
	v36 =	vadd.f32 v24, v13;
	v22 =	vmov v28;
	v28 =	vmul.f32 v20, v27;
	v15 =	vld.idx.msk [tilespmem:v15+s20+$0x0], $0xffff  }
0x54c: {  	v24 =	vmul.f32 v20, v37;
	v13 =	vmov v57;
	v20 =	vmul.f32 v20, v34;
	[tilespmem:$0x1F470] =	vst v22;
	v22 =	vld [tilespmem:$0x1F620]  }
0x54d: {  	v38 =	vld.idx.msk [tilespmem:v6+s20+$0x0], $0xffff;
	[tilespmem:$0x1F490] =	vst v13;
	v11 =	vadd.f32 v16, v11;
	v21 =	vmul.f32 v2, v21;
	(xrf2) =	vadd.scan.msk.f32 $0xffff, v36  }
0x54e: {  	v16 =	vadd.f32 v62, v41;
	v24 =	vmul.f32 v24, v26;
	v23 =	vld.idx.msk [tilespmem:v10+s20+$0x0], $0xffff;
	v19 =	vadd.f32 v19, v41  }
0x54f: {  	(xrf2) =	vadd.scan.msk.f32 $0xffff, v11;
	v13 =	vadd.f32 v18, v40;
	v18 =	vmul.f32 v28, v54;
	v39 =	vadd.f32 v12, v40  }
0x550: {  	v21 =	vsub.f32 $1.500000000e+00, v21;
	v28 =	vor.u32 v29, v14;
	v54 =	vadd.f32 v46, v25;
	v29 =	vmovc v9;
	v46 =	vmovc v32  }
0x551: {  	v32 =	vld.idx.msk [tilespmem:v48+s20+$0x0], $0xffff;
	v34 =	vmul.f32 v19, v19;
	v9 =	vadd.f32 v15, v41;
	v12 =	vadd.f32 v17, v22  }
0x552: {  	[tilespmem:$0x1F4A0] =	vst v29;
	v29 =	vadd.f32 v38, v22;
	v17 =	vmul.f32 v13, v13;
	v11 =	vmul.f32 v39, v39  }
0x553: {  	v35 =	vld.idx.msk [tilespmem:v42+s20+$0x0], $0xffff;
	v63 =	vmul.f32 v54, v54;
	v33 =	vadd.f32 v19, v54;
	v23 =	vadd.f32 v23, v25  }
0x554: {  	v14 =	vld.idx.msk [tilespmem:v31+s20+$0x0], $0xffff;
	v57 =	vmul.f32 v12, v12;
	v62 =	vadd.f32 v12, v39;
	v36 =	vadd.f32 v29, v13  }
0x555: {  	[tilespmem:$0x1F3C0] =	vst v5;
	v41 =	vld [tilespmem:$0x1FF60];
	v5 =	vmul.f32 v29, v29;
	v34 =	vadd.f32 v34, v63;
	v15 =	vadd.f32 v16, v23  }
0x556: {  	v20 =	vmul.f32 v20, v47;
	v38 =	vld.idx.msk [tilespmem:v28+s20+$0x0], $0xffff;
	v57 =	vadd.f32 v57, v11;
	v11 =	vadd.f32 v33, v62  }
0x557: {  	[tilespmem:$0x1F4F0] =	vst v39;
	v39 =	vmul.f32 v16, v16;
	v17 =	vadd.f32 v5, v17;
	v32 =	vadd.f32 v32, v40  }
0x558: {  	v33 =	vmul.f32 v56, v52;
	v62 =	vadd.f32 v18, v45;
	v18 =	vadd.f32 v35, v22;
	v56, _, _ =	vpop (xrf2);
	(xrf2) =	vadd.scan.msk.f32 $0xffff, v11  }
0x559: {  	v52 =	vmul.f32 v9, v9;
	v35 =	vadd.f32 v14, v25;
	v15 =	vadd.f32 v15, v36  }
0x55a: {  	v36 =	vmul.f32 v23, v23;
	v63 =	vadd.f32 v33, v41;
	v14 =	vmul.f32 $1.562500000e-02, v56  }
0x55b: {  	v34 =	vadd.f32 v34, v57;
	v56, _, _ =	vpop (xrf2);
	v37 =	vadd.f32 v38, v40;
	v38 =	vmul.f32 v35, v35  }
0x55c: {  	v33 =	vadd.f32 v9, v35;
	(xrf2) =	vadd.scan.msk.f32 $0xffff, v15;
	v15 =	vmul.f32 $1.562500000e-02, v56;
	v57 =	vmul.f32 v14, v14  }
0x55d: {  	v14 =	vbroadcast v14, $0xF;
	v40 =	vadd.f32 v18, v37;
	v38 =	vadd.f32 v52, v38  }
0x55e: {  	v11 =	vmul.f32 v32, v32;
	v15 =	vsub.f32 v15, v57;
	v57 =	vadd.f32 v39, v36  }
0x55f: {  	v41 =	vmul.f32 v18, v18;
	(xrf2) =	vadd.scan.msk.f32 $0xffff, v34;
	v36 =	vsub.f32 v49, v14;
	v33 =	vadd.f32 v33, v40  }
0x560: {  	v56 =	vmul.f32 v37, v37;
	v15 =	vadd.f32 $9.999999740e-06, v15;
	v17 =	vadd.f32 v57, v17  }
0x561: {  	v49 =	vmovc v32;
	v32 =	vsub.f32 v0, v14;
	v34 =	vsub.f32 v4, v14;
	(xrf2) =	vadd.scan.msk.f32 $0xffff, v33  }
0x562: {  	v40 =	vbroadcast v15, $0xF;
	v15 =	vsub.f32 v3, v14;
	v3 =	vadd.f32 v41, v56;
	v0, _, _ =	vpop (xrf2);
	(xrf2) =	vadd.scan.msk.f32 $0xffff, v17  }
0x563: {  	v52 =	vld [tilespmem:$0x1F550];
	v17 =	vmul.f32 v1, v55;
	v14 =	vmul.f32 $1.562500000e-02, v0;
	v0 =	vadd.f32 v20, v51  }
0x564: {  	v41 =	vld [tilespmem:$0x1F500];
	v20 =	vshra.s32 v40, $0x1;
	v3 =	vadd.f32 v38, v3;
	v33 =	vmul.f32 $5.000000000e-01, v40  }
0x565: {  	v2 =	vmul.f32 v2, v21;
	v21 =	vmov v19;
	v20 =	vsub.s32 $0x5F3759DF, v20  }
0x566: {  	v4 =	vadd.f32 v24, v43;
	v24, _, _ =	vpop (xrf2);
	(xrf2) =	vadd.scan.msk.f32 $0xffff, v3;
	v3 =	vmul.f32 v17, v1;
	v19 =	vmul.f32 v20, v33  }
0x567: {  	v24 =	vmul.f32 $1.562500000e-02, v24  }
0x568: {  	v47 =	vmul.f32 v14, v14;
	v3 =	vsub.f32 $1.500000000e+00, v3;
	v19 =	vmul.f32 v20, v19  }
0x569: {  	[tilespmem:$0x1F500] =	vst v21;
	v51, _, _ =	vpop (xrf2);
	v38 =	vsub.f32 v41, v53;
	v41 =	vsub.f32 v52, v58;
	v21 =	vbroadcast v24, $0xF  }
0x56a: {  	v5 =	vmovc v54;
	v54 =	vmovc v37;
	v40 =	vmul.f32 $1.562500000e-02, v51;
	v39 =	vmul.f32 v3, v1;
	v1 =	vsub.f32 $1.500000000e+00, v19  }
0x56b: {  	[tilespmem:$0x1F550] =	vst v54;
	v54 =	vsub.f32 v13, v21;
	v52 =	vsub.f32 v29, v21;
	v13 =	vmul.f32 v2, v59;
	v55, _, _ =	vpop (xrf2)  }
0x56c: {  	v17 =	vld [tilespmem:$0x1F510];
	v29 =	vsub.f32 v40, v47;
	v26 =	vsub.f32 v23, v21;
	v20 =	vmul.f32 v20, v1;
	v23, _, _ =	vpop (xrf2)  }
0x56d: {  	v51 =	vsub.f32 v16, v21;
	v1 =	vmul.f32 v24, v24;
	v23 =	vmul.f32 $1.562500000e-02, v23  }
0x56e: {  	v40 =	vld [tilespmem:$0x1FF80];
	v16 =	vadd.f32 $9.999999740e-06, v29;
	v19 =	vmul.f32 v39, v27;
	v3 =	vmul.f32 $1.562500000e-02, v55  }
0x56f: {  	v13 =	vmul.f32 v13, v2;
	v29 =	vmul.f32 v20, v33;
	v1 =	vsub.f32 v23, v1;
	v23 =	vld [tilespmem:$0x1FF50]  }
0x570: {  	v60 =	vmov v12;
	v16 =	vbroadcast v16, $0xF;
	v21 =	vmul.f32 v3, v3;
	v12, _, _ =	vpop (xrf2)  }
0x571: {  	v59 =	vmovc v18;
	v18 =	vmovc v35;
	v17 =	vsub.f32 v17, v53;
	v29 =	vmul.f32 v29, v20;
	v12 =	vmul.f32 $1.562500000e-02, v12  }
0x572: {  	v57 =	vld [tilespmem:$0x1F540];
	[tilespmem:$0x1F540] =	vst v18;
	v18 =	vmul.f32 v19, v61;
	v13 =	vsub.f32 $1.500000000e+00, v13;
	v47 =	vadd.f32 $9.999999740e-06, v1  }
0x573: {  	v19 =	vld [tilespmem:$0x1F4E0];
	v37 =	vmul.f32 v39, v40;
	v12 =	vsub.f32 v12, v21;
	v21 =	vsub.f32 $1.500000000e+00, v29  }
0x574: {  	v40 =	vld [tilespmem:$0x1FF70];
	v61 =	vshra.s32 v16, $0x1;
	v55 =	vmul.f32 $5.000000000e-01, v16;
	v23 =	vmul.f32 v39, v23  }
0x575: {  	v1 =	vsub.s32 $0x5F3759DF, v61;
	v16 =	vbroadcast v47, $0xF;
	v20 =	vmul.f32 v21, v20  }
0x576: {  	v24 =	vld [tilespmem:$0x1F560];
	[tilespmem:$0x1F560] =	vst v59;
	v29 =	vadd.f32 $9.999999740e-06, v12;
	v59 =	vmul.f32 v23, v38;
	v23 =	vmul.f32 v1, v55  }
0x577: {  	v21 =	vmul.f32 v13, v2;
	v2 =	vshra.s32 v16, $0x1;
	v35 =	vmul.f32 $5.000000000e-01, v16  }
0x578: {  	[tilespmem:$0x1F4E0] =	vst v60;
	v12 =	vmul.f32 v37, v17;
	v13 =	vld [tilespmem:$0x1FF80];
	v60 =	vmul.f32 v1, v23;
	v23 =	vsub.s32 $0x5F3759DF, v2  }
0x579: {  	v19 =	vsub.f32 v19, v53;
	v16 =	vld [tilespmem:$0x1F530];
	v53 =	vmul.f32 v20, v40;
	v17 =	vmul.f32 v23, v35;
	_ =	sdelay $0x1  }
0x57a: {  	v61 =	vmovc v9;
	v9 =	vmul.f32 v23, v17;
	v17 =	vadd.f32 v12, v43;
	v12 =	vmul.f32 v53, v34;
	v34 =	vld [tilespmem:$0x1FF50]  }
0x57b: {  	v2 =	vmul.f32 v20, v27  }
0x57c: {  	v33 =	vsub.f32 v57, v58;
	v13 =	vmul.f32 v20, v13  }
0x57d: {  	v24 =	vsub.f32 v24, v58;
	v16 =	vsub.f32 v16, v58;
	v58 =	vmul.f32 v2, v36  }
0x57e: {  	v2 =	vmul.f32 v13, v32;
	v13 =	vbroadcast v29, $0xF;
	v29 =	vld [tilespmem:$0x1F4B0]  }
0x57f: {  	[tilespmem:$0x1F510] =	vst v5;
	v5 =	vld [tilespmem:$0x1F4C0];
	v53 =	vmul.f32 v20, v34;
	v20 =	vmov v7  }
0x580: {  	[tilespmem:$0x1F4B0] =	vst v20;
	v20 =	vld [tilespmem:$0x1F4D0];
	_ =	sdelay $0x1  }
0x581: {  	v56 =	vld [tilespmem:$0x1FFE0];
	_ =	sdelay $0x3  }
0x582: {  	[tilespmem:v29+s29+$0x0] =	vst.idx.msk $0xffff, v62  }
0x583: {  	v57 =	vor.u32 v56, v8;
	[tilespmem:v5+s29+$0x0] =	vst.idx.msk $0xffff, v63  }
0x584: {  	[tilespmem:v20+s29+$0x0] =	vst.idx.msk $0xffff, v4;
	v4 =	vld [tilespmem:$0x1FF80];
	_ =	sdelay $0x2  }
0x585: {  	v38 =	vld.idx.msk [tilespmem:v50+s20+$0x0], $0xffff;
	v29 =	vmul.f32 v21, v27  }
0x586: {  	v32 =	vld.idx.msk [tilespmem:v57+s20+$0x0], $0xffff  }
0x587: {  	v20 =	vmul.f32 v29, v41;
	v37 =	vmov v4;
	v29 =	vmul.f32 v21, v4;
	v4 =	vld [tilespmem:$0x1F3D0];
	_ =	sdelay $0x3  }
0x588: {  	v5 =	vld [tilespmem:$0x1FF60]  }
0x589: {  	[tilespmem:v46+s29+$0x0] =	vst.idx.msk $0xffff, v0;
	v0 =	vadd.f32 v32, v25;
	v32 =	vmov v4;
	v4 =	vadd.f32 v38, v22;
	v38 =	vld [tilespmem:$0x1FFF0]  }
0x58a: {  	v47 =	vmul.f32 v39, v40  }
0x58b: {  	v7 =	vsub.f32 $1.500000000e+00, v9;
	v9 =	vshra.s32 v13, $0x1;
	v62 =	vadd.f32 v2, v43;
	v2 =	vmovc v6  }
0x58c: {  	v19 =	vmul.f32 v47, v19;
	[tilespmem:$0x1F4C0] =	vst v2;
	v2 =	vsub.s32 $0x5F3759DF, v9;
	v9 =	vmul.f32 v21, v40  }
0x58d: {  	[tilespmem:$0x1F530] =	vst v61;
	v61 =	vmul.f32 v23, v7  }
0x58e: {  	v7 =	vadd.f32 v19, v5;
	v19 =	vmul.f32 v9, v24;
	v9 =	vor.u32 v38, v8;
	v8 =	vld [tilespmem:$0x1F410];
	_ =	sdelay $0x1  }
0x58f: {  	v39 =	vld [tilespmem:$0x1FFD0]  }
0x590: {  	p1 =	slt.u32 s9, $0x60;
	v24 =	vld [tilespmem:$0x1FF60]  }
.Ltmp6:
0x591: {  	v63 =	vmul.f32 v61, v35;
	v35 =	vld [tilespmem:$0x1F400];
	(pc) =	sbr.rel @p1 .LBB2_11-.Ltmp6, $4  }
0x592: {  	v46 =	vld [tilespmem:$0x1F3B0]  }
0x593: {  	v18 =	vadd.f32 v18, v45;
	v15 =	vmul.f32 v53, v15;
	v53 =	vbroadcast v14, $0xF;
	v5 =	vmovc v10;
	v25 =	vld [tilespmem:$0x1F3C0]  }
0x594: {  	v27 =	vmovc v31;
	v31 =	vmov v42;
	v6 =	vmul.f32 v21, v34;
	[tilespmem:$0x1F4D0] =	vst v5;
	v5 =	vmul.f32 v29, v33;
	v29 =	vld [tilespmem:$0x1F3E0]  }
0x595: {  	s9 =	sadd.s32 $0x4, s9;
	v10 =	vadd.f32 v20, v45;
	v22 =	vmov v44;
	v44 =	vld [tilespmem:$0x1F3F0];
	[tilespmem:v8+s29+$0x0] =	vst.idx.msk $0xffff, v18;
	v8 =	vadd.f32 v19, v24  }
0x596: {  	_ =	sdelay $0x3  }
0x597: {  	v14 =	vld.idx.msk [tilespmem:v9+s20+$0x0], $0xffff  }
0x598: {  	v18 =	vld [tilespmem:$0x1F520];
	_ =	sdelay $0x4  }
0x599: {  	v14 =	vadd.f32 v14, v18;
	_ =	sdelay $0x1  }
0x59a: {  	v19 =	vmul.f32 v4, v4;
	v20 =	vadd.f32 v4, v49;
	v23 =	vadd.f32 v14, v0;
	_ =	sdelay $0x1  }
0x59b: {  	v11 =	vadd.f32 v19, v11;
	v19 =	vadd.f32 v23, v20;
	v20 =	vld [tilespmem:$0x1F430];
	_ =	sdelay $0x1  }
0x59c: {  	v18 =	vmul.f32 v0, v0;
	v21 =	vmul.f32 v14, v14;
	_ =	sdelay $0x1  }
0x59d: {  	v18 =	vadd.f32 v21, v18;
	_ =	sdelay $0x1  }
0x59e: {  	v11 =	vadd.f32 v18, v11;
	(xrf2) =	vadd.scan.msk.f32 $0xffff, v19  }
0x59f: {  	v47 =	vld [tilespmem:$0x1F440]  }
0x5a0: {  	(xrf2) =	vadd.scan.msk.f32 $0xffff, v11;
	[tilespmem:v20+s29+$0x0] =	vst.idx.msk $0xffff, v7;
	v20 =	vld [tilespmem:$0x1F420]  }
0x5a1: {  	v23 =	vld [tilespmem:$0x1FFB0];
	_ =	sdelay $0x4  }
0x5a2: {  	v36 =	vadd.f32 v59, v23  }
0x5a3: {  	v43 =	vld [tilespmem:$0x1FFA0];
	[tilespmem:v47+s29+$0x0] =	vst.idx.msk $0xffff, v17  }
0x5a4: {  	v45, _, _ =	vpop (xrf2);
	[tilespmem:v20+s29+$0x0] =	vst.idx.msk $0xffff, v36;
	v20 =	vld [tilespmem:$0x1F480]  }
0x5a5: {  	v11 =	vmul.f32 $1.562500000e-02, v45  }
0x5a6: {  	v18, _, _ =	vpop (xrf2)  }
0x5a7: {  	v18 =	vmul.f32 $1.562500000e-02, v18;
	v19 =	vmul.f32 v11, v11  }
0x5a8: {  	v47 =	vld [tilespmem:$0x1F490]  }
0x5a9: {  	v33 =	vsub.f32 v18, v19;
	v18 =	vadd.f32 v58, v43;
	v58 =	vld [tilespmem:$0x1F4A0]  }
0x5aa: {  	v19 =	vmul.f32 v63, v61;
	_ =	sdelay $0x1  }
0x5ab: {  	v12 =	vadd.f32 v12, v24;
	[tilespmem:v20+s29+$0x0] =	vst.idx.msk $0xffff, v18;
	v18 =	vsub.f32 $1.500000000e+00, v19;
	_ =	sdelay $0x1  }
0x5ac: {  	[tilespmem:v46+s29+$0x0] =	vst.idx.msk $0xffff, v12;
	v46 =	vadd.f32 v15, v23;
	v15 =	vmul.f32 v18, v61;
	v61 =	vld [tilespmem:$0x1F470]  }
0x5ad: {  	v19 =	vld [tilespmem:$0x1F460]  }
0x5ae: {  	[tilespmem:v47+s29+$0x0] =	vst.idx.msk $0xffff, v62  }
0x5af: {  	[tilespmem:v58+s29+$0x0] =	vst.idx.msk $0xffff, v46;
	v46 =	vld [tilespmem:$0x1FF90];
	_ =	sdelay $0x1  }
0x5b0: {  	v45 =	vsub.f32 $1.500000000e+00, v60  }
0x5b1: {  	v7 =	vadd.f32 $9.999999740e-06, v33  }
0x5b2: {  	v1 =	vmul.f32 v1, v45  }
0x5b3: {  	v7 =	vbroadcast v7, $0xF;
	v20 =	vld [tilespmem:$0x1FFC0];
	v18 =	vmul.f32 v15, v40;
	v5 =	vadd.f32 v5, v46;
	[tilespmem:v61+s29+$0x0] =	vst.idx.msk $0xffff, v10  }
0x5b4: {  	v59 =	vmul.f32 v1, v55;
	[tilespmem:v19+s29+$0x0] =	vst.idx.msk $0xffff, v8  }
0x5b5: {  	v60 =	vshra.s32 v7, $0x1;
	v7 =	vmul.f32 $5.000000000e-01, v7;
	[tilespmem:v35+s29+$0x0] =	vst.idx.msk $0xffff, v5;
	v35 =	vmul.f32 v18, v52;
	v18 =	vld [tilespmem:$0x1F450]  }
0x5b6: {  	v42 =	vld [tilespmem:$0x1F4B0];
	v63 =	vsub.s32 $0x5F3759DF, v60  }
0x5b7: {  	v12 =	vmul.f32 v59, v1;
	v17 =	vmul.f32 v63, v7;
	v58 =	vld [tilespmem:$0x1F4C0]  }
0x5b8: {  	v60 =	vld [tilespmem:$0x1F4D0];
	v62 =	vmul.f32 v15, v20  }
0x5b9: {  	v6 =	vmul.f32 v6, v16;
	v12 =	vsub.f32 $1.500000000e+00, v12;
	v17 =	vmul.f32 v63, v17  }
0x5ba: {  	v33 =	vmul.f32 v15, v37;
	v10 =	vmul.f32 v62, v54  }
0x5bb: {  	v6 =	vadd.f32 v6, v23;
	v47 =	vmul.f32 v15, v34;
	v1 =	vmul.f32 v12, v1  }
0x5bc: {  	v41 =	vsub.f32 $1.500000000e+00, v17;
	v36 =	vmul.f32 v33, v26;
	v10 =	vadd.f32 v10, v43  }
0x5bd: {  	v45 =	vmul.f32 $5.000000000e-01, v13;
	v12 =	vmul.f32 v47, v51;
	v52 =	vld [tilespmem:$0x1F4F0];
	v5 =	vadd.f32 v35, v24;
	[tilespmem:v18+s29+$0x0] =	vst.idx.msk $0xffff, v6  }
0x5be: {  	v8 =	vmul.f32 v63, v41;
	v6 =	vadd.f32 v36, v46;
	[tilespmem:v42+s29+$0x0] =	vst.idx.msk $0xffff, v10  }
0x5bf: {  	v55 =	vmul.f32 v2, v45;
	v15 =	vld [tilespmem:$0x1F500];
	v12 =	vadd.f32 v12, v23;
	[tilespmem:v58+s29+$0x0] =	vst.idx.msk $0xffff, v5  }
0x5c0: {  	v17 =	vld [tilespmem:$0x1F4E0];
	v7 =	vmul.f32 v8, v7;
	[tilespmem:v60+s29+$0x0] =	vst.idx.msk $0xffff, v6  }
0x5c1: {  	v59 =	vmul.f32 v2, v55;
	v26 =	vmul.f32 v1, v40;
	[tilespmem:v32+s29+$0x0] =	vst.idx.msk $0xffff, v12;
	v32 =	vld [tilespmem:$0x1F510]  }
0x5c2: {  	v54 =	vmul.f32 v1, v20;
	v61 =	vmul.f32 v7, v8;
	v13 =	vsub.f32 v52, v53  }
0x5c3: {  	v33 =	vmul.f32 v1, v37;
	v1 =	vmul.f32 v1, v34;
	v5 =	vsub.f32 $1.500000000e+00, v59  }
0x5c4: {  	v63 =	vbroadcast v11, $0xF;
	v13 =	vmul.f32 v54, v13;
	v6 =	vsub.f32 $1.500000000e+00, v61  }
0x5c5: {  	v11 =	vsub.f32 v15, v53;
	v16 =	vmul.f32 v2, v5;
	v5 =	vsub.f32 v17, v53  }
0x5c6: {  	v62 =	vadd.f32 v13, v43;
	v6 =	vmul.f32 v6, v8;
	v13 =	vsub.f32 v32, v53  }
0x5c7: {  	v1 =	vmul.f32 v1, v11;
	v35 =	vsub.f32 v49, v63;
	v5 =	vmul.f32 v26, v5  }
0x5c8: {  	v36 =	vsub.f32 v4, v63;
	v41 =	vmul.f32 v6, v20;
	v8 =	vmul.f32 v33, v13  }
0x5c9: {  	[tilespmem:v44+s29+$0x0] =	vst.idx.msk $0xffff, v62;
	v10 =	vmul.f32 v16, v45;
	v5 =	vadd.f32 v5, v24  }
0x5ca: {  	v42 =	vmul.f32 v6, v40;
	v12 =	vmul.f32 v41, v35;
	v8 =	vadd.f32 v8, v46  }
0x5cb: {  	v1 =	vadd.f32 v1, v23;
	v44 =	vmul.f32 v10, v16;
	[tilespmem:v30+s29+$0x0] =	vst.idx.msk $0xffff, v5  }
0x5cc: {  	v54 =	vld [tilespmem:$0x1F560];
	v4 =	vmul.f32 v42, v36;
	v45 =	vadd.f32 v12, v43;
	[tilespmem:v29+s29+$0x0] =	vst.idx.msk $0xffff, v8  }
0x5cd: {  	v53 =	vld [tilespmem:$0x1F550];
	[tilespmem:v22+s29+$0x0] =	vst.idx.msk $0xffff, v1  }
0x5ce: {  	v55 =	vld [tilespmem:$0x1F540];
	v49 =	vbroadcast v3, $0xF;
	v47 =	vadd.f32 v4, v24;
	[tilespmem:v48+s29+$0x0] =	vst.idx.msk $0xffff, v45;
	v48 =	vsub.f32 $1.500000000e+00, v44  }
0x5cf: {  	v51 =	vsub.f32 v14, v63;
	v52 =	vmul.f32 v6, v37;
	v6 =	vmul.f32 v6, v34  }
0x5d0: {  	v59 =	vld [tilespmem:$0x1F530];
	[tilespmem:v50+s29+$0x0] =	vst.idx.msk $0xffff, v47;
	v50 =	vsub.f32 v0, v63;
	v2 =	vmul.f32 v48, v16  }
0x5d1: {  	v7 =	vsub.f32 v54, v49;
	v3 =	vmul.f32 v6, v51  }
0x5d2: {  	v5 =	vsub.f32 v53, v49;
	v0 =	vmul.f32 v52, v50;
	v58 =	vmul.f32 v2, v20  }
0x5d3: {  	v3 =	vadd.f32 v3, v23;
	v8 =	vsub.f32 v55, v49;
	v60 =	vmul.f32 v2, v40  }
0x5d4: {  	v61 =	vmul.f32 v2, v37;
	v0 =	vadd.f32 v0, v46;
	v4 =	vmul.f32 v58, v5  }
0x5d5: {  	v1 =	vsub.f32 v59, v49;
	v2 =	vmul.f32 v2, v34;
	v6 =	vmul.f32 v60, v7  }
0x5d6: {  	v62 =	vmul.f32 v61, v8;
	[tilespmem:v57+s29+$0x0] =	vst.idx.msk $0xffff, v0;
	v4 =	vadd.f32 v4, v43  }
0x5d7: {  	s7 =	smul.u32 $0x3200, s7;
	v1 =	vmul.f32 v2, v1;
	[tilespmem:v9+s29+$0x0] =	vst.idx.msk $0xffff, v3;
	v63 =	vadd.f32 v6, v24  }
.Ltmp7:
0x5d8: {  	v0 =	vadd.f32 v62, v46;
	[tilespmem:v28+s29+$0x0] =	vst.idx.msk $0xffff, v4;
	(pc) =	sbr.rel @p0 .LBB2_14-.Ltmp7, $4  }
0x5d9: {  	s7 =	sshrl.u32 s7, $0x3;
	v1 =	vadd.f32 v1, v23;
	[tilespmem:v31+s29+$0x0] =	vst.idx.msk $0xffff, v63  }
0x5da: {  	s7 =	sadd.s32 s4, s7;
	[tilespmem:v27+s29+$0x0] =	vst.idx.msk $0xffff, v0  }
0x5db: {  	s7 =	sadd.s32 $0x320, s7;
	[tilespmem:v25+s29+$0x0] =	vst.idx.msk $0xffff, v1  }
0x5dc: {  	[hbm4b:s7+s5] =	stream.linear.scatter [tilespmem:s3], [sflag:$0x8], $0x1900, $0x38;
	[tilespmem:$0x15100] =	vst v63  }
0x5dd: {  	s7 =	sadd.s32 $0x6, s13  }
0x5de: {  	s7 =	sshrl.u32 s7, $0x1  }
0x5df: {  	s7 =	smul.u32 $0x340, s7  }
.Ltmp8:
0x5e0: {  	_ = 	snop;
	(pc) =	sbr.rel .LBB2_2-.Ltmp8, $4  }
0x5e1: {  	_ = 	snop  }
0x5e2: {  	s7 =	sshra.s32 s7, $0x2  }
0x5e3: {  	s25 =	sadd.s32 $0x1, s25;
	s7 =	sadd.s32 $0x68, s7  }
0x5e4: {  	v25 =	vmov v20;
	v53 =	vmov v23;
	v42 =	vlaneseq.u32;
	[tilespmem:s26], [sflag:$0x4] =	stream.indirect.gather [hbm4b:s6+s19], $0x40, s7, s19, $0xb8;
	[tilespmem:$0x15100] =	vst v63  }
.LBB2_15:
0x5e5: {  	_ =	sfence.sel $0x180000  }
0x5e6: {  	[bflag:$0x0] =	sbarrier.arrive $0xFFFF  }
0x5e7: {  	_ =	strace $0x90000047  }
0x5e8: {  	s0 =	stileid.u32;
	[bflag:$0x2] =	sbarrier.arrive $0xFFFF  }
0x5e9: {  	p0 =	sne.s32 s0, $0x0;
	s0 =	rddreg [dreg:$0x5]  }
0x5ea: {  	s0 =	sadd.s32 @!p0 $0x100000, s0  }
0x5eb: {  	[sflag:s0] =	ssyncadd.tile.s32 @!p0 $0x1;
	_ =	shalt  }
.Lfunc_end2:
_tile_overlayer_lowered:
.L_overlay_start_2:
0x5ec: {  	(tag) =	ssettag $0x2  }
0x5ed: {  	s0 =	rddreg [dreg:$0x0];
	s2 =	stileid.u32  }
0x5ee: {  	s1 =	rddreg [dreg:$0x1];
	p0 =	sne.s32 s2, $0x0  }
0x5ef: {  	s3 =	rddreg [dreg:$0x2];
	[bflag:$0x3] =	sbarrier.arrive $0xFFFF;
	s2 =	simm.s32 @!p0 $0x1C0A  }
0x5f0: {  	[timem:s3], [sflag:s2] =	dma.local @!p0 [hbm:s0], s1  }
0x5f1: {  	s0 =	simm.s32 @!p0 $0xA  }
0x5f2: {  	_ =	swait.ge @!p0 [sflag:s0], s1  }
0x5f3: {  	s1 =	ssub.s32 @!p0 $0x0, s1;
	[sflag:s0] =	ssyncset.done @!p0 $0x0  }
0x5f4: {  	[sflag:s0] =	ssyncadd.s32 @!p0 s1  }
0x5f5: {  	[bflag:$0x3] =	sbarrier.arrive $0xFFFF  }
0x5f6: {  	_ =	shalt  }

// kernel: sparse-core-data-format-call.cloned.1.call-start
scs
called_computation_lowered:
.L_overlay_start_0:
0x0: {  	s2 =	sld [smem:$0x3FD9]  }
0x1: {  	s3 =	sld [smem:$0x3FFE];
	_ =	sdelay $0x1  }
0x2: {  	s1 =	srdreg.scid  }
0x3: {  	s0 =	sand.u32 $0x1, s1  }
0x4: {  	s18 =	sshll.u32 s0, $0xA;
	s2 =	sadd.s32 s3, s2  }
0x5: {  	s2 =	sadd.s32 s2, s18  }
0x6: {  	[smem:$0x3FC2] =	sst s2  }
0x7: {  	_ = 	snop  }
0x8: {  	s2 =	sld [smem:$0x3FD0];
	(tm) =	ssettm $0x1  }
0x9: {  	s19 =	sld [smem:$0x3FFB];
	_ =	sdelay $0x3  }
0xa: {  	_ =	strace s19  }
0xb: {  	s3 =	sld [smem:$0x3FFC];
	_ =	sdelay $0x3  }
0xc: {  	_ =	strace s3  }
0xd: {  	s3 =	sld [smem:$0x3FFD];
	_ =	sdelay $0x3  }
0xe: {  	_ =	strace s3  }
0xf: {  	_ =	strace $0x8FFFFFFF  }
0x10: {  	s20 =	sld [smem:$0x3FDB];
	_ =	sdelay $0x1  }
0x11: {  	s4 =	simm.s32 $_scs_section_size  }
0x12: {  	s5 =	simm.s32 $_size__tile_overlayer_lowered;
	s6 =	simm.s32 $_tile_overlayer_lowered  }
0x13: {  	s23 =	simm.s32 $0x1BFF;
	s22 =	sshll.u32 s6, $0x1;
	s3 =	sadd.s32 s4, s20  }
0x14: {  	s7 =	simm.s32 $0x0;
	s21 =	sshll.u32 s5, $0x1;
	s5 =	sadd.s32 s22, s3  }
0x15: {  	[timem:s7], [sflag:s23] =	dma.local [hbm:s5], s21  }
0x16: {  	_ =	swait.ge [sflag:s23], s21  }
0x17: {  	s4 =	ssub.s32 $0x0, s21;
	[sflag:s23] =	ssyncset.done $0x0  }
0x18: {  	[sflag:s23] =	ssyncadd.s32 s4;
	_ =	sdelay $0x1  }
0x19: {  	s24 =	simm.s32 $0x1B8B  }
0x1a: {  	_ =	swait.ge [sflag:s24], $0x1  }
0x1b: {  	[sflag:s24] =	ssyncset.done $0x0  }
0x1c: {  	s26 =	simm.s32 $0x1B8E;
	s25 =	sld [smem:$0x3FFE];
	[sflag:s24] =	ssyncadd.s32 $0xFFFFFFFF  }
0x1d: {  	s27 =	simm.s32 $execute0_lowered;
	[smem:$0x3FD2] =	sst s26  }
0x1e: {  	s5 =	sshll.u32 s27, $0x1;
	_ =	strace $0x80000049;
	[dreg:$0x1] =	wrdreg $0xFFFFFFFF  }
0x1f: {  	s28 =	simm.s32 $_size_execute0_lowered;
	s3 =	sadd.s32 s3, s5;
	[dreg:$0x0] =	wrdreg $0x0  }
0x20: {  	s5 =	sshll.u32 s28, $0x1;
	[dreg:$0x2] =	wrdreg s3  }
0x21: {  	[dreg:$0x3] =	wrdreg s5  }
0x22: {  	[dreg:$0x4] =	wrdreg $0xC0  }
0x23: {  	_ =	task [dreg:s7], $0x5FFFF  }
0x24: {  	[dreg:$0x1] =	wrdreg $0xFFFFFFFF  }
0x25: {  	[dreg:$0x0] =	wrdreg $0x60  }
0x26: {  	[dreg:$0x2] =	wrdreg s25  }
0x27: {  	[dreg:$0x3] =	wrdreg s2  }
0x28: {  	[dreg:$0x4] =	wrdreg $0x9  }
0x29: {  	_ =	task.clear_ibuf [dreg:s7], $0x5FFFF;
	_ =	strace $0x90000049  }
0x2a: {  	s29 =	simm.s32 $0x9;
	_ =	strace $0x8000004B  }
0x2b: {  	_ =	swait.ge [sflag:s29], $0x1  }
0x2c: {  	[sflag:s29] =	ssyncadd.s32 $0xFFFFFFFF  }
0x2d: {  	_ =	strace $0x9000004B  }
0x2e: {  	_ =	sfence  }
0x2f: {  	s30 =	sld [smem:$0x0];
	_ =	sdelay $0x2  }
0x30: {  	s31 =	sshll.u32 s1, $0xD;
	s1 =	sshrl.u32 s1, $0x2  }
0x31: {  	s3 =	sand.u32 $0x4000, s31;
	s1 =	sadd.s32 s1, s30  }
0x32: {  	s0 =	sor.u32 s3, s0;
	s1 =	sshll.u32 s1, $0x11  }
0x33: {  	s0 =	sor.u32 s1, s0  }
0x34: {  	s0 =	sadd.s32 $0x8F2B, s0  }
0x35: {  	[sflag:s0] =	ssyncadd.remote.s32 $0x1  }
0x36: {  	_ =	sfence.sel $0xFFFF  }
0x37: {  	[dreg:$0x0] =	wrdreg $0xFFFFFFFF;
	(pc) =	sbr.abs _section_cstart, $3  }
0x38: {  	[dreg:$0x1] =	wrdreg $0xFFFFFFFF  }
0x39: {  	_ =	task.clear_ibuf [dreg:s7], $0x2FFFF;
	_ =	strace $0x9FFFFFFF  }
0x3a: {  	(tm) =	ssettm $0x7FFFFFFF  }
0x3b: {  	_ =	shalt  }
tec
execute0_lowered:
.L_overlay_start_1:
0x0: {  	(tag) =	ssettag $0x1  }
0x1: {  	s0 =	srdreg.scid  }
0x2: {  	s1 =	sshll.u32 s0, $0x4  }
0x3: {  	s0 =	stileid.u32;
	s1 =	sand.u32 $0x10, s1  }
0x4: {  	s1 =	sor.u32 s0, s1  }
0x5: {  	s6 =	rddreg [dreg:$0x0];
	s4 =	simm.s32 $0x1;
	s2 =	sshll.u32 s1, $0x7  }
0x6: {  	s7 =	simm.s32 $0x2;
	s12 =	simm.s32 $0x0;
	s1 =	ssub.s32 $0x1000, s2  }
0x7: {  	s8 =	simm.s32 $0x8000;
	s13 =	simm.s32 $0x0;
	s3 =	sand.u32 $0xF80, s1  }
0x8: {  	s9 =	simm.s32 $0x0;
	s5 =	sshrl.u32 s1, $0xC;
	p0 =	sne.s32 s3, $0x0  }
.Ltmp0:
0x9: {  	s1 =	rddreg [dreg:$0x2];
	s4 =	simm.s32 @!p0 $0x0;
	(pc) =	sbr.rel .LBB1_1-.Ltmp0, $4  }
0xa: {  	s11 =	simm.s32 $0x0;
	s3 =	rddreg [dreg:$0x1];
	s5 =	sadd.s32 s4, s5  }
0xb: {  	_ =	strace $0x8000004A;
	s4 =	simm.s32 $0x1;
	s5 =	smul.u32 $0xC8, s5  }
0xc: {  	s6 =	sadd.s32 $0xC00, s6;
	s10 =	smov.u32 s2;
	[sflag:s4] =	ssyncpa.u1 $0x0  }
0xd: {  	p0 =	por $0x0, $0x0;
	[sflag:s7] =	ssyncpa.u1 $0x0;
	s7 =	sor.u32 $0x1, s5  }
.LBB1_4:
0xe: {  	s16 =	sshll.u32 s13, $0x3;
	s17 =	sand.u32 $0x78, s13  }
0xf: {  	s30 =	sand.u32 $0x7E00, s13;
	s12 =	sshll.u32 s12, $0xF;
	s16 =	sand.u32 $0xC00, s16  }
0x10: {  	[tilespmem:s15+$0x810 ss:$0x81] =	vst.msk $0xffff, v2;
	s31 =	sand.u32 $0x7, s13;
	s16 =	sor.u32 s17, s16;
	s17 =	sadd.s32 s3, s30  }
0x11: {  	[tilespmem:s15+$0x1020 ss:$0x81] =	vst.msk $0xffff, v0;
	s13 =	sshll.u32 s31, $0x12;
	s12 =	sadd.s32 s12, s17;
	s16 =	sshrl.u32 s16, $0x3  }
0x12: {  	[tilespmem:s15+$0x0 ss:$0x81] =	vst.msk $0xffff, v1;
	s13 =	sor.u32 $0x400, s13;
	s12 =	sadd.s32 s16, s12  }
0x13: {  	[hbm4b:s12+s13] =	stream.strided.scatter [tilespmem:s14], [sflag:$0x2], $0x2000, s8, s13, $0x20;
	[tilespmem:$0x8080] =	vst v63  }
.LBB1_5:
0x14: {  	s14 =	sadd.s32 $0x1, s9  }
0x15: {  	s12 =	sadd.s32 $0x1000, s10;
	s16 =	smov.u32 s10;
	p2 =	sgt.s32 s14, $0xC7  }
0x16: {  	s16 =	smov.u32 @p2 s12  }
0x17: {  	s14 =	simm.s32 @p2 $0x0;
	p2 =	sgt.s32 s16, $0xFFF  }
0x18: {  	s16 =	smov.u32 @p2 s2;
	p2 =	sne.s32 s11, s7  }
.Ltmp1:
0x19: {  	p1 =	slt.u32 s11, $0x2;
	(pc) =	sbr.rel @!p2 .LBB1_6-.Ltmp1, $4  }
0x1a: {  	s15 =	simm.s32 @!p1 $0x2  }
0x1b: {  	s13 =	smov.u32 s10;
	p0 =	por !p0, !p0;
	_ =	swait.ge @!p1 [sflag:s15], $0x2000  }
0x1c: {  	s12 =	smov.u32 s9;
	[sflag:s15] =	ssyncset.done @!p1 $0x0;
	s9 =	smov.u32 s14  }
0x1d: {  	s11 =	sadd.s32 $0x1, s11;
	[sflag:s15] =	ssyncadd.s32 @!p1 $0xFFFFE000;
	s10 =	smov.u32 s16  }
.LBB1_1:
0x1e: {  	p1 =	sge.u32 s11, s5  }
0x1f: {  	s14 =	sand.u32 @!p1 $0x1FFFFFF, s9  }
0x20: {  	s15 =	smulhi.u32 @!p1 $0x147AE15, s14;
	_ =	sdelay $0x1  }
0x21: {  	s15 =	smul.u32 @!p1 $0xC8, s15  }
0x22: {  	s16 =	sxor.u32 @!p1 $0xFFFFFFFF, s11;
	s17 =	smul.u32 @!p1 $0xC80, s10  }
0x23: {  	s31 =	sadd.s32 $0xFFFFFFFF, s11;
	s16 =	sshll.u32 @!p1 s16, $0xD;
	s14 =	ssub.s32 @!p1 s14, s15  }
0x24: {  	s15 =	sand.u32 @!p1 $0x2000, s16;
	s16 =	sadd.s32 @!p1 s6, s17;
	s14 =	sshll.u32 @!p1 s14, $0x4  }
0x25: {  	s17 =	simm.s32 @!p1 $0x6400;
	s14 =	sadd.s32 @!p1 s14, s16;
	s16 =	simm.s32 @!p1 $0x40  }
0x26: {  	[tilespmem:s15], [sflag:$0x1] =	stream.strided.gather @!p1 [hbm4b:s14+s16], $0x2000, s17, s16, $0x38;
	[tilespmem:$0x8080] =	vst v63  }
0x27: {  	p1 =	sge.u32 s31, s5  }
.Ltmp2:
0x28: {  	_ = 	snop;
	(pc) =	sbr.rel @p1 .LBB1_5-.Ltmp2, $1  }
0x29: {  	_ =	sdelay $0x3  }
0x2a: {  	s14 =	simm.s32 $0x1  }
0x2b: {  	_ =	swait.ge [sflag:s4], $0x2000;
	s14 =	simm.s32 @!p0 $0x0  }
0x2c: {  	[sflag:s4] =	ssyncset.done $0x0;
	s15 =	sshll.u32 s14, $0xD  }
0x2d: {  	[sflag:s4] =	ssyncadd.s32 $0xFFFFE000;
	s18 =	sor.u32 $0x20, s15  }
0x2e: {  	s14 =	smul.u32 $0x8100, s14;
	v3 =	vld [tilespmem:s18+$0x10]  }
0x2f: {  	s30 =	sand.u32 $0x1, s11;
	v2 =	vld [tilespmem:s18+$0xFFFFFFF0]  }
0x30: {  	s15 =	smul.u32 $0x8100, s30;
	s14 =	sshrl.u32 s14, $0x2;
	v0 =	vld [tilespmem:s18+$0x0]  }
0x31: {  	v1 =	vld [tilespmem:s18+$0xFFFFFFE0];
	s16 =	sor.u32 $0x4000, s14  }
0x32: {  	s31 =	sshrl.u32 s15, $0x2;
	s15 =	sadd.s32 $0x0, s16  }
0x33: {  	s17 =	simm.s32 $0x4;
	s18 =	sadd.s32 $0x40, s18;
	s14 =	sor.u32 $0x4000, s31;
	[tilespmem:s15+$0x1830 ss:$0x81] =	vst.msk $0xffff, v3  }
.LBB1_3:
0x34: {  	v3 =	vld [tilespmem:s18+$0x10];
	p1 =	sne.s32 s17, $0x1FC;
	[tilespmem:s15+$0x810 ss:$0x81] =	vst.msk $0xffff, v2;
	s19 =	smov.u32 s17;
	s17 =	sadd.s32 $0x4, s17  }
.Ltmp3:
0x35: {  	v2 =	vld [tilespmem:s18+$0xFFFFFFF0];
	[tilespmem:s15+$0x1020 ss:$0x81] =	vst.msk $0xffff, v0;
	(pc) =	sbr.rel @p1 .LBB1_3-.Ltmp3, $4  }
0x36: {  	v0 =	vld [tilespmem:s18+$0x0];
	[tilespmem:s15+$0x0 ss:$0x81] =	vst.msk $0xffff, v1  }
0x37: {  	s15 =	sshra.s32 s19, $0x2;
	v1 =	vld [tilespmem:s18+$0xFFFFFFE0]  }
0x38: {  	s15 =	sadd.s32 s15, s16  }
0x39: {  	s18 =	sadd.s32 $0x40, s18;
	[tilespmem:s15+$0x1830 ss:$0x81] =	vst.msk $0xffff, v3  }
.Ltmp4:
0x3a: {  	_ = 	snop;
	(pc) =	sbr.rel .LBB1_4-.Ltmp4, $1  }
0x3b: {  	_ =	sdelay $0x3  }
.LBB1_6:
0x3c: {  	_ =	sfence.sel $0x180000  }
0x3d: {  	s2 =	simm.s32 $0x1;
	[bflag:$0x0] =	sbarrier.arrive $0xFFFF  }
0x3e: {  	s31 =	simm.s32 $0x2;
	[sflag:s2] =	ssyncpa.u1 $0x1  }
0x3f: {  	[sflag:s31] =	ssyncpa.u1 $0x1  }
0x40: {  	p0 =	sne.s32 s0, $0x0;
	_ =	strace $0x9000004A  }
0x41: {  	s0 =	sadd.s32 @!p0 $0x100000, s1;
	[bflag:$0x2] =	sbarrier.arrive $0xFFFF  }
0x42: {  	[sflag:s0] =	ssyncadd.tile.s32 @!p0 $0x1;
	_ =	shalt  }
.Lfunc_end1:
_tile_overlayer_lowered:
.L_overlay_start_2:
0x43: {  	(tag) =	ssettag $0x2  }
0x44: {  	s0 =	rddreg [dreg:$0x0];
	s2 =	stileid.u32  }
0x45: {  	s1 =	rddreg [dreg:$0x1];
	p0 =	sne.s32 s2, $0x0  }
0x46: {  	s3 =	rddreg [dreg:$0x2];
	[bflag:$0x3] =	sbarrier.arrive $0xFFFF;
	s2 =	simm.s32 @!p0 $0x1C01  }
0x47: {  	[timem:s3], [sflag:s2] =	dma.local @!p0 [hbm:s0], s1  }
0x48: {  	s0 =	simm.s32 @!p0 $0x1  }
0x49: {  	_ =	swait.ge @!p0 [sflag:s0], s1  }
0x4a: {  	s1 =	ssub.s32 @!p0 $0x0, s1;
	[sflag:s0] =	ssyncset.done @!p0 $0x0  }
0x4b: {  	[sflag:s0] =	ssyncadd.s32 @!p0 s1  }
0x4c: {  	[bflag:$0x3] =	sbarrier.arrive $0xFFFF  }
0x4d: {  	_ =	shalt  }

</sc_bundles>
